<compile_context>
chip_gen: v7x
topology: tpu7x:2x2x1
jax: 0.10.2.dev20260603
libtpu: 0.0.44.dev20260713+nightly
codegen_flags: <defaults>
</compile_context>

<pallas_src>
import functools

import jax
import jax.numpy as jnp
from jax import lax
from jax.experimental import pallas as pl
from jax.experimental.pallas import tpu as pltpu
from jax.experimental.pallas import tpu_sc as plsc

N = 10000
E = 320000
D = 128
H = D // 2

NC = 2
NS = 16
K = 32
EPW = E // NS
CHUNKS = EPW // K
QUADS = CHUNKS // 4
LAST = QUADS * 4
NP_ = 10240
ROWS_PT = NP_ // NS


def _proj_body(h_ref, wa, ba, wb, bb, wd, bd_, we, be, ah_ref, bdt_ref, et_ref):
    hb = h_ref[...]
    ah_ref[...] = jnp.dot(hb, wa[...], preferred_element_type=jnp.float32) + ba[...]
    yb = jnp.dot(hb, wb[...], preferred_element_type=jnp.float32) + bb[...]
    yd = jnp.dot(hb, wd[...], preferred_element_type=jnp.float32) + bd_[...]
    et_ref[...] = jnp.dot(hb, we[...], preferred_element_type=jnp.float32) + be[...]
    for c in range(NC):
        bdt_ref[c, :, 0:H] = yb[:, c * H:(c + 1) * H]
        bdt_ref[c, :, H:D] = yd[:, c * H:(c + 1) * H]


def _edge_body(bdt, et, src_hbm, dst_hbm, out,
               ibd0, ibd1, ibd2, ibd3, dst0, dst1, dst2, dst3, sd0, sd1,
               bd0, bd1, bd2, bd3, ev0, ev1, ev2, ev3, ms0, ms1,
               acc_sh, isem0, isem1, isem2, isem3,
               gsem0, gsem1, gsem2, gsem3, esem0, esem1, esem2, esem3,
               ssem0, ssem1):
    c = lax.axis_index("c")
    s = lax.axis_index("s")
    cN = c * N
    cH = c * H
    ibd = (ibd0, ibd1, ibd2, ibd3)
    dstg = (dst0, dst1, dst2, dst3)
    sdst = (sd0, sd1)
    bdv = (bd0, bd1, bd2, bd3)
    evv = (ev0, ev1, ev2, ev3)
    msv = (ms0, ms1)
    isem = (isem0, isem1, isem2, isem3)
    gsem = (gsem0, gsem1, gsem2, gsem3)
    esem = (esem0, esem1, esem2, esem3)
    ssem = (ssem0, ssem1)

    def issue_idx(base, slot):
        pltpu.async_copy(src_hbm.at[pl.ds(base, K)], ibd[slot], isem[slot])
        pltpu.async_copy(dst_hbm.at[pl.ds(base, K)], dstg[slot], isem[slot])

    def wait_idx(slot):
        pltpu.make_async_copy(src_hbm.at[pl.ds(0, K)], ibd[slot],
                              isem[slot]).wait()
        pltpu.make_async_copy(dst_hbm.at[pl.ds(0, K)], dstg[slot],
                              isem[slot]).wait()

    def issue_gather(slot):
        for f in range(K // 16):
            sl = pl.ds(f * 16, 16)
            ibd[slot][sl] = ibd[slot][sl] + cN
        pltpu.async_copy(bdt.at[ibd[slot]], bdv[slot], gsem[slot])
        pltpu.async_copy(et.at[dstg[slot]], evv[slot], esem[slot])

    def wait_gather(slot):
        pltpu.make_async_copy(bdt.at[ibd[slot]], bdv[slot], gsem[slot]).wait()
        pltpu.make_async_copy(et.at[dstg[slot]], evv[slot], esem[slot]).wait()

    def compute(slot, mslot):
        bd_v = bdv[slot]
        e_v = evv[slot]
        ms_v = msv[mslot]

        @plsc.parallel_loop(0, K, unroll=4)
        def edge(i):
            for f in range(H // 16):
                lo = pl.ds(f * 16, 16)
                hi = pl.ds(H + f * 16, 16)
                b = bd_v[i, lo]
                d = bd_v[i, hi]
                ev = e_v[i, pl.ds(cH + f * 16, 16)]
                sg = 1.0 / (1.0 + jnp.exp(-(d + ev)))
                ms_v[i, lo] = sg * b
                ms_v[i, hi] = sg
        for f in range(K // 16):
            sl = pl.ds(f * 16, 16)
            sdst[mslot][sl] = dstg[slot][sl]

    def issue_scatter(mslot):
        pltpu.async_copy(msv[mslot], acc_sh.at[sdst[mslot]], ssem[mslot],
                         add=True)

    def wait_scatter(mslot):
        pltpu.make_async_copy(msv[mslot], acc_sh.at[sdst[mslot]],
                              ssem[mslot]).wait()

    for j in range(4):
        issue_idx(s * EPW + j * K, j)

    def zrow(i, _):
        for f in range(D // 16):
            ms0[i, pl.ds(f * 16, 16)] = jnp.zeros((16,), jnp.float32)
        return 0
    lax.fori_loop(0, K, zrow, 0)
    for r in range(ROWS_PT // K):
        pltpu.sync_copy(ms0, acc_sh.at[pl.ds(s * ROWS_PT + r * K, K)])
    plsc.subcore_barrier()

    for j in range(3):
        wait_idx(j)
        issue_gather(j)

    def quad(p, _):
        for j in range(4):
            t = 4 * p + j
            nslot = (j + 3) % 4
            mslot = j % 2
            wait_gather(j)

            @pl.when(t + 3 < LAST)
            def _():
                wait_idx(nslot)
                issue_gather(nslot)

            @pl.when(t >= 2)
            def _():
                wait_scatter(mslot)

            compute(j, mslot)
            issue_scatter(mslot)

            @pl.when(t + 4 <= LAST)
            def _():
                issue_idx(s * EPW + (t + 4) * K, j)
        return 0
    lax.fori_loop(0, QUADS, quad, 0)
    wait_scatter(0)
    wait_scatter(1)

    wait_idx(0)
    issue_gather(0)
    wait_gather(0)
    compute(0, 0)
    pltpu.sync_copy(msv[0], acc_sh.at[sdst[0]], add=True)

    plsc.subcore_barrier()
    pltpu.sync_copy(acc_sh.at[pl.ds(s * ROWS_PT, ROWS_PT)],
                    out.at[c, pl.ds(s * ROWS_PT, ROWS_PT)])


def _bn_body(ah_ref, acc_ref, g_ref, b_ref, hin_ref, out_ref):
    ah = ah_ref[...]
    hp_lo = ah[:, 0:H] + acc_ref[0, 0:N, 0:H] / (acc_ref[0, 0:N, H:D] + 1e-6)
    hp_hi = ah[:, H:D] + acc_ref[1, 0:N, 0:H] / (acc_ref[1, 0:N, H:D] + 1e-6)
    hp = jnp.concatenate([hp_lo, hp_hi], axis=1)
    mean = jnp.mean(hp, axis=0, keepdims=True)
    var = jnp.mean((hp - mean) ** 2, axis=0, keepdims=True)
    y = (hp - mean) * (g_ref[...] * lax.rsqrt(var + 1e-5)) + b_ref[...]
    out_ref[...] = hin_ref[...] + jnp.maximum(y, 0.0)


@jax.jit
def kernel(h, edge_index, e, WA, bA, WB, bB, WD, bD, WE, bE, gamma, beta):
    f32 = jnp.float32
    ah, bdt, et = pl.pallas_call(
        _proj_body,
        out_shape=(
            jax.ShapeDtypeStruct((N, D), f32),
            jax.ShapeDtypeStruct((NC, N, D), f32),
            jax.ShapeDtypeStruct((N, D), f32),
        ),
    )(h, WA, bA.reshape(1, D), WB, bB.reshape(1, D),
      WD, bD.reshape(1, D), WE, bE.reshape(1, D))

    mesh = plsc.VectorSubcoreMesh(core_axis_name="c", subcore_axis_name="s")
    acc = pl.kernel(
        _edge_body,
        out_type=jax.ShapeDtypeStruct((NC, NP_, D), f32),
        mesh=mesh,
        scratch_types=[
            pltpu.VMEM((K,), jnp.int32),
            pltpu.VMEM((K,), jnp.int32),
            pltpu.VMEM((K,), jnp.int32),
            pltpu.VMEM((K,), jnp.int32),
            pltpu.VMEM((K,), jnp.int32),
            pltpu.VMEM((K,), jnp.int32),
            pltpu.VMEM((K,), jnp.int32),
            pltpu.VMEM((K,), jnp.int32),
            pltpu.VMEM((K,), jnp.int32),
            pltpu.VMEM((K,), jnp.int32),
            pltpu.VMEM((K, D), f32),
            pltpu.VMEM((K, D), f32),
            pltpu.VMEM((K, D), f32),
            pltpu.VMEM((K, D), f32),
            pltpu.VMEM((K, D), f32),
            pltpu.VMEM((K, D), f32),
            pltpu.VMEM((K, D), f32),
            pltpu.VMEM((K, D), f32),
            pltpu.VMEM((K, D), f32),
            pltpu.VMEM((K, D), f32),
            pltpu.VMEM_SHARED((NP_, D), f32),
        ] + [pltpu.SemaphoreType.DMA] * 14,
    )(bdt.reshape(NC * N, D), et, edge_index[0], edge_index[1])

    h_new = pl.pallas_call(
        _bn_body,
        out_shape=jax.ShapeDtypeStruct((N, D), f32),
    )(ah, acc, gamma.reshape(1, D), beta.reshape(1, D), h)
    return (h_new, e)

# --- scband reference (transcript-rebuilt; emitter-appended) ---
"""Pipeline reference for scband-gated-gcnlayer-edge-feat-only-18090402251221 (READ-ONLY COPY).

The authoritative reference and input builder live on the scoring server;
editing this copy changes nothing except your own understanding.
"""

import jax, jax.numpy as jnp
import numpy as np

N = 10000
E = 320000
D = 128


def setup_inputs(seed: int = 0) -> dict:
    key = jax.random.key(seed)
    ks = jax.random.split(key, 12)
    h = jax.random.normal(ks[0], (N, D), dtype=jnp.float32)
    edge_index = jax.random.randint(ks[1], (2, E), 0, N, dtype=jnp.int32)
    e = jax.random.normal(ks[2], (E, D), dtype=jnp.float32)
    s = 1.0 / np.sqrt(D)
    WA = jax.random.uniform(ks[3], (D, D), jnp.float32, -s, s)
    bA = jax.random.uniform(ks[4], (D,), jnp.float32, -s, s)
    WB = jax.random.uniform(ks[5], (D, D), jnp.float32, -s, s)
    bB = jax.random.uniform(ks[6], (D,), jnp.float32, -s, s)
    WD = jax.random.uniform(ks[7], (D, D), jnp.float32, -s, s)
    bD = jax.random.uniform(ks[8], (D,), jnp.float32, -s, s)
    WE = jax.random.uniform(ks[9], (D, D), jnp.float32, -s, s)
    bE = jax.random.uniform(ks[10], (D,), jnp.float32, -s, s)
    gamma = jnp.ones((D,), jnp.float32)
    beta = jnp.zeros((D,), jnp.float32)
    return {"h": h, "edge_index": edge_index, "e": e,
            "WA": WA, "bA": bA, "WB": WB, "bB": bB,
            "WD": WD, "bD": bD, "WE": WE, "bE": bE,
            "gamma": gamma, "beta": beta}


def reference(h, edge_index, e, WA, bA, WB, bB, WD, bD, WE, bE, gamma, beta):
    h_in = h
    Ah = h @ WA + bA
    Bh = h @ WB + bB
    Dh = h @ WD + bD
    Eh = h @ WE + bE
    src = edge_index[0]
    dst = edge_index[1]
    # message: Bh_j from src; e_ij = Dh[src] + Eh[dst]
    Bh_j = jnp.take(Bh, src, axis=0)
    e_ij = jnp.take(Dh, src, axis=0) + jnp.take(Eh, dst, axis=0)
    sigma_ij = jax.nn.sigmoid(e_ij)
    # reduce at destination nodes
    num = jax.ops.segment_sum(sigma_ij * Bh_j, dst, num_segments=N)
    den = jax.ops.segment_sum(sigma_ij, dst, num_segments=N)
    h_new = Ah + num / (den + 1e-6)
    # BatchNorm1d (training mode: batch statistics, biased variance, eps=1e-5)
    mean = jnp.mean(h_new, axis=0)
    var = jnp.var(h_new, axis=0)
    h_new = (h_new - mean) / jnp.sqrt(var + 1e-5) * gamma + beta
    h_new = jax.nn.relu(h_new)
    # residual (input_dim == output_dim)
    h_new = h_in + h_new
    # dropout p=0.0 -> identity
    return (h_new, e)

if __name__ == "__main__":
    import jax
    _d = setup_inputs()
    print(jax.jit(kernel)(*tuple(_d.values())))

</pallas_src>

<mosaic_0001>
#map = affine_map<(d0, d1) -> (0, 0)>
#map1 = affine_map<(d0, d1) -> (0)>
#map2 = affine_map<(d0, d1) -> (0, 0, 0)>
module attributes {stable_mosaic.version = 14 : i64} {
  func.func @_edge_body(%arg0: i32, %arg1: i32, %arg2: memref<20000x128xf32, #tpu.memory_space<hbm>>, %arg3: memref<10000x128xf32, #tpu.memory_space<hbm>>, %arg4: memref<320000xi32, #tpu.memory_space<hbm>>, %arg5: memref<320000xi32, #tpu.memory_space<hbm>>, %arg6: memref<2x10240x128xf32, #tpu.memory_space<hbm>>, %arg7: memref<32xi32, #tpu.memory_space<vmem>>, %arg8: memref<32xi32, #tpu.memory_space<vmem>>, %arg9: memref<32xi32, #tpu.memory_space<vmem>>, %arg10: memref<32xi32, #tpu.memory_space<vmem>>, %arg11: memref<32xi32, #tpu.memory_space<vmem>>, %arg12: memref<32xi32, #tpu.memory_space<vmem>>, %arg13: memref<32xi32, #tpu.memory_space<vmem>>, %arg14: memref<32xi32, #tpu.memory_space<vmem>>, %arg15: memref<32xi32, #tpu.memory_space<vmem>>, %arg16: memref<32xi32, #tpu.memory_space<vmem>>, %arg17: memref<32x128xf32, #tpu.memory_space<vmem>>, %arg18: memref<32x128xf32, #tpu.memory_space<vmem>>, %arg19: memref<32x128xf32, #tpu.memory_space<vmem>>, %arg20: memref<32x128xf32, #tpu.memory_space<vmem>>, %arg21: memref<32x128xf32, #tpu.memory_space<vmem>>, %arg22: memref<32x128xf32, #tpu.memory_space<vmem>>, %arg23: memref<32x128xf32, #tpu.memory_space<vmem>>, %arg24: memref<32x128xf32, #tpu.memory_space<vmem>>, %arg25: memref<32x128xf32, #tpu.memory_space<vmem>>, %arg26: memref<32x128xf32, #tpu.memory_space<vmem>>, %arg27: memref<10240x128xf32, #tpu.memory_space<vmem_shared>>, %arg28: memref<!tpu.dma_semaphore, #tpu.memory_space<semaphore_mem>>, %arg29: memref<!tpu.dma_semaphore, #tpu.memory_space<semaphore_mem>>, %arg30: memref<!tpu.dma_semaphore, #tpu.memory_space<semaphore_mem>>, %arg31: memref<!tpu.dma_semaphore, #tpu.memory_space<semaphore_mem>>, %arg32: memref<!tpu.dma_semaphore, #tpu.memory_space<semaphore_mem>>, %arg33: memref<!tpu.dma_semaphore, #tpu.memory_space<semaphore_mem>>, %arg34: memref<!tpu.dma_semaphore, #tpu.memory_space<semaphore_mem>>, %arg35: memref<!tpu.dma_semaphore, #tpu.memory_space<semaphore_mem>>, %arg36: memref<!tpu.dma_semaphore, #tpu.memory_space<semaphore_mem>>, %arg37: memref<!tpu.dma_semaphore, #tpu.memory_space<semaphore_mem>>, %arg38: memref<!tpu.dma_semaphore, #tpu.memory_space<semaphore_mem>>, %arg39: memref<!tpu.dma_semaphore, #tpu.memory_space<semaphore_mem>>, %arg40: memref<!tpu.dma_semaphore, #tpu.memory_space<semaphore_mem>>, %arg41: memref<!tpu.dma_semaphore, #tpu.memory_space<semaphore_mem>>) attributes {dimension_semantics = [#tpu.dimension_semantics<core_parallel>, #tpu.dimension_semantics<subcore_parallel>], iteration_bounds = array<i64: 2, 16>, scalar_prefetch = 0 : i64, scratch_operands = 35 : i64, tpu.core_type = #tpu.core_type<sc_vector_subcore>, window_params = [{transform_indices = #map}, {transform_indices = #map}, {transform_indices = #map1}, {transform_indices = #map1}, {transform_indices = #map2}]} {
    %mul3A = arith.constant 10000 : i32
    %mul3A_0 = arith.muli %arg0, %mul3A : i32
    %mul3A_1 = arith.constant 64 : i32
    %mul3A_2 = arith.muli %arg0, %mul3A_1 : i32
    %mul3A_3 = arith.constant 20000 : i32
    %mul3A_4 = arith.muli %arg1, %mul3A_3 : i32
    %add3A = arith.constant 0 : i32
    %add3A_5 = arith.addi %mul3A_4, %add3A : i32
    %dma_start3A = tpu.memref_slice %arg4[%add3A_5] : memref<320000xi32, #tpu.memory_space<hbm>> -> memref<32xi32, #tpu.memory_space<hbm>>
    %dma_start3A_6 = tpu.memref_slice %arg4[%add3A_5] : memref<320000xi32, #tpu.memory_space<hbm>> -> memref<32xi32, #tpu.memory_space<hbm>>
    tpu.enqueue_dma source(%dma_start3A_6 : memref<32xi32, #tpu.memory_space<hbm>>) target(%arg7 : memref<32xi32, #tpu.memory_space<vmem>>) target_semaphore(%arg28 : memref<!tpu.dma_semaphore, #tpu.memory_space<semaphore_mem>>)
    %dma_start3A_7 = tpu.memref_slice %arg5[%add3A_5] : memref<320000xi32, #tpu.memory_space<hbm>> -> memref<32xi32, #tpu.memory_space<hbm>>
    %dma_start3A_8 = tpu.memref_slice %arg5[%add3A_5] : memref<320000xi32, #tpu.memory_space<hbm>> -> memref<32xi32, #tpu.memory_space<hbm>>
    tpu.enqueue_dma source(%dma_start3A_8 : memref<32xi32, #tpu.memory_space<hbm>>) target(%arg11 : memref<32xi32, #tpu.memory_space<vmem>>) target_semaphore(%arg28 : memref<!tpu.dma_semaphore, #tpu.memory_space<semaphore_mem>>)
    %mul3A_9 = arith.constant 20000 : i32
    %mul3A_10 = arith.muli %arg1, %mul3A_9 : i32
    %add3A_11 = arith.constant 32 : i32
    %add3A_12 = arith.addi %mul3A_10, %add3A_11 : i32
    %dma_start3A_13 = tpu.memref_slice %arg4[%add3A_12] : memref<320000xi32, #tpu.memory_space<hbm>> -> memref<32xi32, #tpu.memory_space<hbm>>
    %dma_start3A_14 = tpu.memref_slice %arg4[%add3A_12] : memref<320000xi32, #tpu.memory_space<hbm>> -> memref<32xi32, #tpu.memory_space<hbm>>
    tpu.enqueue_dma source(%dma_start3A_14 : memref<32xi32, #tpu.memory_space<hbm>>) target(%arg8 : memref<32xi32, #tpu.memory_space<vmem>>) target_semaphore(%arg29 : memref<!tpu.dma_semaphore, #tpu.memory_space<semaphore_mem>>)
    %dma_start3A_15 = tpu.memref_slice %arg5[%add3A_12] : memref<320000xi32, #tpu.memory_space<hbm>> -> memref<32xi32, #tpu.memory_space<hbm>>
    %dma_start3A_16 = tpu.memref_slice %arg5[%add3A_12] : memref<320000xi32, #tpu.memory_space<hbm>> -> memref<32xi32, #tpu.memory_space<hbm>>
    tpu.enqueue_dma source(%dma_start3A_16 : memref<32xi32, #tpu.memory_space<hbm>>) target(%arg12 : memref<32xi32, #tpu.memory_space<vmem>>) target_semaphore(%arg29 : memref<!tpu.dma_semaphore, #tpu.memory_space<semaphore_mem>>)
    %mul3A_17 = arith.constant 20000 : i32
    %mul3A_18 = arith.muli %arg1, %mul3A_17 : i32
    %add3A_19 = arith.constant 64 : i32
    %add3A_20 = arith.addi %mul3A_18, %add3A_19 : i32
    %dma_start3A_21 = tpu.memref_slice %arg4[%add3A_20] : memref<320000xi32, #tpu.memory_space<hbm>> -> memref<32xi32, #tpu.memory_space<hbm>>
    %dma_start3A_22 = tpu.memref_slice %arg4[%add3A_20] : memref<320000xi32, #tpu.memory_space<hbm>> -> memref<32xi32, #tpu.memory_space<hbm>>
    tpu.enqueue_dma source(%dma_start3A_22 : memref<32xi32, #tpu.memory_space<hbm>>) target(%arg9 : memref<32xi32, #tpu.memory_space<vmem>>) target_semaphore(%arg30 : memref<!tpu.dma_semaphore, #tpu.memory_space<semaphore_mem>>)
    %dma_start3A_23 = tpu.memref_slice %arg5[%add3A_20] : memref<320000xi32, #tpu.memory_space<hbm>> -> memref<32xi32, #tpu.memory_space<hbm>>
    %dma_start3A_24 = tpu.memref_slice %arg5[%add3A_20] : memref<320000xi32, #tpu.memory_space<hbm>> -> memref<32xi32, #tpu.memory_space<hbm>>
    tpu.enqueue_dma source(%dma_start3A_24 : memref<32xi32, #tpu.memory_space<hbm>>) target(%arg13 : memref<32xi32, #tpu.memory_space<vmem>>) target_semaphore(%arg30 : memref<!tpu.dma_semaphore, #tpu.memory_space<semaphore_mem>>)
    %mul3A_25 = arith.constant 20000 : i32
    %mul3A_26 = arith.muli %arg1, %mul3A_25 : i32
    %add3A_27 = arith.constant 96 : i32
    %add3A_28 = arith.addi %mul3A_26, %add3A_27 : i32
    %dma_start3A_29 = tpu.memref_slice %arg4[%add3A_28] : memref<320000xi32, #tpu.memory_space<hbm>> -> memref<32xi32, #tpu.memory_space<hbm>>
    %dma_start3A_30 = tpu.memref_slice %arg4[%add3A_28] : memref<320000xi32, #tpu.memory_space<hbm>> -> memref<32xi32, #tpu.memory_space<hbm>>
    tpu.enqueue_dma source(%dma_start3A_30 : memref<32xi32, #tpu.memory_space<hbm>>) target(%arg10 : memref<32xi32, #tpu.memory_space<vmem>>) target_semaphore(%arg31 : memref<!tpu.dma_semaphore, #tpu.memory_space<semaphore_mem>>)
    %dma_start3A_31 = tpu.memref_slice %arg5[%add3A_28] : memref<320000xi32, #tpu.memory_space<hbm>> -> memref<32xi32, #tpu.memory_space<hbm>>
    %dma_start3A_32 = tpu.memref_slice %arg5[%add3A_28] : memref<320000xi32, #tpu.memory_space<hbm>> -> memref<32xi32, #tpu.memory_space<hbm>>
    tpu.enqueue_dma source(%dma_start3A_32 : memref<32xi32, #tpu.memory_space<hbm>>) target(%arg14 : memref<32xi32, #tpu.memory_space<vmem>>) target_semaphore(%arg31 : memref<!tpu.dma_semaphore, #tpu.memory_space<semaphore_mem>>)
    %scan3A = arith.constant 0 : i32
    %scan3A_33 = arith.constant 0 : i32
    %scan3A_34 = arith.constant 32 : i32
    %scan3A_35 = arith.addi %scan3A_33, %scan3A_34 : i32
    %scan3A_36 = arith.constant 1 : i32
    %scan3A_37 = scf.for %scan3A_284 = %scan3A_33 to %scan3A_35 step %scan3A_36 iter_args(%scan3A_285 = %scan3A) -> (i32)  : i32 {
      %broadcast_in_dim3A = arith.constant 0.000000e+00 : f32
      %broadcast_in_dim3A_286 = vector.broadcast %broadcast_in_dim3A : f32 to vector<16xf32>
      %swap3A_287 = arith.index_cast %scan3A_284 : i32 to index
      %swap3A_288 = arith.constant 0 : index
      %swap3A_289 = tpu.vector_load %arg25[%swap3A_287, %swap3A_288] {strides = array<i32>} : memref<32x128xf32, #tpu.memory_space<vmem>>, vector<1x16xf32>,
      %swap3A_290 = vector.shape_cast %swap3A_289 : vector<1x16xf32> to vector<16xf32>
      %swap3A_291 = vector.shape_cast %broadcast_in_dim3A_286 : vector<16xf32> to vector<1x16xf32>
      tpu.vector_store %arg25[%swap3A_287, %swap3A_288], %swap3A_291 {strides = array<i32>} : memref<32x128xf32, #tpu.memory_space<vmem>>, vector<1x16xf32>,
      %broadcast_in_dim3A_292 = arith.constant 0.000000e+00 : f32
      %broadcast_in_dim3A_293 = vector.broadcast %broadcast_in_dim3A_292 : f32 to vector<16xf32>
      %swap3A_294 = arith.index_cast %scan3A_284 : i32 to index
      %swap3A_295 = arith.constant 16 : index
      %swap3A_296 = tpu.vector_load %arg25[%swap3A_294, %swap3A_295] {strides = array<i32>} : memref<32x128xf32, #tpu.memory_space<vmem>>, vector<1x16xf32>,
      %swap3A_297 = vector.shape_cast %swap3A_296 : vector<1x16xf32> to vector<16xf32>
      %swap3A_298 = vector.shape_cast %broadcast_in_dim3A_293 : vector<16xf32> to vector<1x16xf32>
      tpu.vector_store %arg25[%swap3A_294, %swap3A_295], %swap3A_298 {strides = array<i32>} : memref<32x128xf32, #tpu.memory_space<vmem>>, vector<1x16xf32>,
      %broadcast_in_dim3A_299 = arith.constant 0.000000e+00 : f32
      %broadcast_in_dim3A_300 = vector.broadcast %broadcast_in_dim3A_299 : f32 to vector<16xf32>
      %swap3A_301 = arith.index_cast %scan3A_284 : i32 to index
      %swap3A_302 = arith.constant 32 : index
      %swap3A_303 = tpu.vector_load %arg25[%swap3A_301, %swap3A_302] {strides = array<i32>} : memref<32x128xf32, #tpu.memory_space<vmem>>, vector<1x16xf32>,
      %swap3A_304 = vector.shape_cast %swap3A_303 : vector<1x16xf32> to vector<16xf32>
      %swap3A_305 = vector.shape_cast %broadcast_in_dim3A_300 : vector<16xf32> to vector<1x16xf32>
      tpu.vector_store %arg25[%swap3A_301, %swap3A_302], %swap3A_305 {strides = array<i32>} : memref<32x128xf32, #tpu.memory_space<vmem>>, vector<1x16xf32>,
      %broadcast_in_dim3A_306 = arith.constant 0.000000e+00 : f32
      %broadcast_in_dim3A_307 = vector.broadcast %broadcast_in_dim3A_306 : f32 to vector<16xf32>
      %swap3A_308 = arith.index_cast %scan3A_284 : i32 to index
      %swap3A_309 = arith.constant 48 : index
      %swap3A_310 = tpu.vector_load %arg25[%swap3A_308, %swap3A_309] {strides = array<i32>} : memref<32x128xf32, #tpu.memory_space<vmem>>, vector<1x16xf32>,
      %swap3A_311 = vector.shape_cast %swap3A_310 : vector<1x16xf32> to vector<16xf32>
      %swap3A_312 = vector.shape_cast %broadcast_in_dim3A_307 : vector<16xf32> to vector<1x16xf32>
      tpu.vector_store %arg25[%swap3A_308, %swap3A_309], %swap3A_312 {strides = array<i32>} : memref<32x128xf32, #tpu.memory_space<vmem>>, vector<1x16xf32>,
      %broadcast_in_dim3A_313 = arith.constant 0.000000e+00 : f32
      %broadcast_in_dim3A_314 = vector.broadcast %broadcast_in_dim3A_313 : f32 to vector<16xf32>
      %swap3A_315 = arith.index_cast %scan3A_284 : i32 to index
      %swap3A_316 = arith.constant 64 : index
      %swap3A_317 = tpu.vector_load %arg25[%swap3A_315, %swap3A_316] {strides = array<i32>} : memref<32x128xf32, #tpu.memory_space<vmem>>, vector<1x16xf32>,
      %swap3A_318 = vector.shape_cast %swap3A_317 : vector<1x16xf32> to vector<16xf32>
      %swap3A_319 = vector.shape_cast %broadcast_in_dim3A_314 : vector<16xf32> to vector<1x16xf32>
      tpu.vector_store %arg25[%swap3A_315, %swap3A_316], %swap3A_319 {strides = array<i32>} : memref<32x128xf32, #tpu.memory_space<vmem>>, vector<1x16xf32>,
      %broadcast_in_dim3A_320 = arith.constant 0.000000e+00 : f32
      %broadcast_in_dim3A_321 = vector.broadcast %broadcast_in_dim3A_320 : f32 to vector<16xf32>
      %swap3A_322 = arith.index_cast %scan3A_284 : i32 to index
      %swap3A_323 = arith.constant 80 : index
      %swap3A_324 = tpu.vector_load %arg25[%swap3A_322, %swap3A_323] {strides = array<i32>} : memref<32x128xf32, #tpu.memory_space<vmem>>, vector<1x16xf32>,
      %swap3A_325 = vector.shape_cast %swap3A_324 : vector<1x16xf32> to vector<16xf32>
      %swap3A_326 = vector.shape_cast %broadcast_in_dim3A_321 : vector<16xf32> to vector<1x16xf32>
      tpu.vector_store %arg25[%swap3A_322, %swap3A_323], %swap3A_326 {strides = array<i32>} : memref<32x128xf32, #tpu.memory_space<vmem>>, vector<1x16xf32>,
      %broadcast_in_dim3A_327 = arith.constant 0.000000e+00 : f32
      %broadcast_in_dim3A_328 = vector.broadcast %broadcast_in_dim3A_327 : f32 to vector<16xf32>
      %swap3A_329 = arith.index_cast %scan3A_284 : i32 to index
      %swap3A_330 = arith.constant 96 : index
      %swap3A_331 = tpu.vector_load %arg25[%swap3A_329, %swap3A_330] {strides = array<i32>} : memref<32x128xf32, #tpu.memory_space<vmem>>, vector<1x16xf32>,
      %swap3A_332 = vector.shape_cast %swap3A_331 : vector<1x16xf32> to vector<16xf32>
      %swap3A_333 = vector.shape_cast %broadcast_in_dim3A_328 : vector<16xf32> to vector<1x16xf32>
      tpu.vector_store %arg25[%swap3A_329, %swap3A_330], %swap3A_333 {strides = array<i32>} : memref<32x128xf32, #tpu.memory_space<vmem>>, vector<1x16xf32>,
      %broadcast_in_dim3A_334 = arith.constant 0.000000e+00 : f32
      %broadcast_in_dim3A_335 = vector.broadcast %broadcast_in_dim3A_334 : f32 to vector<16xf32>
      %swap3A_336 = arith.index_cast %scan3A_284 : i32 to index
      %swap3A_337 = arith.constant 112 : index
      %swap3A_338 = tpu.vector_load %arg25[%swap3A_336, %swap3A_337] {strides = array<i32>} : memref<32x128xf32, #tpu.memory_space<vmem>>, vector<1x16xf32>,
      %swap3A_339 = vector.shape_cast %swap3A_338 : vector<1x16xf32> to vector<16xf32>
      %swap3A_340 = vector.shape_cast %broadcast_in_dim3A_335 : vector<16xf32> to vector<1x16xf32>
      tpu.vector_store %arg25[%swap3A_336, %swap3A_337], %swap3A_340 {strides = array<i32>} : memref<32x128xf32, #tpu.memory_space<vmem>>, vector<1x16xf32>,
      %scan3A_341 = arith.constant 0 : i32
      scf.yield %scan3A_341 : i32
    }
    %scan3A_38 = arith.constant 32 : i32
    %mul3A_39 = arith.constant 640 : i32
    %mul3A_40 = arith.muli %arg1, %mul3A_39 : i32
    %add3A_41 = arith.constant 0 : i32
    %add3A_42 = arith.addi %mul3A_40, %add3A_41 : i32
    "tpu.region"() ({
      %run_scoped3A = tpu.sem_alloc : memref<!tpu.dma_semaphore, #tpu.memory_space<semaphore_mem>>
      %dma_start3A_284 = arith.constant 0 : i32
      %dma_start3A_285 = tpu.memref_slice %arg27[%add3A_42, %dma_start3A_284] : memref<10240x128xf32, #tpu.memory_space<vmem_shared>> -> memref<32x128xf32, #tpu.memory_space<vmem_shared>>
      %dma_start3A_286 = arith.constant 0 : i32
      %dma_start3A_287 = tpu.memref_slice %arg27[%add3A_42, %dma_start3A_286] : memref<10240x128xf32, #tpu.memory_space<vmem_shared>> -> memref<32x128xf32, #tpu.memory_space<vmem_shared>>
      tpu.enqueue_dma source(%arg25 : memref<32x128xf32, #tpu.memory_space<vmem>>) target(%dma_start3A_287 : memref<32x128xf32, #tpu.memory_space<vmem_shared>>) target_semaphore(%run_scoped3A : memref<!tpu.dma_semaphore, #tpu.memory_space<semaphore_mem>>)
      %dma_wait3A_288 = arith.constant 0 : i32
      %dma_wait3A_289 = tpu.memref_slice %arg27[%add3A_42, %dma_wait3A_288] : memref<10240x128xf32, #tpu.memory_space<vmem_shared>> -> memref<32x128xf32, #tpu.memory_space<vmem_shared>>
      %dma_wait3A_290 = arith.constant 0 : i32
      %dma_wait3A_291 = tpu.memref_slice %arg27[%add3A_42, %dma_wait3A_290] : memref<10240x128xf32, #tpu.memory_space<vmem_shared>> -> memref<32x128xf32, #tpu.memory_space<vmem_shared>>
      tpu.wait_dma2 semaphore(%run_scoped3A : memref<!tpu.dma_semaphore, #tpu.memory_space<semaphore_mem>>) src(%arg25 : memref<32x128xf32, #tpu.memory_space<vmem>>) dst(%dma_wait3A_291 : memref<32x128xf32, #tpu.memory_space<vmem_shared>>)
      tpu.yield
    }) : () -> ()
    %mul3A_43 = arith.constant 640 : i32
    %mul3A_44 = arith.muli %arg1, %mul3A_43 : i32
    %add3A_45 = arith.constant 32 : i32
    %add3A_46 = arith.addi %mul3A_44, %add3A_45 : i32
    "tpu.region"() ({
      %run_scoped3A = tpu.sem_alloc : memref<!tpu.dma_semaphore, #tpu.memory_space<semaphore_mem>>
      %dma_start3A_284 = arith.constant 0 : i32
      %dma_start3A_285 = tpu.memref_slice %arg27[%add3A_46, %dma_start3A_284] : memref<10240x128xf32, #tpu.memory_space<vmem_shared>> -> memref<32x128xf32, #tpu.memory_space<vmem_shared>>
      %dma_start3A_286 = arith.constant 0 : i32
      %dma_start3A_287 = tpu.memref_slice %arg27[%add3A_46, %dma_start3A_286] : memref<10240x128xf32, #tpu.memory_space<vmem_shared>> -> memref<32x128xf32, #tpu.memory_space<vmem_shared>>
      tpu.enqueue_dma source(%arg25 : memref<32x128xf32, #tpu.memory_space<vmem>>) target(%dma_start3A_287 : memref<32x128xf32, #tpu.memory_space<vmem_shared>>) target_semaphore(%run_scoped3A : memref<!tpu.dma_semaphore, #tpu.memory_space<semaphore_mem>>)
      %dma_wait3A_288 = arith.constant 0 : i32
      %dma_wait3A_289 = tpu.memref_slice %arg27[%add3A_46, %dma_wait3A_288] : memref<10240x128xf32, #tpu.memory_space<vmem_shared>> -> memref<32x128xf32, #tpu.memory_space<vmem_shared>>
      %dma_wait3A_290 = arith.constant 0 : i32
      %dma_wait3A_291 = tpu.memref_slice %arg27[%add3A_46, %dma_wait3A_290] : memref<10240x128xf32, #tpu.memory_space<vmem_shared>> -> memref<32x128xf32, #tpu.memory_space<vmem_shared>>
      tpu.wait_dma2 semaphore(%run_scoped3A : memref<!tpu.dma_semaphore, #tpu.memory_space<semaphore_mem>>) src(%arg25 : memref<32x128xf32, #tpu.memory_space<vmem>>) dst(%dma_wait3A_291 : memref<32x128xf32, #tpu.memory_space<vmem_shared>>)
      tpu.yield
    }) : () -> ()
    %mul3A_47 = arith.constant 640 : i32
    %mul3A_48 = arith.muli %arg1, %mul3A_47 : i32
    %add3A_49 = arith.constant 64 : i32
    %add3A_50 = arith.addi %mul3A_48, %add3A_49 : i32
    "tpu.region"() ({
      %run_scoped3A = tpu.sem_alloc : memref<!tpu.dma_semaphore, #tpu.memory_space<semaphore_mem>>
      %dma_start3A_284 = arith.constant 0 : i32
      %dma_start3A_285 = tpu.memref_slice %arg27[%add3A_50, %dma_start3A_284] : memref<10240x128xf32, #tpu.memory_space<vmem_shared>> -> memref<32x128xf32, #tpu.memory_space<vmem_shared>>
      %dma_start3A_286 = arith.constant 0 : i32
      %dma_start3A_287 = tpu.memref_slice %arg27[%add3A_50, %dma_start3A_286] : memref<10240x128xf32, #tpu.memory_space<vmem_shared>> -> memref<32x128xf32, #tpu.memory_space<vmem_shared>>
      tpu.enqueue_dma source(%arg25 : memref<32x128xf32, #tpu.memory_space<vmem>>) target(%dma_start3A_287 : memref<32x128xf32, #tpu.memory_space<vmem_shared>>) target_semaphore(%run_scoped3A : memref<!tpu.dma_semaphore, #tpu.memory_space<semaphore_mem>>)
      %dma_wait3A_288 = arith.constant 0 : i32
      %dma_wait3A_289 = tpu.memref_slice %arg27[%add3A_50, %dma_wait3A_288] : memref<10240x128xf32, #tpu.memory_space<vmem_shared>> -> memref<32x128xf32, #tpu.memory_space<vmem_shared>>
      %dma_wait3A_290 = arith.constant 0 : i32
      %dma_wait3A_291 = tpu.memref_slice %arg27[%add3A_50, %dma_wait3A_290] : memref<10240x128xf32, #tpu.memory_space<vmem_shared>> -> memref<32x128xf32, #tpu.memory_space<vmem_shared>>
      tpu.wait_dma2 semaphore(%run_scoped3A : memref<!tpu.dma_semaphore, #tpu.memory_space<semaphore_mem>>) src(%arg25 : memref<32x128xf32, #tpu.memory_space<vmem>>) dst(%dma_wait3A_291 : memref<32x128xf32, #tpu.memory_space<vmem_shared>>)
      tpu.yield
    }) : () -> ()
    %mul3A_51 = arith.constant 640 : i32
    %mul3A_52 = arith.muli %arg1, %mul3A_51 : i32
    %add3A_53 = arith.constant 96 : i32
    %add3A_54 = arith.addi %mul3A_52, %add3A_53 : i32
    "tpu.region"() ({
      %run_scoped3A = tpu.sem_alloc : memref<!tpu.dma_semaphore, #tpu.memory_space<semaphore_mem>>
      %dma_start3A_284 = arith.constant 0 : i32
      %dma_start3A_285 = tpu.memref_slice %arg27[%add3A_54, %dma_start3A_284] : memref<10240x128xf32, #tpu.memory_space<vmem_shared>> -> memref<32x128xf32, #tpu.memory_space<vmem_shared>>
      %dma_start3A_286 = arith.constant 0 : i32
      %dma_start3A_287 = tpu.memref_slice %arg27[%add3A_54, %dma_start3A_286] : memref<10240x128xf32, #tpu.memory_space<vmem_shared>> -> memref<32x128xf32, #tpu.memory_space<vmem_shared>>
      tpu.enqueue_dma source(%arg25 : memref<32x128xf32, #tpu.memory_space<vmem>>) target(%dma_start3A_287 : memref<32x128xf32, #tpu.memory_space<vmem_shared>>) target_semaphore(%run_scoped3A : memref<!tpu.dma_semaphore, #tpu.memory_space<semaphore_mem>>)
      %dma_wait3A_288 = arith.constant 0 : i32
      %dma_wait3A_289 = tpu.memref_slice %arg27[%add3A_54, %dma_wait3A_288] : memref<10240x128xf32, #tpu.memory_space<vmem_shared>> -> memref<32x128xf32, #tpu.memory_space<vmem_shared>>
      %dma_wait3A_290 = arith.constant 0 : i32
      %dma_wait3A_291 = tpu.memref_slice %arg27[%add3A_54, %dma_wait3A_290] : memref<10240x128xf32, #tpu.memory_space<vmem_shared>> -> memref<32x128xf32, #tpu.memory_space<vmem_shared>>
      tpu.wait_dma2 semaphore(%run_scoped3A : memref<!tpu.dma_semaphore, #tpu.memory_space<semaphore_mem>>) src(%arg25 : memref<32x128xf32, #tpu.memory_space<vmem>>) dst(%dma_wait3A_291 : memref<32x128xf32, #tpu.memory_space<vmem_shared>>)
      tpu.yield
    }) : () -> ()
    %mul3A_55 = arith.constant 640 : i32
    %mul3A_56 = arith.muli %arg1, %mul3A_55 : i32
    %add3A_57 = arith.constant 128 : i32
    %add3A_58 = arith.addi %mul3A_56, %add3A_57 : i32
    "tpu.region"() ({
      %run_scoped3A = tpu.sem_alloc : memref<!tpu.dma_semaphore, #tpu.memory_space<semaphore_mem>>
      %dma_start3A_284 = arith.constant 0 : i32
      %dma_start3A_285 = tpu.memref_slice %arg27[%add3A_58, %dma_start3A_284] : memref<10240x128xf32, #tpu.memory_space<vmem_shared>> -> memref<32x128xf32, #tpu.memory_space<vmem_shared>>
      %dma_start3A_286 = arith.constant 0 : i32
      %dma_start3A_287 = tpu.memref_slice %arg27[%add3A_58, %dma_start3A_286] : memref<10240x128xf32, #tpu.memory_space<vmem_shared>> -> memref<32x128xf32, #tpu.memory_space<vmem_shared>>
      tpu.enqueue_dma source(%arg25 : memref<32x128xf32, #tpu.memory_space<vmem>>) target(%dma_start3A_287 : memref<32x128xf32, #tpu.memory_space<vmem_shared>>) target_semaphore(%run_scoped3A : memref<!tpu.dma_semaphore, #tpu.memory_space<semaphore_mem>>)
      %dma_wait3A_288 = arith.constant 0 : i32
      %dma_wait3A_289 = tpu.memref_slice %arg27[%add3A_58, %dma_wait3A_288] : memref<10240x128xf32, #tpu.memory_space<vmem_shared>> -> memref<32x128xf32, #tpu.memory_space<vmem_shared>>
      %dma_wait3A_290 = arith.constant 0 : i32
      %dma_wait3A_291 = tpu.memref_slice %arg27[%add3A_58, %dma_wait3A_290] : memref<10240x128xf32, #tpu.memory_space<vmem_shared>> -> memref<32x128xf32, #tpu.memory_space<vmem_shared>>
      tpu.wait_dma2 semaphore(%run_scoped3A : memref<!tpu.dma_semaphore, #tpu.memory_space<semaphore_mem>>) src(%arg25 : memref<32x128xf32, #tpu.memory_space<vmem>>) dst(%dma_wait3A_291 : memref<32x128xf32, #tpu.memory_space<vmem_shared>>)
      tpu.yield
    }) : () -> ()
    %mul3A_59 = arith.constant 640 : i32
    %mul3A_60 = arith.muli %arg1, %mul3A_59 : i32
    %add3A_61 = arith.constant 160 : i32
    %add3A_62 = arith.addi %mul3A_60, %add3A_61 : i32
    "tpu.region"() ({
      %run_scoped3A = tpu.sem_alloc : memref<!tpu.dma_semaphore, #tpu.memory_space<semaphore_mem>>
      %dma_start3A_284 = arith.constant 0 : i32
      %dma_start3A_285 = tpu.memref_slice %arg27[%add3A_62, %dma_start3A_284] : memref<10240x128xf32, #tpu.memory_space<vmem_shared>> -> memref<32x128xf32, #tpu.memory_space<vmem_shared>>
      %dma_start3A_286 = arith.constant 0 : i32
      %dma_start3A_287 = tpu.memref_slice %arg27[%add3A_62, %dma_start3A_286] : memref<10240x128xf32, #tpu.memory_space<vmem_shared>> -> memref<32x128xf32, #tpu.memory_space<vmem_shared>>
      tpu.enqueue_dma source(%arg25 : memref<32x128xf32, #tpu.memory_space<vmem>>) target(%dma_start3A_287 : memref<32x128xf32, #tpu.memory_space<vmem_shared>>) target_semaphore(%run_scoped3A : memref<!tpu.dma_semaphore, #tpu.memory_space<semaphore_mem>>)
      %dma_wait3A_288 = arith.constant 0 : i32
      %dma_wait3A_289 = tpu.memref_slice %arg27[%add3A_62, %dma_wait3A_288] : memref<10240x128xf32, #tpu.memory_space<vmem_shared>> -> memref<32x128xf32, #tpu.memory_space<vmem_shared>>
      %dma_wait3A_290 = arith.constant 0 : i32
      %dma_wait3A_291 = tpu.memref_slice %arg27[%add3A_62, %dma_wait3A_290] : memref<10240x128xf32, #tpu.memory_space<vmem_shared>> -> memref<32x128xf32, #tpu.memory_space<vmem_shared>>
      tpu.wait_dma2 semaphore(%run_scoped3A : memref<!tpu.dma_semaphore, #tpu.memory_space<semaphore_mem>>) src(%arg25 : memref<32x128xf32, #tpu.memory_space<vmem>>) dst(%dma_wait3A_291 : memref<32x128xf32, #tpu.memory_space<vmem_shared>>)
      tpu.yield
    }) : () -> ()
    %mul3A_63 = arith.constant 640 : i32
    %mul3A_64 = arith.muli %arg1, %mul3A_63 : i32
    %add3A_65 = arith.constant 192 : i32
    %add3A_66 = arith.addi %mul3A_64, %add3A_65 : i32
    "tpu.region"() ({
      %run_scoped3A = tpu.sem_alloc : memref<!tpu.dma_semaphore, #tpu.memory_space<semaphore_mem>>
      %dma_start3A_284 = arith.constant 0 : i32
      %dma_start3A_285 = tpu.memref_slice %arg27[%add3A_66, %dma_start3A_284] : memref<10240x128xf32, #tpu.memory_space<vmem_shared>> -> memref<32x128xf32, #tpu.memory_space<vmem_shared>>
      %dma_start3A_286 = arith.constant 0 : i32
      %dma_start3A_287 = tpu.memref_slice %arg27[%add3A_66, %dma_start3A_286] : memref<10240x128xf32, #tpu.memory_space<vmem_shared>> -> memref<32x128xf32, #tpu.memory_space<vmem_shared>>
      tpu.enqueue_dma source(%arg25 : memref<32x128xf32, #tpu.memory_space<vmem>>) target(%dma_start3A_287 : memref<32x128xf32, #tpu.memory_space<vmem_shared>>) target_semaphore(%run_scoped3A : memref<!tpu.dma_semaphore, #tpu.memory_space<semaphore_mem>>)
      %dma_wait3A_288 = arith.constant 0 : i32
      %dma_wait3A_289 = tpu.memref_slice %arg27[%add3A_66, %dma_wait3A_288] : memref<10240x128xf32, #tpu.memory_space<vmem_shared>> -> memref<32x128xf32, #tpu.memory_space<vmem_shared>>
      %dma_wait3A_290 = arith.constant 0 : i32
      %dma_wait3A_291 = tpu.memref_slice %arg27[%add3A_66, %dma_wait3A_290] : memref<10240x128xf32, #tpu.memory_space<vmem_shared>> -> memref<32x128xf32, #tpu.memory_space<vmem_shared>>
      tpu.wait_dma2 semaphore(%run_scoped3A : memref<!tpu.dma_semaphore, #tpu.memory_space<semaphore_mem>>) src(%arg25 : memref<32x128xf32, #tpu.memory_space<vmem>>) dst(%dma_wait3A_291 : memref<32x128xf32, #tpu.memory_space<vmem_shared>>)
      tpu.yield
    }) : () -> ()
    %mul3A_67 = arith.constant 640 : i32
    %mul3A_68 = arith.muli %arg1, %mul3A_67 : i32
    %add3A_69 = arith.constant 224 : i32
    %add3A_70 = arith.addi %mul3A_68, %add3A_69 : i32
    "tpu.region"() ({
      %run_scoped3A = tpu.sem_alloc : memref<!tpu.dma_semaphore, #tpu.memory_space<semaphore_mem>>
      %dma_start3A_284 = arith.constant 0 : i32
      %dma_start3A_285 = tpu.memref_slice %arg27[%add3A_70, %dma_start3A_284] : memref<10240x128xf32, #tpu.memory_space<vmem_shared>> -> memref<32x128xf32, #tpu.memory_space<vmem_shared>>
      %dma_start3A_286 = arith.constant 0 : i32
      %dma_start3A_287 = tpu.memref_slice %arg27[%add3A_70, %dma_start3A_286] : memref<10240x128xf32, #tpu.memory_space<vmem_shared>> -> memref<32x128xf32, #tpu.memory_space<vmem_shared>>
      tpu.enqueue_dma source(%arg25 : memref<32x128xf32, #tpu.memory_space<vmem>>) target(%dma_start3A_287 : memref<32x128xf32, #tpu.memory_space<vmem_shared>>) target_semaphore(%run_scoped3A : memref<!tpu.dma_semaphore, #tpu.memory_space<semaphore_mem>>)
      %dma_wait3A_288 = arith.constant 0 : i32
      %dma_wait3A_289 = tpu.memref_slice %arg27[%add3A_70, %dma_wait3A_288] : memref<10240x128xf32, #tpu.memory_space<vmem_shared>> -> memref<32x128xf32, #tpu.memory_space<vmem_shared>>
      %dma_wait3A_290 = arith.constant 0 : i32
      %dma_wait3A_291 = tpu.memref_slice %arg27[%add3A_70, %dma_wait3A_290] : memref<10240x128xf32, #tpu.memory_space<vmem_shared>> -> memref<32x128xf32, #tpu.memory_space<vmem_shared>>
      tpu.wait_dma2 semaphore(%run_scoped3A : memref<!tpu.dma_semaphore, #tpu.memory_space<semaphore_mem>>) src(%arg25 : memref<32x128xf32, #tpu.memory_space<vmem>>) dst(%dma_wait3A_291 : memref<32x128xf32, #tpu.memory_space<vmem_shared>>)
      tpu.yield
    }) : () -> ()
    %mul3A_71 = arith.constant 640 : i32
    %mul3A_72 = arith.muli %arg1, %mul3A_71 : i32
    %add3A_73 = arith.constant 256 : i32
    %add3A_74 = arith.addi %mul3A_72, %add3A_73 : i32
    "tpu.region"() ({
      %run_scoped3A = tpu.sem_alloc : memref<!tpu.dma_semaphore, #tpu.memory_space<semaphore_mem>>
      %dma_start3A_284 = arith.constant 0 : i32
      %dma_start3A_285 = tpu.memref_slice %arg27[%add3A_74, %dma_start3A_284] : memref<10240x128xf32, #tpu.memory_space<vmem_shared>> -> memref<32x128xf32, #tpu.memory_space<vmem_shared>>
      %dma_start3A_286 = arith.constant 0 : i32
      %dma_start3A_287 = tpu.memref_slice %arg27[%add3A_74, %dma_start3A_286] : memref<10240x128xf32, #tpu.memory_space<vmem_shared>> -> memref<32x128xf32, #tpu.memory_space<vmem_shared>>
      tpu.enqueue_dma source(%arg25 : memref<32x128xf32, #tpu.memory_space<vmem>>) target(%dma_start3A_287 : memref<32x128xf32, #tpu.memory_space<vmem_shared>>) target_semaphore(%run_scoped3A : memref<!tpu.dma_semaphore, #tpu.memory_space<semaphore_mem>>)
      %dma_wait3A_288 = arith.constant 0 : i32
      %dma_wait3A_289 = tpu.memref_slice %arg27[%add3A_74, %dma_wait3A_288] : memref<10240x128xf32, #tpu.memory_space<vmem_shared>> -> memref<32x128xf32, #tpu.memory_space<vmem_shared>>
      %dma_wait3A_290 = arith.constant 0 : i32
      %dma_wait3A_291 = tpu.memref_slice %arg27[%add3A_74, %dma_wait3A_290] : memref<10240x128xf32, #tpu.memory_space<vmem_shared>> -> memref<32x128xf32, #tpu.memory_space<vmem_shared>>
      tpu.wait_dma2 semaphore(%run_scoped3A : memref<!tpu.dma_semaphore, #tpu.memory_space<semaphore_mem>>) src(%arg25 : memref<32x128xf32, #tpu.memory_space<vmem>>) dst(%dma_wait3A_291 : memref<32x128xf32, #tpu.memory_space<vmem_shared>>)
      tpu.yield
    }) : () -> ()
    %mul3A_75 = arith.constant 640 : i32
    %mul3A_76 = arith.muli %arg1, %mul3A_75 : i32
    %add3A_77 = arith.constant 288 : i32
    %add3A_78 = arith.addi %mul3A_76, %add3A_77 : i32
    "tpu.region"() ({
      %run_scoped3A = tpu.sem_alloc : memref<!tpu.dma_semaphore, #tpu.memory_space<semaphore_mem>>
      %dma_start3A_284 = arith.constant 0 : i32
      %dma_start3A_285 = tpu.memref_slice %arg27[%add3A_78, %dma_start3A_284] : memref<10240x128xf32, #tpu.memory_space<vmem_shared>> -> memref<32x128xf32, #tpu.memory_space<vmem_shared>>
      %dma_start3A_286 = arith.constant 0 : i32
      %dma_start3A_287 = tpu.memref_slice %arg27[%add3A_78, %dma_start3A_286] : memref<10240x128xf32, #tpu.memory_space<vmem_shared>> -> memref<32x128xf32, #tpu.memory_space<vmem_shared>>
      tpu.enqueue_dma source(%arg25 : memref<32x128xf32, #tpu.memory_space<vmem>>) target(%dma_start3A_287 : memref<32x128xf32, #tpu.memory_space<vmem_shared>>) target_semaphore(%run_scoped3A : memref<!tpu.dma_semaphore, #tpu.memory_space<semaphore_mem>>)
      %dma_wait3A_288 = arith.constant 0 : i32
      %dma_wait3A_289 = tpu.memref_slice %arg27[%add3A_78, %dma_wait3A_288] : memref<10240x128xf32, #tpu.memory_space<vmem_shared>> -> memref<32x128xf32, #tpu.memory_space<vmem_shared>>
      %dma_wait3A_290 = arith.constant 0 : i32
      %dma_wait3A_291 = tpu.memref_slice %arg27[%add3A_78, %dma_wait3A_290] : memref<10240x128xf32, #tpu.memory_space<vmem_shared>> -> memref<32x128xf32, #tpu.memory_space<vmem_shared>>
      tpu.wait_dma2 semaphore(%run_scoped3A : memref<!tpu.dma_semaphore, #tpu.memory_space<semaphore_mem>>) src(%arg25 : memref<32x128xf32, #tpu.memory_space<vmem>>) dst(%dma_wait3A_291 : memref<32x128xf32, #tpu.memory_space<vmem_shared>>)
      tpu.yield
    }) : () -> ()
    %mul3A_79 = arith.constant 640 : i32
    %mul3A_80 = arith.muli %arg1, %mul3A_79 : i32
    %add3A_81 = arith.constant 320 : i32
    %add3A_82 = arith.addi %mul3A_80, %add3A_81 : i32
    "tpu.region"() ({
      %run_scoped3A = tpu.sem_alloc : memref<!tpu.dma_semaphore, #tpu.memory_space<semaphore_mem>>
      %dma_start3A_284 = arith.constant 0 : i32
      %dma_start3A_285 = tpu.memref_slice %arg27[%add3A_82, %dma_start3A_284] : memref<10240x128xf32, #tpu.memory_space<vmem_shared>> -> memref<32x128xf32, #tpu.memory_space<vmem_shared>>
      %dma_start3A_286 = arith.constant 0 : i32
      %dma_start3A_287 = tpu.memref_slice %arg27[%add3A_82, %dma_start3A_286] : memref<10240x128xf32, #tpu.memory_space<vmem_shared>> -> memref<32x128xf32, #tpu.memory_space<vmem_shared>>
      tpu.enqueue_dma source(%arg25 : memref<32x128xf32, #tpu.memory_space<vmem>>) target(%dma_start3A_287 : memref<32x128xf32, #tpu.memory_space<vmem_shared>>) target_semaphore(%run_scoped3A : memref<!tpu.dma_semaphore, #tpu.memory_space<semaphore_mem>>)
      %dma_wait3A_288 = arith.constant 0 : i32
      %dma_wait3A_289 = tpu.memref_slice %arg27[%add3A_82, %dma_wait3A_288] : memref<10240x128xf32, #tpu.memory_space<vmem_shared>> -> memref<32x128xf32, #tpu.memory_space<vmem_shared>>
      %dma_wait3A_290 = arith.constant 0 : i32
      %dma_wait3A_291 = tpu.memref_slice %arg27[%add3A_82, %dma_wait3A_290] : memref<10240x128xf32, #tpu.memory_space<vmem_shared>> -> memref<32x128xf32, #tpu.memory_space<vmem_shared>>
      tpu.wait_dma2 semaphore(%run_scoped3A : memref<!tpu.dma_semaphore, #tpu.memory_space<semaphore_mem>>) src(%arg25 : memref<32x128xf32, #tpu.memory_space<vmem>>) dst(%dma_wait3A_291 : memref<32x128xf32, #tpu.memory_space<vmem_shared>>)
      tpu.yield
    }) : () -> ()
    %mul3A_83 = arith.constant 640 : i32
    %mul3A_84 = arith.muli %arg1, %mul3A_83 : i32
    %add3A_85 = arith.constant 352 : i32
    %add3A_86 = arith.addi %mul3A_84, %add3A_85 : i32
    "tpu.region"() ({
      %run_scoped3A = tpu.sem_alloc : memref<!tpu.dma_semaphore, #tpu.memory_space<semaphore_mem>>
      %dma_start3A_284 = arith.constant 0 : i32
      %dma_start3A_285 = tpu.memref_slice %arg27[%add3A_86, %dma_start3A_284] : memref<10240x128xf32, #tpu.memory_space<vmem_shared>> -> memref<32x128xf32, #tpu.memory_space<vmem_shared>>
      %dma_start3A_286 = arith.constant 0 : i32
      %dma_start3A_287 = tpu.memref_slice %arg27[%add3A_86, %dma_start3A_286] : memref<10240x128xf32, #tpu.memory_space<vmem_shared>> -> memref<32x128xf32, #tpu.memory_space<vmem_shared>>
      tpu.enqueue_dma source(%arg25 : memref<32x128xf32, #tpu.memory_space<vmem>>) target(%dma_start3A_287 : memref<32x128xf32, #tpu.memory_space<vmem_shared>>) target_semaphore(%run_scoped3A : memref<!tpu.dma_semaphore, #tpu.memory_space<semaphore_mem>>)
      %dma_wait3A_288 = arith.constant 0 : i32
      %dma_wait3A_289 = tpu.memref_slice %arg27[%add3A_86, %dma_wait3A_288] : memref<10240x128xf32, #tpu.memory_space<vmem_shared>> -> memref<32x128xf32, #tpu.memory_space<vmem_shared>>
      %dma_wait3A_290 = arith.constant 0 : i32
      %dma_wait3A_291 = tpu.memref_slice %arg27[%add3A_86, %dma_wait3A_290] : memref<10240x128xf32, #tpu.memory_space<vmem_shared>> -> memref<32x128xf32, #tpu.memory_space<vmem_shared>>
      tpu.wait_dma2 semaphore(%run_scoped3A : memref<!tpu.dma_semaphore, #tpu.memory_space<semaphore_mem>>) src(%arg25 : memref<32x128xf32, #tpu.memory_space<vmem>>) dst(%dma_wait3A_291 : memref<32x128xf32, #tpu.memory_space<vmem_shared>>)
      tpu.yield
    }) : () -> ()
    %mul3A_87 = arith.constant 640 : i32
    %mul3A_88 = arith.muli %arg1, %mul3A_87 : i32
    %add3A_89 = arith.constant 384 : i32
    %add3A_90 = arith.addi %mul3A_88, %add3A_89 : i32
    "tpu.region"() ({
      %run_scoped3A = tpu.sem_alloc : memref<!tpu.dma_semaphore, #tpu.memory_space<semaphore_mem>>
      %dma_start3A_284 = arith.constant 0 : i32
      %dma_start3A_285 = tpu.memref_slice %arg27[%add3A_90, %dma_start3A_284] : memref<10240x128xf32, #tpu.memory_space<vmem_shared>> -> memref<32x128xf32, #tpu.memory_space<vmem_shared>>
      %dma_start3A_286 = arith.constant 0 : i32
      %dma_start3A_287 = tpu.memref_slice %arg27[%add3A_90, %dma_start3A_286] : memref<10240x128xf32, #tpu.memory_space<vmem_shared>> -> memref<32x128xf32, #tpu.memory_space<vmem_shared>>
      tpu.enqueue_dma source(%arg25 : memref<32x128xf32, #tpu.memory_space<vmem>>) target(%dma_start3A_287 : memref<32x128xf32, #tpu.memory_space<vmem_shared>>) target_semaphore(%run_scoped3A : memref<!tpu.dma_semaphore, #tpu.memory_space<semaphore_mem>>)
      %dma_wait3A_288 = arith.constant 0 : i32
      %dma_wait3A_289 = tpu.memref_slice %arg27[%add3A_90, %dma_wait3A_288] : memref<10240x128xf32, #tpu.memory_space<vmem_shared>> -> memref<32x128xf32, #tpu.memory_space<vmem_shared>>
      %dma_wait3A_290 = arith.constant 0 : i32
      %dma_wait3A_291 = tpu.memref_slice %arg27[%add3A_90, %dma_wait3A_290] : memref<10240x128xf32, #tpu.memory_space<vmem_shared>> -> memref<32x128xf32, #tpu.memory_space<vmem_shared>>
      tpu.wait_dma2 semaphore(%run_scoped3A : memref<!tpu.dma_semaphore, #tpu.memory_space<semaphore_mem>>) src(%arg25 : memref<32x128xf32, #tpu.memory_space<vmem>>) dst(%dma_wait3A_291 : memref<32x128xf32, #tpu.memory_space<vmem_shared>>)
      tpu.yield
    }) : () -> ()
    %mul3A_91 = arith.constant 640 : i32
    %mul3A_92 = arith.muli %arg1, %mul3A_91 : i32
    %add3A_93 = arith.constant 416 : i32
    %add3A_94 = arith.addi %mul3A_92, %add3A_93 : i32
    "tpu.region"() ({
      %run_scoped3A = tpu.sem_alloc : memref<!tpu.dma_semaphore, #tpu.memory_space<semaphore_mem>>
      %dma_start3A_284 = arith.constant 0 : i32
      %dma_start3A_285 = tpu.memref_slice %arg27[%add3A_94, %dma_start3A_284] : memref<10240x128xf32, #tpu.memory_space<vmem_shared>> -> memref<32x128xf32, #tpu.memory_space<vmem_shared>>
      %dma_start3A_286 = arith.constant 0 : i32
      %dma_start3A_287 = tpu.memref_slice %arg27[%add3A_94, %dma_start3A_286] : memref<10240x128xf32, #tpu.memory_space<vmem_shared>> -> memref<32x128xf32, #tpu.memory_space<vmem_shared>>
      tpu.enqueue_dma source(%arg25 : memref<32x128xf32, #tpu.memory_space<vmem>>) target(%dma_start3A_287 : memref<32x128xf32, #tpu.memory_space<vmem_shared>>) target_semaphore(%run_scoped3A : memref<!tpu.dma_semaphore, #tpu.memory_space<semaphore_mem>>)
      %dma_wait3A_288 = arith.constant 0 : i32
      %dma_wait3A_289 = tpu.memref_slice %arg27[%add3A_94, %dma_wait3A_288] : memref<10240x128xf32, #tpu.memory_space<vmem_shared>> -> memref<32x128xf32, #tpu.memory_space<vmem_shared>>
      %dma_wait3A_290 = arith.constant 0 : i32
      %dma_wait3A_291 = tpu.memref_slice %arg27[%add3A_94, %dma_wait3A_290] : memref<10240x128xf32, #tpu.memory_space<vmem_shared>> -> memref<32x128xf32, #tpu.memory_space<vmem_shared>>
      tpu.wait_dma2 semaphore(%run_scoped3A : memref<!tpu.dma_semaphore, #tpu.memory_space<semaphore_mem>>) src(%arg25 : memref<32x128xf32, #tpu.memory_space<vmem>>) dst(%dma_wait3A_291 : memref<32x128xf32, #tpu.memory_space<vmem_shared>>)
      tpu.yield
    }) : () -> ()
    %mul3A_95 = arith.constant 640 : i32
    %mul3A_96 = arith.muli %arg1, %mul3A_95 : i32
    %add3A_97 = arith.constant 448 : i32
    %add3A_98 = arith.addi %mul3A_96, %add3A_97 : i32
    "tpu.region"() ({
      %run_scoped3A = tpu.sem_alloc : memref<!tpu.dma_semaphore, #tpu.memory_space<semaphore_mem>>
      %dma_start3A_284 = arith.constant 0 : i32
      %dma_start3A_285 = tpu.memref_slice %arg27[%add3A_98, %dma_start3A_284] : memref<10240x128xf32, #tpu.memory_space<vmem_shared>> -> memref<32x128xf32, #tpu.memory_space<vmem_shared>>
      %dma_start3A_286 = arith.constant 0 : i32
      %dma_start3A_287 = tpu.memref_slice %arg27[%add3A_98, %dma_start3A_286] : memref<10240x128xf32, #tpu.memory_space<vmem_shared>> -> memref<32x128xf32, #tpu.memory_space<vmem_shared>>
      tpu.enqueue_dma source(%arg25 : memref<32x128xf32, #tpu.memory_space<vmem>>) target(%dma_start3A_287 : memref<32x128xf32, #tpu.memory_space<vmem_shared>>) target_semaphore(%run_scoped3A : memref<!tpu.dma_semaphore, #tpu.memory_space<semaphore_mem>>)
      %dma_wait3A_288 = arith.constant 0 : i32
      %dma_wait3A_289 = tpu.memref_slice %arg27[%add3A_98, %dma_wait3A_288] : memref<10240x128xf32, #tpu.memory_space<vmem_shared>> -> memref<32x128xf32, #tpu.memory_space<vmem_shared>>
      %dma_wait3A_290 = arith.constant 0 : i32
      %dma_wait3A_291 = tpu.memref_slice %arg27[%add3A_98, %dma_wait3A_290] : memref<10240x128xf32, #tpu.memory_space<vmem_shared>> -> memref<32x128xf32, #tpu.memory_space<vmem_shared>>
      tpu.wait_dma2 semaphore(%run_scoped3A : memref<!tpu.dma_semaphore, #tpu.memory_space<semaphore_mem>>) src(%arg25 : memref<32x128xf32, #tpu.memory_space<vmem>>) dst(%dma_wait3A_291 : memref<32x128xf32, #tpu.memory_space<vmem_shared>>)
      tpu.yield
    }) : () -> ()
    %mul3A_99 = arith.constant 640 : i32
    %mul3A_100 = arith.muli %arg1, %mul3A_99 : i32
    %add3A_101 = arith.constant 480 : i32
    %add3A_102 = arith.addi %mul3A_100, %add3A_101 : i32
    "tpu.region"() ({
      %run_scoped3A = tpu.sem_alloc : memref<!tpu.dma_semaphore, #tpu.memory_space<semaphore_mem>>
      %dma_start3A_284 = arith.constant 0 : i32
      %dma_start3A_285 = tpu.memref_slice %arg27[%add3A_102, %dma_start3A_284] : memref<10240x128xf32, #tpu.memory_space<vmem_shared>> -> memref<32x128xf32, #tpu.memory_space<vmem_shared>>
      %dma_start3A_286 = arith.constant 0 : i32
      %dma_start3A_287 = tpu.memref_slice %arg27[%add3A_102, %dma_start3A_286] : memref<10240x128xf32, #tpu.memory_space<vmem_shared>> -> memref<32x128xf32, #tpu.memory_space<vmem_shared>>
      tpu.enqueue_dma source(%arg25 : memref<32x128xf32, #tpu.memory_space<vmem>>) target(%dma_start3A_287 : memref<32x128xf32, #tpu.memory_space<vmem_shared>>) target_semaphore(%run_scoped3A : memref<!tpu.dma_semaphore, #tpu.memory_space<semaphore_mem>>)
      %dma_wait3A_288 = arith.constant 0 : i32
      %dma_wait3A_289 = tpu.memref_slice %arg27[%add3A_102, %dma_wait3A_288] : memref<10240x128xf32, #tpu.memory_space<vmem_shared>> -> memref<32x128xf32, #tpu.memory_space<vmem_shared>>
      %dma_wait3A_290 = arith.constant 0 : i32
      %dma_wait3A_291 = tpu.memref_slice %arg27[%add3A_102, %dma_wait3A_290] : memref<10240x128xf32, #tpu.memory_space<vmem_shared>> -> memref<32x128xf32, #tpu.memory_space<vmem_shared>>
      tpu.wait_dma2 semaphore(%run_scoped3A : memref<!tpu.dma_semaphore, #tpu.memory_space<semaphore_mem>>) src(%arg25 : memref<32x128xf32, #tpu.memory_space<vmem>>) dst(%dma_wait3A_291 : memref<32x128xf32, #tpu.memory_space<vmem_shared>>)
      tpu.yield
    }) : () -> ()
    %mul3A_103 = arith.constant 640 : i32
    %mul3A_104 = arith.muli %arg1, %mul3A_103 : i32
    %add3A_105 = arith.constant 512 : i32
    %add3A_106 = arith.addi %mul3A_104, %add3A_105 : i32
    "tpu.region"() ({
      %run_scoped3A = tpu.sem_alloc : memref<!tpu.dma_semaphore, #tpu.memory_space<semaphore_mem>>
      %dma_start3A_284 = arith.constant 0 : i32
      %dma_start3A_285 = tpu.memref_slice %arg27[%add3A_106, %dma_start3A_284] : memref<10240x128xf32, #tpu.memory_space<vmem_shared>> -> memref<32x128xf32, #tpu.memory_space<vmem_shared>>
      %dma_start3A_286 = arith.constant 0 : i32
      %dma_start3A_287 = tpu.memref_slice %arg27[%add3A_106, %dma_start3A_286] : memref<10240x128xf32, #tpu.memory_space<vmem_shared>> -> memref<32x128xf32, #tpu.memory_space<vmem_shared>>
      tpu.enqueue_dma source(%arg25 : memref<32x128xf32, #tpu.memory_space<vmem>>) target(%dma_start3A_287 : memref<32x128xf32, #tpu.memory_space<vmem_shared>>) target_semaphore(%run_scoped3A : memref<!tpu.dma_semaphore, #tpu.memory_space<semaphore_mem>>)
      %dma_wait3A_288 = arith.constant 0 : i32
      %dma_wait3A_289 = tpu.memref_slice %arg27[%add3A_106, %dma_wait3A_288] : memref<10240x128xf32, #tpu.memory_space<vmem_shared>> -> memref<32x128xf32, #tpu.memory_space<vmem_shared>>
      %dma_wait3A_290 = arith.constant 0 : i32
      %dma_wait3A_291 = tpu.memref_slice %arg27[%add3A_106, %dma_wait3A_290] : memref<10240x128xf32, #tpu.memory_space<vmem_shared>> -> memref<32x128xf32, #tpu.memory_space<vmem_shared>>
      tpu.wait_dma2 semaphore(%run_scoped3A : memref<!tpu.dma_semaphore, #tpu.memory_space<semaphore_mem>>) src(%arg25 : memref<32x128xf32, #tpu.memory_space<vmem>>) dst(%dma_wait3A_291 : memref<32x128xf32, #tpu.memory_space<vmem_shared>>)
      tpu.yield
    }) : () -> ()
    %mul3A_107 = arith.constant 640 : i32
    %mul3A_108 = arith.muli %arg1, %mul3A_107 : i32
    %add3A_109 = arith.constant 544 : i32
    %add3A_110 = arith.addi %mul3A_108, %add3A_109 : i32
    "tpu.region"() ({
      %run_scoped3A = tpu.sem_alloc : memref<!tpu.dma_semaphore, #tpu.memory_space<semaphore_mem>>
      %dma_start3A_284 = arith.constant 0 : i32
      %dma_start3A_285 = tpu.memref_slice %arg27[%add3A_110, %dma_start3A_284] : memref<10240x128xf32, #tpu.memory_space<vmem_shared>> -> memref<32x128xf32, #tpu.memory_space<vmem_shared>>
      %dma_start3A_286 = arith.constant 0 : i32
      %dma_start3A_287 = tpu.memref_slice %arg27[%add3A_110, %dma_start3A_286] : memref<10240x128xf32, #tpu.memory_space<vmem_shared>> -> memref<32x128xf32, #tpu.memory_space<vmem_shared>>
      tpu.enqueue_dma source(%arg25 : memref<32x128xf32, #tpu.memory_space<vmem>>) target(%dma_start3A_287 : memref<32x128xf32, #tpu.memory_space<vmem_shared>>) target_semaphore(%run_scoped3A : memref<!tpu.dma_semaphore, #tpu.memory_space<semaphore_mem>>)
      %dma_wait3A_288 = arith.constant 0 : i32
      %dma_wait3A_289 = tpu.memref_slice %arg27[%add3A_110, %dma_wait3A_288] : memref<10240x128xf32, #tpu.memory_space<vmem_shared>> -> memref<32x128xf32, #tpu.memory_space<vmem_shared>>
      %dma_wait3A_290 = arith.constant 0 : i32
      %dma_wait3A_291 = tpu.memref_slice %arg27[%add3A_110, %dma_wait3A_290] : memref<10240x128xf32, #tpu.memory_space<vmem_shared>> -> memref<32x128xf32, #tpu.memory_space<vmem_shared>>
      tpu.wait_dma2 semaphore(%run_scoped3A : memref<!tpu.dma_semaphore, #tpu.memory_space<semaphore_mem>>) src(%arg25 : memref<32x128xf32, #tpu.memory_space<vmem>>) dst(%dma_wait3A_291 : memref<32x128xf32, #tpu.memory_space<vmem_shared>>)
      tpu.yield
    }) : () -> ()
    %mul3A_111 = arith.constant 640 : i32
    %mul3A_112 = arith.muli %arg1, %mul3A_111 : i32
    %add3A_113 = arith.constant 576 : i32
    %add3A_114 = arith.addi %mul3A_112, %add3A_113 : i32
    "tpu.region"() ({
      %run_scoped3A = tpu.sem_alloc : memref<!tpu.dma_semaphore, #tpu.memory_space<semaphore_mem>>
      %dma_start3A_284 = arith.constant 0 : i32
      %dma_start3A_285 = tpu.memref_slice %arg27[%add3A_114, %dma_start3A_284] : memref<10240x128xf32, #tpu.memory_space<vmem_shared>> -> memref<32x128xf32, #tpu.memory_space<vmem_shared>>
      %dma_start3A_286 = arith.constant 0 : i32
      %dma_start3A_287 = tpu.memref_slice %arg27[%add3A_114, %dma_start3A_286] : memref<10240x128xf32, #tpu.memory_space<vmem_shared>> -> memref<32x128xf32, #tpu.memory_space<vmem_shared>>
      tpu.enqueue_dma source(%arg25 : memref<32x128xf32, #tpu.memory_space<vmem>>) target(%dma_start3A_287 : memref<32x128xf32, #tpu.memory_space<vmem_shared>>) target_semaphore(%run_scoped3A : memref<!tpu.dma_semaphore, #tpu.memory_space<semaphore_mem>>)
      %dma_wait3A_288 = arith.constant 0 : i32
      %dma_wait3A_289 = tpu.memref_slice %arg27[%add3A_114, %dma_wait3A_288] : memref<10240x128xf32, #tpu.memory_space<vmem_shared>> -> memref<32x128xf32, #tpu.memory_space<vmem_shared>>
      %dma_wait3A_290 = arith.constant 0 : i32
      %dma_wait3A_291 = tpu.memref_slice %arg27[%add3A_114, %dma_wait3A_290] : memref<10240x128xf32, #tpu.memory_space<vmem_shared>> -> memref<32x128xf32, #tpu.memory_space<vmem_shared>>
      tpu.wait_dma2 semaphore(%run_scoped3A : memref<!tpu.dma_semaphore, #tpu.memory_space<semaphore_mem>>) src(%arg25 : memref<32x128xf32, #tpu.memory_space<vmem>>) dst(%dma_wait3A_291 : memref<32x128xf32, #tpu.memory_space<vmem_shared>>)
      tpu.yield
    }) : () -> ()
    %mul3A_115 = arith.constant 640 : i32
    %mul3A_116 = arith.muli %arg1, %mul3A_115 : i32
    %add3A_117 = arith.constant 608 : i32
    %add3A_118 = arith.addi %mul3A_116, %add3A_117 : i32
    "tpu.region"() ({
      %run_scoped3A = tpu.sem_alloc : memref<!tpu.dma_semaphore, #tpu.memory_space<semaphore_mem>>
      %dma_start3A_284 = arith.constant 0 : i32
      %dma_start3A_285 = tpu.memref_slice %arg27[%add3A_118, %dma_start3A_284] : memref<10240x128xf32, #tpu.memory_space<vmem_shared>> -> memref<32x128xf32, #tpu.memory_space<vmem_shared>>
      %dma_start3A_286 = arith.constant 0 : i32
      %dma_start3A_287 = tpu.memref_slice %arg27[%add3A_118, %dma_start3A_286] : memref<10240x128xf32, #tpu.memory_space<vmem_shared>> -> memref<32x128xf32, #tpu.memory_space<vmem_shared>>
      tpu.enqueue_dma source(%arg25 : memref<32x128xf32, #tpu.memory_space<vmem>>) target(%dma_start3A_287 : memref<32x128xf32, #tpu.memory_space<vmem_shared>>) target_semaphore(%run_scoped3A : memref<!tpu.dma_semaphore, #tpu.memory_space<semaphore_mem>>)
      %dma_wait3A_288 = arith.constant 0 : i32
      %dma_wait3A_289 = tpu.memref_slice %arg27[%add3A_118, %dma_wait3A_288] : memref<10240x128xf32, #tpu.memory_space<vmem_shared>> -> memref<32x128xf32, #tpu.memory_space<vmem_shared>>
      %dma_wait3A_290 = arith.constant 0 : i32
      %dma_wait3A_291 = tpu.memref_slice %arg27[%add3A_118, %dma_wait3A_290] : memref<10240x128xf32, #tpu.memory_space<vmem_shared>> -> memref<32x128xf32, #tpu.memory_space<vmem_shared>>
      tpu.wait_dma2 semaphore(%run_scoped3A : memref<!tpu.dma_semaphore, #tpu.memory_space<semaphore_mem>>) src(%arg25 : memref<32x128xf32, #tpu.memory_space<vmem>>) dst(%dma_wait3A_291 : memref<32x128xf32, #tpu.memory_space<vmem_shared>>)
      tpu.yield
    }) : () -> ()
    %barrier3A = arith.constant 0 : index
    tpu.barrier barrier_id(%barrier3A)
    %dma_wait3A = arith.constant 0 : i32
    %dma_wait3A_119 = tpu.memref_slice %arg4[%dma_wait3A] : memref<320000xi32, #tpu.memory_space<hbm>> -> memref<32xi32, #tpu.memory_space<hbm>>
    %dma_wait3A_120 = arith.constant 0 : i32
    %dma_wait3A_121 = tpu.memref_slice %arg4[%dma_wait3A_120] : memref<320000xi32, #tpu.memory_space<hbm>> -> memref<32xi32, #tpu.memory_space<hbm>>
    tpu.wait_dma2 semaphore(%arg28 : memref<!tpu.dma_semaphore, #tpu.memory_space<semaphore_mem>>) src(%dma_wait3A_121 : memref<32xi32, #tpu.memory_space<hbm>>) dst(%arg7 : memref<32xi32, #tpu.memory_space<vmem>>)
    %dma_wait3A_122 = arith.constant 0 : i32
    %dma_wait3A_123 = tpu.memref_slice %arg5[%dma_wait3A_122] : memref<320000xi32, #tpu.memory_space<hbm>> -> memref<32xi32, #tpu.memory_space<hbm>>
    %dma_wait3A_124 = arith.constant 0 : i32
    %dma_wait3A_125 = tpu.memref_slice %arg5[%dma_wait3A_124] : memref<320000xi32, #tpu.memory_space<hbm>> -> memref<32xi32, #tpu.memory_space<hbm>>
    tpu.wait_dma2 semaphore(%arg28 : memref<!tpu.dma_semaphore, #tpu.memory_space<semaphore_mem>>) src(%dma_wait3A_125 : memref<32xi32, #tpu.memory_space<hbm>>) dst(%arg11 : memref<32xi32, #tpu.memory_space<vmem>>)
    %get3A = arith.constant 0 : index
    %get3A_126 = tpu.vector_load %arg7[%get3A] {strides = array<i32>} : memref<32xi32, #tpu.memory_space<vmem>>, vector<16xi32>,
    %get3A_127 = vector.shape_cast %get3A_126 : vector<16xi32> to vector<16xi32>
    %add3A_128 = vector.broadcast %mul3A_0 : i32 to vector<16xi32>
    %add3A_129 = arith.addi %get3A_127, %add3A_128 : vector<16xi32>
    %swap3A = arith.constant 0 : index
    %swap3A_130 = tpu.vector_load %arg7[%swap3A] {strides = array<i32>} : memref<32xi32, #tpu.memory_space<vmem>>, vector<16xi32>,
    %swap3A_131 = vector.shape_cast %swap3A_130 : vector<16xi32> to vector<16xi32>
    %swap3A_132 = vector.shape_cast %add3A_129 : vector<16xi32> to vector<16xi32>
    tpu.vector_store %arg7[%swap3A], %swap3A_132 {strides = array<i32>} : memref<32xi32, #tpu.memory_space<vmem>>, vector<16xi32>,
    %get3A_133 = arith.constant 16 : index
    %get3A_134 = tpu.vector_load %arg7[%get3A_133] {strides = array<i32>} : memref<32xi32, #tpu.memory_space<vmem>>, vector<16xi32>,
    %get3A_135 = vector.shape_cast %get3A_134 : vector<16xi32> to vector<16xi32>
    %add3A_136 = vector.broadcast %mul3A_0 : i32 to vector<16xi32>
    %add3A_137 = arith.addi %get3A_135, %add3A_136 : vector<16xi32>
    %swap3A_138 = arith.constant 16 : index
    %swap3A_139 = tpu.vector_load %arg7[%swap3A_138] {strides = array<i32>} : memref<32xi32, #tpu.memory_space<vmem>>, vector<16xi32>,
    %swap3A_140 = vector.shape_cast %swap3A_139 : vector<16xi32> to vector<16xi32>
    %swap3A_141 = vector.shape_cast %add3A_137 : vector<16xi32> to vector<16xi32>
    tpu.vector_store %arg7[%swap3A_138], %swap3A_141 {strides = array<i32>} : memref<32xi32, #tpu.memory_space<vmem>>, vector<16xi32>,
    %dma_start3A_142 = arith.constant 0 : i32
    %dma_start3A_143 = arith.constant 0 : i32
    %dma_start3A_144 = tpu.memref_slice %arg2[%dma_start3A_142, %dma_start3A_143] : memref<20000x128xf32, #tpu.memory_space<hbm>> -> memref<20000x128xf32, #tpu.memory_space<hbm>>
    tpu.enqueue_indirect_dma source(%dma_start3A_144 : memref<20000x128xf32, #tpu.memory_space<hbm>>) target(%arg17 : memref<32x128xf32, #tpu.memory_space<vmem>>) offsets(%arg7 : memref<32xi32, #tpu.memory_space<vmem>>) semaphore(%arg32 : memref<!tpu.dma_semaphore, #tpu.memory_space<semaphore_mem>>)
    %dma_start3A_145 = arith.constant 0 : i32
    %dma_start3A_146 = arith.constant 0 : i32
    %dma_start3A_147 = tpu.memref_slice %arg3[%dma_start3A_145, %dma_start3A_146] : memref<10000x128xf32, #tpu.memory_space<hbm>> -> memref<10000x128xf32, #tpu.memory_space<hbm>>
    tpu.enqueue_indirect_dma source(%dma_start3A_147 : memref<10000x128xf32, #tpu.memory_space<hbm>>) target(%arg21 : memref<32x128xf32, #tpu.memory_space<vmem>>) offsets(%arg11 : memref<32xi32, #tpu.memory_space<vmem>>) semaphore(%arg36 : memref<!tpu.dma_semaphore, #tpu.memory_space<semaphore_mem>>)
    %dma_wait3A_148 = arith.constant 0 : i32
    %dma_wait3A_149 = tpu.memref_slice %arg4[%dma_wait3A_148] : memref<320000xi32, #tpu.memory_space<hbm>> -> memref<32xi32, #tpu.memory_space<hbm>>
    %dma_wait3A_150 = arith.constant 0 : i32
    %dma_wait3A_151 = tpu.memref_slice %arg4[%dma_wait3A_150] : memref<320000xi32, #tpu.memory_space<hbm>> -> memref<32xi32, #tpu.memory_space<hbm>>
    tpu.wait_dma2 semaphore(%arg29 : memref<!tpu.dma_semaphore, #tpu.memory_space<semaphore_mem>>) src(%dma_wait3A_151 : memref<32xi32, #tpu.memory_space<hbm>>) dst(%arg8 : memref<32xi32, #tpu.memory_space<vmem>>)
    %dma_wait3A_152 = arith.constant 0 : i32
    %dma_wait3A_153 = tpu.memref_slice %arg5[%dma_wait3A_152] : memref<320000xi32, #tpu.memory_space<hbm>> -> memref<32xi32, #tpu.memory_space<hbm>>
    %dma_wait3A_154 = arith.constant 0 : i32
    %dma_wait3A_155 = tpu.memref_slice %arg5[%dma_wait3A_154] : memref<320000xi32, #tpu.memory_space<hbm>> -> memref<32xi32, #tpu.memory_space<hbm>>
    tpu.wait_dma2 semaphore(%arg29 : memref<!tpu.dma_semaphore, #tpu.memory_space<semaphore_mem>>) src(%dma_wait3A_155 : memref<32xi32, #tpu.memory_space<hbm>>) dst(%arg12 : memref<32xi32, #tpu.memory_space<vmem>>)
    %get3A_156 = arith.constant 0 : index
    %get3A_157 = tpu.vector_load %arg8[%get3A_156] {strides = array<i32>} : memref<32xi32, #tpu.memory_space<vmem>>, vector<16xi32>,
    %get3A_158 = vector.shape_cast %get3A_157 : vector<16xi32> to vector<16xi32>
    %add3A_159 = vector.broadcast %mul3A_0 : i32 to vector<16xi32>
    %add3A_160 = arith.addi %get3A_158, %add3A_159 : vector<16xi32>
    %swap3A_161 = arith.constant 0 : index
    %swap3A_162 = tpu.vector_load %arg8[%swap3A_161] {strides = array<i32>} : memref<32xi32, #tpu.memory_space<vmem>>, vector<16xi32>,
    %swap3A_163 = vector.shape_cast %swap3A_162 : vector<16xi32> to vector<16xi32>
    %swap3A_164 = vector.shape_cast %add3A_160 : vector<16xi32> to vector<16xi32>
    tpu.vector_store %arg8[%swap3A_161], %swap3A_164 {strides = array<i32>} : memref<32xi32, #tpu.memory_space<vmem>>, vector<16xi32>,
    %get3A_165 = arith.constant 16 : index
    %get3A_166 = tpu.vector_load %arg8[%get3A_165] {strides = array<i32>} : memref<32xi32, #tpu.memory_space<vmem>>, vector<16xi32>,
    %get3A_167 = vector.shape_cast %get3A_166 : vector<16xi32> to vector<16xi32>
    %add3A_168 = vector.broadcast %mul3A_0 : i32 to vector<16xi32>
    %add3A_169 = arith.addi %get3A_167, %add3A_168 : vector<16xi32>
    %swap3A_170 = arith.constant 16 : index
    %swap3A_171 = tpu.vector_load %arg8[%swap3A_170] {strides = array<i32>} : memref<32xi32, #tpu.memory_space<vmem>>, vector<16xi32>,
    %swap3A_172 = vector.shape_cast %swap3A_171 : vector<16xi32> to vector<16xi32>
    %swap3A_173 = vector.shape_cast %add3A_169 : vector<16xi32> to vector<16xi32>
    tpu.vector_store %arg8[%swap3A_170], %swap3A_173 {strides = array<i32>} : memref<32xi32, #tpu.memory_space<vmem>>, vector<16xi32>,
    %dma_start3A_174 = arith.constant 0 : i32
    %dma_start3A_175 = arith.constant 0 : i32
    %dma_start3A_176 = tpu.memref_slice %arg2[%dma_start3A_174, %dma_start3A_175] : memref<20000x128xf32, #tpu.memory_space<hbm>> -> memref<20000x128xf32, #tpu.memory_space<hbm>>
    tpu.enqueue_indirect_dma source(%dma_start3A_176 : memref<20000x128xf32, #tpu.memory_space<hbm>>) target(%arg18 : memref<32x128xf32, #tpu.memory_space<vmem>>) offsets(%arg8 : memref<32xi32, #tpu.memory_space<vmem>>) semaphore(%arg33 : memref<!tpu.dma_semaphore, #tpu.memory_space<semaphore_mem>>)
    %dma_start3A_177 = arith.constant 0 : i32
    %dma_start3A_178 = arith.constant 0 : i32
    %dma_start3A_179 = tpu.memref_slice %arg3[%dma_start3A_177, %dma_start3A_178] : memref<10000x128xf32, #tpu.memory_space<hbm>> -> memref<10000x128xf32, #tpu.memory_space<hbm>>
    tpu.enqueue_indirect_dma source(%dma_start3A_179 : memref<10000x128xf32, #tpu.memory_space<hbm>>) target(%arg22 : memref<32x128xf32, #tpu.memory_space<vmem>>) offsets(%arg12 : memref<32xi32, #tpu.memory_space<vmem>>) semaphore(%arg37 : memref<!tpu.dma_semaphore, #tpu.memory_space<semaphore_mem>>)
    %dma_wait3A_180 = arith.constant 0 : i32
    %dma_wait3A_181 = tpu.memref_slice %arg4[%dma_wait3A_180] : memref<320000xi32, #tpu.memory_space<hbm>> -> memref<32xi32, #tpu.memory_space<hbm>>
    %dma_wait3A_182 = arith.constant 0 : i32
    %dma_wait3A_183 = tpu.memref_slice %arg4[%dma_wait3A_182] : memref<320000xi32, #tpu.memory_space<hbm>> -> memref<32xi32, #tpu.memory_space<hbm>>
    tpu.wait_dma2 semaphore(%arg30 : memref<!tpu.dma_semaphore, #tpu.memory_space<semaphore_mem>>) src(%dma_wait3A_183 : memref<32xi32, #tpu.memory_space<hbm>>) dst(%arg9 : memref<32xi32, #tpu.memory_space<vmem>>)
    %dma_wait3A_184 = arith.constant 0 : i32
    %dma_wait3A_185 = tpu.memref_slice %arg5[%dma_wait3A_184] : memref<320000xi32, #tpu.memory_space<hbm>> -> memref<32xi32, #tpu.memory_space<hbm>>
    %dma_wait3A_186 = arith.constant 0 : i32
    %dma_wait3A_187 = tpu.memref_slice %arg5[%dma_wait3A_186] : memref<320000xi32, #tpu.memory_space<hbm>> -> memref<32xi32, #tpu.memory_space<hbm>>
    tpu.wait_dma2 semaphore(%arg30 : memref<!tpu.dma_semaphore, #tpu.memory_space<semaphore_mem>>) src(%dma_wait3A_187 : memref<32xi32, #tpu.memory_space<hbm>>) dst(%arg13 : memref<32xi32, #tpu.memory_space<vmem>>)
    %get3A_188 = arith.constant 0 : index
    %get3A_189 = tpu.vector_load %arg9[%get3A_188] {strides = array<i32>} : memref<32xi32, #tpu.memory_space<vmem>>, vector<16xi32>,
    %get3A_190 = vector.shape_cast %get3A_189 : vector<16xi32> to vector<16xi32>
    %add3A_191 = vector.broadcast %mul3A_0 : i32 to vector<16xi32>
    %add3A_192 = arith.addi %get3A_190, %add3A_191 : vector<16xi32>
    %swap3A_193 = arith.constant 0 : index
    %swap3A_194 = tpu.vector_load %arg9[%swap3A_193] {strides = array<i32>} : memref<32xi32, #tpu.memory_space<vmem>>, vector<16xi32>,
    %swap3A_195 = vector.shape_cast %swap3A_194 : vector<16xi32> to vector<16xi32>
    %swap3A_196 = vector.shape_cast %add3A_192 : vector<16xi32> to vector<16xi32>
    tpu.vector_store %arg9[%swap3A_193], %swap3A_196 {strides = array<i32>} : memref<32xi32, #tpu.memory_space<vmem>>, vector<16xi32>,
    %get3A_197 = arith.constant 16 : index
    %get3A_198 = tpu.vector_load %arg9[%get3A_197] {strides = array<i32>} : memref<32xi32, #tpu.memory_space<vmem>>, vector<16xi32>,
    %get3A_199 = vector.shape_cast %get3A_198 : vector<16xi32> to vector<16xi32>
    %add3A_200 = vector.broadcast %mul3A_0 : i32 to vector<16xi32>
    %add3A_201 = arith.addi %get3A_199, %add3A_200 : vector<16xi32>
    %swap3A_202 = arith.constant 16 : index
    %swap3A_203 = tpu.vector_load %arg9[%swap3A_202] {strides = array<i32>} : memref<32xi32, #tpu.memory_space<vmem>>, vector<16xi32>,
    %swap3A_204 = vector.shape_cast %swap3A_203 : vector<16xi32> to vector<16xi32>
    %swap3A_205 = vector.shape_cast %add3A_201 : vector<16xi32> to vector<16xi32>
    tpu.vector_store %arg9[%swap3A_202], %swap3A_205 {strides = array<i32>} : memref<32xi32, #tpu.memory_space<vmem>>, vector<16xi32>,
    %dma_start3A_206 = arith.constant 0 : i32
    %dma_start3A_207 = arith.constant 0 : i32
    %dma_start3A_208 = tpu.memref_slice %arg2[%dma_start3A_206, %dma_start3A_207] : memref<20000x128xf32, #tpu.memory_space<hbm>> -> memref<20000x128xf32, #tpu.memory_space<hbm>>
    tpu.enqueue_indirect_dma source(%dma_start3A_208 : memref<20000x128xf32, #tpu.memory_space<hbm>>) target(%arg19 : memref<32x128xf32, #tpu.memory_space<vmem>>) offsets(%arg9 : memref<32xi32, #tpu.memory_space<vmem>>) semaphore(%arg34 : memref<!tpu.dma_semaphore, #tpu.memory_space<semaphore_mem>>)
    %dma_start3A_209 = arith.constant 0 : i32
    %dma_start3A_210 = arith.constant 0 : i32
    %dma_start3A_211 = tpu.memref_slice %arg3[%dma_start3A_209, %dma_start3A_210] : memref<10000x128xf32, #tpu.memory_space<hbm>> -> memref<10000x128xf32, #tpu.memory_space<hbm>>
    tpu.enqueue_indirect_dma source(%dma_start3A_211 : memref<10000x128xf32, #tpu.memory_space<hbm>>) target(%arg23 : memref<32x128xf32, #tpu.memory_space<vmem>>) offsets(%arg13 : memref<32xi32, #tpu.memory_space<vmem>>) semaphore(%arg38 : memref<!tpu.dma_semaphore, #tpu.memory_space<semaphore_mem>>)
    %scan3A_212 = arith.constant 0 : i32
    %scan3A_213 = arith.constant 0 : i32
    %scan3A_214 = arith.constant 156 : i32
    %scan3A_215 = arith.addi %scan3A_213, %scan3A_214 : i32
    %scan3A_216 = arith.constant 1 : i32
    %scan3A_217 = scf.for %scan3A_284 = %scan3A_213 to %scan3A_215 step %scan3A_216 iter_args(%scan3A_285 = %scan3A_212) -> (i32)  : i32 {
      %mul3A_286 = arith.constant 4 : i32
      %mul3A_287 = arith.muli %mul3A_286, %scan3A_284 : i32
      %add3A_288 = arith.constant 0 : i32
      %add3A_289 = arith.addi %mul3A_287, %add3A_288 : i32
      %dma_wait3A_290 = arith.constant 0 : i32
      %dma_wait3A_291 = arith.constant 0 : i32
      %dma_wait3A_292 = tpu.memref_slice %arg2[%dma_wait3A_290, %dma_wait3A_291] : memref<20000x128xf32, #tpu.memory_space<hbm>> -> memref<20000x128xf32, #tpu.memory_space<hbm>>
      tpu.wait_indirect_dma semaphore(%arg32 : memref<!tpu.dma_semaphore, #tpu.memory_space<semaphore_mem>>) src(%dma_wait3A_292 : memref<20000x128xf32, #tpu.memory_space<hbm>>) dst(%arg17 : memref<32x128xf32, #tpu.memory_space<vmem>>)
      %dma_wait3A_293 = arith.constant 0 : i32
      %dma_wait3A_294 = arith.constant 0 : i32
      %dma_wait3A_295 = tpu.memref_slice %arg3[%dma_wait3A_293, %dma_wait3A_294] : memref<10000x128xf32, #tpu.memory_space<hbm>> -> memref<10000x128xf32, #tpu.memory_space<hbm>>
      tpu.wait_indirect_dma semaphore(%arg36 : memref<!tpu.dma_semaphore, #tpu.memory_space<semaphore_mem>>) src(%dma_wait3A_295 : memref<10000x128xf32, #tpu.memory_space<hbm>>) dst(%arg21 : memref<32x128xf32, #tpu.memory_space<vmem>>)
      %add3A_296 = arith.constant 3 : i32
      %add3A_297 = arith.addi %add3A_289, %add3A_296 : i32
      %lt3A = arith.constant 624 : i32
      %lt3A_298 = arith.cmpi slt, %add3A_297, %lt3A : i32
      %convert_element_type3A = arith.extui %lt3A_298 : i1 to i32
      %cond3A = arith.constant 0 : i32
      %cond3A_299 = arith.cmpi ne, %convert_element_type3A, %cond3A : i32
      scf.if %cond3A_299 {
        %dma_wait3A_478 = arith.constant 0 : i32
        %dma_wait3A_479 = tpu.memref_slice %arg4[%dma_wait3A_478] : memref<320000xi32, #tpu.memory_space<hbm>> -> memref<32xi32, #tpu.memory_space<hbm>>
        %dma_wait3A_480 = arith.constant 0 : i32
        %dma_wait3A_481 = tpu.memref_slice %arg4[%dma_wait3A_480] : memref<320000xi32, #tpu.memory_space<hbm>> -> memref<32xi32, #tpu.memory_space<hbm>>
        tpu.wait_dma2 semaphore(%arg31 : memref<!tpu.dma_semaphore, #tpu.memory_space<semaphore_mem>>) src(%dma_wait3A_481 : memref<32xi32, #tpu.memory_space<hbm>>) dst(%arg10 : memref<32xi32, #tpu.memory_space<vmem>>)
        %dma_wait3A_482 = arith.constant 0 : i32
        %dma_wait3A_483 = tpu.memref_slice %arg5[%dma_wait3A_482] : memref<320000xi32, #tpu.memory_space<hbm>> -> memref<32xi32, #tpu.memory_space<hbm>>
        %dma_wait3A_484 = arith.constant 0 : i32
        %dma_wait3A_485 = tpu.memref_slice %arg5[%dma_wait3A_484] : memref<320000xi32, #tpu.memory_space<hbm>> -> memref<32xi32, #tpu.memory_space<hbm>>
        tpu.wait_dma2 semaphore(%arg31 : memref<!tpu.dma_semaphore, #tpu.memory_space<semaphore_mem>>) src(%dma_wait3A_485 : memref<32xi32, #tpu.memory_space<hbm>>) dst(%arg14 : memref<32xi32, #tpu.memory_space<vmem>>)
        %get3A_486 = arith.constant 0 : index
        %get3A_487 = tpu.vector_load %arg10[%get3A_486] {strides = array<i32>} : memref<32xi32, #tpu.memory_space<vmem>>, vector<16xi32>,
        %get3A_488 = vector.shape_cast %get3A_487 : vector<16xi32> to vector<16xi32>
        %add3A_489 = vector.broadcast %mul3A_0 : i32 to vector<16xi32>
        %add3A_490 = arith.addi %get3A_488, %add3A_489 : vector<16xi32>
        %swap3A_491 = arith.constant 0 : index
        %swap3A_492 = tpu.vector_load %arg10[%swap3A_491] {strides = array<i32>} : memref<32xi32, #tpu.memory_space<vmem>>, vector<16xi32>,
        %swap3A_493 = vector.shape_cast %swap3A_492 : vector<16xi32> to vector<16xi32>
        %swap3A_494 = vector.shape_cast %add3A_490 : vector<16xi32> to vector<16xi32>
        tpu.vector_store %arg10[%swap3A_491], %swap3A_494 {strides = array<i32>} : memref<32xi32, #tpu.memory_space<vmem>>, vector<16xi32>,
        %get3A_495 = arith.constant 16 : index
        %get3A_496 = tpu.vector_load %arg10[%get3A_495] {strides = array<i32>} : memref<32xi32, #tpu.memory_space<vmem>>, vector<16xi32>,
        %get3A_497 = vector.shape_cast %get3A_496 : vector<16xi32> to vector<16xi32>
        %add3A_498 = vector.broadcast %mul3A_0 : i32 to vector<16xi32>
        %add3A_499 = arith.addi %get3A_497, %add3A_498 : vector<16xi32>
        %swap3A_500 = arith.constant 16 : index
        %swap3A_501 = tpu.vector_load %arg10[%swap3A_500] {strides = array<i32>} : memref<32xi32, #tpu.memory_space<vmem>>, vector<16xi32>,
        %swap3A_502 = vector.shape_cast %swap3A_501 : vector<16xi32> to vector<16xi32>
        %swap3A_503 = vector.shape_cast %add3A_499 : vector<16xi32> to vector<16xi32>
        tpu.vector_store %arg10[%swap3A_500], %swap3A_503 {strides = array<i32>} : memref<32xi32, #tpu.memory_space<vmem>>, vector<16xi32>,
        %dma_start3A_504 = arith.constant 0 : i32
        %dma_start3A_505 = arith.constant 0 : i32
        %dma_start3A_506 = tpu.memref_slice %arg2[%dma_start3A_504, %dma_start3A_505] : memref<20000x128xf32, #tpu.memory_space<hbm>> -> memref<20000x128xf32, #tpu.memory_space<hbm>>
        tpu.enqueue_indirect_dma source(%dma_start3A_506 : memref<20000x128xf32, #tpu.memory_space<hbm>>) target(%arg20 : memref<32x128xf32, #tpu.memory_space<vmem>>) offsets(%arg10 : memref<32xi32, #tpu.memory_space<vmem>>) semaphore(%arg35 : memref<!tpu.dma_semaphore, #tpu.memory_space<semaphore_mem>>)
        %dma_start3A_507 = arith.constant 0 : i32
        %dma_start3A_508 = arith.constant 0 : i32
        %dma_start3A_509 = tpu.memref_slice %arg3[%dma_start3A_507, %dma_start3A_508] : memref<10000x128xf32, #tpu.memory_space<hbm>> -> memref<10000x128xf32, #tpu.memory_space<hbm>>
        tpu.enqueue_indirect_dma source(%dma_start3A_509 : memref<10000x128xf32, #tpu.memory_space<hbm>>) target(%arg24 : memref<32x128xf32, #tpu.memory_space<vmem>>) offsets(%arg14 : memref<32xi32, #tpu.memory_space<vmem>>) semaphore(%arg39 : memref<!tpu.dma_semaphore, #tpu.memory_space<semaphore_mem>>)
      } else {
      }
      %ge3A = arith.constant 2 : i32
      %ge3A_300 = arith.cmpi sge, %add3A_289, %ge3A : i32
      %convert_element_type3A_301 = arith.extui %ge3A_300 : i1 to i32
      %cond3A_302 = arith.constant 0 : i32
      %cond3A_303 = arith.cmpi ne, %convert_element_type3A_301, %cond3A_302 : i32
      scf.if %cond3A_303 {
        %dma_wait3A_478 = arith.constant 0 : i32
        %dma_wait3A_479 = arith.constant 0 : i32
        %dma_wait3A_480 = tpu.memref_slice %arg27[%dma_wait3A_478, %dma_wait3A_479] : memref<10240x128xf32, #tpu.memory_space<vmem_shared>> -> memref<10240x128xf32, #tpu.memory_space<vmem_shared>>
        tpu.wait_indirect_dma semaphore(%arg40 : memref<!tpu.dma_semaphore, #tpu.memory_space<semaphore_mem>>) src(%arg25 : memref<32x128xf32, #tpu.memory_space<vmem>>) dst(%dma_wait3A_480 : memref<10240x128xf32, #tpu.memory_space<vmem_shared>>)
      } else {
      }
      %parallel_loop3A_304 = arith.constant 0 : i32
      %parallel_loop3A_305 = arith.constant 32 : i32
      %parallel_loop3A_306 = arith.constant 1 : i32
      scf.for %parallel_loop3A_478 = %parallel_loop3A_304 to %parallel_loop3A_305 step %parallel_loop3A_306  : i32 {
        %parallel_loop3A_479 = arith.index_cast %parallel_loop3A_478 : i32 to index
        %parallel_loop3A_480 = arith.constant 0 : index
        %parallel_loop3A_481 = tpu.vector_load %arg17[%parallel_loop3A_479, %parallel_loop3A_480] {strides = array<i32>} : memref<32x128xf32, #tpu.memory_space<vmem>>, vector<1x16xf32>,
        %parallel_loop3A_482 = vector.shape_cast %parallel_loop3A_481 : vector<1x16xf32> to vector<16xf32>
        %parallel_loop3A_483 = arith.index_cast %parallel_loop3A_478 : i32 to index
        %parallel_loop3A_484 = arith.constant 64 : index
        %parallel_loop3A_485 = tpu.vector_load %arg17[%parallel_loop3A_483, %parallel_loop3A_484] {strides = array<i32>} : memref<32x128xf32, #tpu.memory_space<vmem>>, vector<1x16xf32>,
        %parallel_loop3A_486 = vector.shape_cast %parallel_loop3A_485 : vector<1x16xf32> to vector<16xf32>
        %parallel_loop3A_487 = arith.constant 0 : i32
        %parallel_loop3A_488 = arith.addi %mul3A_2, %parallel_loop3A_487 : i32
        %parallel_loop3A_489 = arith.index_cast %parallel_loop3A_478 : i32 to index
        %parallel_loop3A_490 = arith.index_cast %parallel_loop3A_488 : i32 to index
        %parallel_loop3A_491 = tpu.vector_load %arg21[%parallel_loop3A_489, %parallel_loop3A_490] {strides = array<i32>} : memref<32x128xf32, #tpu.memory_space<vmem>>, vector<1x16xf32>,
        %parallel_loop3A_492 = vector.shape_cast %parallel_loop3A_491 : vector<1x16xf32> to vector<16xf32>
        %parallel_loop3A_493 = arith.addf %parallel_loop3A_486, %parallel_loop3A_492 : vector<16xf32>
        %parallel_loop3A_494 = arith.constant 0.000000e+00 : f32
        %parallel_loop3A_495 = vector.broadcast %parallel_loop3A_494 : f32 to vector<16xf32>
        %parallel_loop3A_496 = arith.subf %parallel_loop3A_495, %parallel_loop3A_493 : vector<16xf32>
        %parallel_loop3A_497 = math.exp %parallel_loop3A_496 : vector<16xf32>
        %parallel_loop3A_498 = arith.constant 1.000000e+00 : f32
        %parallel_loop3A_499 = vector.broadcast %parallel_loop3A_498 : f32 to vector<16xf32>
        %parallel_loop3A_500 = arith.addf %parallel_loop3A_499, %parallel_loop3A_497 : vector<16xf32>
        %parallel_loop3A_501 = arith.constant 1.000000e+00 : f32
        %parallel_loop3A_502 = vector.broadcast %parallel_loop3A_501 : f32 to vector<16xf32>
        %parallel_loop3A_503 = arith.divf %parallel_loop3A_502, %parallel_loop3A_500 : vector<16xf32>
        %parallel_loop3A_504 = arith.mulf %parallel_loop3A_503, %parallel_loop3A_482 : vector<16xf32>
        %parallel_loop3A_505 = arith.index_cast %parallel_loop3A_478 : i32 to index
        %parallel_loop3A_506 = arith.constant 0 : index
        %parallel_loop3A_507 = tpu.vector_load %arg25[%parallel_loop3A_505, %parallel_loop3A_506] {strides = array<i32>} : memref<32x128xf32, #tpu.memory_space<vmem>>, vector<1x16xf32>,
        %parallel_loop3A_508 = vector.shape_cast %parallel_loop3A_507 : vector<1x16xf32> to vector<16xf32>
        %parallel_loop3A_509 = vector.shape_cast %parallel_loop3A_504 : vector<16xf32> to vector<1x16xf32>
        tpu.vector_store %arg25[%parallel_loop3A_505, %parallel_loop3A_506], %parallel_loop3A_509 {strides = array<i32>} : memref<32x128xf32, #tpu.memory_space<vmem>>, vector<1x16xf32>,
        %parallel_loop3A_510 = arith.index_cast %parallel_loop3A_478 : i32 to index
        %parallel_loop3A_511 = arith.constant 64 : index
        %parallel_loop3A_512 = tpu.vector_load %arg25[%parallel_loop3A_510, %parallel_loop3A_511] {strides = array<i32>} : memref<32x128xf32, #tpu.memory_space<vmem>>, vector<1x16xf32>,
        %parallel_loop3A_513 = vector.shape_cast %parallel_loop3A_512 : vector<1x16xf32> to vector<16xf32>
        %parallel_loop3A_514 = vector.shape_cast %parallel_loop3A_503 : vector<16xf32> to vector<1x16xf32>
        tpu.vector_store %arg25[%parallel_loop3A_510, %parallel_loop3A_511], %parallel_loop3A_514 {strides = array<i32>} : memref<32x128xf32, #tpu.memory_space<vmem>>, vector<1x16xf32>,
        %parallel_loop3A_515 = arith.index_cast %parallel_loop3A_478 : i32 to index
        %parallel_loop3A_516 = arith.constant 16 : index
        %parallel_loop3A_517 = tpu.vector_load %arg17[%parallel_loop3A_515, %parallel_loop3A_516] {strides = array<i32>} : memref<32x128xf32, #tpu.memory_space<vmem>>, vector<1x16xf32>,
        %parallel_loop3A_518 = vector.shape_cast %parallel_loop3A_517 : vector<1x16xf32> to vector<16xf32>
        %parallel_loop3A_519 = arith.index_cast %parallel_loop3A_478 : i32 to index
        %parallel_loop3A_520 = arith.constant 80 : index
        %parallel_loop3A_521 = tpu.vector_load %arg17[%parallel_loop3A_519, %parallel_loop3A_520] {strides = array<i32>} : memref<32x128xf32, #tpu.memory_space<vmem>>, vector<1x16xf32>,
        %parallel_loop3A_522 = vector.shape_cast %parallel_loop3A_521 : vector<1x16xf32> to vector<16xf32>
        %parallel_loop3A_523 = arith.constant 16 : i32
        %parallel_loop3A_524 = arith.addi %mul3A_2, %parallel_loop3A_523 : i32
        %parallel_loop3A_525 = arith.index_cast %parallel_loop3A_478 : i32 to index
        %parallel_loop3A_526 = arith.index_cast %parallel_loop3A_524 : i32 to index
        %parallel_loop3A_527 = tpu.vector_load %arg21[%parallel_loop3A_525, %parallel_loop3A_526] {strides = array<i32>} : memref<32x128xf32, #tpu.memory_space<vmem>>, vector<1x16xf32>,
        %parallel_loop3A_528 = vector.shape_cast %parallel_loop3A_527 : vector<1x16xf32> to vector<16xf32>
        %parallel_loop3A_529 = arith.addf %parallel_loop3A_522, %parallel_loop3A_528 : vector<16xf32>
        %parallel_loop3A_530 = arith.constant 0.000000e+00 : f32
        %parallel_loop3A_531 = vector.broadcast %parallel_loop3A_530 : f32 to vector<16xf32>
        %parallel_loop3A_532 = arith.subf %parallel_loop3A_531, %parallel_loop3A_529 : vector<16xf32>
        %parallel_loop3A_533 = math.exp %parallel_loop3A_532 : vector<16xf32>
        %parallel_loop3A_534 = arith.constant 1.000000e+00 : f32
        %parallel_loop3A_535 = vector.broadcast %parallel_loop3A_534 : f32 to vector<16xf32>
        %parallel_loop3A_536 = arith.addf %parallel_loop3A_535, %parallel_loop3A_533 : vector<16xf32>
        %parallel_loop3A_537 = arith.constant 1.000000e+00 : f32
        %parallel_loop3A_538 = vector.broadcast %parallel_loop3A_537 : f32 to vector<16xf32>
        %parallel_loop3A_539 = arith.divf %parallel_loop3A_538, %parallel_loop3A_536 : vector<16xf32>
        %parallel_loop3A_540 = arith.mulf %parallel_loop3A_539, %parallel_loop3A_518 : vector<16xf32>
        %parallel_loop3A_541 = arith.index_cast %parallel_loop3A_478 : i32 to index
        %parallel_loop3A_542 = arith.constant 16 : index
        %parallel_loop3A_543 = tpu.vector_load %arg25[%parallel_loop3A_541, %parallel_loop3A_542] {strides = array<i32>} : memref<32x128xf32, #tpu.memory_space<vmem>>, vector<1x16xf32>,
        %parallel_loop3A_544 = vector.shape_cast %parallel_loop3A_543 : vector<1x16xf32> to vector<16xf32>
        %parallel_loop3A_545 = vector.shape_cast %parallel_loop3A_540 : vector<16xf32> to vector<1x16xf32>
        tpu.vector_store %arg25[%parallel_loop3A_541, %parallel_loop3A_542], %parallel_loop3A_545 {strides = array<i32>} : memref<32x128xf32, #tpu.memory_space<vmem>>, vector<1x16xf32>,
        %parallel_loop3A_546 = arith.index_cast %parallel_loop3A_478 : i32 to index
        %parallel_loop3A_547 = arith.constant 80 : index
        %parallel_loop3A_548 = tpu.vector_load %arg25[%parallel_loop3A_546, %parallel_loop3A_547] {strides = array<i32>} : memref<32x128xf32, #tpu.memory_space<vmem>>, vector<1x16xf32>,
        %parallel_loop3A_549 = vector.shape_cast %parallel_loop3A_548 : vector<1x16xf32> to vector<16xf32>
        %parallel_loop3A_550 = vector.shape_cast %parallel_loop3A_539 : vector<16xf32> to vector<1x16xf32>
        tpu.vector_store %arg25[%parallel_loop3A_546, %parallel_loop3A_547], %parallel_loop3A_550 {strides = array<i32>} : memref<32x128xf32, #tpu.memory_space<vmem>>, vector<1x16xf32>,
        %parallel_loop3A_551 = arith.index_cast %parallel_loop3A_478 : i32 to index
        %parallel_loop3A_552 = arith.constant 32 : index
        %parallel_loop3A_553 = tpu.vector_load %arg17[%parallel_loop3A_551, %parallel_loop3A_552] {strides = array<i32>} : memref<32x128xf32, #tpu.memory_space<vmem>>, vector<1x16xf32>,
        %parallel_loop3A_554 = vector.shape_cast %parallel_loop3A_553 : vector<1x16xf32> to vector<16xf32>
        %parallel_loop3A_555 = arith.index_cast %parallel_loop3A_478 : i32 to index
        %parallel_loop3A_556 = arith.constant 96 : index
        %parallel_loop3A_557 = tpu.vector_load %arg17[%parallel_loop3A_555, %parallel_loop3A_556] {strides = array<i32>} : memref<32x128xf32, #tpu.memory_space<vmem>>, vector<1x16xf32>,
        %parallel_loop3A_558 = vector.shape_cast %parallel_loop3A_557 : vector<1x16xf32> to vector<16xf32>
        %parallel_loop3A_559 = arith.constant 32 : i32
        %parallel_loop3A_560 = arith.addi %mul3A_2, %parallel_loop3A_559 : i32
        %parallel_loop3A_561 = arith.index_cast %parallel_loop3A_478 : i32 to index
        %parallel_loop3A_562 = arith.index_cast %parallel_loop3A_560 : i32 to index
        %parallel_loop3A_563 = tpu.vector_load %arg21[%parallel_loop3A_561, %parallel_loop3A_562] {strides = array<i32>} : memref<32x128xf32, #tpu.memory_space<vmem>>, vector<1x16xf32>,
        %parallel_loop3A_564 = vector.shape_cast %parallel_loop3A_563 : vector<1x16xf32> to vector<16xf32>
        %parallel_loop3A_565 = arith.addf %parallel_loop3A_558, %parallel_loop3A_564 : vector<16xf32>
        %parallel_loop3A_566 = arith.constant 0.000000e+00 : f32
        %parallel_loop3A_567 = vector.broadcast %parallel_loop3A_566 : f32 to vector<16xf32>
        %parallel_loop3A_568 = arith.subf %parallel_loop3A_567, %parallel_loop3A_565 : vector<16xf32>
        %parallel_loop3A_569 = math.exp %parallel_loop3A_568 : vector<16xf32>
        %parallel_loop3A_570 = arith.constant 1.000000e+00 : f32
        %parallel_loop3A_571 = vector.broadcast %parallel_loop3A_570 : f32 to vector<16xf32>
        %parallel_loop3A_572 = arith.addf %parallel_loop3A_571, %parallel_loop3A_569 : vector<16xf32>
        %parallel_loop3A_573 = arith.constant 1.000000e+00 : f32
        %parallel_loop3A_574 = vector.broadcast %parallel_loop3A_573 : f32 to vector<16xf32>
        %parallel_loop3A_575 = arith.divf %parallel_loop3A_574, %parallel_loop3A_572 : vector<16xf32>
        %parallel_loop3A_576 = arith.mulf %parallel_loop3A_575, %parallel_loop3A_554 : vector<16xf32>
        %parallel_loop3A_577 = arith.index_cast %parallel_loop3A_478 : i32 to index
        %parallel_loop3A_578 = arith.constant 32 : index
        %parallel_loop3A_579 = tpu.vector_load %arg25[%parallel_loop3A_577, %parallel_loop3A_578] {strides = array<i32>} : memref<32x128xf32, #tpu.memory_space<vmem>>, vector<1x16xf32>,
        %parallel_loop3A_580 = vector.shape_cast %parallel_loop3A_579 : vector<1x16xf32> to vector<16xf32>
        %parallel_loop3A_581 = vector.shape_cast %parallel_loop3A_576 : vector<16xf32> to vector<1x16xf32>
        tpu.vector_store %arg25[%parallel_loop3A_577, %parallel_loop3A_578], %parallel_loop3A_581 {strides = array<i32>} : memref<32x128xf32, #tpu.memory_space<vmem>>, vector<1x16xf32>,
        %parallel_loop3A_582 = arith.index_cast %parallel_loop3A_478 : i32 to index
        %parallel_loop3A_583 = arith.constant 96 : index
        %parallel_loop3A_584 = tpu.vector_load %arg25[%parallel_loop3A_582, %parallel_loop3A_583] {strides = array<i32>} : memref<32x128xf32, #tpu.memory_space<vmem>>, vector<1x16xf32>,
        %parallel_loop3A_585 = vector.shape_cast %parallel_loop3A_584 : vector<1x16xf32> to vector<16xf32>
        %parallel_loop3A_586 = vector.shape_cast %parallel_loop3A_575 : vector<16xf32> to vector<1x16xf32>
        tpu.vector_store %arg25[%parallel_loop3A_582, %parallel_loop3A_583], %parallel_loop3A_586 {strides = array<i32>} : memref<32x128xf32, #tpu.memory_space<vmem>>, vector<1x16xf32>,
        %parallel_loop3A_587 = arith.index_cast %parallel_loop3A_478 : i32 to index
        %parallel_loop3A_588 = arith.constant 48 : index
        %parallel_loop3A_589 = tpu.vector_load %arg17[%parallel_loop3A_587, %parallel_loop3A_588] {strides = array<i32>} : memref<32x128xf32, #tpu.memory_space<vmem>>, vector<1x16xf32>,
        %parallel_loop3A_590 = vector.shape_cast %parallel_loop3A_589 : vector<1x16xf32> to vector<16xf32>
        %parallel_loop3A_591 = arith.index_cast %parallel_loop3A_478 : i32 to index
        %parallel_loop3A_592 = arith.constant 112 : index
        %parallel_loop3A_593 = tpu.vector_load %arg17[%parallel_loop3A_591, %parallel_loop3A_592] {strides = array<i32>} : memref<32x128xf32, #tpu.memory_space<vmem>>, vector<1x16xf32>,
        %parallel_loop3A_594 = vector.shape_cast %parallel_loop3A_593 : vector<1x16xf32> to vector<16xf32>
        %parallel_loop3A_595 = arith.constant 48 : i32
        %parallel_loop3A_596 = arith.addi %mul3A_2, %parallel_loop3A_595 : i32
        %parallel_loop3A_597 = arith.index_cast %parallel_loop3A_478 : i32 to index
        %parallel_loop3A_598 = arith.index_cast %parallel_loop3A_596 : i32 to index
        %parallel_loop3A_599 = tpu.vector_load %arg21[%parallel_loop3A_597, %parallel_loop3A_598] {strides = array<i32>} : memref<32x128xf32, #tpu.memory_space<vmem>>, vector<1x16xf32>,
        %parallel_loop3A_600 = vector.shape_cast %parallel_loop3A_599 : vector<1x16xf32> to vector<16xf32>
        %parallel_loop3A_601 = arith.addf %parallel_loop3A_594, %parallel_loop3A_600 : vector<16xf32>
        %parallel_loop3A_602 = arith.constant 0.000000e+00 : f32
        %parallel_loop3A_603 = vector.broadcast %parallel_loop3A_602 : f32 to vector<16xf32>
        %parallel_loop3A_604 = arith.subf %parallel_loop3A_603, %parallel_loop3A_601 : vector<16xf32>
        %parallel_loop3A_605 = math.exp %parallel_loop3A_604 : vector<16xf32>
        %parallel_loop3A_606 = arith.constant 1.000000e+00 : f32
        %parallel_loop3A_607 = vector.broadcast %parallel_loop3A_606 : f32 to vector<16xf32>
        %parallel_loop3A_608 = arith.addf %parallel_loop3A_607, %parallel_loop3A_605 : vector<16xf32>
        %parallel_loop3A_609 = arith.constant 1.000000e+00 : f32
        %parallel_loop3A_610 = vector.broadcast %parallel_loop3A_609 : f32 to vector<16xf32>
        %parallel_loop3A_611 = arith.divf %parallel_loop3A_610, %parallel_loop3A_608 : vector<16xf32>
        %parallel_loop3A_612 = arith.mulf %parallel_loop3A_611, %parallel_loop3A_590 : vector<16xf32>
        %parallel_loop3A_613 = arith.index_cast %parallel_loop3A_478 : i32 to index
        %parallel_loop3A_614 = arith.constant 48 : index
        %parallel_loop3A_615 = tpu.vector_load %arg25[%parallel_loop3A_613, %parallel_loop3A_614] {strides = array<i32>} : memref<32x128xf32, #tpu.memory_space<vmem>>, vector<1x16xf32>,
        %parallel_loop3A_616 = vector.shape_cast %parallel_loop3A_615 : vector<1x16xf32> to vector<16xf32>
        %parallel_loop3A_617 = vector.shape_cast %parallel_loop3A_612 : vector<16xf32> to vector<1x16xf32>
        tpu.vector_store %arg25[%parallel_loop3A_613, %parallel_loop3A_614], %parallel_loop3A_617 {strides = array<i32>} : memref<32x128xf32, #tpu.memory_space<vmem>>, vector<1x16xf32>,
        %parallel_loop3A_618 = arith.index_cast %parallel_loop3A_478 : i32 to index
        %parallel_loop3A_619 = arith.constant 112 : index
        %parallel_loop3A_620 = tpu.vector_load %arg25[%parallel_loop3A_618, %parallel_loop3A_619] {strides = array<i32>} : memref<32x128xf32, #tpu.memory_space<vmem>>, vector<1x16xf32>,
        %parallel_loop3A_621 = vector.shape_cast %parallel_loop3A_620 : vector<1x16xf32> to vector<16xf32>
        %parallel_loop3A_622 = vector.shape_cast %parallel_loop3A_611 : vector<16xf32> to vector<1x16xf32>
        tpu.vector_store %arg25[%parallel_loop3A_618, %parallel_loop3A_619], %parallel_loop3A_622 {strides = array<i32>} : memref<32x128xf32, #tpu.memory_space<vmem>>, vector<1x16xf32>,
      } {sc.loop_unroll_factor = 4 : i64, sc.parallel_access}
      %get3A_307 = arith.constant 0 : index
      %get3A_308 = tpu.vector_load %arg11[%get3A_307] {strides = array<i32>} : memref<32xi32, #tpu.memory_space<vmem>>, vector<16xi32>,
      %get3A_309 = vector.shape_cast %get3A_308 : vector<16xi32> to vector<16xi32>
      %swap3A_310 = arith.constant 0 : index
      %swap3A_311 = tpu.vector_load %arg15[%swap3A_310] {strides = array<i32>} : memref<32xi32, #tpu.memory_space<vmem>>, vector<16xi32>,
      %swap3A_312 = vector.shape_cast %swap3A_311 : vector<16xi32> to vector<16xi32>
      %swap3A_313 = vector.shape_cast %get3A_309 : vector<16xi32> to vector<16xi32>
      tpu.vector_store %arg15[%swap3A_310], %swap3A_313 {strides = array<i32>} : memref<32xi32, #tpu.memory_space<vmem>>, vector<16xi32>,
      %get3A_314 = arith.constant 16 : index
      %get3A_315 = tpu.vector_load %arg11[%get3A_314] {strides = array<i32>} : memref<32xi32, #tpu.memory_space<vmem>>, vector<16xi32>,
      %get3A_316 = vector.shape_cast %get3A_315 : vector<16xi32> to vector<16xi32>
      %swap3A_317 = arith.constant 16 : index
      %swap3A_318 = tpu.vector_load %arg15[%swap3A_317] {strides = array<i32>} : memref<32xi32, #tpu.memory_space<vmem>>, vector<16xi32>,
      %swap3A_319 = vector.shape_cast %swap3A_318 : vector<16xi32> to vector<16xi32>
      %swap3A_320 = vector.shape_cast %get3A_316 : vector<16xi32> to vector<16xi32>
      tpu.vector_store %arg15[%swap3A_317], %swap3A_320 {strides = array<i32>} : memref<32xi32, #tpu.memory_space<vmem>>, vector<16xi32>,
      %dma_start3A_321 = arith.constant 0 : i32
      %dma_start3A_322 = arith.constant 0 : i32
      %dma_start3A_323 = tpu.memref_slice %arg27[%dma_start3A_321, %dma_start3A_322] : memref<10240x128xf32, #tpu.memory_space<vmem_shared>> -> memref<10240x128xf32, #tpu.memory_space<vmem_shared>>
      tpu.enqueue_indirect_dma source(%arg25 : memref<32x128xf32, #tpu.memory_space<vmem>>) target(%dma_start3A_323 : memref<10240x128xf32, #tpu.memory_space<vmem_shared>>) offsets(%arg15 : memref<32xi32, #tpu.memory_space<vmem>>) semaphore(%arg40 : memref<!tpu.dma_semaphore, #tpu.memory_space<semaphore_mem>>) {add = true}
      %add3A_324 = arith.constant 4 : i32
      %add3A_325 = arith.addi %add3A_289, %add3A_324 : i32
      %le3A = arith.constant 624 : i32
      %le3A_326 = arith.cmpi sle, %add3A_325, %le3A : i32
      %convert_element_type3A_327 = arith.extui %le3A_326 : i1 to i32
      %cond3A_328 = arith.constant 0 : i32
      %cond3A_329 = arith.cmpi ne, %convert_element_type3A_327, %cond3A_328 : i32
      scf.if %cond3A_329 {
        %mul3A_478 = arith.constant 20000 : i32
        %mul3A_479 = arith.muli %arg1, %mul3A_478 : i32
        %add3A_480 = arith.constant 4 : i32
        %add3A_481 = arith.addi %add3A_289, %add3A_480 : i32
        %mul3A_482 = arith.constant 32 : i32
        %mul3A_483 = arith.muli %add3A_481, %mul3A_482 : i32
        %add3A_484 = arith.addi %mul3A_479, %mul3A_483 : i32
        %dma_start3A_485 = tpu.memref_slice %arg4[%add3A_484] : memref<320000xi32, #tpu.memory_space<hbm>> -> memref<32xi32, #tpu.memory_space<hbm>>
        %dma_start3A_486 = tpu.memref_slice %arg4[%add3A_484] : memref<320000xi32, #tpu.memory_space<hbm>> -> memref<32xi32, #tpu.memory_space<hbm>>
        tpu.enqueue_dma source(%dma_start3A_486 : memref<32xi32, #tpu.memory_space<hbm>>) target(%arg7 : memref<32xi32, #tpu.memory_space<vmem>>) target_semaphore(%arg28 : memref<!tpu.dma_semaphore, #tpu.memory_space<semaphore_mem>>)
        %dma_start3A_487 = tpu.memref_slice %arg5[%add3A_484] : memref<320000xi32, #tpu.memory_space<hbm>> -> memref<32xi32, #tpu.memory_space<hbm>>
        %dma_start3A_488 = tpu.memref_slice %arg5[%add3A_484] : memref<320000xi32, #tpu.memory_space<hbm>> -> memref<32xi32, #tpu.memory_space<hbm>>
        tpu.enqueue_dma source(%dma_start3A_488 : memref<32xi32, #tpu.memory_space<hbm>>) target(%arg11 : memref<32xi32, #tpu.memory_space<vmem>>) target_semaphore(%arg28 : memref<!tpu.dma_semaphore, #tpu.memory_space<semaphore_mem>>)
      } else {
      }
      %mul3A_330 = arith.constant 4 : i32
      %mul3A_331 = arith.muli %mul3A_330, %scan3A_284 : i32
      %add3A_332 = arith.constant 1 : i32
      %add3A_333 = arith.addi %mul3A_331, %add3A_332 : i32
      %dma_wait3A_334 = arith.constant 0 : i32
      %dma_wait3A_335 = arith.constant 0 : i32
      %dma_wait3A_336 = tpu.memref_slice %arg2[%dma_wait3A_334, %dma_wait3A_335] : memref<20000x128xf32, #tpu.memory_space<hbm>> -> memref<20000x128xf32, #tpu.memory_space<hbm>>
      tpu.wait_indirect_dma semaphore(%arg33 : memref<!tpu.dma_semaphore, #tpu.memory_space<semaphore_mem>>) src(%dma_wait3A_336 : memref<20000x128xf32, #tpu.memory_space<hbm>>) dst(%arg18 : memref<32x128xf32, #tpu.memory_space<vmem>>)
      %dma_wait3A_337 = arith.constant 0 : i32
      %dma_wait3A_338 = arith.constant 0 : i32
      %dma_wait3A_339 = tpu.memref_slice %arg3[%dma_wait3A_337, %dma_wait3A_338] : memref<10000x128xf32, #tpu.memory_space<hbm>> -> memref<10000x128xf32, #tpu.memory_space<hbm>>
      tpu.wait_indirect_dma semaphore(%arg37 : memref<!tpu.dma_semaphore, #tpu.memory_space<semaphore_mem>>) src(%dma_wait3A_339 : memref<10000x128xf32, #tpu.memory_space<hbm>>) dst(%arg22 : memref<32x128xf32, #tpu.memory_space<vmem>>)
      %add3A_340 = arith.constant 3 : i32
      %add3A_341 = arith.addi %add3A_333, %add3A_340 : i32
      %lt3A_342 = arith.constant 624 : i32
      %lt3A_343 = arith.cmpi slt, %add3A_341, %lt3A_342 : i32
      %convert_element_type3A_344 = arith.extui %lt3A_343 : i1 to i32
      %cond3A_345 = arith.constant 0 : i32
      %cond3A_346 = arith.cmpi ne, %convert_element_type3A_344, %cond3A_345 : i32
      scf.if %cond3A_346 {
        %dma_wait3A_478 = arith.constant 0 : i32
        %dma_wait3A_479 = tpu.memref_slice %arg4[%dma_wait3A_478] : memref<320000xi32, #tpu.memory_space<hbm>> -> memref<32xi32, #tpu.memory_space<hbm>>
        %dma_wait3A_480 = arith.constant 0 : i32
        %dma_wait3A_481 = tpu.memref_slice %arg4[%dma_wait3A_480] : memref<320000xi32, #tpu.memory_space<hbm>> -> memref<32xi32, #tpu.memory_space<hbm>>
        tpu.wait_dma2 semaphore(%arg28 : memref<!tpu.dma_semaphore, #tpu.memory_space<semaphore_mem>>) src(%dma_wait3A_481 : memref<32xi32, #tpu.memory_space<hbm>>) dst(%arg7 : memref<32xi32, #tpu.memory_space<vmem>>)
        %dma_wait3A_482 = arith.constant 0 : i32
        %dma_wait3A_483 = tpu.memref_slice %arg5[%dma_wait3A_482] : memref<320000xi32, #tpu.memory_space<hbm>> -> memref<32xi32, #tpu.memory_space<hbm>>
        %dma_wait3A_484 = arith.constant 0 : i32
        %dma_wait3A_485 = tpu.memref_slice %arg5[%dma_wait3A_484] : memref<320000xi32, #tpu.memory_space<hbm>> -> memref<32xi32, #tpu.memory_space<hbm>>
        tpu.wait_dma2 semaphore(%arg28 : memref<!tpu.dma_semaphore, #tpu.memory_space<semaphore_mem>>) src(%dma_wait3A_485 : memref<32xi32, #tpu.memory_space<hbm>>) dst(%arg11 : memref<32xi32, #tpu.memory_space<vmem>>)
        %get3A_486 = arith.constant 0 : index
        %get3A_487 = tpu.vector_load %arg7[%get3A_486] {strides = array<i32>} : memref<32xi32, #tpu.memory_space<vmem>>, vector<16xi32>,
        %get3A_488 = vector.shape_cast %get3A_487 : vector<16xi32> to vector<16xi32>
        %add3A_489 = vector.broadcast %mul3A_0 : i32 to vector<16xi32>
        %add3A_490 = arith.addi %get3A_488, %add3A_489 : vector<16xi32>
        %swap3A_491 = arith.constant 0 : index
        %swap3A_492 = tpu.vector_load %arg7[%swap3A_491] {strides = array<i32>} : memref<32xi32, #tpu.memory_space<vmem>>, vector<16xi32>,
        %swap3A_493 = vector.shape_cast %swap3A_492 : vector<16xi32> to vector<16xi32>
        %swap3A_494 = vector.shape_cast %add3A_490 : vector<16xi32> to vector<16xi32>
        tpu.vector_store %arg7[%swap3A_491], %swap3A_494 {strides = array<i32>} : memref<32xi32, #tpu.memory_space<vmem>>, vector<16xi32>,
        %get3A_495 = arith.constant 16 : index
        %get3A_496 = tpu.vector_load %arg7[%get3A_495] {strides = array<i32>} : memref<32xi32, #tpu.memory_space<vmem>>, vector<16xi32>,
        %get3A_497 = vector.shape_cast %get3A_496 : vector<16xi32> to vector<16xi32>
        %add3A_498 = vector.broadcast %mul3A_0 : i32 to vector<16xi32>
        %add3A_499 = arith.addi %get3A_497, %add3A_498 : vector<16xi32>
        %swap3A_500 = arith.constant 16 : index
        %swap3A_501 = tpu.vector_load %arg7[%swap3A_500] {strides = array<i32>} : memref<32xi32, #tpu.memory_space<vmem>>, vector<16xi32>,
        %swap3A_502 = vector.shape_cast %swap3A_501 : vector<16xi32> to vector<16xi32>
        %swap3A_503 = vector.shape_cast %add3A_499 : vector<16xi32> to vector<16xi32>
        tpu.vector_store %arg7[%swap3A_500], %swap3A_503 {strides = array<i32>} : memref<32xi32, #tpu.memory_space<vmem>>, vector<16xi32>,
        %dma_start3A_504 = arith.constant 0 : i32
        %dma_start3A_505 = arith.constant 0 : i32
        %dma_start3A_506 = tpu.memref_slice %arg2[%dma_start3A_504, %dma_start3A_505] : memref<20000x128xf32, #tpu.memory_space<hbm>> -> memref<20000x128xf32, #tpu.memory_space<hbm>>
        tpu.enqueue_indirect_dma source(%dma_start3A_506 : memref<20000x128xf32, #tpu.memory_space<hbm>>) target(%arg17 : memref<32x128xf32, #tpu.memory_space<vmem>>) offsets(%arg7 : memref<32xi32, #tpu.memory_space<vmem>>) semaphore(%arg32 : memref<!tpu.dma_semaphore, #tpu.memory_space<semaphore_mem>>)
        %dma_start3A_507 = arith.constant 0 : i32
        %dma_start3A_508 = arith.constant 0 : i32
        %dma_start3A_509 = tpu.memref_slice %arg3[%dma_start3A_507, %dma_start3A_508] : memref<10000x128xf32, #tpu.memory_space<hbm>> -> memref<10000x128xf32, #tpu.memory_space<hbm>>
        tpu.enqueue_indirect_dma source(%dma_start3A_509 : memref<10000x128xf32, #tpu.memory_space<hbm>>) target(%arg21 : memref<32x128xf32, #tpu.memory_space<vmem>>) offsets(%arg11 : memref<32xi32, #tpu.memory_space<vmem>>) semaphore(%arg36 : memref<!tpu.dma_semaphore, #tpu.memory_space<semaphore_mem>>)
      } else {
      }
      %ge3A_347 = arith.constant 2 : i32
      %ge3A_348 = arith.cmpi sge, %add3A_333, %ge3A_347 : i32
      %convert_element_type3A_349 = arith.extui %ge3A_348 : i1 to i32
      %cond3A_350 = arith.constant 0 : i32
      %cond3A_351 = arith.cmpi ne, %convert_element_type3A_349, %cond3A_350 : i32
      scf.if %cond3A_351 {
        %dma_wait3A_478 = arith.constant 0 : i32
        %dma_wait3A_479 = arith.constant 0 : i32
        %dma_wait3A_480 = tpu.memref_slice %arg27[%dma_wait3A_478, %dma_wait3A_479] : memref<10240x128xf32, #tpu.memory_space<vmem_shared>> -> memref<10240x128xf32, #tpu.memory_space<vmem_shared>>
        tpu.wait_indirect_dma semaphore(%arg41 : memref<!tpu.dma_semaphore, #tpu.memory_space<semaphore_mem>>) src(%arg26 : memref<32x128xf32, #tpu.memory_space<vmem>>) dst(%dma_wait3A_480 : memref<10240x128xf32, #tpu.memory_space<vmem_shared>>)
      } else {
      }
      %parallel_loop3A_352 = arith.constant 0 : i32
      %parallel_loop3A_353 = arith.constant 32 : i32
      %parallel_loop3A_354 = arith.constant 1 : i32
      scf.for %parallel_loop3A_478 = %parallel_loop3A_352 to %parallel_loop3A_353 step %parallel_loop3A_354  : i32 {
        %parallel_loop3A_479 = arith.index_cast %parallel_loop3A_478 : i32 to index
        %parallel_loop3A_480 = arith.constant 0 : index
        %parallel_loop3A_481 = tpu.vector_load %arg18[%parallel_loop3A_479, %parallel_loop3A_480] {strides = array<i32>} : memref<32x128xf32, #tpu.memory_space<vmem>>, vector<1x16xf32>,
        %parallel_loop3A_482 = vector.shape_cast %parallel_loop3A_481 : vector<1x16xf32> to vector<16xf32>
        %parallel_loop3A_483 = arith.index_cast %parallel_loop3A_478 : i32 to index
        %parallel_loop3A_484 = arith.constant 64 : index
        %parallel_loop3A_485 = tpu.vector_load %arg18[%parallel_loop3A_483, %parallel_loop3A_484] {strides = array<i32>} : memref<32x128xf32, #tpu.memory_space<vmem>>, vector<1x16xf32>,
        %parallel_loop3A_486 = vector.shape_cast %parallel_loop3A_485 : vector<1x16xf32> to vector<16xf32>
        %parallel_loop3A_487 = arith.constant 0 : i32
        %parallel_loop3A_488 = arith.addi %mul3A_2, %parallel_loop3A_487 : i32
        %parallel_loop3A_489 = arith.index_cast %parallel_loop3A_478 : i32 to index
        %parallel_loop3A_490 = arith.index_cast %parallel_loop3A_488 : i32 to index
        %parallel_loop3A_491 = tpu.vector_load %arg22[%parallel_loop3A_489, %parallel_loop3A_490] {strides = array<i32>} : memref<32x128xf32, #tpu.memory_space<vmem>>, vector<1x16xf32>,
        %parallel_loop3A_492 = vector.shape_cast %parallel_loop3A_491 : vector<1x16xf32> to vector<16xf32>
        %parallel_loop3A_493 = arith.addf %parallel_loop3A_486, %parallel_loop3A_492 : vector<16xf32>
        %parallel_loop3A_494 = arith.constant 0.000000e+00 : f32
        %parallel_loop3A_495 = vector.broadcast %parallel_loop3A_494 : f32 to vector<16xf32>
        %parallel_loop3A_496 = arith.subf %parallel_loop3A_495, %parallel_loop3A_493 : vector<16xf32>
        %parallel_loop3A_497 = math.exp %parallel_loop3A_496 : vector<16xf32>
        %parallel_loop3A_498 = arith.constant 1.000000e+00 : f32
        %parallel_loop3A_499 = vector.broadcast %parallel_loop3A_498 : f32 to vector<16xf32>
        %parallel_loop3A_500 = arith.addf %parallel_loop3A_499, %parallel_loop3A_497 : vector<16xf32>
        %parallel_loop3A_501 = arith.constant 1.000000e+00 : f32
        %parallel_loop3A_502 = vector.broadcast %parallel_loop3A_501 : f32 to vector<16xf32>
        %parallel_loop3A_503 = arith.divf %parallel_loop3A_502, %parallel_loop3A_500 : vector<16xf32>
        %parallel_loop3A_504 = arith.mulf %parallel_loop3A_503, %parallel_loop3A_482 : vector<16xf32>
        %parallel_loop3A_505 = arith.index_cast %parallel_loop3A_478 : i32 to index
        %parallel_loop3A_506 = arith.constant 0 : index
        %parallel_loop3A_507 = tpu.vector_load %arg26[%parallel_loop3A_505, %parallel_loop3A_506] {strides = array<i32>} : memref<32x128xf32, #tpu.memory_space<vmem>>, vector<1x16xf32>,
        %parallel_loop3A_508 = vector.shape_cast %parallel_loop3A_507 : vector<1x16xf32> to vector<16xf32>
        %parallel_loop3A_509 = vector.shape_cast %parallel_loop3A_504 : vector<16xf32> to vector<1x16xf32>
        tpu.vector_store %arg26[%parallel_loop3A_505, %parallel_loop3A_506], %parallel_loop3A_509 {strides = array<i32>} : memref<32x128xf32, #tpu.memory_space<vmem>>, vector<1x16xf32>,
        %parallel_loop3A_510 = arith.index_cast %parallel_loop3A_478 : i32 to index
        %parallel_loop3A_511 = arith.constant 64 : index
        %parallel_loop3A_512 = tpu.vector_load %arg26[%parallel_loop3A_510, %parallel_loop3A_511] {strides = array<i32>} : memref<32x128xf32, #tpu.memory_space<vmem>>, vector<1x16xf32>,
        %parallel_loop3A_513 = vector.shape_cast %parallel_loop3A_512 : vector<1x16xf32> to vector<16xf32>
        %parallel_loop3A_514 = vector.shape_cast %parallel_loop3A_503 : vector<16xf32> to vector<1x16xf32>
        tpu.vector_store %arg26[%parallel_loop3A_510, %parallel_loop3A_511], %parallel_loop3A_514 {strides = array<i32>} : memref<32x128xf32, #tpu.memory_space<vmem>>, vector<1x16xf32>,
        %parallel_loop3A_515 = arith.index_cast %parallel_loop3A_478 : i32 to index
        %parallel_loop3A_516 = arith.constant 16 : index
        %parallel_loop3A_517 = tpu.vector_load %arg18[%parallel_loop3A_515, %parallel_loop3A_516] {strides = array<i32>} : memref<32x128xf32, #tpu.memory_space<vmem>>, vector<1x16xf32>,
        %parallel_loop3A_518 = vector.shape_cast %parallel_loop3A_517 : vector<1x16xf32> to vector<16xf32>
        %parallel_loop3A_519 = arith.index_cast %parallel_loop3A_478 : i32 to index
        %parallel_loop3A_520 = arith.constant 80 : index
        %parallel_loop3A_521 = tpu.vector_load %arg18[%parallel_loop3A_519, %parallel_loop3A_520] {strides = array<i32>} : memref<32x128xf32, #tpu.memory_space<vmem>>, vector<1x16xf32>,
        %parallel_loop3A_522 = vector.shape_cast %parallel_loop3A_521 : vector<1x16xf32> to vector<16xf32>
        %parallel_loop3A_523 = arith.constant 16 : i32
        %parallel_loop3A_524 = arith.addi %mul3A_2, %parallel_loop3A_523 : i32
        %parallel_loop3A_525 = arith.index_cast %parallel_loop3A_478 : i32 to index
        %parallel_loop3A_526 = arith.index_cast %parallel_loop3A_524 : i32 to index
        %parallel_loop3A_527 = tpu.vector_load %arg22[%parallel_loop3A_525, %parallel_loop3A_526] {strides = array<i32>} : memref<32x128xf32, #tpu.memory_space<vmem>>, vector<1x16xf32>,
        %parallel_loop3A_528 = vector.shape_cast %parallel_loop3A_527 : vector<1x16xf32> to vector<16xf32>
        %parallel_loop3A_529 = arith.addf %parallel_loop3A_522, %parallel_loop3A_528 : vector<16xf32>
        %parallel_loop3A_530 = arith.constant 0.000000e+00 : f32
        %parallel_loop3A_531 = vector.broadcast %parallel_loop3A_530 : f32 to vector<16xf32>
        %parallel_loop3A_532 = arith.subf %parallel_loop3A_531, %parallel_loop3A_529 : vector<16xf32>
        %parallel_loop3A_533 = math.exp %parallel_loop3A_532 : vector<16xf32>
        %parallel_loop3A_534 = arith.constant 1.000000e+00 : f32
        %parallel_loop3A_535 = vector.broadcast %parallel_loop3A_534 : f32 to vector<16xf32>
        %parallel_loop3A_536 = arith.addf %parallel_loop3A_535, %parallel_loop3A_533 : vector<16xf32>
        %parallel_loop3A_537 = arith.constant 1.000000e+00 : f32
        %parallel_loop3A_538 = vector.broadcast %parallel_loop3A_537 : f32 to vector<16xf32>
        %parallel_loop3A_539 = arith.divf %parallel_loop3A_538, %parallel_loop3A_536 : vector<16xf32>
        %parallel_loop3A_540 = arith.mulf %parallel_loop3A_539, %parallel_loop3A_518 : vector<16xf32>
        %parallel_loop3A_541 = arith.index_cast %parallel_loop3A_478 : i32 to index
        %parallel_loop3A_542 = arith.constant 16 : index
        %parallel_loop3A_543 = tpu.vector_load %arg26[%parallel_loop3A_541, %parallel_loop3A_542] {strides = array<i32>} : memref<32x128xf32, #tpu.memory_space<vmem>>, vector<1x16xf32>,
        %parallel_loop3A_544 = vector.shape_cast %parallel_loop3A_543 : vector<1x16xf32> to vector<16xf32>
        %parallel_loop3A_545 = vector.shape_cast %parallel_loop3A_540 : vector<16xf32> to vector<1x16xf32>
        tpu.vector_store %arg26[%parallel_loop3A_541, %parallel_loop3A_542], %parallel_loop3A_545 {strides = array<i32>} : memref<32x128xf32, #tpu.memory_space<vmem>>, vector<1x16xf32>,
        %parallel_loop3A_546 = arith.index_cast %parallel_loop3A_478 : i32 to index
        %parallel_loop3A_547 = arith.constant 80 : index
        %parallel_loop3A_548 = tpu.vector_load %arg26[%parallel_loop3A_546, %parallel_loop3A_547] {strides = array<i32>} : memref<32x128xf32, #tpu.memory_space<vmem>>, vector<1x16xf32>,
        %parallel_loop3A_549 = vector.shape_cast %parallel_loop3A_548 : vector<1x16xf32> to vector<16xf32>
        %parallel_loop3A_550 = vector.shape_cast %parallel_loop3A_539 : vector<16xf32> to vector<1x16xf32>
        tpu.vector_store %arg26[%parallel_loop3A_546, %parallel_loop3A_547], %parallel_loop3A_550 {strides = array<i32>} : memref<32x128xf32, #tpu.memory_space<vmem>>, vector<1x16xf32>,
        %parallel_loop3A_551 = arith.index_cast %parallel_loop3A_478 : i32 to index
        %parallel_loop3A_552 = arith.constant 32 : index
        %parallel_loop3A_553 = tpu.vector_load %arg18[%parallel_loop3A_551, %parallel_loop3A_552] {strides = array<i32>} : memref<32x128xf32, #tpu.memory_space<vmem>>, vector<1x16xf32>,
        %parallel_loop3A_554 = vector.shape_cast %parallel_loop3A_553 : vector<1x16xf32> to vector<16xf32>
        %parallel_loop3A_555 = arith.index_cast %parallel_loop3A_478 : i32 to index
        %parallel_loop3A_556 = arith.constant 96 : index
        %parallel_loop3A_557 = tpu.vector_load %arg18[%parallel_loop3A_555, %parallel_loop3A_556] {strides = array<i32>} : memref<32x128xf32, #tpu.memory_space<vmem>>, vector<1x16xf32>,
        %parallel_loop3A_558 = vector.shape_cast %parallel_loop3A_557 : vector<1x16xf32> to vector<16xf32>
        %parallel_loop3A_559 = arith.constant 32 : i32
        %parallel_loop3A_560 = arith.addi %mul3A_2, %parallel_loop3A_559 : i32
        %parallel_loop3A_561 = arith.index_cast %parallel_loop3A_478 : i32 to index
        %parallel_loop3A_562 = arith.index_cast %parallel_loop3A_560 : i32 to index
        %parallel_loop3A_563 = tpu.vector_load %arg22[%parallel_loop3A_561, %parallel_loop3A_562] {strides = array<i32>} : memref<32x128xf32, #tpu.memory_space<vmem>>, vector<1x16xf32>,
        %parallel_loop3A_564 = vector.shape_cast %parallel_loop3A_563 : vector<1x16xf32> to vector<16xf32>
        %parallel_loop3A_565 = arith.addf %parallel_loop3A_558, %parallel_loop3A_564 : vector<16xf32>
        %parallel_loop3A_566 = arith.constant 0.000000e+00 : f32
        %parallel_loop3A_567 = vector.broadcast %parallel_loop3A_566 : f32 to vector<16xf32>
        %parallel_loop3A_568 = arith.subf %parallel_loop3A_567, %parallel_loop3A_565 : vector<16xf32>
        %parallel_loop3A_569 = math.exp %parallel_loop3A_568 : vector<16xf32>
        %parallel_loop3A_570 = arith.constant 1.000000e+00 : f32
        %parallel_loop3A_571 = vector.broadcast %parallel_loop3A_570 : f32 to vector<16xf32>
        %parallel_loop3A_572 = arith.addf %parallel_loop3A_571, %parallel_loop3A_569 : vector<16xf32>
        %parallel_loop3A_573 = arith.constant 1.000000e+00 : f32
        %parallel_loop3A_574 = vector.broadcast %parallel_loop3A_573 : f32 to vector<16xf32>
        %parallel_loop3A_575 = arith.divf %parallel_loop3A_574, %parallel_loop3A_572 : vector<16xf32>
        %parallel_loop3A_576 = arith.mulf %parallel_loop3A_575, %parallel_loop3A_554 : vector<16xf32>
        %parallel_loop3A_577 = arith.index_cast %parallel_loop3A_478 : i32 to index
        %parallel_loop3A_578 = arith.constant 32 : index
        %parallel_loop3A_579 = tpu.vector_load %arg26[%parallel_loop3A_577, %parallel_loop3A_578] {strides = array<i32>} : memref<32x128xf32, #tpu.memory_space<vmem>>, vector<1x16xf32>,
        %parallel_loop3A_580 = vector.shape_cast %parallel_loop3A_579 : vector<1x16xf32> to vector<16xf32>
        %parallel_loop3A_581 = vector.shape_cast %parallel_loop3A_576 : vector<16xf32> to vector<1x16xf32>
        tpu.vector_store %arg26[%parallel_loop3A_577, %parallel_loop3A_578], %parallel_loop3A_581 {strides = array<i32>} : memref<32x128xf32, #tpu.memory_space<vmem>>, vector<1x16xf32>,
        %parallel_loop3A_582 = arith.index_cast %parallel_loop3A_478 : i32 to index
        %parallel_loop3A_583 = arith.constant 96 : index
        %parallel_loop3A_584 = tpu.vector_load %arg26[%parallel_loop3A_582, %parallel_loop3A_583] {strides = array<i32>} : memref<32x128xf32, #tpu.memory_space<vmem>>, vector<1x16xf32>,
        %parallel_loop3A_585 = vector.shape_cast %parallel_loop3A_584 : vector<1x16xf32> to vector<16xf32>
        %parallel_loop3A_586 = vector.shape_cast %parallel_loop3A_575 : vector<16xf32> to vector<1x16xf32>
        tpu.vector_store %arg26[%parallel_loop3A_582, %parallel_loop3A_583], %parallel_loop3A_586 {strides = array<i32>} : memref<32x128xf32, #tpu.memory_space<vmem>>, vector<1x16xf32>,
        %parallel_loop3A_587 = arith.index_cast %parallel_loop3A_478 : i32 to index
        %parallel_loop3A_588 = arith.constant 48 : index
        %parallel_loop3A_589 = tpu.vector_load %arg18[%parallel_loop3A_587, %parallel_loop3A_588] {strides = array<i32>} : memref<32x128xf32, #tpu.memory_space<vmem>>, vector<1x16xf32>,
        %parallel_loop3A_590 = vector.shape_cast %parallel_loop3A_589 : vector<1x16xf32> to vector<16xf32>
        %parallel_loop3A_591 = arith.index_cast %parallel_loop3A_478 : i32 to index
        %parallel_loop3A_592 = arith.constant 112 : index
        %parallel_loop3A_593 = tpu.vector_load %arg18[%parallel_loop3A_591, %parallel_loop3A_592] {strides = array<i32>} : memref<32x128xf32, #tpu.memory_space<vmem>>, vector<1x16xf32>,
        %parallel_loop3A_594 = vector.shape_cast %parallel_loop3A_593 : vector<1x16xf32> to vector<16xf32>
        %parallel_loop3A_595 = arith.constant 48 : i32
        %parallel_loop3A_596 = arith.addi %mul3A_2, %parallel_loop3A_595 : i32
        %parallel_loop3A_597 = arith.index_cast %parallel_loop3A_478 : i32 to index
        %parallel_loop3A_598 = arith.index_cast %parallel_loop3A_596 : i32 to index
        %parallel_loop3A_599 = tpu.vector_load %arg22[%parallel_loop3A_597, %parallel_loop3A_598] {strides = array<i32>} : memref<32x128xf32, #tpu.memory_space<vmem>>, vector<1x16xf32>,
        %parallel_loop3A_600 = vector.shape_cast %parallel_loop3A_599 : vector<1x16xf32> to vector<16xf32>
        %parallel_loop3A_601 = arith.addf %parallel_loop3A_594, %parallel_loop3A_600 : vector<16xf32>
        %parallel_loop3A_602 = arith.constant 0.000000e+00 : f32
        %parallel_loop3A_603 = vector.broadcast %parallel_loop3A_602 : f32 to vector<16xf32>
        %parallel_loop3A_604 = arith.subf %parallel_loop3A_603, %parallel_loop3A_601 : vector<16xf32>
        %parallel_loop3A_605 = math.exp %parallel_loop3A_604 : vector<16xf32>
        %parallel_loop3A_606 = arith.constant 1.000000e+00 : f32
        %parallel_loop3A_607 = vector.broadcast %parallel_loop3A_606 : f32 to vector<16xf32>
        %parallel_loop3A_608 = arith.addf %parallel_loop3A_607, %parallel_loop3A_605 : vector<16xf32>
        %parallel_loop3A_609 = arith.constant 1.000000e+00 : f32
        %parallel_loop3A_610 = vector.broadcast %parallel_loop3A_609 : f32 to vector<16xf32>
        %parallel_loop3A_611 = arith.divf %parallel_loop3A_610, %parallel_loop3A_608 : vector<16xf32>
        %parallel_loop3A_612 = arith.mulf %parallel_loop3A_611, %parallel_loop3A_590 : vector<16xf32>
        %parallel_loop3A_613 = arith.index_cast %parallel_loop3A_478 : i32 to index
        %parallel_loop3A_614 = arith.constant 48 : index
        %parallel_loop3A_615 = tpu.vector_load %arg26[%parallel_loop3A_613, %parallel_loop3A_614] {strides = array<i32>} : memref<32x128xf32, #tpu.memory_space<vmem>>, vector<1x16xf32>,
        %parallel_loop3A_616 = vector.shape_cast %parallel_loop3A_615 : vector<1x16xf32> to vector<16xf32>
        %parallel_loop3A_617 = vector.shape_cast %parallel_loop3A_612 : vector<16xf32> to vector<1x16xf32>
        tpu.vector_store %arg26[%parallel_loop3A_613, %parallel_loop3A_614], %parallel_loop3A_617 {strides = array<i32>} : memref<32x128xf32, #tpu.memory_space<vmem>>, vector<1x16xf32>,
        %parallel_loop3A_618 = arith.index_cast %parallel_loop3A_478 : i32 to index
        %parallel_loop3A_619 = arith.constant 112 : index
        %parallel_loop3A_620 = tpu.vector_load %arg26[%parallel_loop3A_618, %parallel_loop3A_619] {strides = array<i32>} : memref<32x128xf32, #tpu.memory_space<vmem>>, vector<1x16xf32>,
        %parallel_loop3A_621 = vector.shape_cast %parallel_loop3A_620 : vector<1x16xf32> to vector<16xf32>
        %parallel_loop3A_622 = vector.shape_cast %parallel_loop3A_611 : vector<16xf32> to vector<1x16xf32>
        tpu.vector_store %arg26[%parallel_loop3A_618, %parallel_loop3A_619], %parallel_loop3A_622 {strides = array<i32>} : memref<32x128xf32, #tpu.memory_space<vmem>>, vector<1x16xf32>,
      } {sc.loop_unroll_factor = 4 : i64, sc.parallel_access}
      %get3A_355 = arith.constant 0 : index
      %get3A_356 = tpu.vector_load %arg12[%get3A_355] {strides = array<i32>} : memref<32xi32, #tpu.memory_space<vmem>>, vector<16xi32>,
      %get3A_357 = vector.shape_cast %get3A_356 : vector<16xi32> to vector<16xi32>
      %swap3A_358 = arith.constant 0 : index
      %swap3A_359 = tpu.vector_load %arg16[%swap3A_358] {strides = array<i32>} : memref<32xi32, #tpu.memory_space<vmem>>, vector<16xi32>,
      %swap3A_360 = vector.shape_cast %swap3A_359 : vector<16xi32> to vector<16xi32>
      %swap3A_361 = vector.shape_cast %get3A_357 : vector<16xi32> to vector<16xi32>
      tpu.vector_store %arg16[%swap3A_358], %swap3A_361 {strides = array<i32>} : memref<32xi32, #tpu.memory_space<vmem>>, vector<16xi32>,
      %get3A_362 = arith.constant 16 : index
      %get3A_363 = tpu.vector_load %arg12[%get3A_362] {strides = array<i32>} : memref<32xi32, #tpu.memory_space<vmem>>, vector<16xi32>,
      %get3A_364 = vector.shape_cast %get3A_363 : vector<16xi32> to vector<16xi32>
      %swap3A_365 = arith.constant 16 : index
      %swap3A_366 = tpu.vector_load %arg16[%swap3A_365] {strides = array<i32>} : memref<32xi32, #tpu.memory_space<vmem>>, vector<16xi32>,
      %swap3A_367 = vector.shape_cast %swap3A_366 : vector<16xi32> to vector<16xi32>
      %swap3A_368 = vector.shape_cast %get3A_364 : vector<16xi32> to vector<16xi32>
      tpu.vector_store %arg16[%swap3A_365], %swap3A_368 {strides = array<i32>} : memref<32xi32, #tpu.memory_space<vmem>>, vector<16xi32>,
      %dma_start3A_369 = arith.constant 0 : i32
      %dma_start3A_370 = arith.constant 0 : i32
      %dma_start3A_371 = tpu.memref_slice %arg27[%dma_start3A_369, %dma_start3A_370] : memref<10240x128xf32, #tpu.memory_space<vmem_shared>> -> memref<10240x128xf32, #tpu.memory_space<vmem_shared>>
      tpu.enqueue_indirect_dma source(%arg26 : memref<32x128xf32, #tpu.memory_space<vmem>>) target(%dma_start3A_371 : memref<10240x128xf32, #tpu.memory_space<vmem_shared>>) offsets(%arg16 : memref<32xi32, #tpu.memory_space<vmem>>) semaphore(%arg41 : memref<!tpu.dma_semaphore, #tpu.memory_space<semaphore_mem>>) {add = true}
      %add3A_372 = arith.constant 4 : i32
      %add3A_373 = arith.addi %add3A_333, %add3A_372 : i32
      %le3A_374 = arith.constant 624 : i32
      %le3A_375 = arith.cmpi sle, %add3A_373, %le3A_374 : i32
      %convert_element_type3A_376 = arith.extui %le3A_375 : i1 to i32
      %cond3A_377 = arith.constant 0 : i32
      %cond3A_378 = arith.cmpi ne, %convert_element_type3A_376, %cond3A_377 : i32
      scf.if %cond3A_378 {
        %mul3A_478 = arith.constant 20000 : i32
        %mul3A_479 = arith.muli %arg1, %mul3A_478 : i32
        %add3A_480 = arith.constant 4 : i32
        %add3A_481 = arith.addi %add3A_333, %add3A_480 : i32
        %mul3A_482 = arith.constant 32 : i32
        %mul3A_483 = arith.muli %add3A_481, %mul3A_482 : i32
        %add3A_484 = arith.addi %mul3A_479, %mul3A_483 : i32
        %dma_start3A_485 = tpu.memref_slice %arg4[%add3A_484] : memref<320000xi32, #tpu.memory_space<hbm>> -> memref<32xi32, #tpu.memory_space<hbm>>
        %dma_start3A_486 = tpu.memref_slice %arg4[%add3A_484] : memref<320000xi32, #tpu.memory_space<hbm>> -> memref<32xi32, #tpu.memory_space<hbm>>
        tpu.enqueue_dma source(%dma_start3A_486 : memref<32xi32, #tpu.memory_space<hbm>>) target(%arg8 : memref<32xi32, #tpu.memory_space<vmem>>) target_semaphore(%arg29 : memref<!tpu.dma_semaphore, #tpu.memory_space<semaphore_mem>>)
        %dma_start3A_487 = tpu.memref_slice %arg5[%add3A_484] : memref<320000xi32, #tpu.memory_space<hbm>> -> memref<32xi32, #tpu.memory_space<hbm>>
        %dma_start3A_488 = tpu.memref_slice %arg5[%add3A_484] : memref<320000xi32, #tpu.memory_space<hbm>> -> memref<32xi32, #tpu.memory_space<hbm>>
        tpu.enqueue_dma source(%dma_start3A_488 : memref<32xi32, #tpu.memory_space<hbm>>) target(%arg12 : memref<32xi32, #tpu.memory_space<vmem>>) target_semaphore(%arg29 : memref<!tpu.dma_semaphore, #tpu.memory_space<semaphore_mem>>)
      } else {
      }
      %mul3A_379 = arith.constant 4 : i32
      %mul3A_380 = arith.muli %mul3A_379, %scan3A_284 : i32
      %add3A_381 = arith.constant 2 : i32
      %add3A_382 = arith.addi %mul3A_380, %add3A_381 : i32
      %dma_wait3A_383 = arith.constant 0 : i32
      %dma_wait3A_384 = arith.constant 0 : i32
      %dma_wait3A_385 = tpu.memref_slice %arg2[%dma_wait3A_383, %dma_wait3A_384] : memref<20000x128xf32, #tpu.memory_space<hbm>> -> memref<20000x128xf32, #tpu.memory_space<hbm>>
      tpu.wait_indirect_dma semaphore(%arg34 : memref<!tpu.dma_semaphore, #tpu.memory_space<semaphore_mem>>) src(%dma_wait3A_385 : memref<20000x128xf32, #tpu.memory_space<hbm>>) dst(%arg19 : memref<32x128xf32, #tpu.memory_space<vmem>>)
      %dma_wait3A_386 = arith.constant 0 : i32
      %dma_wait3A_387 = arith.constant 0 : i32
      %dma_wait3A_388 = tpu.memref_slice %arg3[%dma_wait3A_386, %dma_wait3A_387] : memref<10000x128xf32, #tpu.memory_space<hbm>> -> memref<10000x128xf32, #tpu.memory_space<hbm>>
      tpu.wait_indirect_dma semaphore(%arg38 : memref<!tpu.dma_semaphore, #tpu.memory_space<semaphore_mem>>) src(%dma_wait3A_388 : memref<10000x128xf32, #tpu.memory_space<hbm>>) dst(%arg23 : memref<32x128xf32, #tpu.memory_space<vmem>>)
      %add3A_389 = arith.constant 3 : i32
      %add3A_390 = arith.addi %add3A_382, %add3A_389 : i32
      %lt3A_391 = arith.constant 624 : i32
      %lt3A_392 = arith.cmpi slt, %add3A_390, %lt3A_391 : i32
      %convert_element_type3A_393 = arith.extui %lt3A_392 : i1 to i32
      %cond3A_394 = arith.constant 0 : i32
      %cond3A_395 = arith.cmpi ne, %convert_element_type3A_393, %cond3A_394 : i32
      scf.if %cond3A_395 {
        %dma_wait3A_478 = arith.constant 0 : i32
        %dma_wait3A_479 = tpu.memref_slice %arg4[%dma_wait3A_478] : memref<320000xi32, #tpu.memory_space<hbm>> -> memref<32xi32, #tpu.memory_space<hbm>>
        %dma_wait3A_480 = arith.constant 0 : i32
        %dma_wait3A_481 = tpu.memref_slice %arg4[%dma_wait3A_480] : memref<320000xi32, #tpu.memory_space<hbm>> -> memref<32xi32, #tpu.memory_space<hbm>>
        tpu.wait_dma2 semaphore(%arg29 : memref<!tpu.dma_semaphore, #tpu.memory_space<semaphore_mem>>) src(%dma_wait3A_481 : memref<32xi32, #tpu.memory_space<hbm>>) dst(%arg8 : memref<32xi32, #tpu.memory_space<vmem>>)
        %dma_wait3A_482 = arith.constant 0 : i32
        %dma_wait3A_483 = tpu.memref_slice %arg5[%dma_wait3A_482] : memref<320000xi32, #tpu.memory_space<hbm>> -> memref<32xi32, #tpu.memory_space<hbm>>
        %dma_wait3A_484 = arith.constant 0 : i32
        %dma_wait3A_485 = tpu.memref_slice %arg5[%dma_wait3A_484] : memref<320000xi32, #tpu.memory_space<hbm>> -> memref<32xi32, #tpu.memory_space<hbm>>
        tpu.wait_dma2 semaphore(%arg29 : memref<!tpu.dma_semaphore, #tpu.memory_space<semaphore_mem>>) src(%dma_wait3A_485 : memref<32xi32, #tpu.memory_space<hbm>>) dst(%arg12 : memref<32xi32, #tpu.memory_space<vmem>>)
        %get3A_486 = arith.constant 0 : index
        %get3A_487 = tpu.vector_load %arg8[%get3A_486] {strides = array<i32>} : memref<32xi32, #tpu.memory_space<vmem>>, vector<16xi32>,
        %get3A_488 = vector.shape_cast %get3A_487 : vector<16xi32> to vector<16xi32>
        %add3A_489 = vector.broadcast %mul3A_0 : i32 to vector<16xi32>
        %add3A_490 = arith.addi %get3A_488, %add3A_489 : vector<16xi32>
        %swap3A_491 = arith.constant 0 : index
        %swap3A_492 = tpu.vector_load %arg8[%swap3A_491] {strides = array<i32>} : memref<32xi32, #tpu.memory_space<vmem>>, vector<16xi32>,
        %swap3A_493 = vector.shape_cast %swap3A_492 : vector<16xi32> to vector<16xi32>
        %swap3A_494 = vector.shape_cast %add3A_490 : vector<16xi32> to vector<16xi32>
        tpu.vector_store %arg8[%swap3A_491], %swap3A_494 {strides = array<i32>} : memref<32xi32, #tpu.memory_space<vmem>>, vector<16xi32>,
        %get3A_495 = arith.constant 16 : index
        %get3A_496 = tpu.vector_load %arg8[%get3A_495] {strides = array<i32>} : memref<32xi32, #tpu.memory_space<vmem>>, vector<16xi32>,
        %get3A_497 = vector.shape_cast %get3A_496 : vector<16xi32> to vector<16xi32>
        %add3A_498 = vector.broadcast %mul3A_0 : i32 to vector<16xi32>
        %add3A_499 = arith.addi %get3A_497, %add3A_498 : vector<16xi32>
        %swap3A_500 = arith.constant 16 : index
        %swap3A_501 = tpu.vector_load %arg8[%swap3A_500] {strides = array<i32>} : memref<32xi32, #tpu.memory_space<vmem>>, vector<16xi32>,
        %swap3A_502 = vector.shape_cast %swap3A_501 : vector<16xi32> to vector<16xi32>
        %swap3A_503 = vector.shape_cast %add3A_499 : vector<16xi32> to vector<16xi32>
        tpu.vector_store %arg8[%swap3A_500], %swap3A_503 {strides = array<i32>} : memref<32xi32, #tpu.memory_space<vmem>>, vector<16xi32>,
        %dma_start3A_504 = arith.constant 0 : i32
        %dma_start3A_505 = arith.constant 0 : i32
        %dma_start3A_506 = tpu.memref_slice %arg2[%dma_start3A_504, %dma_start3A_505] : memref<20000x128xf32, #tpu.memory_space<hbm>> -> memref<20000x128xf32, #tpu.memory_space<hbm>>
        tpu.enqueue_indirect_dma source(%dma_start3A_506 : memref<20000x128xf32, #tpu.memory_space<hbm>>) target(%arg18 : memref<32x128xf32, #tpu.memory_space<vmem>>) offsets(%arg8 : memref<32xi32, #tpu.memory_space<vmem>>) semaphore(%arg33 : memref<!tpu.dma_semaphore, #tpu.memory_space<semaphore_mem>>)
        %dma_start3A_507 = arith.constant 0 : i32
        %dma_start3A_508 = arith.constant 0 : i32
        %dma_start3A_509 = tpu.memref_slice %arg3[%dma_start3A_507, %dma_start3A_508] : memref<10000x128xf32, #tpu.memory_space<hbm>> -> memref<10000x128xf32, #tpu.memory_space<hbm>>
        tpu.enqueue_indirect_dma source(%dma_start3A_509 : memref<10000x128xf32, #tpu.memory_space<hbm>>) target(%arg22 : memref<32x128xf32, #tpu.memory_space<vmem>>) offsets(%arg12 : memref<32xi32, #tpu.memory_space<vmem>>) semaphore(%arg37 : memref<!tpu.dma_semaphore, #tpu.memory_space<semaphore_mem>>)
      } else {
      }
      %ge3A_396 = arith.constant 2 : i32
      %ge3A_397 = arith.cmpi sge, %add3A_382, %ge3A_396 : i32
      %convert_element_type3A_398 = arith.extui %ge3A_397 : i1 to i32
      %cond3A_399 = arith.constant 0 : i32
      %cond3A_400 = arith.cmpi ne, %convert_element_type3A_398, %cond3A_399 : i32
      scf.if %cond3A_400 {
        %dma_wait3A_478 = arith.constant 0 : i32
        %dma_wait3A_479 = arith.constant 0 : i32
        %dma_wait3A_480 = tpu.memref_slice %arg27[%dma_wait3A_478, %dma_wait3A_479] : memref<10240x128xf32, #tpu.memory_space<vmem_shared>> -> memref<10240x128xf32, #tpu.memory_space<vmem_shared>>
        tpu.wait_indirect_dma semaphore(%arg40 : memref<!tpu.dma_semaphore, #tpu.memory_space<semaphore_mem>>) src(%arg25 : memref<32x128xf32, #tpu.memory_space<vmem>>) dst(%dma_wait3A_480 : memref<10240x128xf32, #tpu.memory_space<vmem_shared>>)
      } else {
      }
      %parallel_loop3A_401 = arith.constant 0 : i32
      %parallel_loop3A_402 = arith.constant 32 : i32
      %parallel_loop3A_403 = arith.constant 1 : i32
      scf.for %parallel_loop3A_478 = %parallel_loop3A_401 to %parallel_loop3A_402 step %parallel_loop3A_403  : i32 {
        %parallel_loop3A_479 = arith.index_cast %parallel_loop3A_478 : i32 to index
        %parallel_loop3A_480 = arith.constant 0 : index
        %parallel_loop3A_481 = tpu.vector_load %arg19[%parallel_loop3A_479, %parallel_loop3A_480] {strides = array<i32>} : memref<32x128xf32, #tpu.memory_space<vmem>>, vector<1x16xf32>,
        %parallel_loop3A_482 = vector.shape_cast %parallel_loop3A_481 : vector<1x16xf32> to vector<16xf32>
        %parallel_loop3A_483 = arith.index_cast %parallel_loop3A_478 : i32 to index
        %parallel_loop3A_484 = arith.constant 64 : index
        %parallel_loop3A_485 = tpu.vector_load %arg19[%parallel_loop3A_483, %parallel_loop3A_484] {strides = array<i32>} : memref<32x128xf32, #tpu.memory_space<vmem>>, vector<1x16xf32>,
        %parallel_loop3A_486 = vector.shape_cast %parallel_loop3A_485 : vector<1x16xf32> to vector<16xf32>
        %parallel_loop3A_487 = arith.constant 0 : i32
        %parallel_loop3A_488 = arith.addi %mul3A_2, %parallel_loop3A_487 : i32
        %parallel_loop3A_489 = arith.index_cast %parallel_loop3A_478 : i32 to index
        %parallel_loop3A_490 = arith.index_cast %parallel_loop3A_488 : i32 to index
        %parallel_loop3A_491 = tpu.vector_load %arg23[%parallel_loop3A_489, %parallel_loop3A_490] {strides = array<i32>} : memref<32x128xf32, #tpu.memory_space<vmem>>, vector<1x16xf32>,
        %parallel_loop3A_492 = vector.shape_cast %parallel_loop3A_491 : vector<1x16xf32> to vector<16xf32>
        %parallel_loop3A_493 = arith.addf %parallel_loop3A_486, %parallel_loop3A_492 : vector<16xf32>
        %parallel_loop3A_494 = arith.constant 0.000000e+00 : f32
        %parallel_loop3A_495 = vector.broadcast %parallel_loop3A_494 : f32 to vector<16xf32>
        %parallel_loop3A_496 = arith.subf %parallel_loop3A_495, %parallel_loop3A_493 : vector<16xf32>
        %parallel_loop3A_497 = math.exp %parallel_loop3A_496 : vector<16xf32>
        %parallel_loop3A_498 = arith.constant 1.000000e+00 : f32
        %parallel_loop3A_499 = vector.broadcast %parallel_loop3A_498 : f32 to vector<16xf32>
        %parallel_loop3A_500 = arith.addf %parallel_loop3A_499, %parallel_loop3A_497 : vector<16xf32>
        %parallel_loop3A_501 = arith.constant 1.000000e+00 : f32
        %parallel_loop3A_502 = vector.broadcast %parallel_loop3A_501 : f32 to vector<16xf32>
        %parallel_loop3A_503 = arith.divf %parallel_loop3A_502, %parallel_loop3A_500 : vector<16xf32>
        %parallel_loop3A_504 = arith.mulf %parallel_loop3A_503, %parallel_loop3A_482 : vector<16xf32>
        %parallel_loop3A_505 = arith.index_cast %parallel_loop3A_478 : i32 to index
        %parallel_loop3A_506 = arith.constant 0 : index
        %parallel_loop3A_507 = tpu.vector_load %arg25[%parallel_loop3A_505, %parallel_loop3A_506] {strides = array<i32>} : memref<32x128xf32, #tpu.memory_space<vmem>>, vector<1x16xf32>,
        %parallel_loop3A_508 = vector.shape_cast %parallel_loop3A_507 : vector<1x16xf32> to vector<16xf32>
        %parallel_loop3A_509 = vector.shape_cast %parallel_loop3A_504 : vector<16xf32> to vector<1x16xf32>
        tpu.vector_store %arg25[%parallel_loop3A_505, %parallel_loop3A_506], %parallel_loop3A_509 {strides = array<i32>} : memref<32x128xf32, #tpu.memory_space<vmem>>, vector<1x16xf32>,
        %parallel_loop3A_510 = arith.index_cast %parallel_loop3A_478 : i32 to index
        %parallel_loop3A_511 = arith.constant 64 : index
        %parallel_loop3A_512 = tpu.vector_load %arg25[%parallel_loop3A_510, %parallel_loop3A_511] {strides = array<i32>} : memref<32x128xf32, #tpu.memory_space<vmem>>, vector<1x16xf32>,
        %parallel_loop3A_513 = vector.shape_cast %parallel_loop3A_512 : vector<1x16xf32> to vector<16xf32>
        %parallel_loop3A_514 = vector.shape_cast %parallel_loop3A_503 : vector<16xf32> to vector<1x16xf32>
        tpu.vector_store %arg25[%parallel_loop3A_510, %parallel_loop3A_511], %parallel_loop3A_514 {strides = array<i32>} : memref<32x128xf32, #tpu.memory_space<vmem>>, vector<1x16xf32>,
        %parallel_loop3A_515 = arith.index_cast %parallel_loop3A_478 : i32 to index
        %parallel_loop3A_516 = arith.constant 16 : index
        %parallel_loop3A_517 = tpu.vector_load %arg19[%parallel_loop3A_515, %parallel_loop3A_516] {strides = array<i32>} : memref<32x128xf32, #tpu.memory_space<vmem>>, vector<1x16xf32>,
        %parallel_loop3A_518 = vector.shape_cast %parallel_loop3A_517 : vector<1x16xf32> to vector<16xf32>
        %parallel_loop3A_519 = arith.index_cast %parallel_loop3A_478 : i32 to index
        %parallel_loop3A_520 = arith.constant 80 : index
        %parallel_loop3A_521 = tpu.vector_load %arg19[%parallel_loop3A_519, %parallel_loop3A_520] {strides = array<i32>} : memref<32x128xf32, #tpu.memory_space<vmem>>, vector<1x16xf32>,
        %parallel_loop3A_522 = vector.shape_cast %parallel_loop3A_521 : vector<1x16xf32> to vector<16xf32>
        %parallel_loop3A_523 = arith.constant 16 : i32
        %parallel_loop3A_524 = arith.addi %mul3A_2, %parallel_loop3A_523 : i32
        %parallel_loop3A_525 = arith.index_cast %parallel_loop3A_478 : i32 to index
        %parallel_loop3A_526 = arith.index_cast %parallel_loop3A_524 : i32 to index
        %parallel_loop3A_527 = tpu.vector_load %arg23[%parallel_loop3A_525, %parallel_loop3A_526] {strides = array<i32>} : memref<32x128xf32, #tpu.memory_space<vmem>>, vector<1x16xf32>,
        %parallel_loop3A_528 = vector.shape_cast %parallel_loop3A_527 : vector<1x16xf32> to vector<16xf32>
        %parallel_loop3A_529 = arith.addf %parallel_loop3A_522, %parallel_loop3A_528 : vector<16xf32>
        %parallel_loop3A_530 = arith.constant 0.000000e+00 : f32
        %parallel_loop3A_531 = vector.broadcast %parallel_loop3A_530 : f32 to vector<16xf32>
        %parallel_loop3A_532 = arith.subf %parallel_loop3A_531, %parallel_loop3A_529 : vector<16xf32>
        %parallel_loop3A_533 = math.exp %parallel_loop3A_532 : vector<16xf32>
        %parallel_loop3A_534 = arith.constant 1.000000e+00 : f32
        %parallel_loop3A_535 = vector.broadcast %parallel_loop3A_534 : f32 to vector<16xf32>
        %parallel_loop3A_536 = arith.addf %parallel_loop3A_535, %parallel_loop3A_533 : vector<16xf32>
        %parallel_loop3A_537 = arith.constant 1.000000e+00 : f32
        %parallel_loop3A_538 = vector.broadcast %parallel_loop3A_537 : f32 to vector<16xf32>
        %parallel_loop3A_539 = arith.divf %parallel_loop3A_538, %parallel_loop3A_536 : vector<16xf32>
        %parallel_loop3A_540 = arith.mulf %parallel_loop3A_539, %parallel_loop3A_518 : vector<16xf32>
        %parallel_loop3A_541 = arith.index_cast %parallel_loop3A_478 : i32 to index
        %parallel_loop3A_542 = arith.constant 16 : index
        %parallel_loop3A_543 = tpu.vector_load %arg25[%parallel_loop3A_541, %parallel_loop3A_542] {strides = array<i32>} : memref<32x128xf32, #tpu.memory_space<vmem>>, vector<1x16xf32>,
        %parallel_loop3A_544 = vector.shape_cast %parallel_loop3A_543 : vector<1x16xf32> to vector<16xf32>
        %parallel_loop3A_545 = vector.shape_cast %parallel_loop3A_540 : vector<16xf32> to vector<1x16xf32>
        tpu.vector_store %arg25[%parallel_loop3A_541, %parallel_loop3A_542], %parallel_loop3A_545 {strides = array<i32>} : memref<32x128xf32, #tpu.memory_space<vmem>>, vector<1x16xf32>,
        %parallel_loop3A_546 = arith.index_cast %parallel_loop3A_478 : i32 to index
        %parallel_loop3A_547 = arith.constant 80 : index
        %parallel_loop3A_548 = tpu.vector_load %arg25[%parallel_loop3A_546, %parallel_loop3A_547] {strides = array<i32>} : memref<32x128xf32, #tpu.memory_space<vmem>>, vector<1x16xf32>,
        %parallel_loop3A_549 = vector.shape_cast %parallel_loop3A_548 : vector<1x16xf32> to vector<16xf32>
        %parallel_loop3A_550 = vector.shape_cast %parallel_loop3A_539 : vector<16xf32> to vector<1x16xf32>
        tpu.vector_store %arg25[%parallel_loop3A_546, %parallel_loop3A_547], %parallel_loop3A_550 {strides = array<i32>} : memref<32x128xf32, #tpu.memory_space<vmem>>, vector<1x16xf32>,
        %parallel_loop3A_551 = arith.index_cast %parallel_loop3A_478 : i32 to index
        %parallel_loop3A_552 = arith.constant 32 : index
        %parallel_loop3A_553 = tpu.vector_load %arg19[%parallel_loop3A_551, %parallel_loop3A_552] {strides = array<i32>} : memref<32x128xf32, #tpu.memory_space<vmem>>, vector<1x16xf32>,
        %parallel_loop3A_554 = vector.shape_cast %parallel_loop3A_553 : vector<1x16xf32> to vector<16xf32>
        %parallel_loop3A_555 = arith.index_cast %parallel_loop3A_478 : i32 to index
        %parallel_loop3A_556 = arith.constant 96 : index
        %parallel_loop3A_557 = tpu.vector_load %arg19[%parallel_loop3A_555, %parallel_loop3A_556] {strides = array<i32>} : memref<32x128xf32, #tpu.memory_space<vmem>>, vector<1x16xf32>,
        %parallel_loop3A_558 = vector.shape_cast %parallel_loop3A_557 : vector<1x16xf32> to vector<16xf32>
        %parallel_loop3A_559 = arith.constant 32 : i32
        %parallel_loop3A_560 = arith.addi %mul3A_2, %parallel_loop3A_559 : i32
        %parallel_loop3A_561 = arith.index_cast %parallel_loop3A_478 : i32 to index
        %parallel_loop3A_562 = arith.index_cast %parallel_loop3A_560 : i32 to index
        %parallel_loop3A_563 = tpu.vector_load %arg23[%parallel_loop3A_561, %parallel_loop3A_562] {strides = array<i32>} : memref<32x128xf32, #tpu.memory_space<vmem>>, vector<1x16xf32>,
        %parallel_loop3A_564 = vector.shape_cast %parallel_loop3A_563 : vector<1x16xf32> to vector<16xf32>
        %parallel_loop3A_565 = arith.addf %parallel_loop3A_558, %parallel_loop3A_564 : vector<16xf32>
        %parallel_loop3A_566 = arith.constant 0.000000e+00 : f32
        %parallel_loop3A_567 = vector.broadcast %parallel_loop3A_566 : f32 to vector<16xf32>
        %parallel_loop3A_568 = arith.subf %parallel_loop3A_567, %parallel_loop3A_565 : vector<16xf32>
        %parallel_loop3A_569 = math.exp %parallel_loop3A_568 : vector<16xf32>
        %parallel_loop3A_570 = arith.constant 1.000000e+00 : f32
        %parallel_loop3A_571 = vector.broadcast %parallel_loop3A_570 : f32 to vector<16xf32>
        %parallel_loop3A_572 = arith.addf %parallel_loop3A_571, %parallel_loop3A_569 : vector<16xf32>
        %parallel_loop3A_573 = arith.constant 1.000000e+00 : f32
        %parallel_loop3A_574 = vector.broadcast %parallel_loop3A_573 : f32 to vector<16xf32>
        %parallel_loop3A_575 = arith.divf %parallel_loop3A_574, %parallel_loop3A_572 : vector<16xf32>
        %parallel_loop3A_576 = arith.mulf %parallel_loop3A_575, %parallel_loop3A_554 : vector<16xf32>
        %parallel_loop3A_577 = arith.index_cast %parallel_loop3A_478 : i32 to index
        %parallel_loop3A_578 = arith.constant 32 : index
        %parallel_loop3A_579 = tpu.vector_load %arg25[%parallel_loop3A_577, %parallel_loop3A_578] {strides = array<i32>} : memref<32x128xf32, #tpu.memory_space<vmem>>, vector<1x16xf32>,
        %parallel_loop3A_580 = vector.shape_cast %parallel_loop3A_579 : vector<1x16xf32> to vector<16xf32>
        %parallel_loop3A_581 = vector.shape_cast %parallel_loop3A_576 : vector<16xf32> to vector<1x16xf32>
        tpu.vector_store %arg25[%parallel_loop3A_577, %parallel_loop3A_578], %parallel_loop3A_581 {strides = array<i32>} : memref<32x128xf32, #tpu.memory_space<vmem>>, vector<1x16xf32>,
        %parallel_loop3A_582 = arith.index_cast %parallel_loop3A_478 : i32 to index
        %parallel_loop3A_583 = arith.constant 96 : index
        %parallel_loop3A_584 = tpu.vector_load %arg25[%parallel_loop3A_582, %parallel_loop3A_583] {strides = array<i32>} : memref<32x128xf32, #tpu.memory_space<vmem>>, vector<1x16xf32>,
        %parallel_loop3A_585 = vector.shape_cast %parallel_loop3A_584 : vector<1x16xf32> to vector<16xf32>
        %parallel_loop3A_586 = vector.shape_cast %parallel_loop3A_575 : vector<16xf32> to vector<1x16xf32>
        tpu.vector_store %arg25[%parallel_loop3A_582, %parallel_loop3A_583], %parallel_loop3A_586 {strides = array<i32>} : memref<32x128xf32, #tpu.memory_space<vmem>>, vector<1x16xf32>,
        %parallel_loop3A_587 = arith.index_cast %parallel_loop3A_478 : i32 to index
        %parallel_loop3A_588 = arith.constant 48 : index
        %parallel_loop3A_589 = tpu.vector_load %arg19[%parallel_loop3A_587, %parallel_loop3A_588] {strides = array<i32>} : memref<32x128xf32, #tpu.memory_space<vmem>>, vector<1x16xf32>,
        %parallel_loop3A_590 = vector.shape_cast %parallel_loop3A_589 : vector<1x16xf32> to vector<16xf32>
        %parallel_loop3A_591 = arith.index_cast %parallel_loop3A_478 : i32 to index
        %parallel_loop3A_592 = arith.constant 112 : index
        %parallel_loop3A_593 = tpu.vector_load %arg19[%parallel_loop3A_591, %parallel_loop3A_592] {strides = array<i32>} : memref<32x128xf32, #tpu.memory_space<vmem>>, vector<1x16xf32>,
        %parallel_loop3A_594 = vector.shape_cast %parallel_loop3A_593 : vector<1x16xf32> to vector<16xf32>
        %parallel_loop3A_595 = arith.constant 48 : i32
        %parallel_loop3A_596 = arith.addi %mul3A_2, %parallel_loop3A_595 : i32
        %parallel_loop3A_597 = arith.index_cast %parallel_loop3A_478 : i32 to index
        %parallel_loop3A_598 = arith.index_cast %parallel_loop3A_596 : i32 to index
        %parallel_loop3A_599 = tpu.vector_load %arg23[%parallel_loop3A_597, %parallel_loop3A_598] {strides = array<i32>} : memref<32x128xf32, #tpu.memory_space<vmem>>, vector<1x16xf32>,
        %parallel_loop3A_600 = vector.shape_cast %parallel_loop3A_599 : vector<1x16xf32> to vector<16xf32>
        %parallel_loop3A_601 = arith.addf %parallel_loop3A_594, %parallel_loop3A_600 : vector<16xf32>
        %parallel_loop3A_602 = arith.constant 0.000000e+00 : f32
        %parallel_loop3A_603 = vector.broadcast %parallel_loop3A_602 : f32 to vector<16xf32>
        %parallel_loop3A_604 = arith.subf %parallel_loop3A_603, %parallel_loop3A_601 : vector<16xf32>
        %parallel_loop3A_605 = math.exp %parallel_loop3A_604 : vector<16xf32>
        %parallel_loop3A_606 = arith.constant 1.000000e+00 : f32
        %parallel_loop3A_607 = vector.broadcast %parallel_loop3A_606 : f32 to vector<16xf32>
        %parallel_loop3A_608 = arith.addf %parallel_loop3A_607, %parallel_loop3A_605 : vector<16xf32>
        %parallel_loop3A_609 = arith.constant 1.000000e+00 : f32
        %parallel_loop3A_610 = vector.broadcast %parallel_loop3A_609 : f32 to vector<16xf32>
        %parallel_loop3A_611 = arith.divf %parallel_loop3A_610, %parallel_loop3A_608 : vector<16xf32>
        %parallel_loop3A_612 = arith.mulf %parallel_loop3A_611, %parallel_loop3A_590 : vector<16xf32>
        %parallel_loop3A_613 = arith.index_cast %parallel_loop3A_478 : i32 to index
        %parallel_loop3A_614 = arith.constant 48 : index
        %parallel_loop3A_615 = tpu.vector_load %arg25[%parallel_loop3A_613, %parallel_loop3A_614] {strides = array<i32>} : memref<32x128xf32, #tpu.memory_space<vmem>>, vector<1x16xf32>,
        %parallel_loop3A_616 = vector.shape_cast %parallel_loop3A_615 : vector<1x16xf32> to vector<16xf32>
        %parallel_loop3A_617 = vector.shape_cast %parallel_loop3A_612 : vector<16xf32> to vector<1x16xf32>
        tpu.vector_store %arg25[%parallel_loop3A_613, %parallel_loop3A_614], %parallel_loop3A_617 {strides = array<i32>} : memref<32x128xf32, #tpu.memory_space<vmem>>, vector<1x16xf32>,
        %parallel_loop3A_618 = arith.index_cast %parallel_loop3A_478 : i32 to index
        %parallel_loop3A_619 = arith.constant 112 : index
        %parallel_loop3A_620 = tpu.vector_load %arg25[%parallel_loop3A_618, %parallel_loop3A_619] {strides = array<i32>} : memref<32x128xf32, #tpu.memory_space<vmem>>, vector<1x16xf32>,
        %parallel_loop3A_621 = vector.shape_cast %parallel_loop3A_620 : vector<1x16xf32> to vector<16xf32>
        %parallel_loop3A_622 = vector.shape_cast %parallel_loop3A_611 : vector<16xf32> to vector<1x16xf32>
        tpu.vector_store %arg25[%parallel_loop3A_618, %parallel_loop3A_619], %parallel_loop3A_622 {strides = array<i32>} : memref<32x128xf32, #tpu.memory_space<vmem>>, vector<1x16xf32>,
      } {sc.loop_unroll_factor = 4 : i64, sc.parallel_access}
      %get3A_404 = arith.constant 0 : index
      %get3A_405 = tpu.vector_load %arg13[%get3A_404] {strides = array<i32>} : memref<32xi32, #tpu.memory_space<vmem>>, vector<16xi32>,
      %get3A_406 = vector.shape_cast %get3A_405 : vector<16xi32> to vector<16xi32>
      %swap3A_407 = arith.constant 0 : index
      %swap3A_408 = tpu.vector_load %arg15[%swap3A_407] {strides = array<i32>} : memref<32xi32, #tpu.memory_space<vmem>>, vector<16xi32>,
      %swap3A_409 = vector.shape_cast %swap3A_408 : vector<16xi32> to vector<16xi32>
      %swap3A_410 = vector.shape_cast %get3A_406 : vector<16xi32> to vector<16xi32>
      tpu.vector_store %arg15[%swap3A_407], %swap3A_410 {strides = array<i32>} : memref<32xi32, #tpu.memory_space<vmem>>, vector<16xi32>,
      %get3A_411 = arith.constant 16 : index
      %get3A_412 = tpu.vector_load %arg13[%get3A_411] {strides = array<i32>} : memref<32xi32, #tpu.memory_space<vmem>>, vector<16xi32>,
      %get3A_413 = vector.shape_cast %get3A_412 : vector<16xi32> to vector<16xi32>
      %swap3A_414 = arith.constant 16 : index
      %swap3A_415 = tpu.vector_load %arg15[%swap3A_414] {strides = array<i32>} : memref<32xi32, #tpu.memory_space<vmem>>, vector<16xi32>,
      %swap3A_416 = vector.shape_cast %swap3A_415 : vector<16xi32> to vector<16xi32>
      %swap3A_417 = vector.shape_cast %get3A_413 : vector<16xi32> to vector<16xi32>
      tpu.vector_store %arg15[%swap3A_414], %swap3A_417 {strides = array<i32>} : memref<32xi32, #tpu.memory_space<vmem>>, vector<16xi32>,
      %dma_start3A_418 = arith.constant 0 : i32
      %dma_start3A_419 = arith.constant 0 : i32
      %dma_start3A_420 = tpu.memref_slice %arg27[%dma_start3A_418, %dma_start3A_419] : memref<10240x128xf32, #tpu.memory_space<vmem_shared>> -> memref<10240x128xf32, #tpu.memory_space<vmem_shared>>
      tpu.enqueue_indirect_dma source(%arg25 : memref<32x128xf32, #tpu.memory_space<vmem>>) target(%dma_start3A_420 : memref<10240x128xf32, #tpu.memory_space<vmem_shared>>) offsets(%arg15 : memref<32xi32, #tpu.memory_space<vmem>>) semaphore(%arg40 : memref<!tpu.dma_semaphore, #tpu.memory_space<semaphore_mem>>) {add = true}
      %add3A_421 = arith.constant 4 : i32
      %add3A_422 = arith.addi %add3A_382, %add3A_421 : i32
      %le3A_423 = arith.constant 624 : i32
      %le3A_424 = arith.cmpi sle, %add3A_422, %le3A_423 : i32
      %convert_element_type3A_425 = arith.extui %le3A_424 : i1 to i32
      %cond3A_426 = arith.constant 0 : i32
      %cond3A_427 = arith.cmpi ne, %convert_element_type3A_425, %cond3A_426 : i32
      scf.if %cond3A_427 {
        %mul3A_478 = arith.constant 20000 : i32
        %mul3A_479 = arith.muli %arg1, %mul3A_478 : i32
        %add3A_480 = arith.constant 4 : i32
        %add3A_481 = arith.addi %add3A_382, %add3A_480 : i32
        %mul3A_482 = arith.constant 32 : i32
        %mul3A_483 = arith.muli %add3A_481, %mul3A_482 : i32
        %add3A_484 = arith.addi %mul3A_479, %mul3A_483 : i32
        %dma_start3A_485 = tpu.memref_slice %arg4[%add3A_484] : memref<320000xi32, #tpu.memory_space<hbm>> -> memref<32xi32, #tpu.memory_space<hbm>>
        %dma_start3A_486 = tpu.memref_slice %arg4[%add3A_484] : memref<320000xi32, #tpu.memory_space<hbm>> -> memref<32xi32, #tpu.memory_space<hbm>>
        tpu.enqueue_dma source(%dma_start3A_486 : memref<32xi32, #tpu.memory_space<hbm>>) target(%arg9 : memref<32xi32, #tpu.memory_space<vmem>>) target_semaphore(%arg30 : memref<!tpu.dma_semaphore, #tpu.memory_space<semaphore_mem>>)
        %dma_start3A_487 = tpu.memref_slice %arg5[%add3A_484] : memref<320000xi32, #tpu.memory_space<hbm>> -> memref<32xi32, #tpu.memory_space<hbm>>
        %dma_start3A_488 = tpu.memref_slice %arg5[%add3A_484] : memref<320000xi32, #tpu.memory_space<hbm>> -> memref<32xi32, #tpu.memory_space<hbm>>
        tpu.enqueue_dma source(%dma_start3A_488 : memref<32xi32, #tpu.memory_space<hbm>>) target(%arg13 : memref<32xi32, #tpu.memory_space<vmem>>) target_semaphore(%arg30 : memref<!tpu.dma_semaphore, #tpu.memory_space<semaphore_mem>>)
      } else {
      }
      %mul3A_428 = arith.constant 4 : i32
      %mul3A_429 = arith.muli %mul3A_428, %scan3A_284 : i32
      %add3A_430 = arith.constant 3 : i32
      %add3A_431 = arith.addi %mul3A_429, %add3A_430 : i32
      %dma_wait3A_432 = arith.constant 0 : i32
      %dma_wait3A_433 = arith.constant 0 : i32
      %dma_wait3A_434 = tpu.memref_slice %arg2[%dma_wait3A_432, %dma_wait3A_433] : memref<20000x128xf32, #tpu.memory_space<hbm>> -> memref<20000x128xf32, #tpu.memory_space<hbm>>
      tpu.wait_indirect_dma semaphore(%arg35 : memref<!tpu.dma_semaphore, #tpu.memory_space<semaphore_mem>>) src(%dma_wait3A_434 : memref<20000x128xf32, #tpu.memory_space<hbm>>) dst(%arg20 : memref<32x128xf32, #tpu.memory_space<vmem>>)
      %dma_wait3A_435 = arith.constant 0 : i32
      %dma_wait3A_436 = arith.constant 0 : i32
      %dma_wait3A_437 = tpu.memref_slice %arg3[%dma_wait3A_435, %dma_wait3A_436] : memref<10000x128xf32, #tpu.memory_space<hbm>> -> memref<10000x128xf32, #tpu.memory_space<hbm>>
      tpu.wait_indirect_dma semaphore(%arg39 : memref<!tpu.dma_semaphore, #tpu.memory_space<semaphore_mem>>) src(%dma_wait3A_437 : memref<10000x128xf32, #tpu.memory_space<hbm>>) dst(%arg24 : memref<32x128xf32, #tpu.memory_space<vmem>>)
      %add3A_438 = arith.constant 3 : i32
      %add3A_439 = arith.addi %add3A_431, %add3A_438 : i32
      %lt3A_440 = arith.constant 624 : i32
      %lt3A_441 = arith.cmpi slt, %add3A_439, %lt3A_440 : i32
      %convert_element_type3A_442 = arith.extui %lt3A_441 : i1 to i32
      %cond3A_443 = arith.constant 0 : i32
      %cond3A_444 = arith.cmpi ne, %convert_element_type3A_442, %cond3A_443 : i32
      scf.if %cond3A_444 {
        %dma_wait3A_478 = arith.constant 0 : i32
        %dma_wait3A_479 = tpu.memref_slice %arg4[%dma_wait3A_478] : memref<320000xi32, #tpu.memory_space<hbm>> -> memref<32xi32, #tpu.memory_space<hbm>>
        %dma_wait3A_480 = arith.constant 0 : i32
        %dma_wait3A_481 = tpu.memref_slice %arg4[%dma_wait3A_480] : memref<320000xi32, #tpu.memory_space<hbm>> -> memref<32xi32, #tpu.memory_space<hbm>>
        tpu.wait_dma2 semaphore(%arg30 : memref<!tpu.dma_semaphore, #tpu.memory_space<semaphore_mem>>) src(%dma_wait3A_481 : memref<32xi32, #tpu.memory_space<hbm>>) dst(%arg9 : memref<32xi32, #tpu.memory_space<vmem>>)
        %dma_wait3A_482 = arith.constant 0 : i32
        %dma_wait3A_483 = tpu.memref_slice %arg5[%dma_wait3A_482] : memref<320000xi32, #tpu.memory_space<hbm>> -> memref<32xi32, #tpu.memory_space<hbm>>
        %dma_wait3A_484 = arith.constant 0 : i32
        %dma_wait3A_485 = tpu.memref_slice %arg5[%dma_wait3A_484] : memref<320000xi32, #tpu.memory_space<hbm>> -> memref<32xi32, #tpu.memory_space<hbm>>
        tpu.wait_dma2 semaphore(%arg30 : memref<!tpu.dma_semaphore, #tpu.memory_space<semaphore_mem>>) src(%dma_wait3A_485 : memref<32xi32, #tpu.memory_space<hbm>>) dst(%arg13 : memref<32xi32, #tpu.memory_space<vmem>>)
        %get3A_486 = arith.constant 0 : index
        %get3A_487 = tpu.vector_load %arg9[%get3A_486] {strides = array<i32>} : memref<32xi32, #tpu.memory_space<vmem>>, vector<16xi32>,
        %get3A_488 = vector.shape_cast %get3A_487 : vector<16xi32> to vector<16xi32>
        %add3A_489 = vector.broadcast %mul3A_0 : i32 to vector<16xi32>
        %add3A_490 = arith.addi %get3A_488, %add3A_489 : vector<16xi32>
        %swap3A_491 = arith.constant 0 : index
        %swap3A_492 = tpu.vector_load %arg9[%swap3A_491] {strides = array<i32>} : memref<32xi32, #tpu.memory_space<vmem>>, vector<16xi32>,
        %swap3A_493 = vector.shape_cast %swap3A_492 : vector<16xi32> to vector<16xi32>
        %swap3A_494 = vector.shape_cast %add3A_490 : vector<16xi32> to vector<16xi32>
        tpu.vector_store %arg9[%swap3A_491], %swap3A_494 {strides = array<i32>} : memref<32xi32, #tpu.memory_space<vmem>>, vector<16xi32>,
        %get3A_495 = arith.constant 16 : index
        %get3A_496 = tpu.vector_load %arg9[%get3A_495] {strides = array<i32>} : memref<32xi32, #tpu.memory_space<vmem>>, vector<16xi32>,
        %get3A_497 = vector.shape_cast %get3A_496 : vector<16xi32> to vector<16xi32>
        %add3A_498 = vector.broadcast %mul3A_0 : i32 to vector<16xi32>
        %add3A_499 = arith.addi %get3A_497, %add3A_498 : vector<16xi32>
        %swap3A_500 = arith.constant 16 : index
        %swap3A_501 = tpu.vector_load %arg9[%swap3A_500] {strides = array<i32>} : memref<32xi32, #tpu.memory_space<vmem>>, vector<16xi32>,
        %swap3A_502 = vector.shape_cast %swap3A_501 : vector<16xi32> to vector<16xi32>
        %swap3A_503 = vector.shape_cast %add3A_499 : vector<16xi32> to vector<16xi32>
        tpu.vector_store %arg9[%swap3A_500], %swap3A_503 {strides = array<i32>} : memref<32xi32, #tpu.memory_space<vmem>>, vector<16xi32>,
        %dma_start3A_504 = arith.constant 0 : i32
        %dma_start3A_505 = arith.constant 0 : i32
        %dma_start3A_506 = tpu.memref_slice %arg2[%dma_start3A_504, %dma_start3A_505] : memref<20000x128xf32, #tpu.memory_space<hbm>> -> memref<20000x128xf32, #tpu.memory_space<hbm>>
        tpu.enqueue_indirect_dma source(%dma_start3A_506 : memref<20000x128xf32, #tpu.memory_space<hbm>>) target(%arg19 : memref<32x128xf32, #tpu.memory_space<vmem>>) offsets(%arg9 : memref<32xi32, #tpu.memory_space<vmem>>) semaphore(%arg34 : memref<!tpu.dma_semaphore, #tpu.memory_space<semaphore_mem>>)
        %dma_start3A_507 = arith.constant 0 : i32
        %dma_start3A_508 = arith.constant 0 : i32
        %dma_start3A_509 = tpu.memref_slice %arg3[%dma_start3A_507, %dma_start3A_508] : memref<10000x128xf32, #tpu.memory_space<hbm>> -> memref<10000x128xf32, #tpu.memory_space<hbm>>
        tpu.enqueue_indirect_dma source(%dma_start3A_509 : memref<10000x128xf32, #tpu.memory_space<hbm>>) target(%arg23 : memref<32x128xf32, #tpu.memory_space<vmem>>) offsets(%arg13 : memref<32xi32, #tpu.memory_space<vmem>>) semaphore(%arg38 : memref<!tpu.dma_semaphore, #tpu.memory_space<semaphore_mem>>)
      } else {
      }
      %ge3A_445 = arith.constant 2 : i32
      %ge3A_446 = arith.cmpi sge, %add3A_431, %ge3A_445 : i32
      %convert_element_type3A_447 = arith.extui %ge3A_446 : i1 to i32
      %cond3A_448 = arith.constant 0 : i32
      %cond3A_449 = arith.cmpi ne, %convert_element_type3A_447, %cond3A_448 : i32
      scf.if %cond3A_449 {
        %dma_wait3A_478 = arith.constant 0 : i32
        %dma_wait3A_479 = arith.constant 0 : i32
        %dma_wait3A_480 = tpu.memref_slice %arg27[%dma_wait3A_478, %dma_wait3A_479] : memref<10240x128xf32, #tpu.memory_space<vmem_shared>> -> memref<10240x128xf32, #tpu.memory_space<vmem_shared>>
        tpu.wait_indirect_dma semaphore(%arg41 : memref<!tpu.dma_semaphore, #tpu.memory_space<semaphore_mem>>) src(%arg26 : memref<32x128xf32, #tpu.memory_space<vmem>>) dst(%dma_wait3A_480 : memref<10240x128xf32, #tpu.memory_space<vmem_shared>>)
      } else {
      }
      %parallel_loop3A_450 = arith.constant 0 : i32
      %parallel_loop3A_451 = arith.constant 32 : i32
      %parallel_loop3A_452 = arith.constant 1 : i32
      scf.for %parallel_loop3A_478 = %parallel_loop3A_450 to %parallel_loop3A_451 step %parallel_loop3A_452  : i32 {
        %parallel_loop3A_479 = arith.index_cast %parallel_loop3A_478 : i32 to index
        %parallel_loop3A_480 = arith.constant 0 : index
        %parallel_loop3A_481 = tpu.vector_load %arg20[%parallel_loop3A_479, %parallel_loop3A_480] {strides = array<i32>} : memref<32x128xf32, #tpu.memory_space<vmem>>, vector<1x16xf32>,
        %parallel_loop3A_482 = vector.shape_cast %parallel_loop3A_481 : vector<1x16xf32> to vector<16xf32>
        %parallel_loop3A_483 = arith.index_cast %parallel_loop3A_478 : i32 to index
        %parallel_loop3A_484 = arith.constant 64 : index
        %parallel_loop3A_485 = tpu.vector_load %arg20[%parallel_loop3A_483, %parallel_loop3A_484] {strides = array<i32>} : memref<32x128xf32, #tpu.memory_space<vmem>>, vector<1x16xf32>,
        %parallel_loop3A_486 = vector.shape_cast %parallel_loop3A_485 : vector<1x16xf32> to vector<16xf32>
        %parallel_loop3A_487 = arith.constant 0 : i32
        %parallel_loop3A_488 = arith.addi %mul3A_2, %parallel_loop3A_487 : i32
        %parallel_loop3A_489 = arith.index_cast %parallel_loop3A_478 : i32 to index
        %parallel_loop3A_490 = arith.index_cast %parallel_loop3A_488 : i32 to index
        %parallel_loop3A_491 = tpu.vector_load %arg24[%parallel_loop3A_489, %parallel_loop3A_490] {strides = array<i32>} : memref<32x128xf32, #tpu.memory_space<vmem>>, vector<1x16xf32>,
        %parallel_loop3A_492 = vector.shape_cast %parallel_loop3A_491 : vector<1x16xf32> to vector<16xf32>
        %parallel_loop3A_493 = arith.addf %parallel_loop3A_486, %parallel_loop3A_492 : vector<16xf32>
        %parallel_loop3A_494 = arith.constant 0.000000e+00 : f32
        %parallel_loop3A_495 = vector.broadcast %parallel_loop3A_494 : f32 to vector<16xf32>
        %parallel_loop3A_496 = arith.subf %parallel_loop3A_495, %parallel_loop3A_493 : vector<16xf32>
        %parallel_loop3A_497 = math.exp %parallel_loop3A_496 : vector<16xf32>
        %parallel_loop3A_498 = arith.constant 1.000000e+00 : f32
        %parallel_loop3A_499 = vector.broadcast %parallel_loop3A_498 : f32 to vector<16xf32>
        %parallel_loop3A_500 = arith.addf %parallel_loop3A_499, %parallel_loop3A_497 : vector<16xf32>
        %parallel_loop3A_501 = arith.constant 1.000000e+00 : f32
        %parallel_loop3A_502 = vector.broadcast %parallel_loop3A_501 : f32 to vector<16xf32>
        %parallel_loop3A_503 = arith.divf %parallel_loop3A_502, %parallel_loop3A_500 : vector<16xf32>
        %parallel_loop3A_504 = arith.mulf %parallel_loop3A_503, %parallel_loop3A_482 : vector<16xf32>
        %parallel_loop3A_505 = arith.index_cast %parallel_loop3A_478 : i32 to index
        %parallel_loop3A_506 = arith.constant 0 : index
        %parallel_loop3A_507 = tpu.vector_load %arg26[%parallel_loop3A_505, %parallel_loop3A_506] {strides = array<i32>} : memref<32x128xf32, #tpu.memory_space<vmem>>, vector<1x16xf32>,
        %parallel_loop3A_508 = vector.shape_cast %parallel_loop3A_507 : vector<1x16xf32> to vector<16xf32>
        %parallel_loop3A_509 = vector.shape_cast %parallel_loop3A_504 : vector<16xf32> to vector<1x16xf32>
        tpu.vector_store %arg26[%parallel_loop3A_505, %parallel_loop3A_506], %parallel_loop3A_509 {strides = array<i32>} : memref<32x128xf32, #tpu.memory_space<vmem>>, vector<1x16xf32>,
        %parallel_loop3A_510 = arith.index_cast %parallel_loop3A_478 : i32 to index
        %parallel_loop3A_511 = arith.constant 64 : index
        %parallel_loop3A_512 = tpu.vector_load %arg26[%parallel_loop3A_510, %parallel_loop3A_511] {strides = array<i32>} : memref<32x128xf32, #tpu.memory_space<vmem>>, vector<1x16xf32>,
        %parallel_loop3A_513 = vector.shape_cast %parallel_loop3A_512 : vector<1x16xf32> to vector<16xf32>
        %parallel_loop3A_514 = vector.shape_cast %parallel_loop3A_503 : vector<16xf32> to vector<1x16xf32>
        tpu.vector_store %arg26[%parallel_loop3A_510, %parallel_loop3A_511], %parallel_loop3A_514 {strides = array<i32>} : memref<32x128xf32, #tpu.memory_space<vmem>>, vector<1x16xf32>,
        %parallel_loop3A_515 = arith.index_cast %parallel_loop3A_478 : i32 to index
        %parallel_loop3A_516 = arith.constant 16 : index
        %parallel_loop3A_517 = tpu.vector_load %arg20[%parallel_loop3A_515, %parallel_loop3A_516] {strides = array<i32>} : memref<32x128xf32, #tpu.memory_space<vmem>>, vector<1x16xf32>,
        %parallel_loop3A_518 = vector.shape_cast %parallel_loop3A_517 : vector<1x16xf32> to vector<16xf32>
        %parallel_loop3A_519 = arith.index_cast %parallel_loop3A_478 : i32 to index
        %parallel_loop3A_520 = arith.constant 80 : index
        %parallel_loop3A_521 = tpu.vector_load %arg20[%parallel_loop3A_519, %parallel_loop3A_520] {strides = array<i32>} : memref<32x128xf32, #tpu.memory_space<vmem>>, vector<1x16xf32>,
        %parallel_loop3A_522 = vector.shape_cast %parallel_loop3A_521 : vector<1x16xf32> to vector<16xf32>
        %parallel_loop3A_523 = arith.constant 16 : i32
        %parallel_loop3A_524 = arith.addi %mul3A_2, %parallel_loop3A_523 : i32
        %parallel_loop3A_525 = arith.index_cast %parallel_loop3A_478 : i32 to index
        %parallel_loop3A_526 = arith.index_cast %parallel_loop3A_524 : i32 to index
        %parallel_loop3A_527 = tpu.vector_load %arg24[%parallel_loop3A_525, %parallel_loop3A_526] {strides = array<i32>} : memref<32x128xf32, #tpu.memory_space<vmem>>, vector<1x16xf32>,
        %parallel_loop3A_528 = vector.shape_cast %parallel_loop3A_527 : vector<1x16xf32> to vector<16xf32>
        %parallel_loop3A_529 = arith.addf %parallel_loop3A_522, %parallel_loop3A_528 : vector<16xf32>
        %parallel_loop3A_530 = arith.constant 0.000000e+00 : f32
        %parallel_loop3A_531 = vector.broadcast %parallel_loop3A_530 : f32 to vector<16xf32>
        %parallel_loop3A_532 = arith.subf %parallel_loop3A_531, %parallel_loop3A_529 : vector<16xf32>
        %parallel_loop3A_533 = math.exp %parallel_loop3A_532 : vector<16xf32>
        %parallel_loop3A_534 = arith.constant 1.000000e+00 : f32
        %parallel_loop3A_535 = vector.broadcast %parallel_loop3A_534 : f32 to vector<16xf32>
        %parallel_loop3A_536 = arith.addf %parallel_loop3A_535, %parallel_loop3A_533 : vector<16xf32>
        %parallel_loop3A_537 = arith.constant 1.000000e+00 : f32
        %parallel_loop3A_538 = vector.broadcast %parallel_loop3A_537 : f32 to vector<16xf32>
        %parallel_loop3A_539 = arith.divf %parallel_loop3A_538, %parallel_loop3A_536 : vector<16xf32>
        %parallel_loop3A_540 = arith.mulf %parallel_loop3A_539, %parallel_loop3A_518 : vector<16xf32>
        %parallel_loop3A_541 = arith.index_cast %parallel_loop3A_478 : i32 to index
        %parallel_loop3A_542 = arith.constant 16 : index
        %parallel_loop3A_543 = tpu.vector_load %arg26[%parallel_loop3A_541, %parallel_loop3A_542] {strides = array<i32>} : memref<32x128xf32, #tpu.memory_space<vmem>>, vector<1x16xf32>,
        %parallel_loop3A_544 = vector.shape_cast %parallel_loop3A_543 : vector<1x16xf32> to vector<16xf32>
        %parallel_loop3A_545 = vector.shape_cast %parallel_loop3A_540 : vector<16xf32> to vector<1x16xf32>
        tpu.vector_store %arg26[%parallel_loop3A_541, %parallel_loop3A_542], %parallel_loop3A_545 {strides = array<i32>} : memref<32x128xf32, #tpu.memory_space<vmem>>, vector<1x16xf32>,
        %parallel_loop3A_546 = arith.index_cast %parallel_loop3A_478 : i32 to index
        %parallel_loop3A_547 = arith.constant 80 : index
        %parallel_loop3A_548 = tpu.vector_load %arg26[%parallel_loop3A_546, %parallel_loop3A_547] {strides = array<i32>} : memref<32x128xf32, #tpu.memory_space<vmem>>, vector<1x16xf32>,
        %parallel_loop3A_549 = vector.shape_cast %parallel_loop3A_548 : vector<1x16xf32> to vector<16xf32>
        %parallel_loop3A_550 = vector.shape_cast %parallel_loop3A_539 : vector<16xf32> to vector<1x16xf32>
        tpu.vector_store %arg26[%parallel_loop3A_546, %parallel_loop3A_547], %parallel_loop3A_550 {strides = array<i32>} : memref<32x128xf32, #tpu.memory_space<vmem>>, vector<1x16xf32>,
        %parallel_loop3A_551 = arith.index_cast %parallel_loop3A_478 : i32 to index
        %parallel_loop3A_552 = arith.constant 32 : index
        %parallel_loop3A_553 = tpu.vector_load %arg20[%parallel_loop3A_551, %parallel_loop3A_552] {strides = array<i32>} : memref<32x128xf32, #tpu.memory_space<vmem>>, vector<1x16xf32>,
        %parallel_loop3A_554 = vector.shape_cast %parallel_loop3A_553 : vector<1x16xf32> to vector<16xf32>
        %parallel_loop3A_555 = arith.index_cast %parallel_loop3A_478 : i32 to index
        %parallel_loop3A_556 = arith.constant 96 : index
        %parallel_loop3A_557 = tpu.vector_load %arg20[%parallel_loop3A_555, %parallel_loop3A_556] {strides = array<i32>} : memref<32x128xf32, #tpu.memory_space<vmem>>, vector<1x16xf32>,
        %parallel_loop3A_558 = vector.shape_cast %parallel_loop3A_557 : vector<1x16xf32> to vector<16xf32>
        %parallel_loop3A_559 = arith.constant 32 : i32
        %parallel_loop3A_560 = arith.addi %mul3A_2, %parallel_loop3A_559 : i32
        %parallel_loop3A_561 = arith.index_cast %parallel_loop3A_478 : i32 to index
        %parallel_loop3A_562 = arith.index_cast %parallel_loop3A_560 : i32 to index
        %parallel_loop3A_563 = tpu.vector_load %arg24[%parallel_loop3A_561, %parallel_loop3A_562] {strides = array<i32>} : memref<32x128xf32, #tpu.memory_space<vmem>>, vector<1x16xf32>,
        %parallel_loop3A_564 = vector.shape_cast %parallel_loop3A_563 : vector<1x16xf32> to vector<16xf32>
        %parallel_loop3A_565 = arith.addf %parallel_loop3A_558, %parallel_loop3A_564 : vector<16xf32>
        %parallel_loop3A_566 = arith.constant 0.000000e+00 : f32
        %parallel_loop3A_567 = vector.broadcast %parallel_loop3A_566 : f32 to vector<16xf32>
        %parallel_loop3A_568 = arith.subf %parallel_loop3A_567, %parallel_loop3A_565 : vector<16xf32>
        %parallel_loop3A_569 = math.exp %parallel_loop3A_568 : vector<16xf32>
        %parallel_loop3A_570 = arith.constant 1.000000e+00 : f32
        %parallel_loop3A_571 = vector.broadcast %parallel_loop3A_570 : f32 to vector<16xf32>
        %parallel_loop3A_572 = arith.addf %parallel_loop3A_571, %parallel_loop3A_569 : vector<16xf32>
        %parallel_loop3A_573 = arith.constant 1.000000e+00 : f32
        %parallel_loop3A_574 = vector.broadcast %parallel_loop3A_573 : f32 to vector<16xf32>
        %parallel_loop3A_575 = arith.divf %parallel_loop3A_574, %parallel_loop3A_572 : vector<16xf32>
        %parallel_loop3A_576 = arith.mulf %parallel_loop3A_575, %parallel_loop3A_554 : vector<16xf32>
        %parallel_loop3A_577 = arith.index_cast %parallel_loop3A_478 : i32 to index
        %parallel_loop3A_578 = arith.constant 32 : index
        %parallel_loop3A_579 = tpu.vector_load %arg26[%parallel_loop3A_577, %parallel_loop3A_578] {strides = array<i32>} : memref<32x128xf32, #tpu.memory_space<vmem>>, vector<1x16xf32>,
        %parallel_loop3A_580 = vector.shape_cast %parallel_loop3A_579 : vector<1x16xf32> to vector<16xf32>
        %parallel_loop3A_581 = vector.shape_cast %parallel_loop3A_576 : vector<16xf32> to vector<1x16xf32>
        tpu.vector_store %arg26[%parallel_loop3A_577, %parallel_loop3A_578], %parallel_loop3A_581 {strides = array<i32>} : memref<32x128xf32, #tpu.memory_space<vmem>>, vector<1x16xf32>,
        %parallel_loop3A_582 = arith.index_cast %parallel_loop3A_478 : i32 to index
        %parallel_loop3A_583 = arith.constant 96 : index
        %parallel_loop3A_584 = tpu.vector_load %arg26[%parallel_loop3A_582, %parallel_loop3A_583] {strides = array<i32>} : memref<32x128xf32, #tpu.memory_space<vmem>>, vector<1x16xf32>,
        %parallel_loop3A_585 = vector.shape_cast %parallel_loop3A_584 : vector<1x16xf32> to vector<16xf32>
        %parallel_loop3A_586 = vector.shape_cast %parallel_loop3A_575 : vector<16xf32> to vector<1x16xf32>
        tpu.vector_store %arg26[%parallel_loop3A_582, %parallel_loop3A_583], %parallel_loop3A_586 {strides = array<i32>} : memref<32x128xf32, #tpu.memory_space<vmem>>, vector<1x16xf32>,
        %parallel_loop3A_587 = arith.index_cast %parallel_loop3A_478 : i32 to index
        %parallel_loop3A_588 = arith.constant 48 : index
        %parallel_loop3A_589 = tpu.vector_load %arg20[%parallel_loop3A_587, %parallel_loop3A_588] {strides = array<i32>} : memref<32x128xf32, #tpu.memory_space<vmem>>, vector<1x16xf32>,
        %parallel_loop3A_590 = vector.shape_cast %parallel_loop3A_589 : vector<1x16xf32> to vector<16xf32>
        %parallel_loop3A_591 = arith.index_cast %parallel_loop3A_478 : i32 to index
        %parallel_loop3A_592 = arith.constant 112 : index
        %parallel_loop3A_593 = tpu.vector_load %arg20[%parallel_loop3A_591, %parallel_loop3A_592] {strides = array<i32>} : memref<32x128xf32, #tpu.memory_space<vmem>>, vector<1x16xf32>,
        %parallel_loop3A_594 = vector.shape_cast %parallel_loop3A_593 : vector<1x16xf32> to vector<16xf32>
        %parallel_loop3A_595 = arith.constant 48 : i32
        %parallel_loop3A_596 = arith.addi %mul3A_2, %parallel_loop3A_595 : i32
        %parallel_loop3A_597 = arith.index_cast %parallel_loop3A_478 : i32 to index
        %parallel_loop3A_598 = arith.index_cast %parallel_loop3A_596 : i32 to index
        %parallel_loop3A_599 = tpu.vector_load %arg24[%parallel_loop3A_597, %parallel_loop3A_598] {strides = array<i32>} : memref<32x128xf32, #tpu.memory_space<vmem>>, vector<1x16xf32>,
        %parallel_loop3A_600 = vector.shape_cast %parallel_loop3A_599 : vector<1x16xf32> to vector<16xf32>
        %parallel_loop3A_601 = arith.addf %parallel_loop3A_594, %parallel_loop3A_600 : vector<16xf32>
        %parallel_loop3A_602 = arith.constant 0.000000e+00 : f32
        %parallel_loop3A_603 = vector.broadcast %parallel_loop3A_602 : f32 to vector<16xf32>
        %parallel_loop3A_604 = arith.subf %parallel_loop3A_603, %parallel_loop3A_601 : vector<16xf32>
        %parallel_loop3A_605 = math.exp %parallel_loop3A_604 : vector<16xf32>
        %parallel_loop3A_606 = arith.constant 1.000000e+00 : f32
        %parallel_loop3A_607 = vector.broadcast %parallel_loop3A_606 : f32 to vector<16xf32>
        %parallel_loop3A_608 = arith.addf %parallel_loop3A_607, %parallel_loop3A_605 : vector<16xf32>
        %parallel_loop3A_609 = arith.constant 1.000000e+00 : f32
        %parallel_loop3A_610 = vector.broadcast %parallel_loop3A_609 : f32 to vector<16xf32>
        %parallel_loop3A_611 = arith.divf %parallel_loop3A_610, %parallel_loop3A_608 : vector<16xf32>
        %parallel_loop3A_612 = arith.mulf %parallel_loop3A_611, %parallel_loop3A_590 : vector<16xf32>
        %parallel_loop3A_613 = arith.index_cast %parallel_loop3A_478 : i32 to index
        %parallel_loop3A_614 = arith.constant 48 : index
        %parallel_loop3A_615 = tpu.vector_load %arg26[%parallel_loop3A_613, %parallel_loop3A_614] {strides = array<i32>} : memref<32x128xf32, #tpu.memory_space<vmem>>, vector<1x16xf32>,
        %parallel_loop3A_616 = vector.shape_cast %parallel_loop3A_615 : vector<1x16xf32> to vector<16xf32>
        %parallel_loop3A_617 = vector.shape_cast %parallel_loop3A_612 : vector<16xf32> to vector<1x16xf32>
        tpu.vector_store %arg26[%parallel_loop3A_613, %parallel_loop3A_614], %parallel_loop3A_617 {strides = array<i32>} : memref<32x128xf32, #tpu.memory_space<vmem>>, vector<1x16xf32>,
        %parallel_loop3A_618 = arith.index_cast %parallel_loop3A_478 : i32 to index
        %parallel_loop3A_619 = arith.constant 112 : index
        %parallel_loop3A_620 = tpu.vector_load %arg26[%parallel_loop3A_618, %parallel_loop3A_619] {strides = array<i32>} : memref<32x128xf32, #tpu.memory_space<vmem>>, vector<1x16xf32>,
        %parallel_loop3A_621 = vector.shape_cast %parallel_loop3A_620 : vector<1x16xf32> to vector<16xf32>
        %parallel_loop3A_622 = vector.shape_cast %parallel_loop3A_611 : vector<16xf32> to vector<1x16xf32>
        tpu.vector_store %arg26[%parallel_loop3A_618, %parallel_loop3A_619], %parallel_loop3A_622 {strides = array<i32>} : memref<32x128xf32, #tpu.memory_space<vmem>>, vector<1x16xf32>,
      } {sc.loop_unroll_factor = 4 : i64, sc.parallel_access}
      %get3A_453 = arith.constant 0 : index
      %get3A_454 = tpu.vector_load %arg14[%get3A_453] {strides = array<i32>} : memref<32xi32, #tpu.memory_space<vmem>>, vector<16xi32>,
      %get3A_455 = vector.shape_cast %get3A_454 : vector<16xi32> to vector<16xi32>
      %swap3A_456 = arith.constant 0 : index
      %swap3A_457 = tpu.vector_load %arg16[%swap3A_456] {strides = array<i32>} : memref<32xi32, #tpu.memory_space<vmem>>, vector<16xi32>,
      %swap3A_458 = vector.shape_cast %swap3A_457 : vector<16xi32> to vector<16xi32>
      %swap3A_459 = vector.shape_cast %get3A_455 : vector<16xi32> to vector<16xi32>
      tpu.vector_store %arg16[%swap3A_456], %swap3A_459 {strides = array<i32>} : memref<32xi32, #tpu.memory_space<vmem>>, vector<16xi32>,
      %get3A_460 = arith.constant 16 : index
      %get3A_461 = tpu.vector_load %arg14[%get3A_460] {strides = array<i32>} : memref<32xi32, #tpu.memory_space<vmem>>, vector<16xi32>,
      %get3A_462 = vector.shape_cast %get3A_461 : vector<16xi32> to vector<16xi32>
      %swap3A_463 = arith.constant 16 : index
      %swap3A_464 = tpu.vector_load %arg16[%swap3A_463] {strides = array<i32>} : memref<32xi32, #tpu.memory_space<vmem>>, vector<16xi32>,
      %swap3A_465 = vector.shape_cast %swap3A_464 : vector<16xi32> to vector<16xi32>
      %swap3A_466 = vector.shape_cast %get3A_462 : vector<16xi32> to vector<16xi32>
      tpu.vector_store %arg16[%swap3A_463], %swap3A_466 {strides = array<i32>} : memref<32xi32, #tpu.memory_space<vmem>>, vector<16xi32>,
      %dma_start3A_467 = arith.constant 0 : i32
      %dma_start3A_468 = arith.constant 0 : i32
      %dma_start3A_469 = tpu.memref_slice %arg27[%dma_start3A_467, %dma_start3A_468] : memref<10240x128xf32, #tpu.memory_space<vmem_shared>> -> memref<10240x128xf32, #tpu.memory_space<vmem_shared>>
      tpu.enqueue_indirect_dma source(%arg26 : memref<32x128xf32, #tpu.memory_space<vmem>>) target(%dma_start3A_469 : memref<10240x128xf32, #tpu.memory_space<vmem_shared>>) offsets(%arg16 : memref<32xi32, #tpu.memory_space<vmem>>) semaphore(%arg41 : memref<!tpu.dma_semaphore, #tpu.memory_space<semaphore_mem>>) {add = true}
      %add3A_470 = arith.constant 4 : i32
      %add3A_471 = arith.addi %add3A_431, %add3A_470 : i32
      %le3A_472 = arith.constant 624 : i32
      %le3A_473 = arith.cmpi sle, %add3A_471, %le3A_472 : i32
      %convert_element_type3A_474 = arith.extui %le3A_473 : i1 to i32
      %cond3A_475 = arith.constant 0 : i32
      %cond3A_476 = arith.cmpi ne, %convert_element_type3A_474, %cond3A_475 : i32
      scf.if %cond3A_476 {
        %mul3A_478 = arith.constant 20000 : i32
        %mul3A_479 = arith.muli %arg1, %mul3A_478 : i32
        %add3A_480 = arith.constant 4 : i32
        %add3A_481 = arith.addi %add3A_431, %add3A_480 : i32
        %mul3A_482 = arith.constant 32 : i32
        %mul3A_483 = arith.muli %add3A_481, %mul3A_482 : i32
        %add3A_484 = arith.addi %mul3A_479, %mul3A_483 : i32
        %dma_start3A_485 = tpu.memref_slice %arg4[%add3A_484] : memref<320000xi32, #tpu.memory_space<hbm>> -> memref<32xi32, #tpu.memory_space<hbm>>
        %dma_start3A_486 = tpu.memref_slice %arg4[%add3A_484] : memref<320000xi32, #tpu.memory_space<hbm>> -> memref<32xi32, #tpu.memory_space<hbm>>
        tpu.enqueue_dma source(%dma_start3A_486 : memref<32xi32, #tpu.memory_space<hbm>>) target(%arg10 : memref<32xi32, #tpu.memory_space<vmem>>) target_semaphore(%arg31 : memref<!tpu.dma_semaphore, #tpu.memory_space<semaphore_mem>>)
        %dma_start3A_487 = tpu.memref_slice %arg5[%add3A_484] : memref<320000xi32, #tpu.memory_space<hbm>> -> memref<32xi32, #tpu.memory_space<hbm>>
        %dma_start3A_488 = tpu.memref_slice %arg5[%add3A_484] : memref<320000xi32, #tpu.memory_space<hbm>> -> memref<32xi32, #tpu.memory_space<hbm>>
        tpu.enqueue_dma source(%dma_start3A_488 : memref<32xi32, #tpu.memory_space<hbm>>) target(%arg14 : memref<32xi32, #tpu.memory_space<vmem>>) target_semaphore(%arg31 : memref<!tpu.dma_semaphore, #tpu.memory_space<semaphore_mem>>)
      } else {
      }
      %scan3A_477 = arith.constant 0 : i32
      scf.yield %scan3A_477 : i32
    }
    %scan3A_218 = arith.constant 156 : i32
    %dma_wait3A_219 = arith.constant 0 : i32
    %dma_wait3A_220 = arith.constant 0 : i32
    %dma_wait3A_221 = tpu.memref_slice %arg27[%dma_wait3A_219, %dma_wait3A_220] : memref<10240x128xf32, #tpu.memory_space<vmem_shared>> -> memref<10240x128xf32, #tpu.memory_space<vmem_shared>>
    tpu.wait_indirect_dma semaphore(%arg40 : memref<!tpu.dma_semaphore, #tpu.memory_space<semaphore_mem>>) src(%arg25 : memref<32x128xf32, #tpu.memory_space<vmem>>) dst(%dma_wait3A_221 : memref<10240x128xf32, #tpu.memory_space<vmem_shared>>)
    %dma_wait3A_222 = arith.constant 0 : i32
    %dma_wait3A_223 = arith.constant 0 : i32
    %dma_wait3A_224 = tpu.memref_slice %arg27[%dma_wait3A_222, %dma_wait3A_223] : memref<10240x128xf32, #tpu.memory_space<vmem_shared>> -> memref<10240x128xf32, #tpu.memory_space<vmem_shared>>
    tpu.wait_indirect_dma semaphore(%arg41 : memref<!tpu.dma_semaphore, #tpu.memory_space<semaphore_mem>>) src(%arg26 : memref<32x128xf32, #tpu.memory_space<vmem>>) dst(%dma_wait3A_224 : memref<10240x128xf32, #tpu.memory_space<vmem_shared>>)
    %dma_wait3A_225 = arith.constant 0 : i32
    %dma_wait3A_226 = tpu.memref_slice %arg4[%dma_wait3A_225] : memref<320000xi32, #tpu.memory_space<hbm>> -> memref<32xi32, #tpu.memory_space<hbm>>
    %dma_wait3A_227 = arith.constant 0 : i32
    %dma_wait3A_228 = tpu.memref_slice %arg4[%dma_wait3A_227] : memref<320000xi32, #tpu.memory_space<hbm>> -> memref<32xi32, #tpu.memory_space<hbm>>
    tpu.wait_dma2 semaphore(%arg28 : memref<!tpu.dma_semaphore, #tpu.memory_space<semaphore_mem>>) src(%dma_wait3A_228 : memref<32xi32, #tpu.memory_space<hbm>>) dst(%arg7 : memref<32xi32, #tpu.memory_space<vmem>>)
    %dma_wait3A_229 = arith.constant 0 : i32
    %dma_wait3A_230 = tpu.memref_slice %arg5[%dma_wait3A_229] : memref<320000xi32, #tpu.memory_space<hbm>> -> memref<32xi32, #tpu.memory_space<hbm>>
    %dma_wait3A_231 = arith.constant 0 : i32
    %dma_wait3A_232 = tpu.memref_slice %arg5[%dma_wait3A_231] : memref<320000xi32, #tpu.memory_space<hbm>> -> memref<32xi32, #tpu.memory_space<hbm>>
    tpu.wait_dma2 semaphore(%arg28 : memref<!tpu.dma_semaphore, #tpu.memory_space<semaphore_mem>>) src(%dma_wait3A_232 : memref<32xi32, #tpu.memory_space<hbm>>) dst(%arg11 : memref<32xi32, #tpu.memory_space<vmem>>)
    %get3A_233 = arith.constant 0 : index
    %get3A_234 = tpu.vector_load %arg7[%get3A_233] {strides = array<i32>} : memref<32xi32, #tpu.memory_space<vmem>>, vector<16xi32>,
    %get3A_235 = vector.shape_cast %get3A_234 : vector<16xi32> to vector<16xi32>
    %add3A_236 = vector.broadcast %mul3A_0 : i32 to vector<16xi32>
    %add3A_237 = arith.addi %get3A_235, %add3A_236 : vector<16xi32>
    %swap3A_238 = arith.constant 0 : index
    %swap3A_239 = tpu.vector_load %arg7[%swap3A_238] {strides = array<i32>} : memref<32xi32, #tpu.memory_space<vmem>>, vector<16xi32>,
    %swap3A_240 = vector.shape_cast %swap3A_239 : vector<16xi32> to vector<16xi32>
    %swap3A_241 = vector.shape_cast %add3A_237 : vector<16xi32> to vector<16xi32>
    tpu.vector_store %arg7[%swap3A_238], %swap3A_241 {strides = array<i32>} : memref<32xi32, #tpu.memory_space<vmem>>, vector<16xi32>,
    %get3A_242 = arith.constant 16 : index
    %get3A_243 = tpu.vector_load %arg7[%get3A_242] {strides = array<i32>} : memref<32xi32, #tpu.memory_space<vmem>>, vector<16xi32>,
    %get3A_244 = vector.shape_cast %get3A_243 : vector<16xi32> to vector<16xi32>
    %add3A_245 = vector.broadcast %mul3A_0 : i32 to vector<16xi32>
    %add3A_246 = arith.addi %get3A_244, %add3A_245 : vector<16xi32>
    %swap3A_247 = arith.constant 16 : index
    %swap3A_248 = tpu.vector_load %arg7[%swap3A_247] {strides = array<i32>} : memref<32xi32, #tpu.memory_space<vmem>>, vector<16xi32>,
    %swap3A_249 = vector.shape_cast %swap3A_248 : vector<16xi32> to vector<16xi32>
    %swap3A_250 = vector.shape_cast %add3A_246 : vector<16xi32> to vector<16xi32>
    tpu.vector_store %arg7[%swap3A_247], %swap3A_250 {strides = array<i32>} : memref<32xi32, #tpu.memory_space<vmem>>, vector<16xi32>,
    %dma_start3A_251 = arith.constant 0 : i32
    %dma_start3A_252 = arith.constant 0 : i32
    %dma_start3A_253 = tpu.memref_slice %arg2[%dma_start3A_251, %dma_start3A_252] : memref<20000x128xf32, #tpu.memory_space<hbm>> -> memref<20000x128xf32, #tpu.memory_space<hbm>>
    tpu.enqueue_indirect_dma source(%dma_start3A_253 : memref<20000x128xf32, #tpu.memory_space<hbm>>) target(%arg17 : memref<32x128xf32, #tpu.memory_space<vmem>>) offsets(%arg7 : memref<32xi32, #tpu.memory_space<vmem>>) semaphore(%arg32 : memref<!tpu.dma_semaphore, #tpu.memory_space<semaphore_mem>>)
    %dma_start3A_254 = arith.constant 0 : i32
    %dma_start3A_255 = arith.constant 0 : i32
    %dma_start3A_256 = tpu.memref_slice %arg3[%dma_start3A_254, %dma_start3A_255] : memref<10000x128xf32, #tpu.memory_space<hbm>> -> memref<10000x128xf32, #tpu.memory_space<hbm>>
    tpu.enqueue_indirect_dma source(%dma_start3A_256 : memref<10000x128xf32, #tpu.memory_space<hbm>>) target(%arg21 : memref<32x128xf32, #tpu.memory_space<vmem>>) offsets(%arg11 : memref<32xi32, #tpu.memory_space<vmem>>) semaphore(%arg36 : memref<!tpu.dma_semaphore, #tpu.memory_space<semaphore_mem>>)
    %dma_wait3A_257 = arith.constant 0 : i32
    %dma_wait3A_258 = arith.constant 0 : i32
    %dma_wait3A_259 = tpu.memref_slice %arg2[%dma_wait3A_257, %dma_wait3A_258] : memref<20000x128xf32, #tpu.memory_space<hbm>> -> memref<20000x128xf32, #tpu.memory_space<hbm>>
    tpu.wait_indirect_dma semaphore(%arg32 : memref<!tpu.dma_semaphore, #tpu.memory_space<semaphore_mem>>) src(%dma_wait3A_259 : memref<20000x128xf32, #tpu.memory_space<hbm>>) dst(%arg17 : memref<32x128xf32, #tpu.memory_space<vmem>>)
    %dma_wait3A_260 = arith.constant 0 : i32
    %dma_wait3A_261 = arith.constant 0 : i32
    %dma_wait3A_262 = tpu.memref_slice %arg3[%dma_wait3A_260, %dma_wait3A_261] : memref<10000x128xf32, #tpu.memory_space<hbm>> -> memref<10000x128xf32, #tpu.memory_space<hbm>>
    tpu.wait_indirect_dma semaphore(%arg36 : memref<!tpu.dma_semaphore, #tpu.memory_space<semaphore_mem>>) src(%dma_wait3A_262 : memref<10000x128xf32, #tpu.memory_space<hbm>>) dst(%arg21 : memref<32x128xf32, #tpu.memory_space<vmem>>)
    %parallel_loop3A = arith.constant 0 : i32
    %parallel_loop3A_263 = arith.constant 32 : i32
    %parallel_loop3A_264 = arith.constant 1 : i32
    scf.for %parallel_loop3A_284 = %parallel_loop3A to %parallel_loop3A_263 step %parallel_loop3A_264  : i32 {
      %parallel_loop3A_285 = arith.index_cast %parallel_loop3A_284 : i32 to index
      %parallel_loop3A_286 = arith.constant 0 : index
      %parallel_loop3A_287 = tpu.vector_load %arg17[%parallel_loop3A_285, %parallel_loop3A_286] {strides = array<i32>} : memref<32x128xf32, #tpu.memory_space<vmem>>, vector<1x16xf32>,
      %parallel_loop3A_288 = vector.shape_cast %parallel_loop3A_287 : vector<1x16xf32> to vector<16xf32>
      %parallel_loop3A_289 = arith.index_cast %parallel_loop3A_284 : i32 to index
      %parallel_loop3A_290 = arith.constant 64 : index
      %parallel_loop3A_291 = tpu.vector_load %arg17[%parallel_loop3A_289, %parallel_loop3A_290] {strides = array<i32>} : memref<32x128xf32, #tpu.memory_space<vmem>>, vector<1x16xf32>,
      %parallel_loop3A_292 = vector.shape_cast %parallel_loop3A_291 : vector<1x16xf32> to vector<16xf32>
      %parallel_loop3A_293 = arith.constant 0 : i32
      %parallel_loop3A_294 = arith.addi %mul3A_2, %parallel_loop3A_293 : i32
      %parallel_loop3A_295 = arith.index_cast %parallel_loop3A_284 : i32 to index
      %parallel_loop3A_296 = arith.index_cast %parallel_loop3A_294 : i32 to index
      %parallel_loop3A_297 = tpu.vector_load %arg21[%parallel_loop3A_295, %parallel_loop3A_296] {strides = array<i32>} : memref<32x128xf32, #tpu.memory_space<vmem>>, vector<1x16xf32>,
      %parallel_loop3A_298 = vector.shape_cast %parallel_loop3A_297 : vector<1x16xf32> to vector<16xf32>
      %parallel_loop3A_299 = arith.addf %parallel_loop3A_292, %parallel_loop3A_298 : vector<16xf32>
      %parallel_loop3A_300 = arith.constant 0.000000e+00 : f32
      %parallel_loop3A_301 = vector.broadcast %parallel_loop3A_300 : f32 to vector<16xf32>
      %parallel_loop3A_302 = arith.subf %parallel_loop3A_301, %parallel_loop3A_299 : vector<16xf32>
      %parallel_loop3A_303 = math.exp %parallel_loop3A_302 : vector<16xf32>
      %parallel_loop3A_304 = arith.constant 1.000000e+00 : f32
      %parallel_loop3A_305 = vector.broadcast %parallel_loop3A_304 : f32 to vector<16xf32>
      %parallel_loop3A_306 = arith.addf %parallel_loop3A_305, %parallel_loop3A_303 : vector<16xf32>
      %parallel_loop3A_307 = arith.constant 1.000000e+00 : f32
      %parallel_loop3A_308 = vector.broadcast %parallel_loop3A_307 : f32 to vector<16xf32>
      %parallel_loop3A_309 = arith.divf %parallel_loop3A_308, %parallel_loop3A_306 : vector<16xf32>
      %parallel_loop3A_310 = arith.mulf %parallel_loop3A_309, %parallel_loop3A_288 : vector<16xf32>
      %parallel_loop3A_311 = arith.index_cast %parallel_loop3A_284 : i32 to index
      %parallel_loop3A_312 = arith.constant 0 : index
      %parallel_loop3A_313 = tpu.vector_load %arg25[%parallel_loop3A_311, %parallel_loop3A_312] {strides = array<i32>} : memref<32x128xf32, #tpu.memory_space<vmem>>, vector<1x16xf32>,
      %parallel_loop3A_314 = vector.shape_cast %parallel_loop3A_313 : vector<1x16xf32> to vector<16xf32>
      %parallel_loop3A_315 = vector.shape_cast %parallel_loop3A_310 : vector<16xf32> to vector<1x16xf32>
      tpu.vector_store %arg25[%parallel_loop3A_311, %parallel_loop3A_312], %parallel_loop3A_315 {strides = array<i32>} : memref<32x128xf32, #tpu.memory_space<vmem>>, vector<1x16xf32>,
      %parallel_loop3A_316 = arith.index_cast %parallel_loop3A_284 : i32 to index
      %parallel_loop3A_317 = arith.constant 64 : index
      %parallel_loop3A_318 = tpu.vector_load %arg25[%parallel_loop3A_316, %parallel_loop3A_317] {strides = array<i32>} : memref<32x128xf32, #tpu.memory_space<vmem>>, vector<1x16xf32>,
      %parallel_loop3A_319 = vector.shape_cast %parallel_loop3A_318 : vector<1x16xf32> to vector<16xf32>
      %parallel_loop3A_320 = vector.shape_cast %parallel_loop3A_309 : vector<16xf32> to vector<1x16xf32>
      tpu.vector_store %arg25[%parallel_loop3A_316, %parallel_loop3A_317], %parallel_loop3A_320 {strides = array<i32>} : memref<32x128xf32, #tpu.memory_space<vmem>>, vector<1x16xf32>,
      %parallel_loop3A_321 = arith.index_cast %parallel_loop3A_284 : i32 to index
      %parallel_loop3A_322 = arith.constant 16 : index
      %parallel_loop3A_323 = tpu.vector_load %arg17[%parallel_loop3A_321, %parallel_loop3A_322] {strides = array<i32>} : memref<32x128xf32, #tpu.memory_space<vmem>>, vector<1x16xf32>,
      %parallel_loop3A_324 = vector.shape_cast %parallel_loop3A_323 : vector<1x16xf32> to vector<16xf32>
      %parallel_loop3A_325 = arith.index_cast %parallel_loop3A_284 : i32 to index
      %parallel_loop3A_326 = arith.constant 80 : index
      %parallel_loop3A_327 = tpu.vector_load %arg17[%parallel_loop3A_325, %parallel_loop3A_326] {strides = array<i32>} : memref<32x128xf32, #tpu.memory_space<vmem>>, vector<1x16xf32>,
      %parallel_loop3A_328 = vector.shape_cast %parallel_loop3A_327 : vector<1x16xf32> to vector<16xf32>
      %parallel_loop3A_329 = arith.constant 16 : i32
      %parallel_loop3A_330 = arith.addi %mul3A_2, %parallel_loop3A_329 : i32
      %parallel_loop3A_331 = arith.index_cast %parallel_loop3A_284 : i32 to index
      %parallel_loop3A_332 = arith.index_cast %parallel_loop3A_330 : i32 to index
      %parallel_loop3A_333 = tpu.vector_load %arg21[%parallel_loop3A_331, %parallel_loop3A_332] {strides = array<i32>} : memref<32x128xf32, #tpu.memory_space<vmem>>, vector<1x16xf32>,
      %parallel_loop3A_334 = vector.shape_cast %parallel_loop3A_333 : vector<1x16xf32> to vector<16xf32>
      %parallel_loop3A_335 = arith.addf %parallel_loop3A_328, %parallel_loop3A_334 : vector<16xf32>
      %parallel_loop3A_336 = arith.constant 0.000000e+00 : f32
      %parallel_loop3A_337 = vector.broadcast %parallel_loop3A_336 : f32 to vector<16xf32>
      %parallel_loop3A_338 = arith.subf %parallel_loop3A_337, %parallel_loop3A_335 : vector<16xf32>
      %parallel_loop3A_339 = math.exp %parallel_loop3A_338 : vector<16xf32>
      %parallel_loop3A_340 = arith.constant 1.000000e+00 : f32
      %parallel_loop3A_341 = vector.broadcast %parallel_loop3A_340 : f32 to vector<16xf32>
      %parallel_loop3A_342 = arith.addf %parallel_loop3A_341, %parallel_loop3A_339 : vector<16xf32>
      %parallel_loop3A_343 = arith.constant 1.000000e+00 : f32
      %parallel_loop3A_344 = vector.broadcast %parallel_loop3A_343 : f32 to vector<16xf32>
      %parallel_loop3A_345 = arith.divf %parallel_loop3A_344, %parallel_loop3A_342 : vector<16xf32>
      %parallel_loop3A_346 = arith.mulf %parallel_loop3A_345, %parallel_loop3A_324 : vector<16xf32>
      %parallel_loop3A_347 = arith.index_cast %parallel_loop3A_284 : i32 to index
      %parallel_loop3A_348 = arith.constant 16 : index
      %parallel_loop3A_349 = tpu.vector_load %arg25[%parallel_loop3A_347, %parallel_loop3A_348] {strides = array<i32>} : memref<32x128xf32, #tpu.memory_space<vmem>>, vector<1x16xf32>,
      %parallel_loop3A_350 = vector.shape_cast %parallel_loop3A_349 : vector<1x16xf32> to vector<16xf32>
      %parallel_loop3A_351 = vector.shape_cast %parallel_loop3A_346 : vector<16xf32> to vector<1x16xf32>
      tpu.vector_store %arg25[%parallel_loop3A_347, %parallel_loop3A_348], %parallel_loop3A_351 {strides = array<i32>} : memref<32x128xf32, #tpu.memory_space<vmem>>, vector<1x16xf32>,
      %parallel_loop3A_352 = arith.index_cast %parallel_loop3A_284 : i32 to index
      %parallel_loop3A_353 = arith.constant 80 : index
      %parallel_loop3A_354 = tpu.vector_load %arg25[%parallel_loop3A_352, %parallel_loop3A_353] {strides = array<i32>} : memref<32x128xf32, #tpu.memory_space<vmem>>, vector<1x16xf32>,
      %parallel_loop3A_355 = vector.shape_cast %parallel_loop3A_354 : vector<1x16xf32> to vector<16xf32>
      %parallel_loop3A_356 = vector.shape_cast %parallel_loop3A_345 : vector<16xf32> to vector<1x16xf32>
      tpu.vector_store %arg25[%parallel_loop3A_352, %parallel_loop3A_353], %parallel_loop3A_356 {strides = array<i32>} : memref<32x128xf32, #tpu.memory_space<vmem>>, vector<1x16xf32>,
      %parallel_loop3A_357 = arith.index_cast %parallel_loop3A_284 : i32 to index
      %parallel_loop3A_358 = arith.constant 32 : index
      %parallel_loop3A_359 = tpu.vector_load %arg17[%parallel_loop3A_357, %parallel_loop3A_358] {strides = array<i32>} : memref<32x128xf32, #tpu.memory_space<vmem>>, vector<1x16xf32>,
      %parallel_loop3A_360 = vector.shape_cast %parallel_loop3A_359 : vector<1x16xf32> to vector<16xf32>
      %parallel_loop3A_361 = arith.index_cast %parallel_loop3A_284 : i32 to index
      %parallel_loop3A_362 = arith.constant 96 : index
      %parallel_loop3A_363 = tpu.vector_load %arg17[%parallel_loop3A_361, %parallel_loop3A_362] {strides = array<i32>} : memref<32x128xf32, #tpu.memory_space<vmem>>, vector<1x16xf32>,
      %parallel_loop3A_364 = vector.shape_cast %parallel_loop3A_363 : vector<1x16xf32> to vector<16xf32>
      %parallel_loop3A_365 = arith.constant 32 : i32
      %parallel_loop3A_366 = arith.addi %mul3A_2, %parallel_loop3A_365 : i32
      %parallel_loop3A_367 = arith.index_cast %parallel_loop3A_284 : i32 to index
      %parallel_loop3A_368 = arith.index_cast %parallel_loop3A_366 : i32 to index
      %parallel_loop3A_369 = tpu.vector_load %arg21[%parallel_loop3A_367, %parallel_loop3A_368] {strides = array<i32>} : memref<32x128xf32, #tpu.memory_space<vmem>>, vector<1x16xf32>,
      %parallel_loop3A_370 = vector.shape_cast %parallel_loop3A_369 : vector<1x16xf32> to vector<16xf32>
      %parallel_loop3A_371 = arith.addf %parallel_loop3A_364, %parallel_loop3A_370 : vector<16xf32>
      %parallel_loop3A_372 = arith.constant 0.000000e+00 : f32
      %parallel_loop3A_373 = vector.broadcast %parallel_loop3A_372 : f32 to vector<16xf32>
      %parallel_loop3A_374 = arith.subf %parallel_loop3A_373, %parallel_loop3A_371 : vector<16xf32>
      %parallel_loop3A_375 = math.exp %parallel_loop3A_374 : vector<16xf32>
      %parallel_loop3A_376 = arith.constant 1.000000e+00 : f32
      %parallel_loop3A_377 = vector.broadcast %parallel_loop3A_376 : f32 to vector<16xf32>
      %parallel_loop3A_378 = arith.addf %parallel_loop3A_377, %parallel_loop3A_375 : vector<16xf32>
      %parallel_loop3A_379 = arith.constant 1.000000e+00 : f32
      %parallel_loop3A_380 = vector.broadcast %parallel_loop3A_379 : f32 to vector<16xf32>
      %parallel_loop3A_381 = arith.divf %parallel_loop3A_380, %parallel_loop3A_378 : vector<16xf32>
      %parallel_loop3A_382 = arith.mulf %parallel_loop3A_381, %parallel_loop3A_360 : vector<16xf32>
      %parallel_loop3A_383 = arith.index_cast %parallel_loop3A_284 : i32 to index
      %parallel_loop3A_384 = arith.constant 32 : index
      %parallel_loop3A_385 = tpu.vector_load %arg25[%parallel_loop3A_383, %parallel_loop3A_384] {strides = array<i32>} : memref<32x128xf32, #tpu.memory_space<vmem>>, vector<1x16xf32>,
      %parallel_loop3A_386 = vector.shape_cast %parallel_loop3A_385 : vector<1x16xf32> to vector<16xf32>
      %parallel_loop3A_387 = vector.shape_cast %parallel_loop3A_382 : vector<16xf32> to vector<1x16xf32>
      tpu.vector_store %arg25[%parallel_loop3A_383, %parallel_loop3A_384], %parallel_loop3A_387 {strides = array<i32>} : memref<32x128xf32, #tpu.memory_space<vmem>>, vector<1x16xf32>,
      %parallel_loop3A_388 = arith.index_cast %parallel_loop3A_284 : i32 to index
      %parallel_loop3A_389 = arith.constant 96 : index
      %parallel_loop3A_390 = tpu.vector_load %arg25[%parallel_loop3A_388, %parallel_loop3A_389] {strides = array<i32>} : memref<32x128xf32, #tpu.memory_space<vmem>>, vector<1x16xf32>,
      %parallel_loop3A_391 = vector.shape_cast %parallel_loop3A_390 : vector<1x16xf32> to vector<16xf32>
      %parallel_loop3A_392 = vector.shape_cast %parallel_loop3A_381 : vector<16xf32> to vector<1x16xf32>
      tpu.vector_store %arg25[%parallel_loop3A_388, %parallel_loop3A_389], %parallel_loop3A_392 {strides = array<i32>} : memref<32x128xf32, #tpu.memory_space<vmem>>, vector<1x16xf32>,
      %parallel_loop3A_393 = arith.index_cast %parallel_loop3A_284 : i32 to index
      %parallel_loop3A_394 = arith.constant 48 : index
      %parallel_loop3A_395 = tpu.vector_load %arg17[%parallel_loop3A_393, %parallel_loop3A_394] {strides = array<i32>} : memref<32x128xf32, #tpu.memory_space<vmem>>, vector<1x16xf32>,
      %parallel_loop3A_396 = vector.shape_cast %parallel_loop3A_395 : vector<1x16xf32> to vector<16xf32>
      %parallel_loop3A_397 = arith.index_cast %parallel_loop3A_284 : i32 to index
      %parallel_loop3A_398 = arith.constant 112 : index
      %parallel_loop3A_399 = tpu.vector_load %arg17[%parallel_loop3A_397, %parallel_loop3A_398] {strides = array<i32>} : memref<32x128xf32, #tpu.memory_space<vmem>>, vector<1x16xf32>,
      %parallel_loop3A_400 = vector.shape_cast %parallel_loop3A_399 : vector<1x16xf32> to vector<16xf32>
      %parallel_loop3A_401 = arith.constant 48 : i32
      %parallel_loop3A_402 = arith.addi %mul3A_2, %parallel_loop3A_401 : i32
      %parallel_loop3A_403 = arith.index_cast %parallel_loop3A_284 : i32 to index
      %parallel_loop3A_404 = arith.index_cast %parallel_loop3A_402 : i32 to index
      %parallel_loop3A_405 = tpu.vector_load %arg21[%parallel_loop3A_403, %parallel_loop3A_404] {strides = array<i32>} : memref<32x128xf32, #tpu.memory_space<vmem>>, vector<1x16xf32>,
      %parallel_loop3A_406 = vector.shape_cast %parallel_loop3A_405 : vector<1x16xf32> to vector<16xf32>
      %parallel_loop3A_407 = arith.addf %parallel_loop3A_400, %parallel_loop3A_406 : vector<16xf32>
      %parallel_loop3A_408 = arith.constant 0.000000e+00 : f32
      %parallel_loop3A_409 = vector.broadcast %parallel_loop3A_408 : f32 to vector<16xf32>
      %parallel_loop3A_410 = arith.subf %parallel_loop3A_409, %parallel_loop3A_407 : vector<16xf32>
      %parallel_loop3A_411 = math.exp %parallel_loop3A_410 : vector<16xf32>
      %parallel_loop3A_412 = arith.constant 1.000000e+00 : f32
      %parallel_loop3A_413 = vector.broadcast %parallel_loop3A_412 : f32 to vector<16xf32>
      %parallel_loop3A_414 = arith.addf %parallel_loop3A_413, %parallel_loop3A_411 : vector<16xf32>
      %parallel_loop3A_415 = arith.constant 1.000000e+00 : f32
      %parallel_loop3A_416 = vector.broadcast %parallel_loop3A_415 : f32 to vector<16xf32>
      %parallel_loop3A_417 = arith.divf %parallel_loop3A_416, %parallel_loop3A_414 : vector<16xf32>
      %parallel_loop3A_418 = arith.mulf %parallel_loop3A_417, %parallel_loop3A_396 : vector<16xf32>
      %parallel_loop3A_419 = arith.index_cast %parallel_loop3A_284 : i32 to index
      %parallel_loop3A_420 = arith.constant 48 : index
      %parallel_loop3A_421 = tpu.vector_load %arg25[%parallel_loop3A_419, %parallel_loop3A_420] {strides = array<i32>} : memref<32x128xf32, #tpu.memory_space<vmem>>, vector<1x16xf32>,
      %parallel_loop3A_422 = vector.shape_cast %parallel_loop3A_421 : vector<1x16xf32> to vector<16xf32>
      %parallel_loop3A_423 = vector.shape_cast %parallel_loop3A_418 : vector<16xf32> to vector<1x16xf32>
      tpu.vector_store %arg25[%parallel_loop3A_419, %parallel_loop3A_420], %parallel_loop3A_423 {strides = array<i32>} : memref<32x128xf32, #tpu.memory_space<vmem>>, vector<1x16xf32>,
      %parallel_loop3A_424 = arith.index_cast %parallel_loop3A_284 : i32 to index
      %parallel_loop3A_425 = arith.constant 112 : index
      %parallel_loop3A_426 = tpu.vector_load %arg25[%parallel_loop3A_424, %parallel_loop3A_425] {strides = array<i32>} : memref<32x128xf32, #tpu.memory_space<vmem>>, vector<1x16xf32>,
      %parallel_loop3A_427 = vector.shape_cast %parallel_loop3A_426 : vector<1x16xf32> to vector<16xf32>
      %parallel_loop3A_428 = vector.shape_cast %parallel_loop3A_417 : vector<16xf32> to vector<1x16xf32>
      tpu.vector_store %arg25[%parallel_loop3A_424, %parallel_loop3A_425], %parallel_loop3A_428 {strides = array<i32>} : memref<32x128xf32, #tpu.memory_space<vmem>>, vector<1x16xf32>,
    } {sc.loop_unroll_factor = 4 : i64, sc.parallel_access}
    %get3A_265 = arith.constant 0 : index
    %get3A_266 = tpu.vector_load %arg11[%get3A_265] {strides = array<i32>} : memref<32xi32, #tpu.memory_space<vmem>>, vector<16xi32>,
    %get3A_267 = vector.shape_cast %get3A_266 : vector<16xi32> to vector<16xi32>
    %swap3A_268 = arith.constant 0 : index
    %swap3A_269 = tpu.vector_load %arg15[%swap3A_268] {strides = array<i32>} : memref<32xi32, #tpu.memory_space<vmem>>, vector<16xi32>,
    %swap3A_270 = vector.shape_cast %swap3A_269 : vector<16xi32> to vector<16xi32>
    %swap3A_271 = vector.shape_cast %get3A_267 : vector<16xi32> to vector<16xi32>
    tpu.vector_store %arg15[%swap3A_268], %swap3A_271 {strides = array<i32>} : memref<32xi32, #tpu.memory_space<vmem>>, vector<16xi32>,
    %get3A_272 = arith.constant 16 : index
    %get3A_273 = tpu.vector_load %arg11[%get3A_272] {strides = array<i32>} : memref<32xi32, #tpu.memory_space<vmem>>, vector<16xi32>,
    %get3A_274 = vector.shape_cast %get3A_273 : vector<16xi32> to vector<16xi32>
    %swap3A_275 = arith.constant 16 : index
    %swap3A_276 = tpu.vector_load %arg15[%swap3A_275] {strides = array<i32>} : memref<32xi32, #tpu.memory_space<vmem>>, vector<16xi32>,
    %swap3A_277 = vector.shape_cast %swap3A_276 : vector<16xi32> to vector<16xi32>
    %swap3A_278 = vector.shape_cast %get3A_274 : vector<16xi32> to vector<16xi32>
    tpu.vector_store %arg15[%swap3A_275], %swap3A_278 {strides = array<i32>} : memref<32xi32, #tpu.memory_space<vmem>>, vector<16xi32>,
    "tpu.region"() ({
      %run_scoped3A = tpu.sem_alloc : memref<!tpu.dma_semaphore, #tpu.memory_space<semaphore_mem>>
      %dma_start3A_284 = arith.constant 0 : i32
      %dma_start3A_285 = arith.constant 0 : i32
      %dma_start3A_286 = tpu.memref_slice %arg27[%dma_start3A_284, %dma_start3A_285] : memref<10240x128xf32, #tpu.memory_space<vmem_shared>> -> memref<10240x128xf32, #tpu.memory_space<vmem_shared>>
      tpu.enqueue_indirect_dma source(%arg25 : memref<32x128xf32, #tpu.memory_space<vmem>>) target(%dma_start3A_286 : memref<10240x128xf32, #tpu.memory_space<vmem_shared>>) offsets(%arg15 : memref<32xi32, #tpu.memory_space<vmem>>) semaphore(%run_scoped3A : memref<!tpu.dma_semaphore, #tpu.memory_space<semaphore_mem>>) {add = true}
      %dma_wait3A_287 = arith.constant 0 : i32
      %dma_wait3A_288 = arith.constant 0 : i32
      %dma_wait3A_289 = tpu.memref_slice %arg27[%dma_wait3A_287, %dma_wait3A_288] : memref<10240x128xf32, #tpu.memory_space<vmem_shared>> -> memref<10240x128xf32, #tpu.memory_space<vmem_shared>>
      tpu.wait_indirect_dma semaphore(%run_scoped3A : memref<!tpu.dma_semaphore, #tpu.memory_space<semaphore_mem>>) src(%arg25 : memref<32x128xf32, #tpu.memory_space<vmem>>) dst(%dma_wait3A_289 : memref<10240x128xf32, #tpu.memory_space<vmem_shared>>)
      tpu.yield
    }) : () -> ()
    %barrier3A_279 = arith.constant 0 : index
    tpu.barrier barrier_id(%barrier3A_279)
    %mul3A_280 = arith.constant 640 : i32
    %mul3A_281 = arith.muli %arg1, %mul3A_280 : i32
    %mul3A_282 = arith.constant 640 : i32
    %mul3A_283 = arith.muli %arg1, %mul3A_282 : i32
    "tpu.region"() ({
      %run_scoped3A = tpu.sem_alloc : memref<!tpu.dma_semaphore, #tpu.memory_space<semaphore_mem>>
      %dma_start3A_284 = arith.constant 0 : i32
      %dma_start3A_285 = tpu.memref_slice %arg6[%arg0, %mul3A_283, %dma_start3A_284] : memref<2x10240x128xf32, #tpu.memory_space<hbm>> -> memref<1x640x128xf32, #tpu.memory_space<hbm>>
      %dma_start3A_286 = tpu.memref_squeeze %dma_start3A_285 : memref<1x640x128xf32, #tpu.memory_space<hbm>> -> memref<640x128xf32, #tpu.memory_space<hbm>>
      %dma_start3A_287 = arith.constant 0 : i32
      %dma_start3A_288 = tpu.memref_slice %arg27[%mul3A_281, %dma_start3A_287] : memref<10240x128xf32, #tpu.memory_space<vmem_shared>> -> memref<640x128xf32, #tpu.memory_space<vmem_shared>>
      tpu.enqueue_dma source(%dma_start3A_288 : memref<640x128xf32, #tpu.memory_space<vmem_shared>>) target(%dma_start3A_286 : memref<640x128xf32, #tpu.memory_space<hbm>>) target_semaphore(%run_scoped3A : memref<!tpu.dma_semaphore, #tpu.memory_space<semaphore_mem>>)
      %dma_wait3A_289 = arith.constant 0 : i32
      %dma_wait3A_290 = tpu.memref_slice %arg6[%arg0, %mul3A_283, %dma_wait3A_289] : memref<2x10240x128xf32, #tpu.memory_space<hbm>> -> memref<1x640x128xf32, #tpu.memory_space<hbm>>
      %dma_wait3A_291 = tpu.memref_squeeze %dma_wait3A_290 : memref<1x640x128xf32, #tpu.memory_space<hbm>> -> memref<640x128xf32, #tpu.memory_space<hbm>>
      %dma_wait3A_292 = arith.constant 0 : i32
      %dma_wait3A_293 = tpu.memref_slice %arg27[%mul3A_281, %dma_wait3A_292] : memref<10240x128xf32, #tpu.memory_space<vmem_shared>> -> memref<640x128xf32, #tpu.memory_space<vmem_shared>>
      tpu.wait_dma2 semaphore(%run_scoped3A : memref<!tpu.dma_semaphore, #tpu.memory_space<semaphore_mem>>) src(%dma_wait3A_293 : memref<640x128xf32, #tpu.memory_space<vmem_shared>>) dst(%dma_wait3A_291 : memref<640x128xf32, #tpu.memory_space<hbm>>)
      tpu.yield
    }) : () -> ()
    return
  }
}

module attributes {stable_mosaic.version = 14 : i64} {
  func.func @_proj_body(%arg0: memref<10000x128xf32, #tpu.memory_space<vmem>>, %arg1: memref<128x128xf32, #tpu.memory_space<vmem>>, %arg2: memref<1x128xf32, #tpu.memory_space<vmem>>, %arg3: memref<128x128xf32, #tpu.memory_space<vmem>>, %arg4: memref<1x128xf32, #tpu.memory_space<vmem>>, %arg5: memref<128x128xf32, #tpu.memory_space<vmem>>, %arg6: memref<1x128xf32, #tpu.memory_space<vmem>>, %arg7: memref<128x128xf32, #tpu.memory_space<vmem>>, %arg8: memref<1x128xf32, #tpu.memory_space<vmem>>, %arg9: memref<10000x128xf32, #tpu.memory_space<vmem>>, %arg10: memref<2x10000x128xf32, #tpu.memory_space<vmem>>, %arg11: memref<10000x128xf32, #tpu.memory_space<vmem>>) attributes {dimension_semantics = [], scalar_prefetch = 0 : i64, scratch_operands = 0 : i64, tpu.core_type = #tpu.core_type<tc>} {
    %get3A = arith.constant 0 : index
    %get3A_0 = arith.constant 0 : index
    %get3A_1 = vector.load %arg0[%get3A, %get3A_0] : memref<10000x128xf32, #tpu.memory_space<vmem>>, vector<10000x128xf32>
    %get3A_2 = arith.constant 0 : index
    %get3A_3 = arith.constant 0 : index
    %get3A_4 = vector.load %arg1[%get3A_2, %get3A_3] : memref<128x128xf32, #tpu.memory_space<vmem>>, vector<128x128xf32>
    %dot_general3A = arith.constant dense<0.000000e+00> : vector<10000x128xf32>
    %dot_general3A_5 = tpu.matmul %get3A_1, %get3A_4, %dot_general3A {dimension_numbers = #tpu.dot_dimension_numbers<[1], [0], [0], [1], [0, 0, 1, 1], [], []>, transpose_lhs_hint = false} : vector<10000x128xf32>, vector<128x128xf32>, vector<10000x128xf32> -> vector<10000x128xf32>
    %get3A_6 = arith.constant 0 : index
    %get3A_7 = arith.constant 0 : index
    %get3A_8 = vector.load %arg2[%get3A_6, %get3A_7] : memref<1x128xf32, #tpu.memory_space<vmem>>, vector<1x128xf32>
    %add3A = vector.broadcast %get3A_8 : vector<1x128xf32> to vector<10000x128xf32>
    %add3A_9 = arith.addf %dot_general3A_5, %add3A : vector<10000x128xf32>
    %swap3A = arith.constant 0 : index
    %swap3A_10 = arith.constant 0 : index
    %swap3A_11 = vector.load %arg9[%swap3A, %swap3A_10] : memref<10000x128xf32, #tpu.memory_space<vmem>>, vector<10000x128xf32>
    tpu.vector_store %arg9[%swap3A, %swap3A_10], %add3A_9 {strides = array<i32>} : memref<10000x128xf32, #tpu.memory_space<vmem>>, vector<10000x128xf32>,
    %get3A_12 = arith.constant 0 : index
    %get3A_13 = arith.constant 0 : index
    %get3A_14 = vector.load %arg3[%get3A_12, %get3A_13] : memref<128x128xf32, #tpu.memory_space<vmem>>, vector<128x128xf32>
    %dot_general3A_15 = arith.constant dense<0.000000e+00> : vector<10000x128xf32>
    %dot_general3A_16 = tpu.matmul %get3A_1, %get3A_14, %dot_general3A_15 {dimension_numbers = #tpu.dot_dimension_numbers<[1], [0], [0], [1], [0, 0, 1, 1], [], []>, transpose_lhs_hint = false} : vector<10000x128xf32>, vector<128x128xf32>, vector<10000x128xf32> -> vector<10000x128xf32>
    %get3A_17 = arith.constant 0 : index
    %get3A_18 = arith.constant 0 : index
    %get3A_19 = vector.load %arg4[%get3A_17, %get3A_18] : memref<1x128xf32, #tpu.memory_space<vmem>>, vector<1x128xf32>
    %add3A_20 = vector.broadcast %get3A_19 : vector<1x128xf32> to vector<10000x128xf32>
    %add3A_21 = arith.addf %dot_general3A_16, %add3A_20 : vector<10000x128xf32>
    %get3A_22 = arith.constant 0 : index
    %get3A_23 = arith.constant 0 : index
    %get3A_24 = vector.load %arg5[%get3A_22, %get3A_23] : memref<128x128xf32, #tpu.memory_space<vmem>>, vector<128x128xf32>
    %dot_general3A_25 = arith.constant dense<0.000000e+00> : vector<10000x128xf32>
    %dot_general3A_26 = tpu.matmul %get3A_1, %get3A_24, %dot_general3A_25 {dimension_numbers = #tpu.dot_dimension_numbers<[1], [0], [0], [1], [0, 0, 1, 1], [], []>, transpose_lhs_hint = false} : vector<10000x128xf32>, vector<128x128xf32>, vector<10000x128xf32> -> vector<10000x128xf32>
    %get3A_27 = arith.constant 0 : index
    %get3A_28 = arith.constant 0 : index
    %get3A_29 = vector.load %arg6[%get3A_27, %get3A_28] : memref<1x128xf32, #tpu.memory_space<vmem>>, vector<1x128xf32>
    %add3A_30 = vector.broadcast %get3A_29 : vector<1x128xf32> to vector<10000x128xf32>
    %add3A_31 = arith.addf %dot_general3A_26, %add3A_30 : vector<10000x128xf32>
    %get3A_32 = arith.constant 0 : index
    %get3A_33 = arith.constant 0 : index
    %get3A_34 = vector.load %arg7[%get3A_32, %get3A_33] : memref<128x128xf32, #tpu.memory_space<vmem>>, vector<128x128xf32>
    %dot_general3A_35 = arith.constant dense<0.000000e+00> : vector<10000x128xf32>
    %dot_general3A_36 = tpu.matmul %get3A_1, %get3A_34, %dot_general3A_35 {dimension_numbers = #tpu.dot_dimension_numbers<[1], [0], [0], [1], [0, 0, 1, 1], [], []>, transpose_lhs_hint = false} : vector<10000x128xf32>, vector<128x128xf32>, vector<10000x128xf32> -> vector<10000x128xf32>
    %get3A_37 = arith.constant 0 : index
    %get3A_38 = arith.constant 0 : index
    %get3A_39 = vector.load %arg8[%get3A_37, %get3A_38] : memref<1x128xf32, #tpu.memory_space<vmem>>, vector<1x128xf32>
    %add3A_40 = vector.broadcast %get3A_39 : vector<1x128xf32> to vector<10000x128xf32>
    %add3A_41 = arith.addf %dot_general3A_36, %add3A_40 : vector<10000x128xf32>
    %swap3A_42 = arith.constant 0 : index
    %swap3A_43 = arith.constant 0 : index
    %swap3A_44 = vector.load %arg11[%swap3A_42, %swap3A_43] : memref<10000x128xf32, #tpu.memory_space<vmem>>, vector<10000x128xf32>
    tpu.vector_store %arg11[%swap3A_42, %swap3A_43], %add3A_41 {strides = array<i32>} : memref<10000x128xf32, #tpu.memory_space<vmem>>, vector<10000x128xf32>,
    %slice3A = vector.extract_strided_slice %add3A_21 {offsets = [0, 0], sizes = [10000, 64], strides = [1, 1]} : vector<10000x128xf32> to vector<10000x64xf32>
    %swap3A_45 = arith.constant 0 : index
    %swap3A_46 = arith.constant 0 : index
    %swap3A_47 = arith.constant 0 : index
    %swap3A_48 = vector.load %arg10[%swap3A_45, %swap3A_46, %swap3A_47] : memref<2x10000x128xf32, #tpu.memory_space<vmem>>, vector<1x10000x64xf32>
    %swap3A_49 = vector.shape_cast %swap3A_48 : vector<1x10000x64xf32> to vector<10000x64xf32>
    %swap3A_50 = vector.shape_cast %slice3A : vector<10000x64xf32> to vector<1x10000x64xf32>
    tpu.vector_store %arg10[%swap3A_45, %swap3A_46, %swap3A_47], %swap3A_50 {strides = array<i32>} : memref<2x10000x128xf32, #tpu.memory_space<vmem>>, vector<1x10000x64xf32>,
    %slice3A_51 = vector.extract_strided_slice %add3A_31 {offsets = [0, 0], sizes = [10000, 64], strides = [1, 1]} : vector<10000x128xf32> to vector<10000x64xf32>
    %swap3A_52 = arith.constant 0 : index
    %swap3A_53 = arith.constant 0 : index
    %swap3A_54 = arith.constant 64 : index
    %swap3A_55 = vector.load %arg10[%swap3A_52, %swap3A_53, %swap3A_54] : memref<2x10000x128xf32, #tpu.memory_space<vmem>>, vector<1x10000x64xf32>
    %swap3A_56 = vector.shape_cast %swap3A_55 : vector<1x10000x64xf32> to vector<10000x64xf32>
    %swap3A_57 = vector.shape_cast %slice3A_51 : vector<10000x64xf32> to vector<1x10000x64xf32>
    tpu.vector_store %arg10[%swap3A_52, %swap3A_53, %swap3A_54], %swap3A_57 {strides = array<i32>} : memref<2x10000x128xf32, #tpu.memory_space<vmem>>, vector<1x10000x64xf32>,
    %slice3A_58 = vector.extract_strided_slice %add3A_21 {offsets = [0, 64], sizes = [10000, 64], strides = [1, 1]} : vector<10000x128xf32> to vector<10000x64xf32>
    %swap3A_59 = arith.constant 1 : index
    %swap3A_60 = arith.constant 0 : index
    %swap3A_61 = arith.constant 0 : index
    %swap3A_62 = vector.load %arg10[%swap3A_59, %swap3A_60, %swap3A_61] : memref<2x10000x128xf32, #tpu.memory_space<vmem>>, vector<1x10000x64xf32>
    %swap3A_63 = vector.shape_cast %swap3A_62 : vector<1x10000x64xf32> to vector<10000x64xf32>
    %swap3A_64 = vector.shape_cast %slice3A_58 : vector<10000x64xf32> to vector<1x10000x64xf32>
    tpu.vector_store %arg10[%swap3A_59, %swap3A_60, %swap3A_61], %swap3A_64 {strides = array<i32>} : memref<2x10000x128xf32, #tpu.memory_space<vmem>>, vector<1x10000x64xf32>,
    %slice3A_65 = vector.extract_strided_slice %add3A_31 {offsets = [0, 64], sizes = [10000, 64], strides = [1, 1]} : vector<10000x128xf32> to vector<10000x64xf32>
    %swap3A_66 = arith.constant 1 : index
    %swap3A_67 = arith.constant 0 : index
    %swap3A_68 = arith.constant 64 : index
    %swap3A_69 = vector.load %arg10[%swap3A_66, %swap3A_67, %swap3A_68] : memref<2x10000x128xf32, #tpu.memory_space<vmem>>, vector<1x10000x64xf32>
    %swap3A_70 = vector.shape_cast %swap3A_69 : vector<1x10000x64xf32> to vector<10000x64xf32>
    %swap3A_71 = vector.shape_cast %slice3A_65 : vector<10000x64xf32> to vector<1x10000x64xf32>
    tpu.vector_store %arg10[%swap3A_66, %swap3A_67, %swap3A_68], %swap3A_71 {strides = array<i32>} : memref<2x10000x128xf32, #tpu.memory_space<vmem>>, vector<1x10000x64xf32>,
    return
  }
}

module attributes {stable_mosaic.version = 14 : i64} {
  func.func @_bn_body(%arg0: memref<10000x128xf32, #tpu.memory_space<vmem>>, %arg1: memref<2x10240x128xf32, #tpu.memory_space<vmem>>, %arg2: memref<1x128xf32, #tpu.memory_space<vmem>>, %arg3: memref<1x128xf32, #tpu.memory_space<vmem>>, %arg4: memref<10000x128xf32, #tpu.memory_space<vmem>>, %arg5: memref<10000x128xf32, #tpu.memory_space<vmem>>) attributes {dimension_semantics = [], scalar_prefetch = 0 : i64, scratch_operands = 0 : i64, tpu.core_type = #tpu.core_type<tc>} {
    %get3A = arith.constant 0 : index
    %get3A_0 = arith.constant 0 : index
    %get3A_1 = vector.load %arg0[%get3A, %get3A_0] : memref<10000x128xf32, #tpu.memory_space<vmem>>, vector<10000x128xf32>
    %slice3A = vector.extract_strided_slice %get3A_1 {offsets = [0, 0], sizes = [10000, 64], strides = [1, 1]} : vector<10000x128xf32> to vector<10000x64xf32>
    %get3A_2 = arith.constant 0 : index
    %get3A_3 = arith.constant 0 : index
    %get3A_4 = arith.constant 0 : index
    %get3A_5 = vector.load %arg1[%get3A_2, %get3A_3, %get3A_4] : memref<2x10240x128xf32, #tpu.memory_space<vmem>>, vector<1x10000x64xf32>
    %get3A_6 = vector.shape_cast %get3A_5 : vector<1x10000x64xf32> to vector<10000x64xf32>
    %get3A_7 = arith.constant 0 : index
    %get3A_8 = arith.constant 0 : index
    %get3A_9 = arith.constant 64 : index
    %get3A_10 = vector.load %arg1[%get3A_7, %get3A_8, %get3A_9] : memref<2x10240x128xf32, #tpu.memory_space<vmem>>, vector<1x10000x64xf32>
    %get3A_11 = vector.shape_cast %get3A_10 : vector<1x10000x64xf32> to vector<10000x64xf32>
    %add3A = arith.constant 9.99999997E-7 : f32
    %add3A_12 = vector.broadcast %add3A : f32 to vector<10000x64xf32>
    %add3A_13 = arith.addf %get3A_11, %add3A_12 : vector<10000x64xf32>
    %div3A = arith.divf %get3A_6, %add3A_13 : vector<10000x64xf32>
    %add3A_14 = arith.addf %slice3A, %div3A : vector<10000x64xf32>
    %slice3A_15 = vector.extract_strided_slice %get3A_1 {offsets = [0, 64], sizes = [10000, 64], strides = [1, 1]} : vector<10000x128xf32> to vector<10000x64xf32>
    %get3A_16 = arith.constant 1 : index
    %get3A_17 = arith.constant 0 : index
    %get3A_18 = arith.constant 0 : index
    %get3A_19 = vector.load %arg1[%get3A_16, %get3A_17, %get3A_18] : memref<2x10240x128xf32, #tpu.memory_space<vmem>>, vector<1x10000x64xf32>
    %get3A_20 = vector.shape_cast %get3A_19 : vector<1x10000x64xf32> to vector<10000x64xf32>
    %get3A_21 = arith.constant 1 : index
    %get3A_22 = arith.constant 0 : index
    %get3A_23 = arith.constant 64 : index
    %get3A_24 = vector.load %arg1[%get3A_21, %get3A_22, %get3A_23] : memref<2x10240x128xf32, #tpu.memory_space<vmem>>, vector<1x10000x64xf32>
    %get3A_25 = vector.shape_cast %get3A_24 : vector<1x10000x64xf32> to vector<10000x64xf32>
    %add3A_26 = arith.constant 9.99999997E-7 : f32
    %add3A_27 = vector.broadcast %add3A_26 : f32 to vector<10000x64xf32>
    %add3A_28 = arith.addf %get3A_25, %add3A_27 : vector<10000x64xf32>
    %div3A_29 = arith.divf %get3A_20, %add3A_28 : vector<10000x64xf32>
    %add3A_30 = arith.addf %slice3A_15, %div3A_29 : vector<10000x64xf32>
    %concatenate3A = tpu.concatenate %add3A_14, %add3A_30 in 1 : vector<10000x64xf32>, vector<10000x64xf32> -> vector<10000x128xf32>
    %reduce_sum3A = arith.constant dense<0.000000e+00> : vector<128xf32>
    %reduce_sum3A_31 = vector.multi_reduction <add>, %concatenate3A, %reduce_sum3A [0] : vector<10000x128xf32> to vector<128xf32>
    %broadcast_in_dim3A = vector.shape_cast %reduce_sum3A_31 : vector<128xf32> to vector<1x128xf32>
    %div3A_32 = arith.constant 1.000000e+04 : f32
    %div3A_33 = vector.broadcast %div3A_32 : f32 to vector<1x128xf32>
    %div3A_34 = arith.divf %broadcast_in_dim3A, %div3A_33 : vector<1x128xf32>
    %sub3A = vector.broadcast %div3A_34 : vector<1x128xf32> to vector<10000x128xf32>
    %sub3A_35 = arith.subf %concatenate3A, %sub3A : vector<10000x128xf32>
    %integer_pow3A = arith.mulf %sub3A_35, %sub3A_35 : vector<10000x128xf32>
    %reduce_sum3A_36 = arith.constant dense<0.000000e+00> : vector<128xf32>
    %reduce_sum3A_37 = vector.multi_reduction <add>, %integer_pow3A, %reduce_sum3A_36 [0] : vector<10000x128xf32> to vector<128xf32>
    %broadcast_in_dim3A_38 = vector.shape_cast %reduce_sum3A_37 : vector<128xf32> to vector<1x128xf32>
    %div3A_39 = arith.constant 1.000000e+04 : f32
    %div3A_40 = vector.broadcast %div3A_39 : f32 to vector<1x128xf32>
    %div3A_41 = arith.divf %broadcast_in_dim3A_38, %div3A_40 : vector<1x128xf32>
    %sub3A_42 = vector.broadcast %div3A_34 : vector<1x128xf32> to vector<10000x128xf32>
    %sub3A_43 = arith.subf %concatenate3A, %sub3A_42 : vector<10000x128xf32>
    %get3A_44 = arith.constant 0 : index
    %get3A_45 = arith.constant 0 : index
    %get3A_46 = vector.load %arg2[%get3A_44, %get3A_45] : memref<1x128xf32, #tpu.memory_space<vmem>>, vector<1x128xf32>
    %add3A_47 = arith.constant 9.99999974E-6 : f32
    %add3A_48 = vector.broadcast %add3A_47 : f32 to vector<1x128xf32>
    %add3A_49 = arith.addf %div3A_41, %add3A_48 : vector<1x128xf32>
    %rsqrt3A = math.rsqrt %add3A_49 : vector<1x128xf32>
    %mul3A = arith.mulf %get3A_46, %rsqrt3A : vector<1x128xf32>
    %mul3A_50 = vector.broadcast %mul3A : vector<1x128xf32> to vector<10000x128xf32>
    %mul3A_51 = arith.mulf %sub3A_43, %mul3A_50 : vector<10000x128xf32>
    %get3A_52 = arith.constant 0 : index
    %get3A_53 = arith.constant 0 : index
    %get3A_54 = vector.load %arg3[%get3A_52, %get3A_53] : memref<1x128xf32, #tpu.memory_space<vmem>>, vector<1x128xf32>
    %add3A_55 = vector.broadcast %get3A_54 : vector<1x128xf32> to vector<10000x128xf32>
    %add3A_56 = arith.addf %mul3A_51, %add3A_55 : vector<10000x128xf32>
    %get3A_57 = arith.constant 0 : index
    %get3A_58 = arith.constant 0 : index
    %get3A_59 = vector.load %arg4[%get3A_57, %get3A_58] : memref<10000x128xf32, #tpu.memory_space<vmem>>, vector<10000x128xf32>
    %max3A = arith.constant 0.000000e+00 : f32
    %max3A_60 = vector.broadcast %max3A : f32 to vector<10000x128xf32>
    %max3A_61 = arith.maximumf %add3A_56, %max3A_60 : vector<10000x128xf32>
    %add3A_62 = arith.addf %get3A_59, %max3A_61 : vector<10000x128xf32>
    %swap3A = arith.constant 0 : index
    %swap3A_63 = arith.constant 0 : index
    %swap3A_64 = vector.load %arg5[%swap3A, %swap3A_63] : memref<10000x128xf32, #tpu.memory_space<vmem>>, vector<10000x128xf32>
    tpu.vector_store %arg5[%swap3A, %swap3A_63], %add3A_62 {strides = array<i32>} : memref<10000x128xf32, #tpu.memory_space<vmem>>, vector<10000x128xf32>,
    return
  }
}

</mosaic_0001>

<sc_bundles>
// kernel: kernel.5.cloned.1.call-start
scs
__scs_entry_jumppad:
0x0: {  	(pc) =	sbr.rel $0x88, $3  }
0x1: {  	(tag) =	ssettag $0x0;
	lr =	simm.s32 $0x1  }
0x2: {  	[smem:$0x3F94] =	sst lr;
	_ =	strace $0xD0000000  }
0x3: {  	_ = 	snop  }
0x4: {  	_ = 	snop  }
0x5: {  	_ = 	snop  }
0x6: {  	_ = 	snop  }
0x7: {  	_ = 	snop  }
__scs_overlays_trampoline_lowered:
0x8: {  	[smem:$0x3FA3] =	sst s0  }
0x9: {  	[smem:$0x3FA4] =	sst s1  }
0xa: {  	[smem:$0x3FA5] =	sst s2  }
0xb: {  	[smem:$0x3FA6] =	sst s3  }
0xc: {  	[smem:$0x3FA7] =	sst s4  }
0xd: {  	[smem:$0x3FA8] =	sst s5  }
0xe: {  	[smem:$0x3FA9] =	sst s6  }
0xf: {  	[smem:$0x3FAA] =	sst s7  }
0x10: {  	[smem:$0x3FAB] =	sst s8  }
0x11: {  	[smem:$0x3FAC] =	sst s9;
	s0 =	simm.s32 @!p0 $0x0  }
0x12: {  	s1 =	sld [smem:$0x3F92];
	s0 =	simm.s32 @p0 $0x1  }
0x13: {  	[smem:$0x3FAD] =	sst s0;
	s0 =	simm.s32 @!p1 $0x0  }
0x14: {  	s2 =	sld [smem:$0x3F91];
	s0 =	simm.s32 @p1 $0x1  }
0x15: {  	[smem:$0x3FAE] =	sst s0;
	s0 =	simm.s32 @!p2 $0x0  }
0x16: {  	s3 =	sld [smem:$0x3FDB];
	s0 =	simm.s32 @p2 $0x1  }
0x17: {  	s4 =	simm.s32 $0x1BF5;
	[smem:$0x3FB0] =	sst s0  }
0x18: {  	s0 =	sld [smem:$0x3F93];
	_ =	swait.ge [sflag:s4], $0x0  }
0x19: {  	s7 =	sld [smem:$0x3F94]  }
0x1a: {  	s8 =	sadd.s32 $0xFFFFE003, lr  }
0x1b: {  	s9 =	sadd.s32 $0xFFFFFEF7, lr;
	s5 =	simm.s32 $0xFFFFFFFF;
	p2 =	slt.u32 s8, $0xFFFFF086  }
0x1c: {  	p1 =	slt.u32 s9, $0xF7A;
	s5 =	simm.s32 @!p2 $0x0  }
0x1d: {  	s5 =	simm.s32 @p1 $0x1;
	p0 =	seq.s32 s7, s2  }
0x1e: {  	s7 =	smul.u32 @!p0 $0xF7A, s2;
	p2 =	seq.s32 @!p0 s5, $0x0  }
0x1f: {  	s9 =	smul.u32 $0xF7A, s1;
	s8 =	simm.s32 @!p0 $0x1BF5;
	p2 =	por !p2, p0  }
0x20: {  	[sflag:s8] =	ssyncset.s32 @!p0 $0xFFFFF086;
	s6 =	sadd.s32 @!p0 s3, s7;
	s7 =	simm.s32 @!p0 $0x108  }
0x21: {  	s3 =	sadd.s32 s3, s9;
	s6 =	sadd.s32 @!p0 $0x88, s6;
	s7 =	simm.s32 @p2 $0x1082  }
0x22: {  	[simem:s7], [sflag:s8] =	dma.local @!p0 [hbm:s6], $0xF7A  }
0x23: {  	s9 =	sor.u32 $0xD0000000, s2;
	s6 =	simm.s32 $0x108;
	_ =	swait.ge @!p0 [sflag:s8], $0x0  }
0x24: {  	s3 =	sadd.s32 $0x88, s3;
	s6 =	simm.s32 @!p1 $0x1082;
	[sflag:s4] =	ssyncset.s32 $0xFFFFF086  }
0x25: {  	[simem:s6], [sflag:s4] =	dma.local [hbm:s3], $0xF7A  }
0x26: {  	[smem:$0x3F94] =	sst s1;
	(tag) =	ssettag s2;
	_ =	strace s9  }
0x27: {  	s1 =	sld [smem:$0x3FA4]  }
0x28: {  	s2 =	sld [smem:$0x3FA5]  }
0x29: {  	s4 =	sld [smem:$0x3FA7]  }
0x2a: {  	p0 =	seq.s32 s5, $0x0;
	s5 =	sld [smem:$0x3FA8]  }
0x2b: {  	s6 =	sld [smem:$0x3FA9]  }
0x2c: {  	s7 =	sld [smem:$0x3FAA]  }
0x2d: {  	s3 =	simm.s32 $0x108;
	s8 =	sld [smem:$0x3FAB]  }
0x2e: {  	s3 =	simm.s32 @!p0 $0x1082;
	s9 =	sld [smem:$0x3FAC]  }
0x2f: {  	lr =	sadd.s32 s0, s3;
	s0 =	sld [smem:$0x3FA3]  }
0x30: {  	s3 =	sld [smem:$0x3FA6]  }
0x31: {  	[smem:$0x3FAF] =	sst s10  }
0x32: {  	s10 =	sld [smem:$0x3FAD];
	_ =	sdelay $0x3  }
0x33: {  	p0 =	seq.s32 s10, $0x1;
	s10 =	sld [smem:$0x3FAF];
	_ =	sdelay $0x3  }
0x34: {  	[smem:$0x3FAF] =	sst s10  }
0x35: {  	s10 =	sld [smem:$0x3FAE];
	_ =	sdelay $0x3  }
0x36: {  	p1 =	seq.s32 s10, $0x1;
	s10 =	sld [smem:$0x3FAF];
	_ =	sdelay $0x3  }
0x37: {  	[smem:$0x3FAF] =	sst s10  }
0x38: {  	s10 =	sld [smem:$0x3FB0]  }
0x39: {  	_ = 	snop;
	(pc) =	sbr.ind lr, $3  }
0x3a: {  	_ = 	snop  }
0x3b: {  	_ = 	snop  }
0x3c: {  	p2 =	seq.s32 s10, $0x1;
	s10 =	sld [smem:$0x3FAF]  }
0x3d: {  	_ =	shalt  }
0x3e: {  	_ =	shalt  }
0x3f: {  	_ =	shalt  }
0x40: {  	_ =	shalt  }
0x41: {  	_ =	shalt  }
0x42: {  	_ =	shalt  }
0x43: {  	_ =	shalt  }
0x44: {  	_ =	shalt  }
0x45: {  	_ =	shalt  }
0x46: {  	_ =	shalt  }
0x47: {  	_ =	shalt  }
0x48: {  	_ =	shalt  }
0x49: {  	_ =	shalt  }
0x4a: {  	_ =	shalt  }
0x4b: {  	_ =	shalt  }
0x4c: {  	_ =	shalt  }
0x4d: {  	_ =	shalt  }
0x4e: {  	_ =	shalt  }
0x4f: {  	_ =	shalt  }
0x50: {  	_ =	shalt  }
0x51: {  	_ =	shalt  }
0x52: {  	_ =	shalt  }
0x53: {  	_ =	shalt  }
0x54: {  	_ =	shalt  }
0x55: {  	_ =	shalt  }
0x56: {  	_ =	shalt  }
0x57: {  	_ =	shalt  }
0x58: {  	_ =	shalt  }
0x59: {  	_ =	shalt  }
0x5a: {  	_ =	shalt  }
0x5b: {  	_ =	shalt  }
0x5c: {  	_ =	shalt  }
0x5d: {  	_ =	shalt  }
0x5e: {  	_ =	shalt  }
0x5f: {  	_ =	shalt  }
0x60: {  	_ =	shalt  }
0x61: {  	_ =	shalt  }
0x62: {  	_ =	shalt  }
0x63: {  	_ =	shalt  }
0x64: {  	_ =	shalt  }
0x65: {  	_ =	shalt  }
0x66: {  	_ =	shalt  }
0x67: {  	_ =	shalt  }
0x68: {  	_ =	shalt  }
0x69: {  	_ =	shalt  }
0x6a: {  	_ =	shalt  }
0x6b: {  	_ =	shalt  }
0x6c: {  	_ =	shalt  }
0x6d: {  	_ =	shalt  }
0x6e: {  	_ =	shalt  }
0x6f: {  	_ =	shalt  }
0x70: {  	_ =	shalt  }
0x71: {  	_ =	shalt  }
0x72: {  	_ =	shalt  }
0x73: {  	_ =	shalt  }
0x74: {  	_ =	shalt  }
0x75: {  	_ =	shalt  }
0x76: {  	_ =	shalt  }
0x77: {  	_ =	shalt  }
0x78: {  	_ =	shalt  }
0x79: {  	_ =	shalt  }
0x7a: {  	_ =	shalt  }
0x7b: {  	_ =	shalt  }
0x7c: {  	_ =	shalt  }
0x7d: {  	_ =	shalt  }
0x7e: {  	_ =	shalt  }
0x7f: {  	_ =	shalt  }
0x80: {  	_ =	shalt  }
0x81: {  	_ =	shalt  }
0x82: {  	_ =	shalt  }
0x83: {  	_ =	shalt  }
0x84: {  	_ =	shalt  }
0x85: {  	_ =	shalt  }
0x86: {  	_ =	shalt  }
0x87: {  	_ =	shalt  }
.Lfunc_end0:
.L_simem_size_0:
called_computation_lowered:
.L_overlay_start_0:
0x88: {  	s2 =	sld [smem:$0x3FD9]  }
0x89: {  	s3 =	sld [smem:$0x3FFE];
	_ =	sdelay $0x1  }
0x8a: {  	s1 =	srdreg.scid  }
0x8b: {  	s0 =	sand.u32 $0x1, s1  }
0x8c: {  	s14 =	sshll.u32 s0, $0xA;
	s2 =	sadd.s32 s3, s2  }
0x8d: {  	s2 =	sadd.s32 s2, s14  }
0x8e: {  	[smem:$0x3FBB] =	sst s2  }
0x8f: {  	_ = 	snop  }
0x90: {  	s2 =	sld [smem:$0x3FD0];
	_ =	sdelay $0x2  }
0x91: {  	s15 =	simm.s32 $0xA;
	s4 =	simm.s32 $0x10  }
0x92: {  	[smem:s4], [sflag:s15] =	dma.local [hbm:s2], $0x1  }
0x93: {  	_ =	swait.eq [sflag:s15], $0x1  }
0x94: {  	[sflag:s15] =	ssyncset.done $0x0  }
0x95: {  	s16 =	sld [smem:$0x10];
	[sflag:s15] =	ssyncadd.s32 $0xFFFFFFFF  }
0x96: {  	s17 =	sld [smem:$0x11];
	(tm) =	ssettm $0x1  }
0x97: {  	s18 =	sld [smem:$0x3FFB];
	_ =	sdelay $0x3  }
0x98: {  	_ =	strace s18  }
0x99: {  	s4 =	sld [smem:$0x3FFC];
	_ =	sdelay $0x3  }
0x9a: {  	_ =	strace s4  }
0x9b: {  	s4 =	sld [smem:$0x3FFD];
	_ =	sdelay $0x3  }
0x9c: {  	_ =	strace s4  }
0x9d: {  	_ =	strace $0x8FFFFFFF  }
0x9e: {  	s19 =	sld [smem:$0x3FDB];
	_ =	sdelay $0x1  }
0x9f: {  	s5 =	simm.s32 $_scs_section_size  }
0xa0: {  	s6 =	simm.s32 $_size__tile_overlayer_lowered;
	s7 =	simm.s32 $_tile_overlayer_lowered  }
0xa1: {  	s22 =	simm.s32 $0x1BFF;
	s21 =	sshll.u32 s7, $0x1;
	s4 =	sadd.s32 s5, s19  }
0xa2: {  	s8 =	simm.s32 $0x0;
	s20 =	sshll.u32 s6, $0x1;
	s6 =	sadd.s32 s21, s4  }
0xa3: {  	[timem:s8], [sflag:s22] =	dma.local [hbm:s6], s20  }
0xa4: {  	_ =	swait.ge [sflag:s22], s20  }
0xa5: {  	s5 =	ssub.s32 $0x0, s20;
	[sflag:s22] =	ssyncset.done $0x0  }
0xa6: {  	[sflag:s22] =	ssyncadd.s32 s5;
	_ =	sdelay $0x1  }
0xa7: {  	s23 =	simm.s32 $0x1B8B  }
0xa8: {  	_ =	swait.ge [sflag:s23], $0x1  }
0xa9: {  	[sflag:s23] =	ssyncset.done $0x0  }
0xaa: {  	s25 =	simm.s32 $0x1B8E;
	s24 =	sld [smem:$0x3FFE];
	[sflag:s23] =	ssyncadd.s32 $0xFFFFFFFF  }
0xab: {  	s26 =	simm.s32 $execute0_lowered;
	[smem:$0x3FD2] =	sst s25  }
0xac: {  	s6 =	sshll.u32 s26, $0x1;
	_ =	strace $0x80000046;
	[dreg:$0x1] =	wrdreg $0xFFFFFFFF  }
0xad: {  	s28 =	simm.s32 $_size_execute0_lowered;
	s4 =	sadd.s32 s4, s6;
	[dreg:$0x0] =	wrdreg $0x0  }
0xae: {  	s6 =	sshll.u32 s28, $0x1;
	[dreg:$0x2] =	wrdreg s4  }
0xaf: {  	[dreg:$0x3] =	wrdreg s6  }
0xb0: {  	[dreg:$0x4] =	wrdreg $0xC0  }
0xb1: {  	_ =	task [dreg:s8], $0x5FFFF  }
0xb2: {  	[dreg:$0x1] =	wrdreg $0xFFFFFFFF  }
0xb3: {  	[dreg:$0x0] =	wrdreg $0x60  }
0xb4: {  	[dreg:$0x2] =	wrdreg s24  }
0xb5: {  	[dreg:$0x3] =	wrdreg s16  }
0xb6: {  	[dreg:$0x4] =	wrdreg s17  }
0xb7: {  	[dreg:$0x5] =	wrdreg $0xA5000  }
0xb8: {  	[dreg:$0x6] =	wrdreg $0x9  }
0xb9: {  	_ =	task.clear_ibuf [dreg:s8], $0x7FFFF;
	_ =	strace $0x90000046  }
0xba: {  	s29 =	simm.s32 $0x9;
	_ =	strace $0x80000048  }
0xbb: {  	_ =	swait.ge [sflag:s29], $0x1  }
0xbc: {  	[sflag:s29] =	ssyncadd.s32 $0xFFFFFFFF  }
0xbd: {  	_ =	strace $0x90000048  }
0xbe: {  	_ =	sfence  }
0xbf: {  	s30 =	sld [smem:$0x0];
	_ =	sdelay $0x2  }
0xc0: {  	s31 =	sshll.u32 s1, $0xD;
	s1 =	sshrl.u32 s1, $0x2  }
0xc1: {  	s3 =	sand.u32 $0x4000, s31;
	s1 =	sadd.s32 s1, s30  }
0xc2: {  	s0 =	sor.u32 s3, s0;
	s1 =	sshll.u32 s1, $0x11  }
0xc3: {  	s0 =	sor.u32 s1, s0  }
0xc4: {  	s0 =	sadd.s32 $0x8F2B, s0  }
0xc5: {  	[sflag:s0] =	ssyncadd.remote.s32 $0x1  }
0xc6: {  	_ =	sfence.sel $0xFFFF  }
0xc7: {  	[dreg:$0x0] =	wrdreg $0xFFFFFFFF;
	(pc) =	sbr.abs _section_cstart, $3  }
0xc8: {  	[dreg:$0x1] =	wrdreg $0xFFFFFFFF  }
0xc9: {  	_ =	task.clear_ibuf [dreg:s8], $0x2FFFF;
	_ =	strace $0x9FFFFFFF  }
0xca: {  	(tm) =	ssettm $0x7FFFFFFF  }
0xcb: {  	_ =	shalt  }
tec
execute0_lowered:
.L_overlay_start_1:
0x0: {  	(tag) =	ssettag $0x1  }
0x1: {  	s0 =	rddreg [dreg:$0x0]  }
0x2: {  	s1 =	rddreg [dreg:$0x1]  }
0x3: {  	s3 =	rddreg [dreg:$0x2]  }
0x4: {  	s2 =	rddreg [dreg:$0x3]  }
0x5: {  	s4 =	simm.s32 $0x0;
	s5 =	srdreg.scid;
	s14 =	stileid.u32  }
0x6: {  	[smem:$0x7FF] =	sst s4;
	s8 =	sand.u32 $0x1, s5;
	s10 =	smul.u32 $0x4E20, s14  }
0x7: {  	s5 =	sadd.s32 $0x15400, s0;
	s6 =	sadd.s32 $0xB600, s0;
	s28 =	smul.u32 $0x50000, s14  }
0x8: {  	s7 =	sadd.s32 $0x1800, s0;
	s14 =	smul.u32 $0x14000, s14;
	s16 =	sadd.s32 $0x80, s10  }
0x9: {  	_ =	strace $0x80000047;
	s17 =	sadd.s32 $0xA0, s10;
	[dreg:$0xe] =	wrdreg s16  }
0xa: {  	s9 =	ssub.s32 $0x2, s8;
	s19 =	sadd.s32 $0xC0, s10;
	[dreg:$0xf] =	wrdreg s17  }
0xb: {  	s22 =	sshrl.u32 s10, $0x3;
	s10 =	sadd.s32 $0xE0, s10;
	[dreg:$0x10] =	wrdreg s19  }
0xc: {  	s31 =	smul.u32 $0x140000, s8;
	s12 =	sadd.s32 s6, s22;
	[dreg:$0x11] =	wrdreg s10  }
0xd: {  	s23 =	sadd.s32 $0x4, s22;
	s13 =	sadd.s32 s7, s22;
	[dreg:$0x5] =	wrdreg s12  }
0xe: {  	s11 =	sshrl.u32 s9, $0x1;
	[dreg:$0x6] =	wrdreg s13;
	s24 =	sadd.s32 s6, s23  }
0xf: {  	s25 =	sadd.s32 $0x8, s22;
	s12 =	sadd.s32 s7, s23;
	[dreg:$0x7] =	wrdreg s24  }
0x10: {  	s9 =	ssub.s32 s9, s11;
	s26 =	sadd.s32 s6, s25;
	[dreg:$0x8] =	wrdreg s12  }
0x11: {  	s11 =	sadd.s32 $0xC, s22;
	s13 =	sadd.s32 s7, s25;
	[dreg:$0x9] =	wrdreg s26  }
0x12: {  	s0 =	smul.u32 $0x2710, s8;
	s15 =	sadd.s32 s6, s11;
	[dreg:$0xa] =	wrdreg s13  }
0x13: {  	s18 =	sadd.s32 s14, s31;
	s11 =	sadd.s32 s7, s11;
	[dreg:$0xb] =	wrdreg s15  }
0x14: {  	s20 =	sshrl.u32 s18, $0x3;
	s21 =	smax.u32 s9, $0x1;
	[dreg:$0xc] =	wrdreg s11  }
0x15: {  	s12 =	sshrl.u32 s28, $0x2;
	s3 =	sadd.s32 s3, s20;
	[dreg:$0x13] =	wrdreg s21  }
0x16: {  	s8 =	sshll.u32 s8, $0x6;
	s12 =	sadd.s32 s12, s2;
	[dreg:$0x12] =	wrdreg s3  }
0x17: {  	s23 =	sor.u32 $0x4600, s8;
	s22 =	sadd.s32 $0x1000, s12;
	[dreg:$0xd] =	wrdreg s12  }
0x18: {  	s25 =	sor.u32 $0x6600, s8;
	s28 =	sadd.s32 $0x2000, s12;
	[dreg:$0x14] =	wrdreg s22  }
0x19: {  	s24 =	sor.u32 $0x5600, s8;
	s31 =	sadd.s32 $0x3000, s12;
	[dreg:$0x15] =	wrdreg s28  }
0x1a: {  	s26 =	sor.u32 $0x7600, s8;
	s8 =	sadd.s32 $0x4000, s12;
	[dreg:$0x16] =	wrdreg s31  }
0x1b: {  	s9 =	sadd.s32 $0x5000, s12;
	[dreg:$0x17] =	wrdreg s8  }
0x1c: {  	s10 =	sadd.s32 $0x6000, s12;
	[dreg:$0x18] =	wrdreg s9  }
0x1d: {  	s11 =	sadd.s32 $0x7000, s12;
	[dreg:$0x19] =	wrdreg s10  }
0x1e: {  	s13 =	sadd.s32 $0x8000, s12;
	[dreg:$0x1a] =	wrdreg s11  }
0x1f: {  	s14 =	sadd.s32 $0x9000, s12;
	[dreg:$0x1b] =	wrdreg s13  }
0x20: {  	s15 =	sadd.s32 $0xA000, s12;
	[dreg:$0x1c] =	wrdreg s14  }
0x21: {  	s16 =	sadd.s32 $0xB000, s12;
	[dreg:$0x1d] =	wrdreg s15  }
0x22: {  	s17 =	sadd.s32 $0xC000, s12;
	[dreg:$0x1e] =	wrdreg s16  }
0x23: {  	s18 =	sadd.s32 $0xD000, s12;
	[dreg:$0x1f] =	wrdreg s17  }
0x24: {  	s19 =	sadd.s32 $0xE000, s12;
	[smem:$0x7F7] =	sst s18  }
0x25: {  	s20 =	sadd.s32 $0xF000, s12;
	[smem:$0x7F8] =	sst s19  }
0x26: {  	s29 =	simm.s32 $0x500;
	s21 =	sadd.s32 $0x10000, s12;
	[smem:$0x7F9] =	sst s20  }
0x27: {  	s30 =	simm.s32 $0x4500;
	s3 =	simm.s32 $0x0;
	[smem:$0x7FA] =	sst s21  }
0x28: {  	s22 =	sadd.s32 $0x11000, s12;
	s28 =	sadd.s32 $0x12000, s12;
	s31 =	sadd.s32 $0x13000, s12  }
0x29: {  	s8 =	simm.s32 $0x80;
	s9 =	simm.s32 $0x280;
	s13 =	simm.s32 $0x100  }
0x2a: {  	s14 =	simm.s32 $0x300;
	s15 =	simm.s32 $0x180;
	s16 =	simm.s32 $0x380  }
0x2b: {  	s17 =	simm.s32 $0xF;
	s19 =	simm.s32 $0x1;
	[smem:$0x7FB] =	sst s22  }
0x2c: {  	s11 =	simm.s32 $0x20;
	s21 =	simm.s32 $0x4;
	[smem:$0x7FC] =	sst s28  }
0x2d: {  	v1 =	vimm.f32 $0.0e+00;
	v0 =	vmov s0;
	s10 =	simm.s32 $0xD;
	[smem:$0x7FD] =	sst s31;
	s22 =	simm.s32 $0xE  }
.LBB2_1:
0x2e: {  	[smem:$0x7F6] =	sst s3  }
0x2f: {  	s0 =	rddreg [dreg:$0x5]  }
0x30: {  	[tilespmem:s4], [sflag:$0x1] =	stream.linear.gather [hbm4b:s0+s4], $0x20, $0x38;
	[tilespmem:$0x1E500] =	vst v63  }
0x31: {  	s20 =	rddreg [dreg:$0x6];
	s28 =	simm.s32 $0x200  }
0x32: {  	[tilespmem:s28], [sflag:$0x1] =	stream.linear.gather [hbm4b:s20+s4], $0x20, $0x38;
	[tilespmem:$0x1E500] =	vst v63  }
0x33: {  	s31 =	rddreg [dreg:$0x7]  }
0x34: {  	[tilespmem:s8], [sflag:$0x2] =	stream.linear.gather [hbm4b:s31+s4], $0x20, $0x38;
	[tilespmem:$0x1E500] =	vst v63  }
0x35: {  	s3 =	rddreg [dreg:$0x8]  }
0x36: {  	[tilespmem:s9], [sflag:$0x2] =	stream.linear.gather [hbm4b:s3+s4], $0x20, $0x38;
	[tilespmem:$0x1E500] =	vst v63  }
0x37: {  	s18 =	rddreg [dreg:$0x9]  }
0x38: {  	[tilespmem:s13], [sflag:$0x3] =	stream.linear.gather [hbm4b:s18+s4], $0x20, $0x38;
	[tilespmem:$0x1E500] =	vst v63  }
0x39: {  	s20 =	rddreg [dreg:$0xa]  }
0x3a: {  	[tilespmem:s14], [sflag:$0x3] =	stream.linear.gather [hbm4b:s20+s4], $0x20, $0x38;
	[tilespmem:$0x1E500] =	vst v63  }
0x3b: {  	s28 =	rddreg [dreg:$0xb]  }
0x3c: {  	[tilespmem:s15], [sflag:$0x4] =	stream.linear.gather [hbm4b:s28+s4], $0x20, $0x38;
	[tilespmem:$0x1E500] =	vst v63  }
0x3d: {  	s0 =	simm.s32 $0x0;
	s31 =	rddreg [dreg:$0xc];
	s3 =	simm.s32 $0x200  }
0x3e: {  	[tilespmem:s16], [sflag:$0x4] =	stream.linear.gather [hbm4b:s31+s4], $0x20, $0x38;
	[tilespmem:$0x1E500] =	vst v63  }
.LBB2_2:
0x3f: {  	p0 =	sne.s32 s3, $0x3E00;
	[tilespmem:s0+$0x8570] =	vst v1  }
0x40: {  	[tilespmem:s0+$0x8500] =	vst v1  }
0x41: {  	[tilespmem:s0+$0x8510] =	vst v1  }
.Ltmp0:
0x42: {  	[tilespmem:s0+$0x8520] =	vst v1;
	(pc) =	sbr.rel @p0 .LBB2_2-.Ltmp0, $4  }
0x43: {  	[tilespmem:s0+$0x8530] =	vst v1  }
0x44: {  	[tilespmem:s0+$0x8540] =	vst v1  }
0x45: {  	[tilespmem:s0+$0x8550] =	vst v1  }
0x46: {  	[tilespmem:s0+$0x8560] =	vst v1;
	s0 =	sshra.s32 s3, $0x2;
	s3 =	sadd.s32 $0x200, s3  }
0x47: {  	[tilespmem:s0+$0x8570] =	vst v1  }
0x48: {  	[tilespmem:s0+$0x8500] =	vst v1  }
0x49: {  	[tilespmem:s0+$0x8510] =	vst v1  }
0x4a: {  	[tilespmem:s0+$0x8520] =	vst v1  }
0x4b: {  	[tilespmem:s0+$0x8530] =	vst v1  }
0x4c: {  	[tilespmem:s0+$0x8540] =	vst v1  }
0x4d: {  	[tilespmem:s0+$0x8550] =	vst v1  }
0x4e: {  	[tilespmem:s0+$0x8560] =	vst v1;
	s3 =	simm.s32 $0x8500  }
0x4f: {  	[spmem:s12] =	stream.linear.scatter [tilespmem:s3], [sflag:$0xF], $0x1000, $0x38;
	[tilespmem:$0x1E500] =	vst v63  }
0x50: {  	_ =	swait.ge [sflag:s17], $0x1000  }
0x51: {  	[sflag:s17] =	ssyncset.done $0x0  }
0x52: {  	s20 =	rddreg [dreg:$0x14];
	[sflag:s17] =	ssyncadd.s32 $0xFFFFF000  }
0x53: {  	[spmem:s20] =	stream.linear.scatter [tilespmem:s3], [sflag:$0xF], $0x1000, $0x38;
	[tilespmem:$0x1E500] =	vst v63  }
0x54: {  	_ =	swait.ge [sflag:s17], $0x1000  }
0x55: {  	[sflag:s17] =	ssyncset.done $0x0  }
0x56: {  	s28 =	rddreg [dreg:$0x15];
	[sflag:s17] =	ssyncadd.s32 $0xFFFFF000  }
0x57: {  	[spmem:s28] =	stream.linear.scatter [tilespmem:s3], [sflag:$0xF], $0x1000, $0x38;
	[tilespmem:$0x1E500] =	vst v63  }
0x58: {  	_ =	swait.ge [sflag:s17], $0x1000  }
0x59: {  	[sflag:s17] =	ssyncset.done $0x0  }
0x5a: {  	s31 =	rddreg [dreg:$0x16];
	[sflag:s17] =	ssyncadd.s32 $0xFFFFF000  }
0x5b: {  	[spmem:s31] =	stream.linear.scatter [tilespmem:s3], [sflag:$0xF], $0x1000, $0x38;
	[tilespmem:$0x1E500] =	vst v63  }
0x5c: {  	_ =	swait.ge [sflag:s17], $0x1000  }
0x5d: {  	[sflag:s17] =	ssyncset.done $0x0  }
0x5e: {  	s12 =	rddreg [dreg:$0x17];
	[sflag:s17] =	ssyncadd.s32 $0xFFFFF000  }
0x5f: {  	[spmem:s12] =	stream.linear.scatter [tilespmem:s3], [sflag:$0xF], $0x1000, $0x38;
	[tilespmem:$0x1E500] =	vst v63  }
0x60: {  	_ =	swait.ge [sflag:s17], $0x1000  }
0x61: {  	[sflag:s17] =	ssyncset.done $0x0  }
0x62: {  	s18 =	rddreg [dreg:$0x18];
	[sflag:s17] =	ssyncadd.s32 $0xFFFFF000  }
0x63: {  	[spmem:s18] =	stream.linear.scatter [tilespmem:s3], [sflag:$0xF], $0x1000, $0x38;
	[tilespmem:$0x1E500] =	vst v63  }
0x64: {  	_ =	swait.ge [sflag:s17], $0x1000  }
0x65: {  	[sflag:s17] =	ssyncset.done $0x0  }
0x66: {  	s20 =	rddreg [dreg:$0x19];
	[sflag:s17] =	ssyncadd.s32 $0xFFFFF000  }
0x67: {  	[spmem:s20] =	stream.linear.scatter [tilespmem:s3], [sflag:$0xF], $0x1000, $0x38;
	[tilespmem:$0x1E500] =	vst v63  }
0x68: {  	_ =	swait.ge [sflag:s17], $0x1000  }
0x69: {  	[sflag:s17] =	ssyncset.done $0x0  }
0x6a: {  	s28 =	rddreg [dreg:$0x1a];
	[sflag:s17] =	ssyncadd.s32 $0xFFFFF000  }
0x6b: {  	[spmem:s28] =	stream.linear.scatter [tilespmem:s3], [sflag:$0xF], $0x1000, $0x38;
	[tilespmem:$0x1E500] =	vst v63  }
0x6c: {  	_ =	swait.ge [sflag:s17], $0x1000  }
0x6d: {  	[sflag:s17] =	ssyncset.done $0x0  }
0x6e: {  	s31 =	rddreg [dreg:$0x1b];
	[sflag:s17] =	ssyncadd.s32 $0xFFFFF000  }
0x6f: {  	[spmem:s31] =	stream.linear.scatter [tilespmem:s3], [sflag:$0xF], $0x1000, $0x38;
	[tilespmem:$0x1E500] =	vst v63  }
0x70: {  	_ =	swait.ge [sflag:s17], $0x1000  }
0x71: {  	[sflag:s17] =	ssyncset.done $0x0  }
0x72: {  	s12 =	rddreg [dreg:$0x1c];
	[sflag:s17] =	ssyncadd.s32 $0xFFFFF000  }
0x73: {  	[spmem:s12] =	stream.linear.scatter [tilespmem:s3], [sflag:$0xF], $0x1000, $0x38;
	[tilespmem:$0x1E500] =	vst v63  }
0x74: {  	_ =	swait.ge [sflag:s17], $0x1000  }
0x75: {  	[sflag:s17] =	ssyncset.done $0x0  }
0x76: {  	s18 =	rddreg [dreg:$0x1d];
	[sflag:s17] =	ssyncadd.s32 $0xFFFFF000  }
0x77: {  	[spmem:s18] =	stream.linear.scatter [tilespmem:s3], [sflag:$0xF], $0x1000, $0x38;
	[tilespmem:$0x1E500] =	vst v63  }
0x78: {  	_ =	swait.ge [sflag:s17], $0x1000  }
0x79: {  	[sflag:s17] =	ssyncset.done $0x0  }
0x7a: {  	s20 =	rddreg [dreg:$0x1e];
	[sflag:s17] =	ssyncadd.s32 $0xFFFFF000  }
0x7b: {  	[spmem:s20] =	stream.linear.scatter [tilespmem:s3], [sflag:$0xF], $0x1000, $0x38;
	[tilespmem:$0x1E500] =	vst v63  }
0x7c: {  	_ =	swait.ge [sflag:s17], $0x1000  }
0x7d: {  	[sflag:s17] =	ssyncset.done $0x0  }
0x7e: {  	s28 =	rddreg [dreg:$0x1f];
	[sflag:s17] =	ssyncadd.s32 $0xFFFFF000  }
0x7f: {  	[spmem:s28] =	stream.linear.scatter [tilespmem:s3], [sflag:$0xF], $0x1000, $0x38;
	[tilespmem:$0x1E500] =	vst v63  }
0x80: {  	_ =	swait.ge [sflag:s17], $0x1000  }
0x81: {  	s31 =	sld [smem:$0x7F7]  }
0x82: {  	[sflag:s17] =	ssyncset.done $0x0  }
0x83: {  	[sflag:s17] =	ssyncadd.s32 $0xFFFFF000  }
0x84: {  	[spmem:s31] =	stream.linear.scatter [tilespmem:s3], [sflag:$0xF], $0x1000, $0x38;
	[tilespmem:$0x1E500] =	vst v63  }
0x85: {  	_ =	swait.ge [sflag:s17], $0x1000  }
0x86: {  	s12 =	sld [smem:$0x7F8]  }
0x87: {  	[sflag:s17] =	ssyncset.done $0x0  }
0x88: {  	[sflag:s17] =	ssyncadd.s32 $0xFFFFF000  }
0x89: {  	[spmem:s12] =	stream.linear.scatter [tilespmem:s3], [sflag:$0xF], $0x1000, $0x38;
	[tilespmem:$0x1E500] =	vst v63  }
0x8a: {  	_ =	swait.ge [sflag:s17], $0x1000  }
0x8b: {  	s18 =	sld [smem:$0x7F9]  }
0x8c: {  	[sflag:s17] =	ssyncset.done $0x0  }
0x8d: {  	[sflag:s17] =	ssyncadd.s32 $0xFFFFF000  }
0x8e: {  	[spmem:s18] =	stream.linear.scatter [tilespmem:s3], [sflag:$0xF], $0x1000, $0x38;
	[tilespmem:$0x1E500] =	vst v63  }
0x8f: {  	_ =	swait.ge [sflag:s17], $0x1000  }
0x90: {  	s20 =	sld [smem:$0x7FA]  }
0x91: {  	[sflag:s17] =	ssyncset.done $0x0  }
0x92: {  	[sflag:s17] =	ssyncadd.s32 $0xFFFFF000  }
0x93: {  	[spmem:s20] =	stream.linear.scatter [tilespmem:s3], [sflag:$0xF], $0x1000, $0x38;
	[tilespmem:$0x1E500] =	vst v63  }
0x94: {  	_ =	swait.ge [sflag:s17], $0x1000  }
0x95: {  	s28 =	sld [smem:$0x7FB]  }
0x96: {  	[sflag:s17] =	ssyncset.done $0x0  }
0x97: {  	[sflag:s17] =	ssyncadd.s32 $0xFFFFF000  }
0x98: {  	[spmem:s28] =	stream.linear.scatter [tilespmem:s3], [sflag:$0xF], $0x1000, $0x38;
	[tilespmem:$0x1E500] =	vst v63  }
0x99: {  	_ =	swait.ge [sflag:s17], $0x1000  }
0x9a: {  	s31 =	sld [smem:$0x7FC]  }
0x9b: {  	[sflag:s17] =	ssyncset.done $0x0  }
0x9c: {  	[sflag:s17] =	ssyncadd.s32 $0xFFFFF000  }
0x9d: {  	[spmem:s31] =	stream.linear.scatter [tilespmem:s3], [sflag:$0xF], $0x1000, $0x38;
	[tilespmem:$0x1E500] =	vst v63  }
0x9e: {  	_ =	swait.ge [sflag:s17], $0x1000  }
0x9f: {  	s12 =	sld [smem:$0x7FD]  }
0xa0: {  	[sflag:s17] =	ssyncset.done $0x0  }
0xa1: {  	[sflag:s17] =	ssyncadd.s32 $0xFFFFF000  }
0xa2: {  	[spmem:s12] =	stream.linear.scatter [tilespmem:s3], [sflag:$0xF], $0x1000, $0x38;
	[tilespmem:$0x1E500] =	vst v63  }
0xa3: {  	_ =	swait.ge [sflag:s17], $0x1000  }
0xa4: {  	[sflag:s17] =	ssyncset.done $0x0  }
0xa5: {  	[sflag:s17] =	ssyncadd.s32 $0xFFFFF000  }
0xa6: {  	[bflag:$0x0] =	sbarrier.arrive $0xFFFF  }
0xa7: {  	_ =	swait.ge [sflag:s19], $0x20  }
0xa8: {  	[sflag:s19] =	ssyncset.done $0x0  }
0xa9: {  	[sflag:s19] =	ssyncadd.s32 $0xFFFFFFE0  }
0xaa: {  	_ =	swait.ge [sflag:s19], $0x20  }
0xab: {  	[sflag:s19] =	ssyncset.done $0x0  }
0xac: {  	[sflag:s19] =	ssyncadd.s32 $0xFFFFFFE0  }
0xad: {  	v2 =	vld [tilespmem:$0x0]  }
0xae: {  	v3 =	vld [tilespmem:$0x10];
	_ =	sdelay $0x3  }
0xaf: {  	v2 =	vadd.s32 v0, v2  }
0xb0: {  	[tilespmem:$0x0] =	vst v2;
	v2 =	vadd.s32 v0, v3  }
0xb1: {  	s20 =	simm.s32 $0x0;
	[tilespmem:$0x10] =	vst v2  }
0xb2: {  	[tilespmem:s29], [sflag:$0x5] =	stream.indirect.gather [hbm4b:s5+s11], $0x80, s20, s11, $0xb8;
	[tilespmem:$0x1E500] =	vst v63  }
0xb3: {  	s18 =	simm.s32 $0x2;
	s17 =	simm.s32 $0x200  }
0xb4: {  	[tilespmem:s30], [sflag:$0x9] =	stream.indirect.gather [hbm4b:s1+s11], $0x80, s17, s11, $0xb8;
	[tilespmem:$0x1E500] =	vst v63  }
0xb5: {  	_ =	swait.ge [sflag:s18], $0x20  }
0xb6: {  	[sflag:s18] =	ssyncset.done $0x0  }
0xb7: {  	[sflag:s18] =	ssyncadd.s32 $0xFFFFFFE0  }
0xb8: {  	_ =	swait.ge [sflag:s18], $0x20  }
0xb9: {  	[sflag:s18] =	ssyncset.done $0x0  }
0xba: {  	[sflag:s18] =	ssyncadd.s32 $0xFFFFFFE0  }
0xbb: {  	v2 =	vld [tilespmem:$0x80]  }
0xbc: {  	v3 =	vld [tilespmem:$0x90];
	_ =	sdelay $0x3  }
0xbd: {  	v2 =	vadd.s32 v0, v2  }
0xbe: {  	[tilespmem:$0x80] =	vst v2;
	v2 =	vadd.s32 v0, v3  }
0xbf: {  	s19 =	simm.s32 $0x1500;
	[tilespmem:$0x90] =	vst v2  }
0xc0: {  	[tilespmem:s19], [sflag:$0x6] =	stream.indirect.gather [hbm4b:s5+s11], $0x80, s8, s11, $0xb8;
	[tilespmem:$0x1E500] =	vst v63  }
0xc1: {  	s28 =	simm.s32 $0x5500;
	s29 =	simm.s32 $0x3  }
0xc2: {  	[tilespmem:s28], [sflag:$0xA] =	stream.indirect.gather [hbm4b:s1+s11], $0x80, s9, s11, $0xb8;
	[tilespmem:$0x1E500] =	vst v63  }
0xc3: {  	_ =	swait.ge [sflag:s29], $0x20  }
0xc4: {  	[sflag:s29] =	ssyncset.done $0x0  }
0xc5: {  	[sflag:s29] =	ssyncadd.s32 $0xFFFFFFE0  }
0xc6: {  	_ =	swait.ge [sflag:s29], $0x20  }
0xc7: {  	[sflag:s29] =	ssyncset.done $0x0  }
0xc8: {  	[sflag:s29] =	ssyncadd.s32 $0xFFFFFFE0  }
0xc9: {  	v2 =	vld [tilespmem:$0x100]  }
0xca: {  	v3 =	vld [tilespmem:$0x110];
	_ =	sdelay $0x3  }
0xcb: {  	v2 =	vadd.s32 v0, v2  }
0xcc: {  	[tilespmem:$0x100] =	vst v2;
	v2 =	vadd.s32 v0, v3  }
0xcd: {  	s30 =	simm.s32 $0x2500;
	[tilespmem:$0x110] =	vst v2  }
0xce: {  	[tilespmem:s30], [sflag:$0x7] =	stream.indirect.gather [hbm4b:s5+s11], $0x80, s13, s11, $0xb8;
	[tilespmem:$0x1E500] =	vst v63  }
0xcf: {  	s31 =	simm.s32 $0x6500  }
0xd0: {  	[tilespmem:s31], [sflag:$0xB] =	stream.indirect.gather [hbm4b:s1+s11], $0x80, s14, s11, $0xb8;
	[tilespmem:$0x1E500] =	vst v63  }
.LBB2_4:
0xd1: {  	s0 =	simm.s32 $0x5  }
0xd2: {  	_ =	swait.ge [sflag:s0], $0x1000  }
0xd3: {  	[sflag:s0] =	ssyncset.done $0x0  }
0xd4: {  	s17 =	simm.s32 $0x9;
	[sflag:s0] =	ssyncadd.s32 $0xFFFFF000  }
0xd5: {  	_ =	swait.ge [sflag:s17], $0x1000  }
0xd6: {  	[sflag:s17] =	ssyncset.done $0x0  }
0xd7: {  	[sflag:s17] =	ssyncadd.s32 $0xFFFFF000  }
0xd8: {  	_ =	swait.ge [sflag:s21], $0x20  }
0xd9: {  	[sflag:s21] =	ssyncset.done $0x0  }
0xda: {  	[sflag:s21] =	ssyncadd.s32 $0xFFFFFFE0  }
0xdb: {  	_ =	swait.ge [sflag:s21], $0x20  }
0xdc: {  	[sflag:s21] =	ssyncset.done $0x0  }
0xdd: {  	[sflag:s21] =	ssyncadd.s32 $0xFFFFFFE0  }
0xde: {  	v2 =	vld [tilespmem:$0x180]  }
0xdf: {  	v3 =	vld [tilespmem:$0x190];
	_ =	sdelay $0x3  }
0xe0: {  	v2 =	vadd.s32 v0, v2  }
0xe1: {  	[tilespmem:$0x180] =	vst v2;
	v2 =	vadd.s32 v0, v3  }
0xe2: {  	s18 =	simm.s32 $0x3500;
	p0 =	seq.s32 s20, $0x0;
	[tilespmem:$0x190] =	vst v2  }
0xe3: {  	[tilespmem:s18], [sflag:$0x8] =	stream.indirect.gather [hbm4b:s5+s11], $0x80, s15, s11, $0xb8;
	[tilespmem:$0x1E500] =	vst v63  }
0xe4: {  	s19 =	simm.s32 $0x7500;
	s0 =	simm.s32 @!p0 $0xD  }
0xe5: {  	[tilespmem:s19], [sflag:$0xC] =	stream.indirect.gather [hbm4b:s1+s11], $0x80, s16, s11, $0xb8;
	[tilespmem:$0x1E500] =	vst v63  }
0xe6: {  	_ =	swait.ge @!p0 [sflag:s0], $0x1000  }
0xe7: {  	[sflag:s0] =	ssyncset.done @!p0 $0x0  }
0xe8: {  	s8 =	simm.s32 $0x600;
	[sflag:s0] =	ssyncadd.s32 @!p0 $0xFFFFF000  }
0xe9: {  	v2 =	vld [tilespmem:s8+$0xC0]  }
0xea: {  	v3 =	vld [tilespmem:s23+$0x80];
	_ =	sdelay $0x1  }
0xeb: {  	v4 =	vld [tilespmem:s8+$0xFFFFFF40]  }
0xec: {  	v5 =	vld [tilespmem:s23+$0xFFFFFF00]  }
0xed: {  	v6 =	vld [tilespmem:s23+$0xFFFFFF80]  }
0xee: {  	v7 =	vld [tilespmem:s8+$0x40];
	v2 =	vadd.f32 v3, v2  }
0xef: {  	v3 =	vld [tilespmem:s8+$0xFFFFFFC0]  }
0xf0: {  	v8 =	vld [tilespmem:s23+$0x0];
	v2 =	vsub.f32 $0.0e+00, v2;
	_ =	sdelay $0x1  }
0xf1: {  	v2 =	vmul.f32 $1.442695020e+00, v2  }
0xf2: {  	v4 =	vadd.f32 v5, v4  }
0xf3: {  	v3 =	vadd.f32 v6, v3;
	(erf) = vpow2.f32 v2  }
0xf4: {  	v2 =	vsub.f32 $0.0e+00, v4;
	v4 =	vadd.f32 v8, v7  }
0xf5: {  	v3 =	vsub.f32 $0.0e+00, v3  }
0xf6: {  	v2 =	vmul.f32 $1.442695020e+00, v2;
	v4 =	vsub.f32 $0.0e+00, v4  }
0xf7: {  	v3 =	vmul.f32 $1.442695020e+00, v3  }
0xf8: {  	(erf) = vpow2.f32 v2;
	v2 =	vmul.f32 $1.442695020e+00, v4;
	_ =	sdelay $0x1  }
0xf9: {  	(erf) = vpow2.f32 v3;
	_ =	sdelay $0x1  }
0xfa: {  	(erf) = vpow2.f32 v2;
	v2 =	vpop (erf)  }
0xfb: {  	v2 =	vadd.f32 $1.000000000e+00, v2;
	_ =	sdelay $0x2  }
0xfc: {  	(erf) = vrcp.f32 v2  }
0xfd: {  	v2 =	vpop (erf)  }
0xfe: {  	v2 =	vadd.f32 $1.000000000e+00, v2  }
0xff: {  	v3 =	vpop (erf)  }
0x100: {  	v3 =	vadd.f32 $1.000000000e+00, v3;
	(erf) = vrcp.f32 v2  }
0x101: {  	v2 =	vld [tilespmem:s8+$0x80]  }
0x102: {  	v4 =	vpop (erf);
	(erf) = vrcp.f32 v3  }
0x103: {  	v4 =	vadd.f32 $1.000000000e+00, v4;
	_ =	sdelay $0x1  }
0x104: {  	(erf) = vrcp.f32 v4;
	v4 =	vld [tilespmem:s8+$0xFFFFFF00];
	v3 =	vpop (erf)  }
0x105: {  	s18 =	simm.s32 $0x8600;
	v2 =	vmul.f32 v3, v2  }
0x106: {  	v5 =	vld [tilespmem:s8+$0xFFFFFF80];
	[tilespmem:s18+$0xC0] =	vst v3  }
0x107: {  	v3 =	vld [tilespmem:s8+$0x0];
	[tilespmem:s18+$0x80] =	vst v2  }
0x108: {  	v2 =	vld [tilespmem:s8+$0xD0];
	v6 =	vpop (erf)  }
0x109: {  	v7 =	vld [tilespmem:s23+$0x90];
	v4 =	vmul.f32 v6, v4  }
0x10a: {  	[tilespmem:s18+$0xFFFFFF40] =	vst v6;
	v6 =	vpop (erf)  }
0x10b: {  	v5 =	vmul.f32 v6, v5;
	[tilespmem:s18+$0xFFFFFF00] =	vst v4  }
0x10c: {  	[tilespmem:s18+$0xFFFFFFC0] =	vst v6;
	v6 =	vld [tilespmem:s8+$0xFFFFFF50]  }
0x10d: {  	s19 =	simm.s32 $0x800;
	[tilespmem:s18+$0xFFFFFF80] =	vst v5;
	v5 =	vld [tilespmem:s23+$0xFFFFFF10];
	v4 =	vpop (erf)  }
0x10e: {  	v9 =	vld [tilespmem:s19+$0xC0];
	v2 =	vadd.f32 v7, v2;
	v3 =	vmul.f32 v4, v3  }
0x10f: {  	[tilespmem:s18+$0x40] =	vst v4;
	v4 =	vld [tilespmem:s8+$0xFFFFFFD0]  }
0x110: {  	v2 =	vsub.f32 $0.0e+00, v2;
	[tilespmem:s18+$0x0] =	vst v3;
	v3 =	vld [tilespmem:s23+$0xFFFFFF90]  }
0x111: {  	v7 =	vld [tilespmem:s8+$0x50]  }
0x112: {  	s28 =	sadd.s32 $0x200, s23;
	v2 =	vmul.f32 $1.442695020e+00, v2;
	v8 =	vld [tilespmem:s23+$0x10];
	v5 =	vadd.f32 v5, v6  }
0x113: {  	v6 =	vld [tilespmem:s28+$0x80]  }
0x114: {  	(erf) = vpow2.f32 v2;
	v2 =	vsub.f32 $0.0e+00, v5  }
0x115: {  	v5 =	vld [tilespmem:s19+$0xFFFFFF40]  }
0x116: {  	v3 =	vadd.f32 v3, v4;
	v4 =	vld [tilespmem:s28+$0xFFFFFF00];
	v2 =	vmul.f32 $1.442695020e+00, v2;
	_ =	sdelay $0x1  }
0x117: {  	v7 =	vadd.f32 v8, v7;
	v8 =	vld [tilespmem:s19+$0xFFFFFFC0];
	v6 =	vadd.f32 v6, v9;
	(erf) = vpow2.f32 v2  }
0x118: {  	v9 =	vld [tilespmem:s28+$0xFFFFFF80];
	v3 =	vsub.f32 $0.0e+00, v3  }
0x119: {  	v2 =	vsub.f32 $0.0e+00, v7;
	v6 =	vsub.f32 $0.0e+00, v6;
	v7 =	vld [tilespmem:s19+$0x40]  }
0x11a: {  	v3 =	vmul.f32 $1.442695020e+00, v3;
	v4 =	vadd.f32 v4, v5;
	v5 =	vld [tilespmem:s28+$0x0]  }
0x11b: {  	v2 =	vmul.f32 $1.442695020e+00, v2  }
0x11c: {  	(erf) = vpow2.f32 v3;
	v3 =	vmul.f32 $1.442695020e+00, v6  }
0x11d: {  	v6 =	vpop (erf);
	(erf) = vpow2.f32 v2;
	v2 =	vsub.f32 $0.0e+00, v4;
	v4 =	vadd.f32 v9, v8  }
0x11e: {  	v6 =	vadd.f32 $1.000000000e+00, v6;
	(erf) = vpow2.f32 v3  }
0x11f: {  	v3 =	vsub.f32 $0.0e+00, v4;
	v2 =	vmul.f32 $1.442695020e+00, v2;
	v4 =	vadd.f32 v5, v7  }
0x120: {  	(erf) = vrcp.f32 v6;
	v5 =	vpop (erf)  }
0x121: {  	(erf) = vpow2.f32 v2;
	v2 =	vsub.f32 $0.0e+00, v4;
	v4 =	vadd.f32 $1.000000000e+00, v5  }
0x122: {  	v3 =	vmul.f32 $1.442695020e+00, v3;
	_ =	sdelay $0x1  }
0x123: {  	(erf) = vpow2.f32 v3  }
0x124: {  	v2 =	vmul.f32 $1.442695020e+00, v2;
	(erf) = vrcp.f32 v4;
	v4 =	vpop (erf)  }
0x125: {  	v3 =	vld [tilespmem:s8+$0x90];
	v4 =	vadd.f32 $1.000000000e+00, v4;
	_ =	sdelay $0x1  }
0x126: {  	(erf) = vpow2.f32 v2;
	v5 =	vpop (erf)  }
0x127: {  	v2 =	vpop (erf);
	v5 =	vadd.f32 $1.000000000e+00, v5  }
0x128: {  	(erf) = vrcp.f32 v4;
	v2 =	vadd.f32 $1.000000000e+00, v2;
	v4 =	vpop (erf)  }
0x129: {  	(erf) = vrcp.f32 v5;
	v5 =	vld [tilespmem:s8+$0xFFFFFF10];
	v3 =	vmul.f32 v4, v3  }
0x12a: {  	(erf) = vrcp.f32 v2;
	[tilespmem:s18+$0xD0] =	vst v4;
	v4 =	vpop (erf)  }
0x12b: {  	v2 =	vld [tilespmem:s8+$0xFFFFFF90];
	[tilespmem:s18+$0x90] =	vst v3;
	v3 =	vadd.f32 $1.000000000e+00, v4  }
0x12c: {  	v6 =	vpop (erf);
	v4 =	vld [tilespmem:s8+$0xE0]  }
0x12d: {  	v9 =	vpop (erf);
	v7 =	vld [tilespmem:s23+$0xA0];
	(erf) = vrcp.f32 v3;
	v3 =	vadd.f32 $1.000000000e+00, v6  }
0x12e: {  	v10 =	vld [tilespmem:s19+$0xFFFFFF00];
	v5 =	vmul.f32 v9, v5  }
0x12f: {  	[tilespmem:s18+$0xFFFFFF50] =	vst v9;
	v6 =	vld [tilespmem:s19+$0x80];
	v9 =	vpop (erf)  }
0x130: {  	v11 =	vld [tilespmem:s8+$0x10];
	v9 =	vadd.f32 $1.000000000e+00, v9;
	(erf) = vrcp.f32 v3;
	[tilespmem:s18+$0xFFFFFF10] =	vst v5  }
0x131: {  	v5 =	vld [tilespmem:s8+$0xFFFFFF60];
	v3 =	vpop (erf)  }
0x132: {  	(erf) = vrcp.f32 v9;
	v9 =	vld [tilespmem:s23+$0xFFFFFF20];
	v4 =	vadd.f32 v7, v4;
	v2 =	vmul.f32 v3, v2;
	v7 =	vpop (erf)  }
0x133: {  	v12 =	vld [tilespmem:s19+$0x0];
	[tilespmem:s18+$0xFFFFFFD0] =	vst v3;
	v3 =	vpop (erf)  }
0x134: {  	s0 =	simm.s32 $0x8800;
	v8 =	vld [tilespmem:s19+$0xFFFFFF80];
	[tilespmem:s18+$0xFFFFFF90] =	vst v2;
	v2 =	vmul.f32 v3, v6  }
0x135: {  	v4 =	vsub.f32 $0.0e+00, v4;
	[tilespmem:s0+$0xC0] =	vst v3;
	v6 =	vld [tilespmem:s8+$0xFFFFFFE0]  }
0x136: {  	v3 =	vmul.f32 v7, v11;
	v11 =	vld [tilespmem:s23+$0xFFFFFFA0];
	[tilespmem:s0+$0x80] =	vst v2  }
0x137: {  	[tilespmem:s18+$0x50] =	vst v7;
	v5 =	vadd.f32 v9, v5;
	v2 =	vmul.f32 $1.442695020e+00, v4;
	v7 =	vpop (erf);
	v4 =	vld [tilespmem:s19+$0xD0]  }
0x138: {  	[tilespmem:s18+$0x10] =	vst v3;
	v3 =	vmul.f32 v7, v10;
	v9 =	vld [tilespmem:s28+$0x90]  }
0x139: {  	[tilespmem:s0+$0xFFFFFF40] =	vst v7;
	v5 =	vsub.f32 $0.0e+00, v5;
	(erf) = vpow2.f32 v2;
	v2 =	vld [tilespmem:s8+$0x60];
	v7 =	vpop (erf)  }
0x13a: {  	[tilespmem:s0+$0xFFFFFF00] =	vst v3;
	v3 =	vld [tilespmem:s23+$0x20];
	v8 =	vmul.f32 v7, v8  }
0x13b: {  	[tilespmem:s0+$0xFFFFFFC0] =	vst v7;
	v5 =	vmul.f32 $1.442695020e+00, v5;
	v10 =	vld [tilespmem:s19+$0xFFFFFF50]  }
0x13c: {  	v7 =	vpop (erf);
	v6 =	vadd.f32 v11, v6;
	v11 =	vld [tilespmem:s28+$0xFFFFFF10];
	[tilespmem:s0+$0xFFFFFF80] =	vst v8  }
0x13d: {  	v8 =	vmul.f32 v7, v12;
	(erf) = vpow2.f32 v5;
	v5 =	vld [tilespmem:s19+$0xFFFFFFD0]  }
0x13e: {  	[tilespmem:s0+$0x40] =	vst v7;
	v4 =	vadd.f32 v9, v4;
	v7 =	vld [tilespmem:s28+$0xFFFFFF90]  }
0x13f: {  	v6 =	vsub.f32 $0.0e+00, v6;
	[tilespmem:s0+$0x0] =	vst v8  }
0x140: {  	v4 =	vsub.f32 $0.0e+00, v4;
	v2 =	vadd.f32 v3, v2;
	v3 =	vld [tilespmem:s19+$0x50]  }
0x141: {  	s31 =	sadd.s32 $0x200, s28;
	v6 =	vmul.f32 $1.442695020e+00, v6;
	v9 =	vld [tilespmem:s28+$0x10];
	v8 =	vadd.f32 v11, v10  }
0x142: {  	s3 =	simm.s32 $0xA00;
	v11 =	vld [tilespmem:s31+$0x80];
	v4 =	vmul.f32 $1.442695020e+00, v4;
	v2 =	vsub.f32 $0.0e+00, v2  }
0x143: {  	(erf) = vpow2.f32 v6;
	v6 =	vld [tilespmem:s3+$0xC0];
	v10 =	vpop (erf);
	v8 =	vsub.f32 $0.0e+00, v8;
	v5 =	vadd.f32 v7, v5  }
0x144: {  	v7 =	vld [tilespmem:s31+$0xFFFFFF00];
	v10 =	vadd.f32 $1.000000000e+00, v10;
	(erf) = vpow2.f32 v4;
	v2 =	vmul.f32 $1.442695020e+00, v2  }
0x145: {  	v4 =	vld [tilespmem:s3+$0xFFFFFF40]  }
0x146: {  	v8 =	vmul.f32 $1.442695020e+00, v8;
	(erf) = vrcp.f32 v10  }
0x147: {  	v3 =	vadd.f32 v9, v3;
	v9 =	vld [tilespmem:s31+$0xFFFFFF80];
	(erf) = vpow2.f32 v2  }
0x148: {  	v5 =	vsub.f32 $0.0e+00, v5;
	v10 =	vld [tilespmem:s3+$0xFFFFFFC0];
	v6 =	vadd.f32 v11, v6;
	v2 =	vpop (erf);
	(erf) = vpow2.f32 v8  }
0x149: {  	v3 =	vsub.f32 $0.0e+00, v3;
	v11 =	vld [tilespmem:s3+$0x40];
	v2 =	vadd.f32 $1.000000000e+00, v2  }
0x14a: {  	v5 =	vmul.f32 $1.442695020e+00, v5;
	v8 =	vld [tilespmem:s8+$0xA0];
	v4 =	vadd.f32 v7, v4  }
0x14b: {  	v7 =	vld [tilespmem:s31+$0x0];
	v3 =	vmul.f32 $1.442695020e+00, v3;
	(erf) = vrcp.f32 v2;
	v2 =	vsub.f32 $0.0e+00, v6  }
0x14c: {  	v6 =	vpop (erf);
	v4 =	vsub.f32 $0.0e+00, v4;
	(erf) = vpow2.f32 v5  }
0x14d: {  	v5 =	vadd.f32 $1.000000000e+00, v6;
	v6 =	vadd.f32 v9, v10;
	v2 =	vmul.f32 $1.442695020e+00, v2;
	v9 =	vpop (erf)  }
0x14e: {  	(erf) = vpow2.f32 v3;
	v9 =	vadd.f32 $1.000000000e+00, v9  }
0x14f: {  	v4 =	vmul.f32 $1.442695020e+00, v4;
	v6 =	vsub.f32 $0.0e+00, v6;
	v3 =	vpop (erf);
	(erf) = vpow2.f32 v2  }
0x150: {  	v7 =	vadd.f32 v7, v11;
	v2 =	vmul.f32 v3, v8;
	(erf) = vrcp.f32 v9;
	[tilespmem:s18+$0xE0] =	vst v3;
	v3 =	vpop (erf)  }
0x151: {  	v6 =	vmul.f32 $1.442695020e+00, v6;
	v8 =	vpop (erf);
	(erf) = vrcp.f32 v5  }
0x152: {  	v10 =	vld [tilespmem:s8+$0xFFFFFF20];
	v5 =	vsub.f32 $0.0e+00, v7;
	[tilespmem:s18+$0xA0] =	vst v2;
	(erf) = vpow2.f32 v4;
	v2 =	vadd.f32 $1.000000000e+00, v8  }
0x153: {  	v4 =	vld [tilespmem:s8+$0xF0];
	(erf) = vpow2.f32 v6  }
0x154: {  	v6 =	vld [tilespmem:s23+$0xB0];
	v8 =	vpop (erf);
	(erf) = vrcp.f32 v2;
	v2 =	vmul.f32 $1.442695020e+00, v5  }
0x155: {  	v3 =	vadd.f32 $1.000000000e+00, v3  }
0x156: {  	v5 =	vld [tilespmem:s19+$0x90];
	v11 =	vpop (erf)  }
0x157: {  	(erf) = vrcp.f32 v3;
	v10 =	vmul.f32 v8, v10;
	v3 =	vadd.f32 $1.000000000e+00, v11  }
0x158: {  	(erf) = vpow2.f32 v2;
	v2 =	vpop (erf)  }
0x159: {  	(erf) = vrcp.f32 v3;
	v3 =	vadd.f32 v6, v4;
	v15 =	vpop (erf)  }
0x15a: {  	v12 =	vld [tilespmem:s8+$0xFFFFFFA0];
	v16 =	vadd.f32 $1.000000000e+00, v2;
	v4 =	vadd.f32 $1.000000000e+00, v15;
	v6 =	vpop (erf)  }
0x15b: {  	v14 =	vld [tilespmem:s19+$0xFFFFFF90];
	[tilespmem:s18+$0xFFFFFF20] =	vst v10;
	v5 =	vmul.f32 v6, v5;
	v10 =	vpop (erf)  }
0x15c: {  	[tilespmem:s18+$0xFFFFFF60] =	vst v8;
	v11 =	vld [tilespmem:s19+$0xFFFFFF10];
	v3 =	vsub.f32 $0.0e+00, v3;
	(erf) = vrcp.f32 v16;
	v8 =	vpop (erf)  }
0x15d: {  	v15 =	vld [tilespmem:s8+$0xFFFFFF70];
	(erf) = vrcp.f32 v4;
	[tilespmem:s0+$0x90] =	vst v5;
	v5 =	vadd.f32 $1.000000000e+00, v8  }
0x15e: {  	[tilespmem:s0+$0xD0] =	vst v6;
	v6 =	vld [tilespmem:s23+$0xFFFFFF30];
	v3 =	vmul.f32 $1.442695020e+00, v3;
	v4 =	vpop (erf)  }
0x15f: {  	v16 =	vld [tilespmem:s19+$0xE0];
	v18 =	vpop (erf)  }
0x160: {  	v19 =	vld [tilespmem:s28+$0xA0];
	(erf) = vpow2.f32 v3;
	v3 =	vmul.f32 v10, v12;
	v12 =	vadd.f32 $1.000000000e+00, v4;
	v4 =	vpop (erf)  }
0x161: {  	(erf) = vrcp.f32 v5;
	v5 =	vpop (erf)  }
0x162: {  	v11 =	vmul.f32 v18, v11;
	[tilespmem:s0+$0xFFFFFF50] =	vst v18;
	v18 =	vld [tilespmem:s3+$0x80];
	v5 =	vadd.f32 $1.000000000e+00, v5  }
0x163: {  	[tilespmem:s18+$0xFFFFFFA0] =	vst v3;
	v3 =	vadd.f32 v6, v15  }
0x164: {  	v13 =	vld [tilespmem:s3+$0xFFFFFF00];
	(erf) = vrcp.f32 v12;
	v6 =	vpop (erf)  }
0x165: {  	v17 =	vld [tilespmem:s19+$0x10];
	v12 =	vmul.f32 v6, v14;
	v14 =	vsub.f32 $0.0e+00, v3;
	v15 =	vadd.f32 v19, v16;
	v16 =	vpop (erf)  }
0x166: {  	v9 =	vld [tilespmem:s3+$0xFFFFFF80];
	[tilespmem:s0+$0xFFFFFF10] =	vst v11;
	(erf) = vrcp.f32 v5;
	v5 =	vpop (erf)  }
0x167: {  	v11 =	vld [tilespmem:s19+$0xFFFFFF60];
	[tilespmem:s0+$0xFFFFFF90] =	vst v12;
	v12 =	vmul.f32 $1.442695020e+00, v14;
	v14 =	vmul.f32 v5, v18  }
0x168: {  	[tilespmem:s18+$0xFFFFFFE0] =	vst v10;
	v10 =	vld [tilespmem:s28+$0xFFFFFF20]  }
0x169: {  	s12 =	simm.s32 $0x8A00;
	v7 =	vld [tilespmem:s3+$0x0];
	[tilespmem:s0+$0xFFFFFFD0] =	vst v6;
	v15 =	vsub.f32 $0.0e+00, v15  }
0x16a: {  	v17 =	vmul.f32 v16, v17;
	v19 =	vld [tilespmem:s28+$0xFFFFFFA0];
	[tilespmem:s12+$0xC0] =	vst v5  }
0x16b: {  	v18 =	vld [tilespmem:s19+$0xFFFFFFE0];
	(erf) = vpow2.f32 v12;
	v12 =	vmul.f32 $1.442695020e+00, v15;
	[tilespmem:s12+$0x80] =	vst v14;
	v14 =	vpop (erf)  }
0x16c: {  	[tilespmem:s0+$0x50] =	vst v16;
	v15 =	vld [tilespmem:s3+$0xD0];
	v16 =	vpop (erf)  }
0x16d: {  	[tilespmem:s0+$0x10] =	vst v17;
	v10 =	vadd.f32 v10, v11;
	v14 =	vadd.f32 $1.000000000e+00, v14;
	v11 =	vmul.f32 v16, v13;
	v13 =	vld [tilespmem:s31+$0x90]  }
0x16e: {  	[tilespmem:s12+$0xFFFFFF40] =	vst v16;
	v16 =	vld [tilespmem:s19+$0x60]  }
0x16f: {  	s13 =	simm.s32 $0xC00;
	(erf) = vpow2.f32 v12;
	v10 =	vsub.f32 $0.0e+00, v10;
	v12 =	vpop (erf);
	[tilespmem:s12+$0xFFFFFF00] =	vst v11;
	v11 =	vld [tilespmem:s28+$0x20]  }
0x170: {  	v20 =	vld [tilespmem:s13+$0x40];
	v9 =	vmul.f32 v12, v9  }
0x171: {  	v10 =	vmul.f32 $1.442695020e+00, v10;
	[tilespmem:s12+$0xFFFFFFC0] =	vst v12;
	v12 =	vadd.f32 v19, v18;
	(erf) = vrcp.f32 v14;
	v17 =	vld [tilespmem:s3+$0xFFFFFF50];
	v14 =	vpop (erf)  }
0x172: {  	[tilespmem:s12+$0xFFFFFF80] =	vst v9;
	v9 =	vld [tilespmem:s31+$0xFFFFFF10];
	v7 =	vmul.f32 v14, v7  }
0x173: {  	v2 =	vld [tilespmem:s8+$0x20];
	(erf) = vpow2.f32 v10;
	v12 =	vsub.f32 $0.0e+00, v12  }
0x174: {  	v18 =	vld [tilespmem:s3+$0xFFFFFFD0];
	[tilespmem:s12+$0x40] =	vst v14;
	v13 =	vadd.f32 v13, v15;
	v11 =	vadd.f32 v11, v16  }
0x175: {  	v10 =	vmul.f32 $1.442695020e+00, v12;
	v12 =	vld [tilespmem:s31+$0xFFFFFF90];
	[tilespmem:s12+$0x0] =	vst v7  }
0x176: {  	v13 =	vsub.f32 $0.0e+00, v13;
	v15 =	vld [tilespmem:s3+$0x50];
	v7 =	vpop (erf);
	v11 =	vsub.f32 $0.0e+00, v11  }
0x177: {  	(erf) = vpow2.f32 v10;
	v10 =	vld [tilespmem:s31+$0x10];
	v9 =	vadd.f32 v9, v17;
	v7 =	vadd.f32 $1.000000000e+00, v7  }
0x178: {  	v19 =	vld [tilespmem:s13+$0xFFFFFFC0];
	v13 =	vmul.f32 $1.442695020e+00, v13;
	v16 =	vpop (erf);
	v11 =	vmul.f32 $1.442695020e+00, v11  }
0x179: {  	s29 =	sadd.s32 $0x200, s31;
	v17 =	vld [tilespmem:s13+$0xC0];
	v16 =	vadd.f32 $1.000000000e+00, v16;
	v9 =	vsub.f32 $0.0e+00, v9;
	(erf) = vrcp.f32 v7  }
0x17a: {  	v7 =	vld [tilespmem:s29+$0x80];
	(erf) = vpow2.f32 v13  }
0x17b: {  	v12 =	vadd.f32 v12, v18;
	v18 =	vpop (erf);
	v13 =	vld [tilespmem:s13+$0xFFFFFF40];
	v9 =	vmul.f32 $1.442695020e+00, v9;
	(erf) = vrcp.f32 v16  }
0x17c: {  	v10 =	vadd.f32 v10, v15;
	v16 =	vld [tilespmem:s29+$0xFFFFFF00];
	(erf) = vpow2.f32 v11;
	v11 =	vpop (erf)  }
0x17d: {  	v15 =	vld [tilespmem:s29+$0xFFFFFF80];
	(erf) = vpow2.f32 v9;
	v9 =	vadd.f32 $1.000000000e+00, v11  }
0x17e: {  	v21 =	vld [tilespmem:s29+$0x0];
	v12 =	vsub.f32 $0.0e+00, v12;
	v10 =	vsub.f32 $0.0e+00, v10  }
0x17f: {  	v22 =	vld [tilespmem:s13+$0xFFFFFF00];
	v7 =	vadd.f32 v7, v17  }
0x180: {  	v58 =	vld [tilespmem:s13+$0x80];
	v12 =	vmul.f32 $1.442695020e+00, v12;
	(erf) = vrcp.f32 v9  }
0x181: {  	v17 =	vld [tilespmem:s19+$0xA0];
	v7 =	vsub.f32 $0.0e+00, v7;
	v13 =	vadd.f32 v16, v13;
	v16 =	vmul.f32 $1.442695020e+00, v10;
	v9 =	vpop (erf)  }
0x182: {  	v8 =	vld [tilespmem:s8+$0xFFFFFF30];
	v2 =	vmul.f32 v4, v2;
	v15 =	vadd.f32 v15, v19;
	v10 =	vpop (erf)  }
0x183: {  	[tilespmem:s18+$0x60] =	vst v4;
	v6 =	vld [tilespmem:s19+$0xFFFFFF20];
	(erf) = vpow2.f32 v12;
	v7 =	vmul.f32 $1.442695020e+00, v7;
	v19 =	vpop (erf)  }
0x184: {  	v3 =	vld [tilespmem:s8+$0xFFFFFFF0];
	[tilespmem:s18+$0x20] =	vst v2;
	v15 =	vsub.f32 $0.0e+00, v15;
	(erf) = vpow2.f32 v16;
	v19 =	vadd.f32 $1.000000000e+00, v19  }
0x185: {  	v25 =	vld [tilespmem:s23+$0x30];
	v13 =	vsub.f32 $0.0e+00, v13;
	v12 =	vadd.f32 $1.000000000e+00, v9;
	(erf) = vpow2.f32 v7;
	v16 =	vpop (erf)  }
0x186: {  	v5 =	vld [tilespmem:s19+$0xFFFFFFA0];
	v17 =	vmul.f32 v16, v17;
	(erf) = vrcp.f32 v19;
	v19 =	vadd.f32 v21, v20  }
0x187: {  	v14 =	vld [tilespmem:s8+$0xB0];
	v13 =	vmul.f32 $1.442695020e+00, v13;
	[tilespmem:s0+$0xE0] =	vst v16;
	v16 =	vpop (erf)  }
0x188: {  	v23 =	vld [tilespmem:s3+$0xFFFFFF90];
	v15 =	vmul.f32 $1.442695020e+00, v15;
	v55 =	vpop (erf);
	[tilespmem:s0+$0xA0] =	vst v17;
	(erf) = vrcp.f32 v12;
	v17 =	vsub.f32 $0.0e+00, v19  }
0x189: {  	v12 =	vadd.f32 $1.000000000e+00, v55;
	(erf) = vpow2.f32 v13;
	v13 =	vld [tilespmem:s19+$0xF0]  }
0x18a: {  	(erf) = vpow2.f32 v15;
	v15 =	vld [tilespmem:s28+$0xB0];
	v4 =	vmul.f32 $1.442695020e+00, v17  }
0x18b: {  	v11 =	vld [tilespmem:s13+$0xFFFFFF80];
	v2 =	vadd.f32 $1.000000000e+00, v16;
	v16 =	vpop (erf);
	(erf) = vrcp.f32 v12  }
0x18c: {  	v17 =	vld [tilespmem:s3+$0x90];
	v19 =	vpop (erf)  }
0x18d: {  	v9 =	vld [tilespmem:s13+$0x0];
	(erf) = vrcp.f32 v2;
	v2 =	vadd.f32 $1.000000000e+00, v19  }
0x18e: {  	v7 =	vld [tilespmem:s3+$0xFFFFFF10];
	v6 =	vmul.f32 v16, v6;
	(erf) = vpow2.f32 v4;
	v4 =	vpop (erf)  }
0x18f: {  	v20 =	vld [tilespmem:s3+$0x10];
	[tilespmem:s0+$0xFFFFFF60] =	vst v16;
	(erf) = vrcp.f32 v2;
	v2 =	vadd.f32 v15, v13;
	v19 =	vpop (erf);
	v4 =	vadd.f32 $1.000000000e+00, v4  }
0x190: {  	v16 =	vld [tilespmem:s23+$0xFFFFFFB0];
	[tilespmem:s0+$0xFFFFFF20] =	vst v6;
	v13 =	vadd.f32 $1.000000000e+00, v19;
	v15 =	vpop (erf)  }
0x191: {  	v56 =	vld [tilespmem:s19+$0xFFFFFF70];
	v17 =	vmul.f32 v15, v17;
	(erf) = vrcp.f32 v4;
	v4 =	vsub.f32 $0.0e+00, v2;
	v24 =	vpop (erf)  }
0x192: {  	v8 =	vmul.f32 v10, v8;
	v19 =	vld [tilespmem:s28+$0xFFFFFF30];
	[tilespmem:s12+$0xD0] =	vst v15;
	v26 =	vpop (erf);
	(erf) = vrcp.f32 v13  }
0x193: {  	v6 =	vld [tilespmem:s8+$0x70];
	v13 =	vmul.f32 v18, v14;
	v14 =	vpop (erf);
	[tilespmem:s12+$0x90] =	vst v17;
	v15 =	vmul.f32 $1.442695020e+00, v4  }
0x194: {  	[tilespmem:s18+$0xF0] =	vst v18;
	v5 =	vmul.f32 v24, v5;
	v18 =	vld [tilespmem:s3+$0xE0];
	v57 =	vpop (erf)  }
0x195: {  	[tilespmem:s18+$0xFFFFFF30] =	vst v8;
	v17 =	vadd.f32 $1.000000000e+00, v26;
	v7 =	vmul.f32 v57, v7;
	(erf) = vpow2.f32 v15;
	v15 =	vld [tilespmem:s31+$0xA0]  }
0x196: {  	v8 =	vld [tilespmem:s19+$0xB0];
	[tilespmem:s18+$0xB0] =	vst v13;
	v13 =	vadd.f32 v16, v3  }
0x197: {  	v12 =	vld [tilespmem:s19+$0x20];
	v14 =	vadd.f32 $1.000000000e+00, v14;
	[tilespmem:s0+$0xFFFFFFA0] =	vst v5;
	v16 =	vpop (erf);
	(erf) = vrcp.f32 v17;
	v17 =	vadd.f32 v19, v56  }
0x198: {  	v2 =	vld [tilespmem:s19+$0xFFFFFF30];
	v5 =	vadd.f32 v25, v6;
	[tilespmem:s12+$0xFFFFFF50] =	vst v57;
	v13 =	vsub.f32 $0.0e+00, v13;
	v19 =	vpop (erf)  }
0x199: {  	v4 =	vld [tilespmem:s8+$0xFFFFFFB0];
	[tilespmem:s12+$0xFFFFFF10] =	vst v7;
	v6 =	vadd.f32 $1.000000000e+00, v19;
	(erf) = vrcp.f32 v14;
	v17 =	vsub.f32 $0.0e+00, v17;
	v7 =	vpop (erf)  }
0x19a: {  	[tilespmem:s0+$0xFFFFFFE0] =	vst v24;
	v14 =	vld [tilespmem:s3+$0xFFFFFF60];
	v13 =	vmul.f32 $1.442695020e+00, v13;
	v23 =	vmul.f32 v7, v23;
	v15 =	vadd.f32 v15, v18;
	v18 =	vpop (erf)  }
0x19b: {  	v5 =	vsub.f32 $0.0e+00, v5;
	v19 =	vld [tilespmem:s31+$0xFFFFFF20];
	(erf) = vrcp.f32 v6;
	[tilespmem:s12+$0xFFFFFFD0] =	vst v7;
	v17 =	vmul.f32 $1.442695020e+00, v17;
	v59 =	vpop (erf)  }
0x19c: {  	s9 =	simm.s32 $0x8C00;
	v3 =	vld [tilespmem:s8+$0x30];
	(erf) = vpow2.f32 v13;
	[tilespmem:s12+$0xFFFFFF90] =	vst v23;
	v13 =	vmul.f32 v59, v58;
	v15 =	vsub.f32 $0.0e+00, v15  }
0x19d: {  	v5 =	vmul.f32 $1.442695020e+00, v5;
	[tilespmem:s9+$0xC0] =	vst v59;
	v60 =	vld [tilespmem:s3+$0xFFFFFFE0]  }
0x19e: {  	v20 =	vmul.f32 v18, v20;
	(erf) = vpow2.f32 v17;
	v17 =	vld [tilespmem:s31+$0xFFFFFFA0];
	[tilespmem:s9+$0x80] =	vst v13  }
0x19f: {  	[tilespmem:s12+$0x50] =	vst v18;
	v13 =	vmul.f32 $1.442695020e+00, v15;
	v18 =	vld [tilespmem:s13+$0xD0]  }
0x1a0: {  	(erf) = vpow2.f32 v5;
	v14 =	vadd.f32 v19, v14;
	[tilespmem:s12+$0x10] =	vst v20;
	v20 =	vld [tilespmem:s29+$0x90];
	v15 =	vpop (erf)  }
0x1a1: {  	[tilespmem:s18+$0xFFFFFF70] =	vst v10;
	v6 =	vld [tilespmem:s19+$0xFFFFFFF0];
	v61 =	vpop (erf);
	(erf) = vpow2.f32 v13;
	v13 =	vadd.f32 $1.000000000e+00, v15  }
0x1a2: {  	v7 =	vld [tilespmem:s3+$0xFFFFFF20];
	v14 =	vsub.f32 $0.0e+00, v14;
	v19 =	vmul.f32 v61, v22;
	[tilespmem:s9+$0xFFFFFF40] =	vst v61;
	v15 =	vpop (erf)  }
0x1a3: {  	v62 =	vld [tilespmem:s3+$0x60];
	v17 =	vadd.f32 v17, v60;
	v11 =	vmul.f32 v15, v11;
	[tilespmem:s9+$0xFFFFFFC0] =	vst v15;
	(erf) = vrcp.f32 v13  }
0x1a4: {  	v10 =	vmul.f32 v16, v12;
	v12 =	vpop (erf);
	v13 =	vmul.f32 $1.442695020e+00, v14;
	[tilespmem:s9+$0xFFFFFF00] =	vst v19;
	v19 =	vld [tilespmem:s31+$0x20]  }
0x1a5: {  	v18 =	vadd.f32 v20, v18;
	v15 =	vld [tilespmem:s13+$0xFFFFFF50];
	[tilespmem:s9+$0xFFFFFF80] =	vst v11;
	v11 =	vsub.f32 $0.0e+00, v17;
	v17 =	vmul.f32 v12, v9  }
0x1a6: {  	v14 =	vpop (erf);
	v63 =	vld [tilespmem:s29+$0xFFFFFF10];
	(erf) = vpow2.f32 v13  }
0x1a7: {  	v5 =	vld [tilespmem:s3+$0xFFFFFFA0];
	v14 =	vadd.f32 $1.000000000e+00, v14;
	v18 =	vsub.f32 $0.0e+00, v18  }
0x1a8: {  	[tilespmem:s9+$0x40] =	vst v12;
	v9 =	vld [tilespmem:s13+$0xFFFFFFD0];
	v13 =	vpop (erf);
	v20 =	vmul.f32 $1.442695020e+00, v11  }
0x1a9: {  	v12 =	vld [tilespmem:s29+$0xFFFFFF90];
	[tilespmem:s9+$0x0] =	vst v17;
	(erf) = vrcp.f32 v14;
	v17 =	vpop (erf);
	v19 =	vadd.f32 v19, v62  }
0x1aa: {  	s14 =	simm.s32 $0xC;
	s30 =	smov.u32 s28;
	s17 =	sshll.u32 s20, $0x7;
	[tilespmem:s0+$0x20] =	vst v10;
	v14 =	vadd.f32 $1.000000000e+00, v13;
	v11 =	vld [tilespmem:s13+$0x50];
	(erf) = vpow2.f32 v20;
	v10 =	vadd.f32 $1.000000000e+00, v17  }
0x1ab: {  	s15 =	simm.s32 $0xE00;
	s16 =	smov.u32 s31;
	s8 =	smov.u32 s29;
	[tilespmem:s0+$0x60] =	vst v16;
	v13 =	vld [tilespmem:s29+$0x10];
	v16 =	vadd.f32 v63, v15;
	v17 =	vmul.f32 $1.442695020e+00, v18;
	v18 =	vpop (erf);
	v15 =	vsub.f32 $0.0e+00, v19  }
.LBB2_5:
0x1ac: {  	v19 =	vld [tilespmem:s15+$0xC0];
	s29 =	sadd.s32 $0x200, s29;
	v18 =	vadd.f32 $1.000000000e+00, v18;
	(erf) = vrcp.f32 v14;
	v14 =	vpop (erf)  }
0x1ad: {  	v20 =	vld [tilespmem:s29+$0x80];
	v16 =	vsub.f32 $0.0e+00, v16;
	(erf) = vpow2.f32 v17;
	v8 =	vmul.f32 v14, v8;
	[tilespmem:s0+$0xF0] =	vst v14  }
0x1ae: {  	v14 =	vld [tilespmem:s15+$0xFFFFFF40];
	v9 =	vadd.f32 v12, v9;
	v12 =	vmul.f32 $1.442695020e+00, v15;
	(erf) = vrcp.f32 v18  }
0x1af: {  	v15 =	vld [tilespmem:s29+$0xFFFFFF00];
	v16 =	vmul.f32 $1.442695020e+00, v16;
	v17 =	vpop (erf);
	[tilespmem:s0+$0xB0] =	vst v8;
	(erf) = vrcp.f32 v10  }
0x1b0: {  	s14 =	sadd.s32 $0x4, s14;
	v8 =	vld [tilespmem:s15+$0xFFFFFFC0];
	v9 =	vsub.f32 $0.0e+00, v9;
	v18 =	vadd.f32 v13, v11;
	(erf) = vpow2.f32 v12  }
0x1b1: {  	p0 =	slt.u32 s14, $0x1C;
	v21 =	vadd.f32 $1.000000000e+00, v17;
	v11 =	vld [tilespmem:s29+$0xFFFFFF80];
	(erf) = vpow2.f32 v16  }
0x1b2: {  	v13 =	vld [tilespmem:s15+$0x40];
	v16 =	vadd.f32 v20, v19;
	v19 =	vmul.f32 $1.442695020e+00, v9;
	v9 =	vsub.f32 $0.0e+00, v18;
	v10 =	vpop (erf)  }
0x1b3: {  	v18 =	vld [tilespmem:s3+$0xA0];
	(erf) = vrcp.f32 v21;
	v12 =	vpop (erf);
	v4 =	vmul.f32 v10, v4;
	[tilespmem:s18+$0xFFFFFFF0] =	vst v10  }
0x1b4: {  	v10 =	vadd.f32 v15, v14;
	v14 =	vld [tilespmem:s29+$0x0];
	v15 =	vsub.f32 $0.0e+00, v16;
	v20 =	vmul.f32 $1.442695020e+00, v9  }
0x1b5: {  	v12 =	vadd.f32 $1.000000000e+00, v12;
	v9 =	vld [tilespmem:s15+$0xFFFFFF80];
	(erf) = vpow2.f32 v19;
	v17 =	vpop (erf);
	[tilespmem:s18+$0xFFFFFFB0] =	vst v4  }
0x1b6: {  	v4 =	vsub.f32 $0.0e+00, v10;
	v11 =	vadd.f32 v11, v8;
	v8 =	vld [tilespmem:s15+$0x0];
	v15 =	vmul.f32 $1.442695020e+00, v15;
	v19 =	vpop (erf);
	[tilespmem:s0+$0xFFFFFF70] =	vst v17  }
0x1b7: {  	v2 =	vmul.f32 v17, v2;
	v10 =	vld [tilespmem:s15+$0xFFFFFF00];
	v19 =	vadd.f32 $1.000000000e+00, v19;
	(erf) = vpow2.f32 v20;
	v16 =	vpop (erf)  }
0x1b8: {  	v11 =	vsub.f32 $0.0e+00, v11;
	(erf) = vpow2.f32 v15;
	v15 =	vld [tilespmem:s13+$0xFFFFFF10];
	v17 =	vmul.f32 v16, v18;
	v18 =	vpop (erf)  }
0x1b9: {  	v4 =	vmul.f32 $1.442695020e+00, v4;
	v13 =	vadd.f32 v14, v13;
	v14 =	vld [tilespmem:s13+$0xFFFFFF90];
	(erf) = vrcp.f32 v19;
	[tilespmem:s12+$0xE0] =	vst v16;
	v16 =	vpop (erf)  }
0x1ba: {  	v21 =	vmul.f32 $1.442695020e+00, v11;
	v19 =	vld [tilespmem:s13+$0x10];
	v20 =	vpop (erf);
	v16 =	vadd.f32 $1.000000000e+00, v16;
	[tilespmem:s12+$0xA0] =	vst v17;
	(erf) = vrcp.f32 v12  }
0x1bb: {  	v12 =	vsub.f32 $0.0e+00, v13;
	(erf) = vpow2.f32 v4;
	v4 =	vadd.f32 $1.000000000e+00, v20;
	v13 =	vld [tilespmem:s3+$0xF0];
	[tilespmem:s0+$0xFFFFFF30] =	vst v2  }
0x1bc: {  	v3 =	vmul.f32 v18, v3;
	(erf) = vpow2.f32 v21;
	v2 =	vld [tilespmem:s16+$0xB0];
	v11 =	vpop (erf);
	[tilespmem:s18+$0x70] =	vst v18  }
0x1bd: {  	v20 =	vmul.f32 $1.442695020e+00, v12;
	(erf) = vrcp.f32 v4;
	[tilespmem:s12+$0xFFFFFF60] =	vst v11;
	v17 =	vld [tilespmem:s3+$0x20]  }
0x1be: {  	v7 =	vmul.f32 v11, v7;
	v4 =	vld [tilespmem:s13+$0x90];
	v18 =	vpop (erf);
	(erf) = vrcp.f32 v16;
	[tilespmem:s18+$0x30] =	vst v3;
	s18 =	smov.u32 s0;
	s0 =	smov.u32 s12;
	s12 =	smov.u32 s9  }
0x1bf: {  	(erf) = vpow2.f32 v20;
	v3 =	vadd.f32 $1.000000000e+00, v18;
	v11 =	vld [tilespmem:s30+$0xFFFFFFB0]  }
0x1c0: {  	v12 =	vpop (erf);
	[tilespmem:s0+$0xFFFFFF20] =	vst v7;
	v7 =	vld [tilespmem:s19+$0x70]  }
0x1c1: {  	v16 =	vpop (erf);
	v12 =	vadd.f32 $1.000000000e+00, v12;
	(erf) = vrcp.f32 v3;
	v3 =	vld [tilespmem:s3+$0xFFFFFF70];
	v2 =	vadd.f32 v2, v13  }
0x1c2: {  	v23 =	vadd.f32 $1.000000000e+00, v16;
	v16 =	vpop (erf);
	v18 =	vld [tilespmem:s16+$0xFFFFFF30]  }
0x1c3: {  	v4 =	vmul.f32 v16, v4;
	(erf) = vrcp.f32 v12;
	v12 =	vsub.f32 $0.0e+00, v2;
	v20 =	vpop (erf);
	v21 =	vld [tilespmem:s30+$0x30];
	s30 =	smov.u32 s16;
	s16 =	smov.u32 s8;
	s8 =	smov.u32 s29  }
0x1c4: {  	v22 =	vpop (erf);
	(erf) = vrcp.f32 v23;
	[tilespmem:s9+$0xD0] =	vst v16;
	v2 =	vld [tilespmem:s3+$0xFFFFFF30];
	v5 =	vmul.f32 v20, v5;
	v6 =	vadd.f32 v11, v6  }
0x1c5: {  	v23 =	vadd.f32 $1.000000000e+00, v22;
	v13 =	vpop (erf);
	[tilespmem:s9+$0x90] =	vst v4;
	v12 =	vmul.f32 $1.442695020e+00, v12;
	v4 =	vld [tilespmem:s19+$0xFFFFFFB0]  }
0x1c6: {  	v13 =	vadd.f32 $1.000000000e+00, v13;
	v16 =	vld [tilespmem:s13+$0xE0];
	v22 =	vpop (erf);
	[tilespmem:s0+$0xFFFFFFA0] =	vst v5;
	v5 =	vsub.f32 $0.0e+00, v6  }
0x1c7: {  	v6 =	vmul.f32 v22, v15;
	[tilespmem:s9+$0xFFFFFF50] =	vst v22;
	v15 =	vld [tilespmem:s16+$0xA0];
	v24 =	vadd.f32 v18, v3;
	v22 =	vpop (erf);
	(erf) = vpow2.f32 v12  }
0x1c8: {  	(erf) = vrcp.f32 v23;
	v11 =	vpop (erf);
	[tilespmem:s0+$0xFFFFFFE0] =	vst v20;
	v12 =	vmul.f32 v22, v17;
	v3 =	vld [tilespmem:s19+$0x30];
	v7 =	vadd.f32 v21, v7;
	s19 =	smov.u32 s3;
	s3 =	smov.u32 s13;
	s13 =	smov.u32 s15  }
0x1c9: {  	v11 =	vadd.f32 $1.000000000e+00, v11;
	v17 =	vld [tilespmem:s15+$0x80];
	(erf) = vrcp.f32 v13;
	[tilespmem:s9+$0xFFFFFF10] =	vst v6;
	v6 =	vsub.f32 $0.0e+00, v24  }
0x1ca: {  	v5 =	vmul.f32 $1.442695020e+00, v5;
	v13 =	vld [tilespmem:s3+$0xFFFFFF60];
	v18 =	vpop (erf);
	[tilespmem:s0+$0x20] =	vst v12;
	v12 =	vsub.f32 $0.0e+00, v7  }
0x1cb: {  	(erf) = vrcp.f32 v11;
	v11 =	vld [tilespmem:s16+$0xFFFFFF20];
	v14 =	vmul.f32 v18, v14;
	[tilespmem:s9+$0xFFFFFFD0] =	vst v18  }
0x1cc: {  	v18 =	vmul.f32 $1.442695020e+00, v6;
	v7 =	vld [tilespmem:s3+$0xFFFFFF20];
	v15 =	vadd.f32 v15, v16;
	v16 =	vpop (erf);
	[tilespmem:s0+$0x60] =	vst v22;
	v12 =	vmul.f32 $1.442695020e+00, v12  }
0x1cd: {  	v20 =	vpop (erf);
	[tilespmem:s9+$0xFFFFFF90] =	vst v14;
	v14 =	vmul.f32 v16, v19;
	v6 =	vld [tilespmem:s19+$0xFFFFFFF0];
	(erf) = vpow2.f32 v5  }
0x1ce: {  	s9 =	sadd.s32 $0x200, s9;
	v5 =	vmul.f32 v20, v17;
	v17 =	vld [tilespmem:s3+$0xFFFFFFE0];
	[tilespmem:s12+$0x50] =	vst v16;
	v15 =	vsub.f32 $0.0e+00, v15;
	(erf) = vpow2.f32 v18  }
0x1cf: {  	[tilespmem:s9+$0xC0] =	vst v20;
	v16 =	vld [tilespmem:s16+$0xFFFFFFA0];
	(erf) = vpow2.f32 v12  }
0x1d0: {  	[tilespmem:s9+$0x80] =	vst v5;
	v11 =	vadd.f32 v11, v13;
	v5 =	vld [tilespmem:s3+$0xFFFFFFA0];
	v12 =	vmul.f32 $1.442695020e+00, v15;
	v13 =	vpop (erf)  }
0x1d1: {  	v15 =	vld [tilespmem:s15+$0xD0];
	v18 =	vpop (erf);
	[tilespmem:s12+$0x10] =	vst v14;
	v13 =	vadd.f32 $1.000000000e+00, v13  }
0x1d2: {  	v19 =	vmul.f32 v18, v10;
	[tilespmem:s9+$0xFFFFFF40] =	vst v18;
	v14 =	vld [tilespmem:s29+$0x90];
	v18 =	vpop (erf);
	v11 =	vsub.f32 $0.0e+00, v11;
	(erf) = vpow2.f32 v12  }
0x1d3: {  	v9 =	vmul.f32 v18, v9;
	[tilespmem:s9+$0xFFFFFFC0] =	vst v18;
	v18 =	vld [tilespmem:s3+$0x60];
	(erf) = vrcp.f32 v13  }
0x1d4: {  	[tilespmem:s9+$0xFFFFFF00] =	vst v19;
	v10 =	vpop (erf);
	v19 =	vmul.f32 $1.442695020e+00, v11;
	v12 =	vadd.f32 v16, v17;
	v13 =	vld [tilespmem:s16+$0x20]  }
0x1d5: {  	v16 =	vld [tilespmem:s15+$0xFFFFFF50];
	[tilespmem:s9+$0xFFFFFF80] =	vst v9;
	v20 =	vmul.f32 v10, v8  }
0x1d6: {  	v17 =	vld [tilespmem:s29+$0xFFFFFF10];
	[tilespmem:s9+$0x40] =	vst v10;
	v10 =	vsub.f32 $0.0e+00, v12;
	(erf) = vpow2.f32 v19;
	v11 =	vpop (erf)  }
.Ltmp1:
0x1d7: {  	v9 =	vld [tilespmem:s15+$0xFFFFFFD0];
	[tilespmem:s9+$0x0] =	vst v20;
	v15 =	vadd.f32 v14, v15;
	v8 =	vpop (erf);
	v11 =	vadd.f32 $1.000000000e+00, v11;
	(pc) =	sbr.rel @p0 .LBB2_5-.Ltmp1, $4  }
0x1d8: {  	v10 =	vmul.f32 $1.442695020e+00, v10;
	v14 =	vadd.f32 $1.000000000e+00, v8;
	v8 =	vld [tilespmem:s19+$0xB0];
	v19 =	vpop (erf)  }
0x1d9: {  	v12 =	vld [tilespmem:s29+$0xFFFFFF90];
	v15 =	vsub.f32 $0.0e+00, v15;
	v20 =	vadd.f32 v13, v18;
	(erf) = vrcp.f32 v11  }
0x1da: {  	v11 =	vld [tilespmem:s15+$0x50];
	(erf) = vpow2.f32 v10;
	v10 =	vadd.f32 $1.000000000e+00, v19  }
0x1db: {  	s15 =	sadd.s32 $0x200, s15;
	v16 =	vadd.f32 v17, v16;
	v13 =	vld [tilespmem:s29+$0x10];
	v17 =	vmul.f32 $1.442695020e+00, v15;
	v15 =	vsub.f32 $0.0e+00, v20;
	v18 =	vpop (erf)  }
0x1dc: {  	_ = 	snop  }
0x1dd: {  	(erf) = vrcp.f32 v14;
	v14 =	vsub.f32 $0.0e+00, v16  }
0x1de: {  	v18 =	vadd.f32 $1.000000000e+00, v18;
	(erf) = vpow2.f32 v17  }
0x1df: {  	v14 =	vmul.f32 $1.442695020e+00, v14  }
0x1e0: {  	v15 =	vmul.f32 $1.442695020e+00, v15;
	(erf) = vrcp.f32 v18  }
0x1e1: {  	(erf) = vrcp.f32 v10  }
0x1e2: {  	v12 =	vadd.f32 v12, v9;
	v10 =	vpop (erf);
	(erf) = vpow2.f32 v15;
	v11 =	vadd.f32 v13, v11  }
0x1e3: {  	(erf) = vpow2.f32 v14;
	v14 =	vpop (erf)  }
0x1e4: {  	v12 =	vsub.f32 $0.0e+00, v12;
	v9 =	vpop (erf)  }
0x1e5: {  	v15 =	vsub.f32 $0.0e+00, v11;
	v14 =	vadd.f32 $1.000000000e+00, v14;
	v13 =	vpop (erf)  }
0x1e6: {  	v16 =	vld [tilespmem:s3+$0xA0];
	v12 =	vmul.f32 $1.442695020e+00, v12;
	v11 =	vpop (erf)  }
0x1e7: {  	(erf) = vrcp.f32 v14;
	v14 =	vmul.f32 $1.442695020e+00, v15;
	v17 =	vpop (erf)  }
0x1e8: {  	(erf) = vpow2.f32 v12;
	v17 =	vadd.f32 $1.000000000e+00, v17  }
0x1e9: {  	v15 =	vpop (erf);
	(erf) = vpow2.f32 v14  }
0x1ea: {  	v12 =	vpop (erf);
	(erf) = vrcp.f32 v17  }
0x1eb: {  	v16 =	vmul.f32 v15, v16;
	v14 =	vpop (erf)  }
0x1ec: {  	v13 =	vadd.f32 $1.000000000e+00, v13;
	[tilespmem:s12+$0xE0] =	vst v15;
	v17 =	vpop (erf)  }
0x1ed: {  	[tilespmem:s12+$0xA0] =	vst v16;
	v16 =	vld [tilespmem:s13+$0x90];
	v15 =	vadd.f32 $1.000000000e+00, v17  }
0x1ee: {  	(erf) = vrcp.f32 v13;
	v13 =	vld [tilespmem:s3+$0xF0]  }
0x1ef: {  	v14 =	vadd.f32 $1.000000000e+00, v14;
	(erf) = vrcp.f32 v15;
	v15 =	vld [tilespmem:s16+$0xB0]  }
0x1f0: {  	v17 =	vpop (erf)  }
0x1f1: {  	v19 =	vpop (erf)  }
0x1f2: {  	v18 =	vld [tilespmem:s13+$0xFFFFFF10];
	v7 =	vmul.f32 v17, v7;
	v20 =	vpop (erf)  }
0x1f3: {  	[tilespmem:s12+$0xFFFFFF60] =	vst v17;
	(erf) = vrcp.f32 v14;
	v17 =	vadd.f32 $1.000000000e+00, v19;
	v19 =	vld [tilespmem:s30+$0xFFFFFFB0];
	v14 =	vpop (erf)  }
0x1f4: {  	[tilespmem:s12+$0xFFFFFF20] =	vst v7;
	v7 =	vld [tilespmem:s19+$0x70];
	v13 =	vadd.f32 v15, v13;
	v16 =	vmul.f32 v14, v16  }
0x1f5: {  	(erf) = vrcp.f32 v17;
	v17 =	vld [tilespmem:s16+$0xFFFFFF30]  }
0x1f6: {  	v15 =	vld [tilespmem:s3+$0xFFFFFF70];
	[tilespmem:s9+$0xD0] =	vst v14;
	v13 =	vsub.f32 $0.0e+00, v13  }
0x1f7: {  	v21 =	vpop (erf);
	v14 =	vadd.f32 $1.000000000e+00, v20;
	v20 =	vld [tilespmem:s30+$0x30];
	[tilespmem:s9+$0x90] =	vst v16  }
0x1f8: {  	v22 =	vld [tilespmem:s13+$0xE0];
	v16 =	vpop (erf);
	v13 =	vmul.f32 $1.442695020e+00, v13  }
0x1f9: {  	(erf) = vrcp.f32 v14;
	v14 =	vld [tilespmem:s8+$0xA0];
	v18 =	vmul.f32 v16, v18  }
0x1fa: {  	v6 =	vadd.f32 v19, v6;
	(erf) = vpow2.f32 v13;
	v13 =	vld [tilespmem:s13+$0xFFFFFF90]  }
0x1fb: {  	[tilespmem:s9+$0xFFFFFF50] =	vst v16  }
0x1fc: {  	v6 =	vsub.f32 $0.0e+00, v6;
	v15 =	vadd.f32 v17, v15;
	[tilespmem:s9+$0xFFFFFF10] =	vst v18  }
0x1fd: {  	v7 =	vadd.f32 v20, v7;
	v16 =	vld [tilespmem:s13+$0xFFFFFF60];
	v18 =	vpop (erf)  }
0x1fe: {  	v6 =	vmul.f32 $1.442695020e+00, v6;
	v15 =	vsub.f32 $0.0e+00, v15;
	v17 =	vld [tilespmem:s8+$0xFFFFFF20];
	v20 =	vpop (erf)  }
0x1ff: {  	v19 =	vld [tilespmem:s13+$0x10];
	v7 =	vsub.f32 $0.0e+00, v7;
	v14 =	vadd.f32 v14, v22;
	v13 =	vmul.f32 v20, v13  }
0x200: {  	(erf) = vpow2.f32 v6  }
0x201: {  	v15 =	vmul.f32 $1.442695020e+00, v15;
	v7 =	vmul.f32 $1.442695020e+00, v7;
	v14 =	vsub.f32 $0.0e+00, v14;
	[tilespmem:s9+$0xFFFFFFD0] =	vst v20  }
0x202: {  	[tilespmem:s9+$0xFFFFFF90] =	vst v13  }
0x203: {  	(erf) = vpow2.f32 v15;
	v14 =	vmul.f32 $1.442695020e+00, v14;
	v6 =	vadd.f32 v17, v16;
	v16 =	vld [tilespmem:s13+$0xFFFFFFE0];
	v13 =	vpop (erf)  }
0x204: {  	(erf) = vpow2.f32 v7;
	v17 =	vld [tilespmem:s8+$0xFFFFFFA0];
	v15 =	vmul.f32 v13, v19  }
0x205: {  	(erf) = vpow2.f32 v14;
	v6 =	vsub.f32 $0.0e+00, v6;
	v7 =	vpop (erf);
	[tilespmem:s9+$0x50] =	vst v13  }
0x206: {  	v7 =	vadd.f32 $1.000000000e+00, v7;
	[tilespmem:s9+$0x10] =	vst v15  }
0x207: {  	v6 =	vmul.f32 $1.442695020e+00, v6;
	v13 =	vld [tilespmem:s13+$0x60]  }
0x208: {  	(erf) = vrcp.f32 v7;
	v7 =	vld [tilespmem:s8+$0x20]  }
0x209: {  	v14 =	vpop (erf);
	(erf) = vpow2.f32 v6;
	v6 =	vadd.f32 v17, v16  }
0x20a: {  	v14 =	vadd.f32 $1.000000000e+00, v14  }
0x20b: {  	v6 =	vsub.f32 $0.0e+00, v6  }
0x20c: {  	v15 =	vpop (erf)  }
0x20d: {  	v16 =	vpop (erf);
	v6 =	vmul.f32 $1.442695020e+00, v6;
	v7 =	vadd.f32 v7, v13  }
0x20e: {  	(erf) = vrcp.f32 v14;
	v14 =	vpop (erf);
	v13 =	vadd.f32 $1.000000000e+00, v15  }
0x20f: {  	(erf) = vpow2.f32 v6;
	v6 =	vsub.f32 $0.0e+00, v7;
	v7 =	vadd.f32 $1.000000000e+00, v14;
	_ =	sdelay $0x1  }
0x210: {  	(erf) = vrcp.f32 v13  }
0x211: {  	v14 =	vadd.f32 $1.000000000e+00, v16;
	v13 =	vpop (erf);
	(erf) = vrcp.f32 v7  }
0x212: {  	v6 =	vmul.f32 $1.442695020e+00, v6;
	v7 =	vpop (erf)  }
0x213: {  	(erf) = vrcp.f32 v14;
	v7 =	vadd.f32 $1.000000000e+00, v7  }
0x214: {  	(erf) = vpow2.f32 v6;
	_ =	sdelay $0x1  }
0x215: {  	v5 =	vmul.f32 v21, v5;
	v6 =	vld [tilespmem:s13+$0xA0];
	(erf) = vrcp.f32 v7  }
0x216: {  	v17 =	vld [tilespmem:s3+$0x20];
	v7 =	vpop (erf)  }
0x217: {  	v14 =	vpop (erf)  }
0x218: {  	v16 =	vpop (erf)  }
0x219: {  	[tilespmem:s12+$0xFFFFFFA0] =	vst v5;
	v5 =	vpop (erf)  }
0x21a: {  	[tilespmem:s12+$0xFFFFFFE0] =	vst v21;
	v15 =	vld [tilespmem:s13+$0xFFFFFF20];
	v6 =	vmul.f32 v5, v6  }
0x21b: {  	v17 =	vmul.f32 v18, v17;
	v19 =	vpop (erf);
	[tilespmem:s9+$0xE0] =	vst v5  }
0x21c: {  	v20 =	vld [tilespmem:s3+$0xFFFFFFF0];
	v5 =	vpop (erf);
	[tilespmem:s9+$0xA0] =	vst v6  }
0x21d: {  	[tilespmem:s12+$0x20] =	vst v17  }
0x21e: {  	[tilespmem:s12+$0x60] =	vst v18;
	v52 =	vld [tilespmem:s13+$0xF0];
	v6 =	vpop (erf)  }
0x21f: {  	v18 =	vld [tilespmem:s3+$0x70];
	v15 =	vmul.f32 v6, v15  }
0x220: {  	[tilespmem:s9+$0xFFFFFF60] =	vst v6;
	v6 =	vld [tilespmem:s8+$0xB0]  }
0x221: {  	v14 =	vadd.f32 $1.000000000e+00, v14;
	[tilespmem:s9+$0xFFFFFF20] =	vst v15;
	v15 =	vld [tilespmem:s16+$0xFFFFFFB0]  }
0x222: {  	v5 =	vadd.f32 $1.000000000e+00, v5;
	v17 =	vld [tilespmem:s13+$0xFFFFFF70]  }
0x223: {  	(erf) = vrcp.f32 v14;
	v14 =	vld [tilespmem:s8+$0xFFFFFF30]  }
0x224: {  	(erf) = vrcp.f32 v5;
	v5 =	vld [tilespmem:s16+$0x30]  }
0x225: {  	v6 =	vadd.f32 v6, v52;
	_ =	sdelay $0x1  }
0x226: {  	v15 =	vadd.f32 v15, v20;
	v6 =	vsub.f32 $0.0e+00, v6  }
0x227: {  	v14 =	vadd.f32 v14, v17  }
0x228: {  	v5 =	vadd.f32 v5, v18;
	v17 =	vld [tilespmem:s13+$0xFFFFFFA0];
	v15 =	vsub.f32 $0.0e+00, v15;
	v6 =	vmul.f32 $1.442695020e+00, v6  }
0x229: {  	v14 =	vsub.f32 $0.0e+00, v14  }
0x22a: {  	v18 =	vld [tilespmem:s13+$0x20];
	v5 =	vsub.f32 $0.0e+00, v5;
	v15 =	vmul.f32 $1.442695020e+00, v15  }
0x22b: {  	(erf) = vpow2.f32 v6;
	v14 =	vmul.f32 $1.442695020e+00, v14  }
0x22c: {  	v5 =	vmul.f32 $1.442695020e+00, v5;
	v6 =	vpop (erf);
	(erf) = vpow2.f32 v15  }
0x22d: {  	v17 =	vmul.f32 v6, v17;
	(erf) = vpow2.f32 v14  }
0x22e: {  	[tilespmem:s9+$0xFFFFFFE0] =	vst v6;
	v15 =	vpop (erf)  }
0x22f: {  	(erf) = vpow2.f32 v5;
	[tilespmem:s9+$0xFFFFFFA0] =	vst v17;
	v14 =	vmul.f32 v15, v18  }
0x230: {  	[tilespmem:s9+$0x60] =	vst v15;
	v5 =	vld [tilespmem:s13+$0xFFFFFFF0]  }
0x231: {  	v6 =	vld [tilespmem:s8+$0xFFFFFFB0];
	[tilespmem:s9+$0x20] =	vst v14  }
0x232: {  	v14 =	vld [tilespmem:s13+$0x70]  }
0x233: {  	v15 =	vld [tilespmem:s8+$0x30]  }
0x234: {  	v17 =	vpop (erf)  }
0x235: {  	v18 =	vpop (erf)  }
0x236: {  	v17 =	vadd.f32 $1.000000000e+00, v17;
	v5 =	vadd.f32 v6, v5;
	v6 =	vpop (erf)  }
0x237: {  	v18 =	vadd.f32 $1.000000000e+00, v18;
	v6 =	vadd.f32 $1.000000000e+00, v6  }
0x238: {  	(erf) = vrcp.f32 v17;
	v14 =	vadd.f32 v15, v14;
	v15 =	vpop (erf);
	v5 =	vsub.f32 $0.0e+00, v5  }
0x239: {  	v8 =	vmul.f32 v10, v8;
	(erf) = vrcp.f32 v18;
	v15 =	vadd.f32 $1.000000000e+00, v15  }
0x23a: {  	(erf) = vrcp.f32 v6;
	v5 =	vmul.f32 $1.442695020e+00, v5;
	v6 =	vsub.f32 $0.0e+00, v14  }
0x23b: {  	v4 =	vmul.f32 v9, v4;
	[tilespmem:s0+$0xF0] =	vst v10;
	(erf) = vrcp.f32 v15  }
0x23c: {  	[tilespmem:s0+$0xB0] =	vst v8;
	v6 =	vmul.f32 $1.442695020e+00, v6;
	(erf) = vpow2.f32 v5  }
0x23d: {  	[tilespmem:s18+$0xFFFFFFF0] =	vst v9;
	v5 =	vld [tilespmem:s3+$0xB0]  }
0x23e: {  	v2 =	vmul.f32 v11, v2;
	[tilespmem:s18+$0xFFFFFFB0] =	vst v4;
	(erf) = vpow2.f32 v6  }
0x23f: {  	[tilespmem:s0+$0xFFFFFF70] =	vst v11;
	v4 =	vld [tilespmem:s19+$0xFFFFFFB0]  }
0x240: {  	[tilespmem:s0+$0xFFFFFF30] =	vst v2;
	v2 =	vmul.f32 v12, v3  }
0x241: {  	[tilespmem:s18+$0x70] =	vst v12;
	v3 =	vld [tilespmem:s3+$0xFFFFFF30];
	v6 =	vpop (erf)  }
0x242: {  	[tilespmem:s18+$0x30] =	vst v2;
	v2 =	vmul.f32 v13, v5;
	v5 =	vpop (erf)  }
0x243: {  	v8 =	vld [tilespmem:s19+$0x30];
	[tilespmem:s0+$0xFFFFFFF0] =	vst v7;
	v9 =	vpop (erf)  }
0x244: {  	[tilespmem:s12+$0xB0] =	vst v2;
	v2 =	vmul.f32 v7, v4;
	v4 =	vpop (erf)  }
0x245: {  	[tilespmem:s12+$0xFFFFFF70] =	vst v16;
	v7 =	vld [tilespmem:s13+$0xB0];
	v10 =	vpop (erf)  }
0x246: {  	[tilespmem:s0+$0xFFFFFFB0] =	vst v2;
	v2 =	vmul.f32 v16, v3;
	v3 =	vadd.f32 $1.000000000e+00, v10  }
0x247: {  	[tilespmem:s0+$0x70] =	vst v19;
	v10 =	vld [tilespmem:s3+$0xFFFFFFB0];
	v11 =	vpop (erf)  }
0x248: {  	[tilespmem:s12+$0xFFFFFF30] =	vst v2;
	v2 =	vmul.f32 v19, v8;
	(erf) = vrcp.f32 v3;
	v3 =	vadd.f32 $1.000000000e+00, v11  }
0x249: {  	[tilespmem:s12+$0xF0] =	vst v13;
	v8 =	vld [tilespmem:s13+$0xFFFFFF30]  }
0x24a: {  	[tilespmem:s0+$0x30] =	vst v2;
	v2 =	vmul.f32 v6, v7;
	(erf) = vrcp.f32 v3  }
0x24b: {  	[tilespmem:s9+$0xF0] =	vst v6;
	v3 =	vld [tilespmem:s3+$0x30]  }
0x24c: {  	[tilespmem:s9+$0xB0] =	vst v2;
	v2 =	vmul.f32 v5, v10  }
0x24d: {  	[tilespmem:s12+$0xFFFFFFF0] =	vst v5;
	v5 =	vld [tilespmem:s13+$0xFFFFFFB0]  }
0x24e: {  	[tilespmem:s12+$0xFFFFFFB0] =	vst v2;
	v2 =	vmul.f32 v9, v8  }
0x24f: {  	[tilespmem:s9+$0xFFFFFF70] =	vst v9;
	v6 =	vld [tilespmem:s13+$0x30]  }
0x250: {  	[tilespmem:s9+$0xFFFFFF30] =	vst v2;
	v2 =	vmul.f32 v4, v3  }
0x251: {  	[tilespmem:s12+$0x70] =	vst v4;
	v3 =	vpop (erf)  }
0x252: {  	[tilespmem:s12+$0x30] =	vst v2;
	v2 =	vmul.f32 v3, v5  }
0x253: {  	[tilespmem:s9+$0xFFFFFFF0] =	vst v3;
	v3 =	vpop (erf)  }
0x254: {  	[tilespmem:s9+$0xFFFFFFB0] =	vst v2;
	v2 =	vmul.f32 v3, v6  }
0x255: {  	[tilespmem:s9+$0x70] =	vst v3  }
0x256: {  	[tilespmem:s9+$0x30] =	vst v2  }
0x257: {  	v2 =	vld [tilespmem:$0x200]  }
0x258: {  	v3 =	vld [tilespmem:$0x210];
	_ =	sdelay $0x2  }
0x259: {  	s9 =	rddreg [dreg:$0xe]  }
0x25a: {  	s0 =	sadd.s32 s17, s9;
	[tilespmem:$0x400] =	vst v2  }
0x25b: {  	s8 =	simm.s32 $0x400;
	s3 =	simm.s32 $0x8500;
	s0 =	sshrl.u32 s0, $0x3;
	[tilespmem:$0x410] =	vst v3  }
0x25c: {  	[spmem:s2] =	stream.indirect.scatter.add.f32 [tilespmem:s3], [sflag:$0xD], $0x80, s8, s11, $0xb8;
	[tilespmem:$0x1E500] =	vst v63  }
0x25d: {  	s12 =	sadd.s32 s6, s0  }
0x25e: {  	[tilespmem:s4], [sflag:$0x1] =	stream.linear.gather [hbm4b:s12+s4], $0x20, $0x38;
	[tilespmem:$0x1E500] =	vst v63  }
0x25f: {  	s14 =	simm.s32 $0x6;
	s13 =	simm.s32 $0x200;
	s0 =	sadd.s32 s7, s0  }
0x260: {  	[tilespmem:s13], [sflag:$0x1] =	stream.linear.gather [hbm4b:s0+s4], $0x20, $0x38;
	[tilespmem:$0x1E500] =	vst v63  }
0x261: {  	_ =	swait.ge [sflag:s14], $0x1000  }
0x262: {  	[sflag:s14] =	ssyncset.done $0x0  }
0x263: {  	s15 =	simm.s32 $0xA;
	[sflag:s14] =	ssyncadd.s32 $0xFFFFF000  }
0x264: {  	_ =	swait.ge [sflag:s15], $0x1000  }
0x265: {  	p0 =	seq.s32 s20, $0x9B;
	[sflag:s15] =	ssyncset.done $0x0  }
0x266: {  	s0 =	simm.s32 @!p0 $0x1;
	[sflag:s15] =	ssyncadd.s32 $0xFFFFF000  }
0x267: {  	_ =	swait.ge @!p0 [sflag:s0], $0x20  }
0x268: {  	[sflag:s0] =	ssyncset.done @!p0 $0x0  }
0x269: {  	[sflag:s0] =	ssyncadd.s32 @!p0 $0xFFFFFFE0  }
0x26a: {  	_ =	swait.ge @!p0 [sflag:s0], $0x20  }
0x26b: {  	[sflag:s0] =	ssyncset.done @!p0 $0x0  }
0x26c: {  	[sflag:s0] =	ssyncadd.s32 @!p0 $0xFFFFFFE0  }
0x26d: {  	v2 =	vld @!p0 [tilespmem:$0x0]  }
0x26e: {  	v3 =	vld @!p0 [tilespmem:$0x10];
	_ =	sdelay $0x3  }
0x26f: {  	v2 =	vadd.s32 @!p0 v0, v2  }
0x270: {  	p1 =	seq.s32 @!p0 s20, $0x0;
	[tilespmem:$0x0] =	vst @!p0 v2;
	v2 =	vadd.s32 @!p0 v0, v3  }
0x271: {  	s3 =	simm.s32 @!p0 $0x0;
	s8 =	simm.s32 @!p0 $0x500;
	s0 =	simm.s32 @!p0 $0x20;
	[tilespmem:$0x10] =	vst @!p0 v2  }
0x272: {  	[tilespmem:s8], [sflag:$0x5] =	stream.indirect.gather @!p0 [hbm4b:s5+s0], $0x80, s3, s0, $0xb8;
	[tilespmem:$0x1E500] =	vst v63  }
0x273: {  	p1 =	por p0, !p1;
	s3 =	simm.s32 @!p0 $0x200;
	s8 =	simm.s32 @!p0 $0x4500  }
0x274: {  	[tilespmem:s8], [sflag:$0x9] =	stream.indirect.gather @!p0 [hbm4b:s1+s0], $0x80, s3, s0, $0xb8;
	[tilespmem:$0x1E500] =	vst v63  }
0x275: {  	_ =	swait.ge @p1 [sflag:s22], $0x1000  }
0x276: {  	[sflag:s22] =	ssyncset.done @p1 $0x0  }
0x277: {  	s16 =	simm.s32 $0x1600;
	[sflag:s22] =	ssyncadd.s32 @p1 $0xFFFFF000  }
0x278: {  	v2 =	vld [tilespmem:s16+$0xC0]  }
0x279: {  	v3 =	vld [tilespmem:s24+$0x80];
	_ =	sdelay $0x1  }
0x27a: {  	v4 =	vld [tilespmem:s16+$0xFFFFFF40]  }
0x27b: {  	v5 =	vld [tilespmem:s24+$0xFFFFFF00]  }
0x27c: {  	v6 =	vld [tilespmem:s24+$0xFFFFFF80]  }
0x27d: {  	v7 =	vld [tilespmem:s16+$0x40];
	v2 =	vadd.f32 v3, v2  }
0x27e: {  	v3 =	vld [tilespmem:s16+$0xFFFFFFC0]  }
0x27f: {  	v8 =	vld [tilespmem:s24+$0x0];
	v2 =	vsub.f32 $0.0e+00, v2;
	_ =	sdelay $0x1  }
0x280: {  	v2 =	vmul.f32 $1.442695020e+00, v2  }
0x281: {  	v4 =	vadd.f32 v5, v4  }
0x282: {  	v3 =	vadd.f32 v6, v3;
	(erf) = vpow2.f32 v2  }
0x283: {  	v2 =	vsub.f32 $0.0e+00, v4;
	v4 =	vadd.f32 v8, v7  }
0x284: {  	v3 =	vsub.f32 $0.0e+00, v3  }
0x285: {  	v2 =	vmul.f32 $1.442695020e+00, v2;
	v4 =	vsub.f32 $0.0e+00, v4  }
0x286: {  	v3 =	vmul.f32 $1.442695020e+00, v3  }
0x287: {  	(erf) = vpow2.f32 v2;
	v2 =	vmul.f32 $1.442695020e+00, v4;
	_ =	sdelay $0x1  }
0x288: {  	(erf) = vpow2.f32 v3;
	_ =	sdelay $0x1  }
0x289: {  	(erf) = vpow2.f32 v2;
	v2 =	vpop (erf)  }
0x28a: {  	v2 =	vadd.f32 $1.000000000e+00, v2;
	_ =	sdelay $0x2  }
0x28b: {  	(erf) = vrcp.f32 v2  }
0x28c: {  	v2 =	vpop (erf)  }
0x28d: {  	v2 =	vadd.f32 $1.000000000e+00, v2  }
0x28e: {  	v3 =	vpop (erf)  }
0x28f: {  	v3 =	vadd.f32 $1.000000000e+00, v3;
	(erf) = vrcp.f32 v2  }
0x290: {  	v2 =	vld [tilespmem:s16+$0x80]  }
0x291: {  	v4 =	vpop (erf);
	(erf) = vrcp.f32 v3  }
0x292: {  	v4 =	vadd.f32 $1.000000000e+00, v4;
	_ =	sdelay $0x1  }
0x293: {  	(erf) = vrcp.f32 v4;
	v4 =	vld [tilespmem:s16+$0xFFFFFF00];
	v3 =	vpop (erf)  }
0x294: {  	s18 =	simm.s32 $0x9600;
	v2 =	vmul.f32 v3, v2  }
0x295: {  	v5 =	vld [tilespmem:s16+$0xFFFFFF80];
	[tilespmem:s18+$0xC0] =	vst v3  }
0x296: {  	v3 =	vld [tilespmem:s16+$0x0];
	[tilespmem:s18+$0x80] =	vst v2  }
0x297: {  	v2 =	vld [tilespmem:s16+$0xD0];
	v6 =	vpop (erf)  }
0x298: {  	v7 =	vld [tilespmem:s24+$0x90];
	v4 =	vmul.f32 v6, v4  }
0x299: {  	[tilespmem:s18+$0xFFFFFF40] =	vst v6;
	v6 =	vpop (erf)  }
0x29a: {  	v5 =	vmul.f32 v6, v5;
	[tilespmem:s18+$0xFFFFFF00] =	vst v4  }
0x29b: {  	[tilespmem:s18+$0xFFFFFFC0] =	vst v6;
	v6 =	vld [tilespmem:s16+$0xFFFFFF50]  }
0x29c: {  	s19 =	simm.s32 $0x1800;
	[tilespmem:s18+$0xFFFFFF80] =	vst v5;
	v5 =	vld [tilespmem:s24+$0xFFFFFF10];
	v4 =	vpop (erf)  }
0x29d: {  	v9 =	vld [tilespmem:s19+$0xC0];
	v2 =	vadd.f32 v7, v2;
	v3 =	vmul.f32 v4, v3  }
0x29e: {  	[tilespmem:s18+$0x40] =	vst v4;
	v4 =	vld [tilespmem:s16+$0xFFFFFFD0]  }
0x29f: {  	v2 =	vsub.f32 $0.0e+00, v2;
	[tilespmem:s18+$0x0] =	vst v3;
	v3 =	vld [tilespmem:s24+$0xFFFFFF90]  }
0x2a0: {  	v7 =	vld [tilespmem:s16+$0x50]  }
0x2a1: {  	s12 =	sadd.s32 $0x200, s24;
	v2 =	vmul.f32 $1.442695020e+00, v2;
	v8 =	vld [tilespmem:s24+$0x10];
	v5 =	vadd.f32 v5, v6  }
0x2a2: {  	v6 =	vld [tilespmem:s12+$0x80]  }
0x2a3: {  	(erf) = vpow2.f32 v2;
	v2 =	vsub.f32 $0.0e+00, v5  }
0x2a4: {  	v5 =	vld [tilespmem:s19+$0xFFFFFF40]  }
0x2a5: {  	v3 =	vadd.f32 v3, v4;
	v4 =	vld [tilespmem:s12+$0xFFFFFF00];
	v2 =	vmul.f32 $1.442695020e+00, v2;
	_ =	sdelay $0x1  }
0x2a6: {  	v7 =	vadd.f32 v8, v7;
	v8 =	vld [tilespmem:s19+$0xFFFFFFC0];
	v6 =	vadd.f32 v6, v9;
	(erf) = vpow2.f32 v2  }
0x2a7: {  	v9 =	vld [tilespmem:s12+$0xFFFFFF80];
	v3 =	vsub.f32 $0.0e+00, v3  }
0x2a8: {  	v2 =	vsub.f32 $0.0e+00, v7;
	v6 =	vsub.f32 $0.0e+00, v6;
	v7 =	vld [tilespmem:s19+$0x40]  }
0x2a9: {  	v3 =	vmul.f32 $1.442695020e+00, v3;
	v4 =	vadd.f32 v4, v5;
	v5 =	vld [tilespmem:s12+$0x0]  }
0x2aa: {  	v2 =	vmul.f32 $1.442695020e+00, v2  }
0x2ab: {  	(erf) = vpow2.f32 v3;
	v3 =	vmul.f32 $1.442695020e+00, v6  }
0x2ac: {  	v6 =	vpop (erf);
	(erf) = vpow2.f32 v2;
	v2 =	vsub.f32 $0.0e+00, v4;
	v4 =	vadd.f32 v9, v8  }
0x2ad: {  	v6 =	vadd.f32 $1.000000000e+00, v6;
	(erf) = vpow2.f32 v3  }
0x2ae: {  	v3 =	vsub.f32 $0.0e+00, v4;
	v2 =	vmul.f32 $1.442695020e+00, v2;
	v4 =	vadd.f32 v5, v7  }
0x2af: {  	(erf) = vrcp.f32 v6;
	v5 =	vpop (erf)  }
0x2b0: {  	(erf) = vpow2.f32 v2;
	v2 =	vsub.f32 $0.0e+00, v4;
	v4 =	vadd.f32 $1.000000000e+00, v5  }
0x2b1: {  	v3 =	vmul.f32 $1.442695020e+00, v3;
	_ =	sdelay $0x1  }
0x2b2: {  	(erf) = vpow2.f32 v3  }
0x2b3: {  	v2 =	vmul.f32 $1.442695020e+00, v2;
	(erf) = vrcp.f32 v4;
	v4 =	vpop (erf)  }
0x2b4: {  	v3 =	vld [tilespmem:s16+$0x90];
	v4 =	vadd.f32 $1.000000000e+00, v4;
	_ =	sdelay $0x1  }
0x2b5: {  	(erf) = vpow2.f32 v2;
	v5 =	vpop (erf)  }
0x2b6: {  	v2 =	vpop (erf);
	v5 =	vadd.f32 $1.000000000e+00, v5  }
0x2b7: {  	(erf) = vrcp.f32 v4;
	v2 =	vadd.f32 $1.000000000e+00, v2;
	v4 =	vpop (erf)  }
0x2b8: {  	(erf) = vrcp.f32 v5;
	v5 =	vld [tilespmem:s16+$0xFFFFFF10];
	v3 =	vmul.f32 v4, v3  }
0x2b9: {  	(erf) = vrcp.f32 v2;
	[tilespmem:s18+$0xD0] =	vst v4;
	v4 =	vpop (erf)  }
0x2ba: {  	v2 =	vld [tilespmem:s16+$0xFFFFFF90];
	[tilespmem:s18+$0x90] =	vst v3;
	v3 =	vadd.f32 $1.000000000e+00, v4  }
0x2bb: {  	v6 =	vpop (erf);
	v4 =	vld [tilespmem:s16+$0xE0]  }
0x2bc: {  	v9 =	vpop (erf);
	v7 =	vld [tilespmem:s24+$0xA0];
	(erf) = vrcp.f32 v3;
	v3 =	vadd.f32 $1.000000000e+00, v6  }
0x2bd: {  	v10 =	vld [tilespmem:s19+$0xFFFFFF00];
	v5 =	vmul.f32 v9, v5  }
0x2be: {  	[tilespmem:s18+$0xFFFFFF50] =	vst v9;
	v9 =	vpop (erf);
	v6 =	vld [tilespmem:s19+$0x80]  }
0x2bf: {  	v11 =	vld [tilespmem:s16+$0x10];
	v9 =	vadd.f32 $1.000000000e+00, v9;
	[tilespmem:s18+$0xFFFFFF10] =	vst v5;
	(erf) = vrcp.f32 v3  }
0x2c0: {  	v5 =	vld [tilespmem:s16+$0xFFFFFF60];
	v3 =	vpop (erf)  }
0x2c1: {  	(erf) = vrcp.f32 v9;
	v9 =	vld [tilespmem:s24+$0xFFFFFF20];
	v4 =	vadd.f32 v7, v4;
	v2 =	vmul.f32 v3, v2;
	v7 =	vpop (erf)  }
0x2c2: {  	v12 =	vld [tilespmem:s19+$0x0];
	[tilespmem:s18+$0xFFFFFFD0] =	vst v3;
	v3 =	vpop (erf)  }
0x2c3: {  	s0 =	simm.s32 $0x9800;
	v8 =	vld [tilespmem:s19+$0xFFFFFF80];
	[tilespmem:s18+$0xFFFFFF90] =	vst v2;
	v2 =	vmul.f32 v3, v6  }
0x2c4: {  	v4 =	vsub.f32 $0.0e+00, v4;
	[tilespmem:s0+$0xC0] =	vst v3;
	v6 =	vld [tilespmem:s16+$0xFFFFFFE0]  }
0x2c5: {  	v3 =	vmul.f32 v7, v11;
	v11 =	vld [tilespmem:s24+$0xFFFFFFA0];
	[tilespmem:s0+$0x80] =	vst v2  }
0x2c6: {  	[tilespmem:s18+$0x50] =	vst v7;
	v5 =	vadd.f32 v9, v5;
	v2 =	vmul.f32 $1.442695020e+00, v4;
	v7 =	vpop (erf);
	v4 =	vld [tilespmem:s19+$0xD0]  }
0x2c7: {  	[tilespmem:s18+$0x10] =	vst v3;
	v3 =	vmul.f32 v7, v10;
	v9 =	vld [tilespmem:s12+$0x90]  }
0x2c8: {  	[tilespmem:s0+$0xFFFFFF40] =	vst v7;
	v5 =	vsub.f32 $0.0e+00, v5;
	(erf) = vpow2.f32 v2;
	v2 =	vld [tilespmem:s16+$0x60];
	v7 =	vpop (erf)  }
0x2c9: {  	[tilespmem:s0+$0xFFFFFF00] =	vst v3;
	v3 =	vld [tilespmem:s24+$0x20];
	v8 =	vmul.f32 v7, v8  }
0x2ca: {  	[tilespmem:s0+$0xFFFFFFC0] =	vst v7;
	v5 =	vmul.f32 $1.442695020e+00, v5;
	v10 =	vld [tilespmem:s19+$0xFFFFFF50]  }
0x2cb: {  	v7 =	vpop (erf);
	v6 =	vadd.f32 v11, v6;
	v11 =	vld [tilespmem:s12+$0xFFFFFF10];
	[tilespmem:s0+$0xFFFFFF80] =	vst v8  }
0x2cc: {  	v8 =	vmul.f32 v7, v12;
	(erf) = vpow2.f32 v5;
	v5 =	vld [tilespmem:s19+$0xFFFFFFD0]  }
0x2cd: {  	[tilespmem:s0+$0x40] =	vst v7;
	v4 =	vadd.f32 v9, v4;
	v7 =	vld [tilespmem:s12+$0xFFFFFF90]  }
0x2ce: {  	v6 =	vsub.f32 $0.0e+00, v6;
	[tilespmem:s0+$0x0] =	vst v8  }
0x2cf: {  	v4 =	vsub.f32 $0.0e+00, v4;
	v2 =	vadd.f32 v3, v2;
	v3 =	vld [tilespmem:s19+$0x50]  }
0x2d0: {  	s13 =	sadd.s32 $0x200, s12;
	v6 =	vmul.f32 $1.442695020e+00, v6;
	v9 =	vld [tilespmem:s12+$0x10];
	v8 =	vadd.f32 v11, v10  }
0x2d1: {  	s3 =	simm.s32 $0x1A00;
	v11 =	vld [tilespmem:s13+$0x80];
	v4 =	vmul.f32 $1.442695020e+00, v4;
	v2 =	vsub.f32 $0.0e+00, v2  }
0x2d2: {  	(erf) = vpow2.f32 v6;
	v6 =	vld [tilespmem:s3+$0xC0];
	v10 =	vpop (erf);
	v8 =	vsub.f32 $0.0e+00, v8;
	v5 =	vadd.f32 v7, v5  }
0x2d3: {  	v7 =	vld [tilespmem:s13+$0xFFFFFF00];
	v10 =	vadd.f32 $1.000000000e+00, v10;
	(erf) = vpow2.f32 v4;
	v2 =	vmul.f32 $1.442695020e+00, v2  }
0x2d4: {  	v4 =	vld [tilespmem:s3+$0xFFFFFF40]  }
0x2d5: {  	v8 =	vmul.f32 $1.442695020e+00, v8;
	(erf) = vrcp.f32 v10  }
0x2d6: {  	v3 =	vadd.f32 v9, v3;
	v9 =	vld [tilespmem:s13+$0xFFFFFF80];
	(erf) = vpow2.f32 v2  }
0x2d7: {  	v5 =	vsub.f32 $0.0e+00, v5;
	v10 =	vld [tilespmem:s3+$0xFFFFFFC0];
	v6 =	vadd.f32 v11, v6;
	v2 =	vpop (erf);
	(erf) = vpow2.f32 v8  }
0x2d8: {  	v3 =	vsub.f32 $0.0e+00, v3;
	v11 =	vld [tilespmem:s3+$0x40];
	v2 =	vadd.f32 $1.000000000e+00, v2  }
0x2d9: {  	v5 =	vmul.f32 $1.442695020e+00, v5;
	v8 =	vld [tilespmem:s16+$0xA0];
	v4 =	vadd.f32 v7, v4  }
0x2da: {  	v7 =	vld [tilespmem:s13+$0x0];
	v3 =	vmul.f32 $1.442695020e+00, v3;
	(erf) = vrcp.f32 v2;
	v2 =	vsub.f32 $0.0e+00, v6  }
0x2db: {  	v6 =	vpop (erf);
	v4 =	vsub.f32 $0.0e+00, v4;
	(erf) = vpow2.f32 v5  }
0x2dc: {  	v5 =	vadd.f32 $1.000000000e+00, v6;
	v6 =	vadd.f32 v9, v10;
	v2 =	vmul.f32 $1.442695020e+00, v2;
	v9 =	vpop (erf)  }
0x2dd: {  	(erf) = vpow2.f32 v3;
	v9 =	vadd.f32 $1.000000000e+00, v9  }
0x2de: {  	v4 =	vmul.f32 $1.442695020e+00, v4;
	v6 =	vsub.f32 $0.0e+00, v6;
	v3 =	vpop (erf);
	(erf) = vpow2.f32 v2  }
0x2df: {  	v7 =	vadd.f32 v7, v11;
	v2 =	vmul.f32 v3, v8;
	(erf) = vrcp.f32 v9;
	[tilespmem:s18+$0xE0] =	vst v3;
	v3 =	vpop (erf)  }
0x2e0: {  	v6 =	vmul.f32 $1.442695020e+00, v6;
	v8 =	vpop (erf);
	(erf) = vrcp.f32 v5  }
0x2e1: {  	v5 =	vsub.f32 $0.0e+00, v7;
	[tilespmem:s18+$0xA0] =	vst v2;
	(erf) = vpow2.f32 v4;
	v2 =	vadd.f32 $1.000000000e+00, v8  }
0x2e2: {  	v10 =	vld [tilespmem:s16+$0xFFFFFF20];
	(erf) = vpow2.f32 v6  }
0x2e3: {  	v8 =	vpop (erf);
	(erf) = vrcp.f32 v2;
	v2 =	vmul.f32 $1.442695020e+00, v5  }
0x2e4: {  	v3 =	vadd.f32 $1.000000000e+00, v3;
	v4 =	vld [tilespmem:s16+$0xF0]  }
0x2e5: {  	v6 =	vld [tilespmem:s24+$0xB0]  }
0x2e6: {  	v5 =	vld [tilespmem:s19+$0x90];
	v11 =	vpop (erf);
	(erf) = vrcp.f32 v3  }
0x2e7: {  	v10 =	vmul.f32 v8, v10;
	(erf) = vpow2.f32 v2;
	v2 =	vpop (erf)  }
0x2e8: {  	v3 =	vadd.f32 $1.000000000e+00, v11;
	v16 =	vadd.f32 $1.000000000e+00, v2  }
0x2e9: {  	v15 =	vpop (erf)  }
0x2ea: {  	v12 =	vld [tilespmem:s16+$0xFFFFFFA0];
	[tilespmem:s18+$0xFFFFFF60] =	vst v8;
	(erf) = vrcp.f32 v3;
	v3 =	vadd.f32 v6, v4;
	v8 =	vpop (erf)  }
0x2eb: {  	v11 =	vld [tilespmem:s19+$0xFFFFFF10];
	[tilespmem:s18+$0xFFFFFF20] =	vst v10;
	v6 =	vadd.f32 $1.000000000e+00, v15;
	v5 =	vmul.f32 v8, v5;
	v10 =	vpop (erf)  }
0x2ec: {  	v14 =	vld [tilespmem:s19+$0xFFFFFF90];
	v3 =	vsub.f32 $0.0e+00, v3;
	(erf) = vrcp.f32 v16;
	v16 =	vpop (erf)  }
0x2ed: {  	v15 =	vld [tilespmem:s16+$0xFFFFFF70];
	[tilespmem:s0+$0xD0] =	vst v8;
	(erf) = vrcp.f32 v6;
	v16 =	vadd.f32 $1.000000000e+00, v16  }
0x2ee: {  	v3 =	vmul.f32 $1.442695020e+00, v3;
	v6 =	vld [tilespmem:s24+$0xFFFFFF30];
	[tilespmem:s0+$0x90] =	vst v5;
	v17 =	vpop (erf)  }
0x2ef: {  	v18 =	vld [tilespmem:s19+$0xE0];
	v5 =	vpop (erf)  }
0x2f0: {  	v19 =	vld [tilespmem:s12+$0xA0];
	(erf) = vpow2.f32 v3;
	v11 =	vmul.f32 v5, v11;
	[tilespmem:s0+$0xFFFFFF50] =	vst v5;
	v5 =	vpop (erf)  }
0x2f1: {  	v3 =	vmul.f32 v10, v12;
	(erf) = vrcp.f32 v16;
	v16 =	vpop (erf)  }
0x2f2: {  	[tilespmem:s18+$0xFFFFFFE0] =	vst v10;
	v12 =	vadd.f32 $1.000000000e+00, v17;
	v17 =	vld [tilespmem:s3+$0x80];
	v10 =	vadd.f32 $1.000000000e+00, v16  }
0x2f3: {  	s30 =	sadd.s32 $0x200, s13;
	v13 =	vld [tilespmem:s3+$0xFFFFFF00];
	[tilespmem:s18+$0xFFFFFFA0] =	vst v3;
	v3 =	vadd.f32 v6, v15  }
0x2f4: {  	v53 =	vld [tilespmem:s30+$0x0];
	(erf) = vrcp.f32 v12;
	v6 =	vpop (erf)  }
0x2f5: {  	v4 =	vld [tilespmem:s19+$0x10];
	v16 =	vadd.f32 v19, v18;
	v14 =	vmul.f32 v6, v14;
	v15 =	vsub.f32 $0.0e+00, v3;
	v18 =	vpop (erf)  }
0x2f6: {  	v9 =	vld [tilespmem:s3+$0xFFFFFF80];
	[tilespmem:s0+$0xFFFFFF10] =	vst v11;
	(erf) = vrcp.f32 v10;
	v10 =	vpop (erf)  }
0x2f7: {  	v11 =	vld [tilespmem:s19+$0xFFFFFF60];
	[tilespmem:s0+$0xFFFFFF90] =	vst v14;
	v14 =	vmul.f32 $1.442695020e+00, v15;
	v15 =	vmul.f32 v10, v17  }
0x2f8: {  	v12 =	vld [tilespmem:s12+$0xFFFFFF20]  }
0x2f9: {  	s29 =	simm.s32 $0x9A00;
	v7 =	vld [tilespmem:s3+$0x0];
	[tilespmem:s0+$0xFFFFFFD0] =	vst v6;
	v16 =	vsub.f32 $0.0e+00, v16  }
0x2fa: {  	v19 =	vmul.f32 v18, v4;
	v17 =	vld [tilespmem:s19+$0xFFFFFFE0];
	[tilespmem:s29+$0xC0] =	vst v10  }
0x2fb: {  	v10 =	vld [tilespmem:s12+$0xFFFFFFA0];
	(erf) = vpow2.f32 v14;
	v14 =	vmul.f32 $1.442695020e+00, v16;
	[tilespmem:s29+$0x80] =	vst v15;
	v15 =	vpop (erf)  }
0x2fc: {  	[tilespmem:s0+$0x50] =	vst v18;
	v16 =	vld [tilespmem:s3+$0xD0];
	v18 =	vpop (erf)  }
0x2fd: {  	[tilespmem:s0+$0x10] =	vst v19;
	v11 =	vadd.f32 v12, v11;
	v15 =	vadd.f32 $1.000000000e+00, v15;
	v12 =	vmul.f32 v18, v13;
	v13 =	vld [tilespmem:s13+$0x90]  }
0x2fe: {  	[tilespmem:s29+$0xFFFFFF40] =	vst v18;
	v18 =	vld [tilespmem:s19+$0x60]  }
0x2ff: {  	s9 =	simm.s32 $0x1C00;
	(erf) = vpow2.f32 v14;
	v11 =	vsub.f32 $0.0e+00, v11;
	v14 =	vpop (erf);
	[tilespmem:s29+$0xFFFFFF00] =	vst v12;
	v12 =	vld [tilespmem:s12+$0x20]  }
0x300: {  	v54 =	vld [tilespmem:s9+$0xFFFFFF00];
	v9 =	vmul.f32 v14, v9  }
0x301: {  	v11 =	vmul.f32 $1.442695020e+00, v11;
	v10 =	vadd.f32 v10, v17;
	[tilespmem:s29+$0xFFFFFFC0] =	vst v14;
	(erf) = vrcp.f32 v15;
	v14 =	vld [tilespmem:s3+$0xFFFFFF50];
	v15 =	vpop (erf)  }
0x302: {  	[tilespmem:s29+$0xFFFFFF80] =	vst v9;
	v9 =	vld [tilespmem:s13+$0xFFFFFF10];
	v7 =	vmul.f32 v15, v7  }
0x303: {  	v58 =	vld [tilespmem:s9+$0x80];
	v10 =	vsub.f32 $0.0e+00, v10;
	(erf) = vpow2.f32 v11  }
0x304: {  	v17 =	vld [tilespmem:s3+$0xFFFFFFD0];
	[tilespmem:s29+$0x40] =	vst v15;
	v13 =	vadd.f32 v13, v16;
	v12 =	vadd.f32 v12, v18  }
0x305: {  	v10 =	vmul.f32 $1.442695020e+00, v10;
	v11 =	vld [tilespmem:s13+$0xFFFFFF90];
	[tilespmem:s29+$0x0] =	vst v7  }
0x306: {  	v13 =	vsub.f32 $0.0e+00, v13;
	v16 =	vld [tilespmem:s3+$0x50];
	v7 =	vpop (erf);
	v12 =	vsub.f32 $0.0e+00, v12  }
0x307: {  	(erf) = vpow2.f32 v10;
	v10 =	vld [tilespmem:s13+$0x10];
	v9 =	vadd.f32 v9, v14;
	v7 =	vadd.f32 $1.000000000e+00, v7  }
0x308: {  	v18 =	vld [tilespmem:s9+$0xC0];
	v13 =	vmul.f32 $1.442695020e+00, v13;
	v14 =	vpop (erf);
	v12 =	vmul.f32 $1.442695020e+00, v12  }
0x309: {  	v14 =	vadd.f32 $1.000000000e+00, v14;
	v9 =	vsub.f32 $0.0e+00, v9;
	(erf) = vrcp.f32 v7;
	v7 =	vld [tilespmem:s30+$0x80]  }
0x30a: {  	(erf) = vpow2.f32 v13;
	v13 =	vld [tilespmem:s9+$0xFFFFFF40]  }
0x30b: {  	v11 =	vadd.f32 v11, v17;
	v17 =	vpop (erf);
	v9 =	vmul.f32 $1.442695020e+00, v9;
	(erf) = vrcp.f32 v14;
	v14 =	vld [tilespmem:s30+$0xFFFFFF00]  }
0x30c: {  	v2 =	vld [tilespmem:s16+$0x20];
	v10 =	vadd.f32 v10, v16;
	(erf) = vpow2.f32 v12;
	v12 =	vpop (erf)  }
0x30d: {  	v19 =	vld [tilespmem:s9+$0xFFFFFFC0];
	v11 =	vsub.f32 $0.0e+00, v11;
	(erf) = vpow2.f32 v9;
	v9 =	vadd.f32 $1.000000000e+00, v12  }
0x30e: {  	v16 =	vld [tilespmem:s30+$0xFFFFFF80];
	v10 =	vsub.f32 $0.0e+00, v10;
	v7 =	vadd.f32 v7, v18  }
0x30f: {  	v12 =	vld [tilespmem:s9+$0x40];
	v18 =	vmul.f32 $1.442695020e+00, v11  }
0x310: {  	v20 =	vld [tilespmem:s19+$0xA0];
	v7 =	vsub.f32 $0.0e+00, v7;
	v13 =	vadd.f32 v14, v13;
	v14 =	vmul.f32 $1.442695020e+00, v10  }
0x311: {  	v8 =	vld [tilespmem:s16+$0xFFFFFF30];
	v2 =	vmul.f32 v5, v2;
	(erf) = vrcp.f32 v9;
	v9 =	vpop (erf)  }
0x312: {  	[tilespmem:s18+$0x60] =	vst v5;
	v6 =	vld [tilespmem:s19+$0xFFFFFF20];
	(erf) = vpow2.f32 v18;
	v7 =	vmul.f32 $1.442695020e+00, v7;
	v10 =	vpop (erf)  }
0x313: {  	[tilespmem:s18+$0x20] =	vst v2;
	v3 =	vld [tilespmem:s16+$0xFFFFFFF0];
	v16 =	vadd.f32 v16, v19;
	v13 =	vsub.f32 $0.0e+00, v13;
	(erf) = vpow2.f32 v14;
	v19 =	vpop (erf)  }
0x314: {  	v25 =	vld [tilespmem:s24+$0x30];
	v12 =	vadd.f32 v53, v12;
	(erf) = vpow2.f32 v7;
	v19 =	vadd.f32 $1.000000000e+00, v19;
	v14 =	vpop (erf)  }
0x315: {  	v4 =	vld [tilespmem:s19+$0xFFFFFFA0];
	v16 =	vsub.f32 $0.0e+00, v16;
	v18 =	vadd.f32 $1.000000000e+00, v9;
	v20 =	vmul.f32 v14, v20  }
0x316: {  	v15 =	vld [tilespmem:s16+$0xB0];
	v13 =	vmul.f32 $1.442695020e+00, v13;
	v12 =	vsub.f32 $0.0e+00, v12;
	[tilespmem:s0+$0xE0] =	vst v14;
	v14 =	vpop (erf);
	(erf) = vrcp.f32 v19  }
0x317: {  	v23 =	vld [tilespmem:s3+$0xFFFFFF90];
	v16 =	vmul.f32 $1.442695020e+00, v16;
	v55 =	vpop (erf);
	[tilespmem:s0+$0xA0] =	vst v20;
	(erf) = vrcp.f32 v18  }
0x318: {  	v5 =	vmul.f32 $1.442695020e+00, v12;
	(erf) = vpow2.f32 v13;
	v13 =	vadd.f32 $1.000000000e+00, v55;
	v18 =	vld [tilespmem:s19+$0xF0]  }
0x319: {  	v2 =	vadd.f32 $1.000000000e+00, v14;
	(erf) = vpow2.f32 v16;
	v16 =	vld [tilespmem:s12+$0xB0]  }
0x31a: {  	v11 =	vld [tilespmem:s9+$0xFFFFFF80];
	v14 =	vpop (erf);
	(erf) = vrcp.f32 v13  }
0x31b: {  	v12 =	vld [tilespmem:s3+$0x90];
	v20 =	vpop (erf);
	(erf) = vrcp.f32 v2  }
0x31c: {  	v9 =	vld [tilespmem:s9+$0x0];
	v2 =	vadd.f32 $1.000000000e+00, v20;
	(erf) = vpow2.f32 v5;
	v5 =	vpop (erf)  }
0x31d: {  	v7 =	vld [tilespmem:s3+$0xFFFFFF10];
	v6 =	vmul.f32 v14, v6;
	v20 =	vpop (erf);
	v5 =	vadd.f32 $1.000000000e+00, v5  }
0x31e: {  	v19 =	vld [tilespmem:s3+$0x10];
	[tilespmem:s0+$0xFFFFFF60] =	vst v14;
	(erf) = vrcp.f32 v2;
	v2 =	vadd.f32 v16, v18;
	v16 =	vadd.f32 $1.000000000e+00, v20  }
0x31f: {  	v14 =	vld [tilespmem:s24+$0xFFFFFFB0];
	[tilespmem:s0+$0xFFFFFF20] =	vst v6;
	v18 =	vpop (erf)  }
0x320: {  	v56 =	vld [tilespmem:s19+$0xFFFFFF70];
	(erf) = vrcp.f32 v5;
	v12 =	vmul.f32 v18, v12;
	v5 =	vsub.f32 $0.0e+00, v2;
	v24 =	vpop (erf)  }
0x321: {  	v20 =	vld [tilespmem:s12+$0xFFFFFF30];
	(erf) = vrcp.f32 v16;
	[tilespmem:s29+$0xD0] =	vst v18;
	v26 =	vpop (erf)  }
0x322: {  	v15 =	vmul.f32 v17, v15;
	v6 =	vld [tilespmem:s16+$0x70];
	v16 =	vpop (erf);
	[tilespmem:s29+$0x90] =	vst v12;
	v12 =	vmul.f32 $1.442695020e+00, v5  }
0x323: {  	[tilespmem:s18+$0xF0] =	vst v17;
	v8 =	vmul.f32 v10, v8;
	v4 =	vmul.f32 v24, v4;
	v18 =	vld [tilespmem:s3+$0xE0];
	v57 =	vpop (erf)  }
0x324: {  	[tilespmem:s18+$0xB0] =	vst v15;
	v17 =	vadd.f32 $1.000000000e+00, v26;
	v7 =	vmul.f32 v57, v7;
	(erf) = vpow2.f32 v12;
	v12 =	vld [tilespmem:s13+$0xA0]  }
0x325: {  	[tilespmem:s18+$0xFFFFFF30] =	vst v8;
	v8 =	vld [tilespmem:s19+$0xB0];
	v14 =	vadd.f32 v14, v3  }
0x326: {  	v13 =	vld [tilespmem:s19+$0x20];
	v15 =	vadd.f32 $1.000000000e+00, v16;
	[tilespmem:s0+$0xFFFFFFA0] =	vst v4;
	v16 =	vpop (erf);
	(erf) = vrcp.f32 v17;
	v17 =	vadd.f32 v20, v56  }
0x327: {  	v3 =	vld [tilespmem:s16+$0x30];
	v14 =	vsub.f32 $0.0e+00, v14;
	v4 =	vadd.f32 v25, v6;
	[tilespmem:s29+$0xFFFFFF50] =	vst v57;
	v20 =	vpop (erf)  }
0x328: {  	v2 =	vld [tilespmem:s19+$0xFFFFFF30];
	[tilespmem:s29+$0xFFFFFF10] =	vst v7;
	v6 =	vadd.f32 $1.000000000e+00, v20;
	(erf) = vrcp.f32 v15;
	v17 =	vsub.f32 $0.0e+00, v17;
	v7 =	vpop (erf)  }
0x329: {  	v14 =	vmul.f32 $1.442695020e+00, v14;
	v15 =	vld [tilespmem:s3+$0xFFFFFF60];
	v23 =	vmul.f32 v7, v23;
	v12 =	vadd.f32 v12, v18;
	v18 =	vpop (erf)  }
0x32a: {  	v20 =	vld [tilespmem:s13+$0xFFFFFF20];
	(erf) = vrcp.f32 v6;
	[tilespmem:s29+$0xFFFFFFD0] =	vst v7;
	v17 =	vmul.f32 $1.442695020e+00, v17;
	v59 =	vpop (erf)  }
0x32b: {  	s8 =	simm.s32 $0x9C00;
	v5 =	vld [tilespmem:s16+$0xFFFFFFB0];
	v4 =	vsub.f32 $0.0e+00, v4;
	(erf) = vpow2.f32 v14;
	[tilespmem:s29+$0xFFFFFF90] =	vst v23;
	v14 =	vmul.f32 v59, v58  }
0x32c: {  	v12 =	vsub.f32 $0.0e+00, v12;
	[tilespmem:s8+$0xC0] =	vst v59;
	v60 =	vld [tilespmem:s3+$0xFFFFFFE0]  }
0x32d: {  	v4 =	vmul.f32 $1.442695020e+00, v4;
	(erf) = vpow2.f32 v17;
	v17 =	vld [tilespmem:s13+$0xFFFFFFA0];
	[tilespmem:s8+$0x80] =	vst v14  }
0x32e: {  	v19 =	vmul.f32 v18, v19;
	[tilespmem:s29+$0x50] =	vst v18;
	v12 =	vmul.f32 $1.442695020e+00, v12;
	v18 =	vld [tilespmem:s9+$0xD0]  }
0x32f: {  	[tilespmem:s0+$0xFFFFFFE0] =	vst v24;
	(erf) = vpow2.f32 v4;
	v15 =	vadd.f32 v20, v15;
	v20 =	vld [tilespmem:s30+$0x90];
	v14 =	vpop (erf)  }
0x330: {  	[tilespmem:s18+$0xFFFFFF70] =	vst v10;
	v6 =	vld [tilespmem:s19+$0xFFFFFFF0];
	v61 =	vpop (erf);
	(erf) = vpow2.f32 v12;
	v12 =	vadd.f32 $1.000000000e+00, v14  }
0x331: {  	v7 =	vld [tilespmem:s3+$0xFFFFFF20];
	[tilespmem:s29+$0x10] =	vst v19;
	v15 =	vsub.f32 $0.0e+00, v15;
	v19 =	vmul.f32 v61, v54;
	v14 =	vpop (erf)  }
0x332: {  	v62 =	vld [tilespmem:s3+$0x60];
	[tilespmem:s8+$0xFFFFFF40] =	vst v61;
	v17 =	vadd.f32 v17, v60;
	v11 =	vmul.f32 v14, v11;
	(erf) = vrcp.f32 v12  }
0x333: {  	v10 =	vmul.f32 v16, v13;
	v13 =	vpop (erf);
	v12 =	vmul.f32 $1.442695020e+00, v15;
	[tilespmem:s8+$0xFFFFFF00] =	vst v19;
	v19 =	vld [tilespmem:s13+$0x20]  }
0x334: {  	v18 =	vadd.f32 v20, v18;
	v63 =	vld [tilespmem:s9+$0xFFFFFF50];
	[tilespmem:s8+$0xFFFFFF80] =	vst v11;
	v11 =	vsub.f32 $0.0e+00, v17;
	v17 =	vmul.f32 v13, v9  }
0x335: {  	[tilespmem:s8+$0xFFFFFFC0] =	vst v14;
	v14 =	vpop (erf);
	v15 =	vld [tilespmem:s30+$0xFFFFFF10];
	(erf) = vpow2.f32 v12  }
0x336: {  	v4 =	vld [tilespmem:s3+$0xFFFFFFA0];
	v14 =	vadd.f32 $1.000000000e+00, v14;
	v18 =	vsub.f32 $0.0e+00, v18  }
0x337: {  	[tilespmem:s8+$0x40] =	vst v13;
	v9 =	vld [tilespmem:s9+$0xFFFFFFD0];
	v12 =	vpop (erf);
	v13 =	vmul.f32 $1.442695020e+00, v11  }
0x338: {  	[tilespmem:s8+$0x0] =	vst v17;
	v11 =	vld [tilespmem:s30+$0xFFFFFF90];
	(erf) = vrcp.f32 v14;
	v17 =	vpop (erf);
	v19 =	vadd.f32 v19, v62  }
0x339: {  	[tilespmem:s0+$0x20] =	vst v10;
	v14 =	vadd.f32 $1.000000000e+00, v12;
	v10 =	vld [tilespmem:s9+$0x50];
	(erf) = vpow2.f32 v13;
	v13 =	vadd.f32 $1.000000000e+00, v17  }
0x33a: {  	s14 =	simm.s32 $0xC;
	s15 =	simm.s32 $0x1E00;
	s16 =	smov.u32 s30;
	[tilespmem:s0+$0x60] =	vst v16;
	v12 =	vld [tilespmem:s30+$0x10];
	v16 =	vadd.f32 v15, v63;
	v17 =	vmul.f32 $1.442695020e+00, v18;
	v18 =	vpop (erf);
	v15 =	vsub.f32 $0.0e+00, v19  }
.LBB2_7:
0x33b: {  	v19 =	vld [tilespmem:s15+$0xC0];
	s30 =	sadd.s32 $0x200, s30;
	v18 =	vadd.f32 $1.000000000e+00, v18;
	(erf) = vrcp.f32 v14;
	v14 =	vpop (erf)  }
0x33c: {  	v20 =	vld [tilespmem:s30+$0x80];
	v16 =	vsub.f32 $0.0e+00, v16;
	(erf) = vpow2.f32 v17;
	v8 =	vmul.f32 v14, v8;
	[tilespmem:s0+$0xF0] =	vst v14  }
0x33d: {  	v14 =	vld [tilespmem:s15+$0xFFFFFF40];
	v9 =	vadd.f32 v11, v9;
	v11 =	vmul.f32 $1.442695020e+00, v15;
	(erf) = vrcp.f32 v18  }
0x33e: {  	v15 =	vld [tilespmem:s30+$0xFFFFFF00];
	v16 =	vmul.f32 $1.442695020e+00, v16;
	v17 =	vpop (erf);
	[tilespmem:s0+$0xB0] =	vst v8;
	(erf) = vrcp.f32 v13  }
0x33f: {  	s14 =	sadd.s32 $0x4, s14;
	v8 =	vld [tilespmem:s15+$0xFFFFFFC0];
	v9 =	vsub.f32 $0.0e+00, v9;
	v18 =	vadd.f32 v12, v10;
	(erf) = vpow2.f32 v11  }
0x340: {  	p1 =	slt.u32 s14, $0x1C;
	v21 =	vadd.f32 $1.000000000e+00, v17;
	v11 =	vld [tilespmem:s30+$0xFFFFFF80];
	(erf) = vpow2.f32 v16  }
0x341: {  	v13 =	vld [tilespmem:s15+$0x40];
	v16 =	vadd.f32 v20, v19;
	v19 =	vmul.f32 $1.442695020e+00, v9;
	v9 =	vsub.f32 $0.0e+00, v18;
	v10 =	vpop (erf)  }
0x342: {  	v18 =	vld [tilespmem:s3+$0xA0];
	(erf) = vrcp.f32 v21;
	v12 =	vpop (erf);
	v5 =	vmul.f32 v10, v5;
	[tilespmem:s18+$0xFFFFFFF0] =	vst v10  }
0x343: {  	v10 =	vadd.f32 v15, v14;
	v14 =	vld [tilespmem:s30+$0x0];
	v15 =	vsub.f32 $0.0e+00, v16;
	v20 =	vmul.f32 $1.442695020e+00, v9  }
0x344: {  	v12 =	vadd.f32 $1.000000000e+00, v12;
	v9 =	vld [tilespmem:s15+$0xFFFFFF80];
	(erf) = vpow2.f32 v19;
	v17 =	vpop (erf);
	[tilespmem:s18+$0xFFFFFFB0] =	vst v5  }
0x345: {  	v5 =	vsub.f32 $0.0e+00, v10;
	v11 =	vadd.f32 v11, v8;
	v8 =	vld [tilespmem:s15+$0x0];
	v15 =	vmul.f32 $1.442695020e+00, v15;
	v19 =	vpop (erf);
	[tilespmem:s0+$0xFFFFFF70] =	vst v17  }
0x346: {  	v2 =	vmul.f32 v17, v2;
	v10 =	vld [tilespmem:s15+$0xFFFFFF00];
	v19 =	vadd.f32 $1.000000000e+00, v19;
	(erf) = vpow2.f32 v20;
	v16 =	vpop (erf)  }
0x347: {  	v11 =	vsub.f32 $0.0e+00, v11;
	(erf) = vpow2.f32 v15;
	v15 =	vld [tilespmem:s9+$0xFFFFFF10];
	v17 =	vmul.f32 v16, v18;
	v18 =	vpop (erf)  }
0x348: {  	v5 =	vmul.f32 $1.442695020e+00, v5;
	v13 =	vadd.f32 v14, v13;
	v14 =	vld [tilespmem:s9+$0xFFFFFF90];
	(erf) = vrcp.f32 v19;
	[tilespmem:s29+$0xE0] =	vst v16;
	v16 =	vpop (erf)  }
0x349: {  	v21 =	vmul.f32 $1.442695020e+00, v11;
	v19 =	vld [tilespmem:s9+$0x10];
	v20 =	vpop (erf);
	v16 =	vadd.f32 $1.000000000e+00, v16;
	[tilespmem:s29+$0xA0] =	vst v17;
	(erf) = vrcp.f32 v12  }
0x34a: {  	v12 =	vsub.f32 $0.0e+00, v13;
	(erf) = vpow2.f32 v5;
	v5 =	vadd.f32 $1.000000000e+00, v20;
	v13 =	vld [tilespmem:s3+$0xF0];
	[tilespmem:s0+$0xFFFFFF30] =	vst v2  }
0x34b: {  	v3 =	vmul.f32 v18, v3;
	(erf) = vpow2.f32 v21;
	v2 =	vld [tilespmem:s13+$0xB0];
	v11 =	vpop (erf);
	[tilespmem:s18+$0x70] =	vst v18  }
0x34c: {  	v20 =	vmul.f32 $1.442695020e+00, v12;
	(erf) = vrcp.f32 v5;
	[tilespmem:s29+$0xFFFFFF60] =	vst v11;
	v17 =	vld [tilespmem:s3+$0x20]  }
0x34d: {  	v7 =	vmul.f32 v11, v7;
	v5 =	vld [tilespmem:s9+$0x90];
	v18 =	vpop (erf);
	(erf) = vrcp.f32 v16;
	[tilespmem:s18+$0x30] =	vst v3;
	s18 =	smov.u32 s0;
	s0 =	smov.u32 s29;
	s29 =	smov.u32 s8  }
0x34e: {  	(erf) = vpow2.f32 v20;
	v3 =	vadd.f32 $1.000000000e+00, v18;
	v11 =	vld [tilespmem:s12+$0xFFFFFFB0]  }
0x34f: {  	v12 =	vpop (erf);
	[tilespmem:s0+$0xFFFFFF20] =	vst v7;
	v7 =	vld [tilespmem:s19+$0x70]  }
0x350: {  	v16 =	vpop (erf);
	v12 =	vadd.f32 $1.000000000e+00, v12;
	(erf) = vrcp.f32 v3;
	v3 =	vld [tilespmem:s3+$0xFFFFFF70];
	v2 =	vadd.f32 v2, v13  }
0x351: {  	v23 =	vadd.f32 $1.000000000e+00, v16;
	v16 =	vpop (erf);
	v18 =	vld [tilespmem:s13+$0xFFFFFF30]  }
0x352: {  	v5 =	vmul.f32 v16, v5;
	(erf) = vrcp.f32 v12;
	v12 =	vsub.f32 $0.0e+00, v2;
	v20 =	vpop (erf);
	v21 =	vld [tilespmem:s12+$0x30];
	s12 =	smov.u32 s13;
	s13 =	smov.u32 s16;
	s16 =	smov.u32 s30  }
0x353: {  	v22 =	vpop (erf);
	(erf) = vrcp.f32 v23;
	[tilespmem:s8+$0xD0] =	vst v16;
	v2 =	vld [tilespmem:s3+$0xFFFFFF30];
	v4 =	vmul.f32 v20, v4;
	v6 =	vadd.f32 v11, v6  }
0x354: {  	v23 =	vadd.f32 $1.000000000e+00, v22;
	v13 =	vpop (erf);
	[tilespmem:s8+$0x90] =	vst v5;
	v12 =	vmul.f32 $1.442695020e+00, v12;
	v5 =	vld [tilespmem:s19+$0xFFFFFFB0]  }
0x355: {  	v13 =	vadd.f32 $1.000000000e+00, v13;
	v16 =	vld [tilespmem:s9+$0xE0];
	v22 =	vpop (erf);
	[tilespmem:s0+$0xFFFFFFA0] =	vst v4;
	v4 =	vsub.f32 $0.0e+00, v6  }
0x356: {  	v6 =	vmul.f32 v22, v15;
	[tilespmem:s8+$0xFFFFFF50] =	vst v22;
	v15 =	vld [tilespmem:s13+$0xA0];
	v24 =	vadd.f32 v18, v3;
	v22 =	vpop (erf);
	(erf) = vpow2.f32 v12  }
0x357: {  	(erf) = vrcp.f32 v23;
	v11 =	vpop (erf);
	[tilespmem:s0+$0xFFFFFFE0] =	vst v20;
	v12 =	vmul.f32 v22, v17;
	v3 =	vld [tilespmem:s19+$0x30];
	v7 =	vadd.f32 v21, v7;
	s19 =	smov.u32 s3;
	s3 =	smov.u32 s9;
	s9 =	smov.u32 s15  }
0x358: {  	v11 =	vadd.f32 $1.000000000e+00, v11;
	v17 =	vld [tilespmem:s15+$0x80];
	(erf) = vrcp.f32 v13;
	[tilespmem:s8+$0xFFFFFF10] =	vst v6;
	v6 =	vsub.f32 $0.0e+00, v24  }
0x359: {  	v4 =	vmul.f32 $1.442695020e+00, v4;
	v13 =	vld [tilespmem:s3+$0xFFFFFF60];
	v18 =	vpop (erf);
	[tilespmem:s0+$0x20] =	vst v12;
	v12 =	vsub.f32 $0.0e+00, v7  }
0x35a: {  	(erf) = vrcp.f32 v11;
	v11 =	vld [tilespmem:s13+$0xFFFFFF20];
	v14 =	vmul.f32 v18, v14;
	[tilespmem:s8+$0xFFFFFFD0] =	vst v18  }
0x35b: {  	v18 =	vmul.f32 $1.442695020e+00, v6;
	v7 =	vld [tilespmem:s3+$0xFFFFFF20];
	v15 =	vadd.f32 v15, v16;
	v16 =	vpop (erf);
	[tilespmem:s0+$0x60] =	vst v22;
	v12 =	vmul.f32 $1.442695020e+00, v12  }
0x35c: {  	v20 =	vpop (erf);
	[tilespmem:s8+$0xFFFFFF90] =	vst v14;
	v14 =	vmul.f32 v16, v19;
	v6 =	vld [tilespmem:s19+$0xFFFFFFF0];
	(erf) = vpow2.f32 v4  }
0x35d: {  	s8 =	sadd.s32 $0x200, s8;
	v4 =	vmul.f32 v20, v17;
	v17 =	vld [tilespmem:s3+$0xFFFFFFE0];
	[tilespmem:s29+$0x50] =	vst v16;
	v15 =	vsub.f32 $0.0e+00, v15;
	(erf) = vpow2.f32 v18  }
0x35e: {  	[tilespmem:s8+$0xC0] =	vst v20;
	v16 =	vld [tilespmem:s13+$0xFFFFFFA0];
	(erf) = vpow2.f32 v12  }
0x35f: {  	[tilespmem:s8+$0x80] =	vst v4;
	v11 =	vadd.f32 v11, v13;
	v4 =	vld [tilespmem:s3+$0xFFFFFFA0];
	v12 =	vmul.f32 $1.442695020e+00, v15;
	v13 =	vpop (erf)  }
0x360: {  	v15 =	vld [tilespmem:s15+$0xD0];
	v18 =	vpop (erf);
	[tilespmem:s29+$0x10] =	vst v14;
	v13 =	vadd.f32 $1.000000000e+00, v13  }
0x361: {  	v19 =	vmul.f32 v18, v10;
	[tilespmem:s8+$0xFFFFFF40] =	vst v18;
	v14 =	vld [tilespmem:s30+$0x90];
	v18 =	vpop (erf);
	v11 =	vsub.f32 $0.0e+00, v11;
	(erf) = vpow2.f32 v12  }
0x362: {  	v9 =	vmul.f32 v18, v9;
	[tilespmem:s8+$0xFFFFFFC0] =	vst v18;
	v12 =	vld [tilespmem:s3+$0x60];
	(erf) = vrcp.f32 v13  }
0x363: {  	[tilespmem:s8+$0xFFFFFF00] =	vst v19;
	v10 =	vpop (erf);
	v19 =	vmul.f32 $1.442695020e+00, v11;
	v13 =	vadd.f32 v16, v17;
	v16 =	vld [tilespmem:s13+$0x20]  }
0x364: {  	v17 =	vld [tilespmem:s15+$0xFFFFFF50];
	[tilespmem:s8+$0xFFFFFF80] =	vst v9;
	v21 =	vmul.f32 v10, v8  }
0x365: {  	v18 =	vld [tilespmem:s30+$0xFFFFFF10];
	[tilespmem:s8+$0x40] =	vst v10;
	v10 =	vsub.f32 $0.0e+00, v13;
	(erf) = vpow2.f32 v19;
	v11 =	vpop (erf)  }
.Ltmp2:
0x366: {  	v9 =	vld [tilespmem:s15+$0xFFFFFFD0];
	[tilespmem:s8+$0x0] =	vst v21;
	v13 =	vadd.f32 v14, v15;
	v8 =	vpop (erf);
	v15 =	vadd.f32 $1.000000000e+00, v11;
	(pc) =	sbr.rel @p1 .LBB2_7-.Ltmp2, $4  }
0x367: {  	v19 =	vmul.f32 $1.442695020e+00, v10;
	v14 =	vadd.f32 $1.000000000e+00, v8;
	v8 =	vld [tilespmem:s19+$0xB0];
	v20 =	vpop (erf)  }
0x368: {  	v11 =	vld [tilespmem:s30+$0xFFFFFF90];
	v21 =	vsub.f32 $0.0e+00, v13;
	v22 =	vadd.f32 v16, v12;
	(erf) = vrcp.f32 v15  }
0x369: {  	v13 =	vadd.f32 $1.000000000e+00, v20;
	v10 =	vld [tilespmem:s15+$0x50];
	(erf) = vpow2.f32 v19  }
0x36a: {  	s15 =	sadd.s32 $0x200, s15;
	v16 =	vadd.f32 v18, v17;
	v12 =	vld [tilespmem:s30+$0x10];
	v17 =	vmul.f32 $1.442695020e+00, v21;
	v15 =	vsub.f32 $0.0e+00, v22;
	v18 =	vpop (erf)  }
0x36b: {  	(erf) = vrcp.f32 v14  }
0x36c: {  	v18 =	vadd.f32 $1.000000000e+00, v18;
	(erf) = vpow2.f32 v17;
	_ =	sdelay $0x1  }
0x36d: {  	v14 =	vsub.f32 $0.0e+00, v16;
	(erf) = vrcp.f32 v18  }
0x36e: {  	v15 =	vmul.f32 $1.442695020e+00, v15;
	(erf) = vrcp.f32 v13;
	v13 =	vpop (erf)  }
0x36f: {  	v9 =	vadd.f32 v11, v9;
	v14 =	vmul.f32 $1.442695020e+00, v14;
	v11 =	vpop (erf)  }
0x370: {  	(erf) = vpow2.f32 v15;
	v11 =	vadd.f32 $1.000000000e+00, v11  }
0x371: {  	v10 =	vadd.f32 v12, v10;
	v9 =	vsub.f32 $0.0e+00, v9;
	(erf) = vpow2.f32 v14;
	v12 =	vpop (erf)  }
0x372: {  	v15 =	vpop (erf)  }
0x373: {  	v14 =	vld [tilespmem:s3+$0xA0];
	v9 =	vmul.f32 $1.442695020e+00, v9;
	v16 =	vpop (erf)  }
0x374: {  	v10 =	vsub.f32 $0.0e+00, v10;
	(erf) = vrcp.f32 v11;
	v11 =	vpop (erf)  }
0x375: {  	(erf) = vpow2.f32 v9;
	v9 =	vadd.f32 $1.000000000e+00, v11  }
0x376: {  	v10 =	vmul.f32 $1.442695020e+00, v10  }
0x377: {  	v11 =	vpop (erf)  }
0x378: {  	(erf) = vpow2.f32 v10;
	v10 =	vmul.f32 v11, v14;
	v14 =	vpop (erf)  }
0x379: {  	(erf) = vrcp.f32 v9;
	v9 =	vpop (erf)  }
0x37a: {  	[tilespmem:s29+$0xE0] =	vst v11;
	v11 =	vadd.f32 $1.000000000e+00, v15;
	v15 =	vpop (erf)  }
0x37b: {  	[tilespmem:s29+$0xA0] =	vst v10;
	v10 =	vadd.f32 $1.000000000e+00, v15  }
0x37c: {  	(erf) = vrcp.f32 v11;
	v11 =	vld [tilespmem:s13+$0xB0]  }
0x37d: {  	v15 =	vld [tilespmem:s3+$0xF0];
	(erf) = vrcp.f32 v10  }
0x37e: {  	v9 =	vadd.f32 $1.000000000e+00, v9;
	v17 =	vpop (erf);
	v10 =	vld [tilespmem:s9+$0x90]  }
0x37f: {  	v19 =	vpop (erf)  }
0x380: {  	v21 =	vld [tilespmem:s12+$0x30];
	v7 =	vmul.f32 v17, v7;
	[tilespmem:s29+$0xFFFFFF60] =	vst v17;
	v17 =	vadd.f32 $1.000000000e+00, v19  }
0x381: {  	v18 =	vld [tilespmem:s9+$0xFFFFFF10];
	v20 =	vpop (erf);
	(erf) = vrcp.f32 v9  }
0x382: {  	v19 =	vld [tilespmem:s12+$0xFFFFFFB0];
	v11 =	vadd.f32 v11, v15;
	v9 =	vpop (erf);
	(erf) = vrcp.f32 v17;
	v17 =	vadd.f32 $1.000000000e+00, v20  }
0x383: {  	[tilespmem:s29+$0xFFFFFF20] =	vst v7;
	v7 =	vld [tilespmem:s19+$0x70];
	v10 =	vmul.f32 v9, v10  }
0x384: {  	v15 =	vld [tilespmem:s3+$0xFFFFFF70];
	[tilespmem:s8+$0xD0] =	vst v9;
	v11 =	vsub.f32 $0.0e+00, v11  }
0x385: {  	v20 =	vld [tilespmem:s13+$0xFFFFFF30];
	v9 =	vpop (erf);
	[tilespmem:s8+$0x90] =	vst v10  }
0x386: {  	(erf) = vrcp.f32 v17;
	v10 =	vmul.f32 $1.442695020e+00, v11;
	v11 =	vld [tilespmem:s9+$0xE0];
	v17 =	vpop (erf)  }
0x387: {  	v22 =	vld [tilespmem:s16+$0xA0];
	v18 =	vmul.f32 v17, v18  }
0x388: {  	(erf) = vpow2.f32 v10;
	v10 =	vld [tilespmem:s9+$0xFFFFFF90]  }
0x389: {  	[tilespmem:s8+$0xFFFFFF50] =	vst v17  }
0x38a: {  	v6 =	vadd.f32 v19, v6;
	[tilespmem:s8+$0xFFFFFF10] =	vst v18  }
0x38b: {  	v15 =	vadd.f32 v20, v15;
	v17 =	vld [tilespmem:s9+$0xFFFFFF60];
	v18 =	vpop (erf)  }
0x38c: {  	v8 =	vmul.f32 v13, v8;
	v7 =	vadd.f32 v21, v7;
	v6 =	vsub.f32 $0.0e+00, v6;
	v19 =	vld [tilespmem:s16+$0xFFFFFF20];
	v20 =	vpop (erf)  }
0x38d: {  	[tilespmem:s0+$0xF0] =	vst v13;
	v13 =	vld [tilespmem:s9+$0x10];
	v15 =	vsub.f32 $0.0e+00, v15;
	v11 =	vadd.f32 v22, v11;
	v10 =	vmul.f32 v20, v10  }
0x38e: {  	v6 =	vmul.f32 $1.442695020e+00, v6;
	[tilespmem:s8+$0xFFFFFFD0] =	vst v20  }
0x38f: {  	v7 =	vsub.f32 $0.0e+00, v7;
	v15 =	vmul.f32 $1.442695020e+00, v15;
	v11 =	vsub.f32 $0.0e+00, v11;
	[tilespmem:s8+$0xFFFFFF90] =	vst v10  }
0x390: {  	[tilespmem:s0+$0xB0] =	vst v8;
	v5 =	vmul.f32 v12, v5;
	(erf) = vpow2.f32 v6;
	v6 =	vld [tilespmem:s9+$0xFFFFFFE0]  }
0x391: {  	[tilespmem:s18+$0xFFFFFFF0] =	vst v12;
	v7 =	vmul.f32 $1.442695020e+00, v7;
	(erf) = vpow2.f32 v15;
	v20 =	vpop (erf);
	v8 =	vadd.f32 v19, v17;
	v12 =	vld [tilespmem:s16+$0xFFFFFFA0]  }
0x392: {  	[tilespmem:s18+$0xFFFFFFB0] =	vst v5;
	v5 =	vmul.f32 v20, v13;
	v10 =	vmul.f32 $1.442695020e+00, v11  }
0x393: {  	(erf) = vpow2.f32 v7;
	[tilespmem:s8+$0x50] =	vst v20;
	v11 =	vpop (erf);
	v8 =	vsub.f32 $0.0e+00, v8  }
0x394: {  	v2 =	vmul.f32 v16, v2;
	[tilespmem:s8+$0x10] =	vst v5;
	v7 =	vadd.f32 $1.000000000e+00, v11;
	(erf) = vpow2.f32 v10  }
0x395: {  	v5 =	vmul.f32 $1.442695020e+00, v8;
	v8 =	vld [tilespmem:s9+$0x60]  }
0x396: {  	[tilespmem:s0+$0xFFFFFF30] =	vst v2;
	v2 =	vmul.f32 v14, v3;
	(erf) = vrcp.f32 v7;
	v3 =	vadd.f32 v12, v6;
	v6 =	vld [tilespmem:s16+$0x20];
	_ =	sdelay $0x1  }
0x397: {  	v7 =	vld [tilespmem:s3+$0x20];
	(erf) = vpow2.f32 v5  }
0x398: {  	[tilespmem:s0+$0xFFFFFF70] =	vst v16  }
0x399: {  	[tilespmem:s18+$0x70] =	vst v14;
	v10 =	vpop (erf);
	v3 =	vsub.f32 $0.0e+00, v3  }
0x39a: {  	[tilespmem:s18+$0x30] =	vst v2;
	v2 =	vld [tilespmem:s19+$0xFFFFFFB0];
	v4 =	vmul.f32 v9, v4;
	v11 =	vpop (erf);
	v10 =	vadd.f32 $1.000000000e+00, v10;
	v6 =	vadd.f32 v6, v8  }
0x39b: {  	[tilespmem:s29+$0xFFFFFFE0] =	vst v9;
	v9 =	vld [tilespmem:s9+$0xFFFFFF20];
	v12 =	vpop (erf);
	v11 =	vadd.f32 $1.000000000e+00, v11;
	v3 =	vmul.f32 $1.442695020e+00, v3  }
0x39c: {  	[tilespmem:s29+$0xFFFFFFA0] =	vst v4;
	v13 =	vld [tilespmem:s9+$0xFFFFFFA0];
	(erf) = vrcp.f32 v10;
	v4 =	vmul.f32 v18, v7;
	v8 =	vpop (erf);
	v6 =	vsub.f32 $0.0e+00, v6  }
0x39d: {  	[tilespmem:s29+$0x60] =	vst v18;
	v5 =	vld [tilespmem:s3+$0xFFFFFF30];
	(erf) = vpow2.f32 v3;
	v3 =	vadd.f32 $1.000000000e+00, v8  }
0x39e: {  	v10 =	vld [tilespmem:s3+$0xB0];
	[tilespmem:s29+$0x20] =	vst v4;
	v8 =	vpop (erf);
	(erf) = vrcp.f32 v11  }
0x39f: {  	v7 =	vld [tilespmem:s19+$0x30];
	[tilespmem:s29+$0xF0] =	vst v8;
	(erf) = vrcp.f32 v3  }
0x3a0: {  	v4 =	vld [tilespmem:s3+$0xFFFFFFF0];
	v11 =	vadd.f32 $1.000000000e+00, v12;
	v3 =	vmul.f32 $1.442695020e+00, v6;
	v6 =	vpop (erf)  }
0x3a1: {  	v6 =	vadd.f32 $1.000000000e+00, v6  }
0x3a2: {  	(erf) = vrcp.f32 v11  }
0x3a3: {  	(erf) = vpow2.f32 v3  }
0x3a4: {  	v3 =	vld [tilespmem:s9+$0xA0];
	(erf) = vrcp.f32 v6  }
0x3a5: {  	v6 =	vpop (erf)  }
0x3a6: {  	v11 =	vpop (erf)  }
0x3a7: {  	v12 =	vpop (erf)  }
0x3a8: {  	v14 =	vpop (erf)  }
0x3a9: {  	v3 =	vmul.f32 v14, v3;
	_ =	sdelay $0x1  }
0x3aa: {  	[tilespmem:s8+$0xE0] =	vst v14;
	v15 =	vpop (erf)  }
0x3ab: {  	v14 =	vpop (erf);
	[tilespmem:s8+$0xA0] =	vst v3  }
0x3ac: {  	v16 =	vld [tilespmem:s9+$0xF0];
	v3 =	vpop (erf)  }
0x3ad: {  	v17 =	vld [tilespmem:s16+$0xB0];
	v9 =	vmul.f32 v3, v9  }
0x3ae: {  	[tilespmem:s8+$0xFFFFFF60] =	vst v3;
	v3 =	vadd.f32 $1.000000000e+00, v11;
	v11 =	vld [tilespmem:s13+$0xFFFFFFB0]  }
0x3af: {  	v18 =	vld [tilespmem:s3+$0x70];
	[tilespmem:s8+$0xFFFFFF20] =	vst v9  }
0x3b0: {  	v14 =	vadd.f32 $1.000000000e+00, v14;
	(erf) = vrcp.f32 v3;
	v9 =	vld [tilespmem:s9+$0xFFFFFF70]  }
0x3b1: {  	v3 =	vld [tilespmem:s16+$0xFFFFFF30]  }
0x3b2: {  	(erf) = vrcp.f32 v14;
	v14 =	vld [tilespmem:s13+$0x30];
	v16 =	vadd.f32 v17, v16  }
0x3b3: {  	v4 =	vadd.f32 v11, v4  }
0x3b4: {  	v11 =	vsub.f32 $0.0e+00, v16  }
0x3b5: {  	v4 =	vsub.f32 $0.0e+00, v4  }
0x3b6: {  	v11 =	vmul.f32 $1.442695020e+00, v11;
	v3 =	vadd.f32 v3, v9  }
0x3b7: {  	v9 =	vld [tilespmem:s9+$0x20];
	v14 =	vadd.f32 v14, v18;
	v4 =	vmul.f32 $1.442695020e+00, v4  }
0x3b8: {  	(erf) = vpow2.f32 v11;
	v3 =	vsub.f32 $0.0e+00, v3  }
0x3b9: {  	v11 =	vsub.f32 $0.0e+00, v14;
	v16 =	vpop (erf)  }
0x3ba: {  	v3 =	vmul.f32 $1.442695020e+00, v3;
	v13 =	vmul.f32 v16, v13  }
0x3bb: {  	(erf) = vpow2.f32 v4;
	v11 =	vmul.f32 $1.442695020e+00, v11;
	[tilespmem:s8+$0xFFFFFFE0] =	vst v16;
	v4 =	vpop (erf)  }
0x3bc: {  	(erf) = vpow2.f32 v3;
	[tilespmem:s8+$0xFFFFFFA0] =	vst v13;
	v3 =	vmul.f32 v4, v9  }
0x3bd: {  	[tilespmem:s8+$0x60] =	vst v4;
	(erf) = vpow2.f32 v11;
	v4 =	vld [tilespmem:s16+$0xFFFFFFB0]  }
0x3be: {  	[tilespmem:s8+$0x20] =	vst v3;
	v3 =	vld [tilespmem:s9+$0xFFFFFFF0]  }
0x3bf: {  	v9 =	vld [tilespmem:s9+$0x70]  }
0x3c0: {  	v11 =	vld [tilespmem:s16+$0x30]  }
0x3c1: {  	v13 =	vpop (erf)  }
0x3c2: {  	v13 =	vadd.f32 $1.000000000e+00, v13;
	_ =	sdelay $0x1  }
0x3c3: {  	v14 =	vpop (erf);
	v3 =	vadd.f32 v4, v3  }
0x3c4: {  	v4 =	vadd.f32 $1.000000000e+00, v14;
	v9 =	vadd.f32 v11, v9;
	v16 =	vpop (erf)  }
0x3c5: {  	(erf) = vrcp.f32 v13;
	v3 =	vsub.f32 $0.0e+00, v3;
	v14 =	vadd.f32 $1.000000000e+00, v16;
	v13 =	vpop (erf)  }
0x3c6: {  	(erf) = vrcp.f32 v4;
	v4 =	vadd.f32 $1.000000000e+00, v13  }
0x3c7: {  	v9 =	vsub.f32 $0.0e+00, v9;
	v3 =	vmul.f32 $1.442695020e+00, v3;
	(erf) = vrcp.f32 v14  }
0x3c8: {  	(erf) = vrcp.f32 v4  }
0x3c9: {  	v4 =	vmul.f32 $1.442695020e+00, v9;
	(erf) = vpow2.f32 v3;
	_ =	sdelay $0x1  }
0x3ca: {  	(erf) = vpow2.f32 v4;
	_ =	sdelay $0x1  }
0x3cb: {  	v4 =	vmul.f32 v8, v10  }
0x3cc: {  	v3 =	vpop (erf)  }
0x3cd: {  	v8 =	vpop (erf)  }
0x3ce: {  	v9 =	vpop (erf)  }
0x3cf: {  	v2 =	vmul.f32 v6, v2;
	[tilespmem:s29+$0xB0] =	vst v4;
	v4 =	vpop (erf)  }
0x3d0: {  	[tilespmem:s0+$0xFFFFFFF0] =	vst v6;
	v6 =	vld [tilespmem:s9+$0xB0];
	v10 =	vpop (erf)  }
0x3d1: {  	[tilespmem:s0+$0xFFFFFFB0] =	vst v2;
	v2 =	vmul.f32 v12, v5;
	v5 =	vadd.f32 $1.000000000e+00, v10  }
0x3d2: {  	[tilespmem:s29+$0xFFFFFF70] =	vst v12;
	v10 =	vld [tilespmem:s3+$0xFFFFFFB0];
	v11 =	vpop (erf)  }
0x3d3: {  	[tilespmem:s29+$0xFFFFFF30] =	vst v2;
	v2 =	vmul.f32 v15, v7;
	(erf) = vrcp.f32 v5;
	v5 =	vadd.f32 $1.000000000e+00, v11  }
0x3d4: {  	[tilespmem:s0+$0x70] =	vst v15;
	v7 =	vld [tilespmem:s9+$0xFFFFFF30]  }
0x3d5: {  	[tilespmem:s0+$0x30] =	vst v2;
	v2 =	vmul.f32 v3, v6;
	(erf) = vrcp.f32 v5  }
0x3d6: {  	[tilespmem:s8+$0xF0] =	vst v3;
	v5 =	vld [tilespmem:s3+$0x30]  }
0x3d7: {  	[tilespmem:s8+$0xB0] =	vst v2;
	v2 =	vmul.f32 v8, v10  }
0x3d8: {  	v3 =	vld [tilespmem:s9+$0xFFFFFFB0];
	[tilespmem:s8+$0xFFFFFF70] =	vst v9  }
0x3d9: {  	[tilespmem:s29+$0xFFFFFFB0] =	vst v2;
	v2 =	vmul.f32 v9, v7  }
0x3da: {  	v6 =	vld [tilespmem:s9+$0x30];
	[tilespmem:s29+$0xFFFFFFF0] =	vst v8  }
0x3db: {  	[tilespmem:s8+$0xFFFFFF30] =	vst v2;
	v2 =	vmul.f32 v4, v5  }
0x3dc: {  	[tilespmem:s29+$0x70] =	vst v4;
	v4 =	vpop (erf)  }
0x3dd: {  	[tilespmem:s29+$0x30] =	vst v2;
	v2 =	vmul.f32 v4, v3  }
0x3de: {  	[tilespmem:s8+$0xFFFFFFF0] =	vst v4;
	v3 =	vpop (erf)  }
0x3df: {  	[tilespmem:s8+$0xFFFFFFB0] =	vst v2;
	v2 =	vmul.f32 v3, v6  }
0x3e0: {  	[tilespmem:s8+$0x70] =	vst v3  }
0x3e1: {  	[tilespmem:s8+$0x30] =	vst v2  }
0x3e2: {  	v2 =	vld [tilespmem:$0x280]  }
0x3e3: {  	v3 =	vld [tilespmem:$0x290];
	_ =	sdelay $0x3  }
0x3e4: {  	[tilespmem:$0x480] =	vst v2  }
0x3e5: {  	s14 =	simm.s32 $0x480;
	s15 =	simm.s32 $0x9500;
	s0 =	simm.s32 @p0 $0x7;
	[tilespmem:$0x490] =	vst v3  }
0x3e6: {  	[spmem:s2] =	stream.indirect.scatter.add.f32 [tilespmem:s15], [sflag:$0xE], $0x80, s14, s11, $0xb8;
	[tilespmem:$0x1E500] =	vst v63  }
0x3e7: {  	_ =	swait.ge @p0 [sflag:s0], $0x1000  }
0x3e8: {  	[sflag:s0] =	ssyncset.done @p0 $0x0  }
0x3e9: {  	[sflag:s0] =	ssyncadd.s32 @p0 $0xFFFFF000;
	s0 =	simm.s32 @p0 $0xB  }
0x3ea: {  	_ =	swait.ge @p0 [sflag:s0], $0x1000  }
0x3eb: {  	s3 =	rddreg [dreg:$0xf]  }
0x3ec: {  	[sflag:s0] =	ssyncset.done @p0 $0x0;
	s3 =	sadd.s32 @!p0 s17, s3  }
0x3ed: {  	[sflag:s0] =	ssyncadd.s32 @p0 $0xFFFFF000;
	s0 =	sshrl.u32 @!p0 s3, $0x3  }
0x3ee: {  	s9 =	simm.s32 @!p0 $0x80;
	s8 =	simm.s32 @!p0 $0x0;
	s3 =	sadd.s32 @!p0 s6, s0  }
0x3ef: {  	[tilespmem:s9], [sflag:$0x2] =	stream.linear.gather @!p0 [hbm4b:s3+s8], $0x20, $0x38;
	[tilespmem:$0x1E500] =	vst v63  }
0x3f0: {  	s0 =	sadd.s32 @!p0 s7, s0;
	s3 =	simm.s32 @!p0 $0x280  }
0x3f1: {  	[tilespmem:s3], [sflag:$0x2] =	stream.linear.gather @!p0 [hbm4b:s0+s8], $0x20, $0x38;
	[tilespmem:$0x1E500] =	vst v63  }
0x3f2: {  	s0 =	simm.s32 @!p0 $0x7  }
0x3f3: {  	_ =	swait.ge @!p0 [sflag:s0], $0x1000  }
0x3f4: {  	[sflag:s0] =	ssyncset.done @!p0 $0x0  }
0x3f5: {  	[sflag:s0] =	ssyncadd.s32 @!p0 $0xFFFFF000;
	s0 =	simm.s32 @!p0 $0xB  }
0x3f6: {  	_ =	swait.ge @!p0 [sflag:s0], $0x1000  }
0x3f7: {  	[sflag:s0] =	ssyncset.done @!p0 $0x0  }
0x3f8: {  	[sflag:s0] =	ssyncadd.s32 @!p0 $0xFFFFF000;
	s0 =	simm.s32 @!p0 $0x2  }
0x3f9: {  	_ =	swait.ge @!p0 [sflag:s0], $0x20  }
0x3fa: {  	[sflag:s0] =	ssyncset.done @!p0 $0x0  }
0x3fb: {  	[sflag:s0] =	ssyncadd.s32 @!p0 $0xFFFFFFE0  }
0x3fc: {  	_ =	swait.ge @!p0 [sflag:s0], $0x20  }
0x3fd: {  	[sflag:s0] =	ssyncset.done @!p0 $0x0  }
0x3fe: {  	[sflag:s0] =	ssyncadd.s32 @!p0 $0xFFFFFFE0  }
0x3ff: {  	v2 =	vld @!p0 [tilespmem:$0x80]  }
0x400: {  	v3 =	vld @!p0 [tilespmem:$0x90];
	_ =	sdelay $0x3  }
0x401: {  	v2 =	vadd.s32 @!p0 v0, v2  }
0x402: {  	[tilespmem:$0x80] =	vst @!p0 v2;
	v2 =	vadd.s32 @!p0 v0, v3  }
0x403: {  	s8 =	simm.s32 @!p0 $0x1500;
	s0 =	simm.s32 @!p0 $0x20;
	[tilespmem:$0x90] =	vst @!p0 v2  }
0x404: {  	[tilespmem:s8], [sflag:$0x6] =	stream.indirect.gather @!p0 [hbm4b:s5+s0], $0x80, s9, s0, $0xb8;
	[tilespmem:$0x1E500] =	vst v63  }
0x405: {  	s8 =	simm.s32 @!p0 $0x5500  }
0x406: {  	[tilespmem:s8], [sflag:$0xA] =	stream.indirect.gather @!p0 [hbm4b:s1+s0], $0x80, s3, s0, $0xb8;
	[tilespmem:$0x1E500] =	vst v63  }
0x407: {  	_ =	swait.ge [sflag:s10], $0x1000  }
0x408: {  	[sflag:s10] =	ssyncset.done $0x0  }
0x409: {  	s16 =	simm.s32 $0x2600;
	[sflag:s10] =	ssyncadd.s32 $0xFFFFF000  }
0x40a: {  	v2 =	vld [tilespmem:s16+$0xC0]  }
0x40b: {  	v3 =	vld [tilespmem:s25+$0x80];
	_ =	sdelay $0x1  }
0x40c: {  	v4 =	vld [tilespmem:s16+$0xFFFFFF40]  }
0x40d: {  	v5 =	vld [tilespmem:s25+$0xFFFFFF00]  }
0x40e: {  	v6 =	vld [tilespmem:s25+$0xFFFFFF80]  }
0x40f: {  	v7 =	vld [tilespmem:s16+$0x40];
	v2 =	vadd.f32 v3, v2  }
0x410: {  	v3 =	vld [tilespmem:s16+$0xFFFFFFC0]  }
0x411: {  	v8 =	vld [tilespmem:s25+$0x0];
	v2 =	vsub.f32 $0.0e+00, v2;
	_ =	sdelay $0x1  }
0x412: {  	v2 =	vmul.f32 $1.442695020e+00, v2  }
0x413: {  	v4 =	vadd.f32 v5, v4  }
0x414: {  	v3 =	vadd.f32 v6, v3;
	(erf) = vpow2.f32 v2  }
0x415: {  	v2 =	vsub.f32 $0.0e+00, v4;
	v4 =	vadd.f32 v8, v7  }
0x416: {  	v3 =	vsub.f32 $0.0e+00, v3  }
0x417: {  	v2 =	vmul.f32 $1.442695020e+00, v2;
	v4 =	vsub.f32 $0.0e+00, v4  }
0x418: {  	v3 =	vmul.f32 $1.442695020e+00, v3  }
0x419: {  	(erf) = vpow2.f32 v2;
	v2 =	vmul.f32 $1.442695020e+00, v4;
	_ =	sdelay $0x1  }
0x41a: {  	(erf) = vpow2.f32 v3;
	_ =	sdelay $0x1  }
0x41b: {  	(erf) = vpow2.f32 v2;
	v2 =	vpop (erf)  }
0x41c: {  	v2 =	vadd.f32 $1.000000000e+00, v2;
	_ =	sdelay $0x2  }
0x41d: {  	(erf) = vrcp.f32 v2  }
0x41e: {  	v2 =	vpop (erf)  }
0x41f: {  	v2 =	vadd.f32 $1.000000000e+00, v2  }
0x420: {  	v3 =	vpop (erf)  }
0x421: {  	v3 =	vadd.f32 $1.000000000e+00, v3;
	(erf) = vrcp.f32 v2  }
0x422: {  	v2 =	vld [tilespmem:s16+$0x80]  }
0x423: {  	v4 =	vpop (erf);
	(erf) = vrcp.f32 v3  }
0x424: {  	v4 =	vadd.f32 $1.000000000e+00, v4;
	_ =	sdelay $0x1  }
0x425: {  	(erf) = vrcp.f32 v4;
	v4 =	vld [tilespmem:s16+$0xFFFFFF00];
	v3 =	vpop (erf)  }
0x426: {  	s18 =	simm.s32 $0x8600;
	v2 =	vmul.f32 v3, v2  }
0x427: {  	v5 =	vld [tilespmem:s16+$0xFFFFFF80];
	[tilespmem:s18+$0xC0] =	vst v3  }
0x428: {  	v3 =	vld [tilespmem:s16+$0x0];
	[tilespmem:s18+$0x80] =	vst v2  }
0x429: {  	v2 =	vld [tilespmem:s16+$0xD0];
	v6 =	vpop (erf)  }
0x42a: {  	v7 =	vld [tilespmem:s25+$0x90];
	v4 =	vmul.f32 v6, v4  }
0x42b: {  	[tilespmem:s18+$0xFFFFFF40] =	vst v6;
	v6 =	vpop (erf)  }
0x42c: {  	v5 =	vmul.f32 v6, v5;
	[tilespmem:s18+$0xFFFFFF00] =	vst v4  }
0x42d: {  	[tilespmem:s18+$0xFFFFFFC0] =	vst v6;
	v6 =	vld [tilespmem:s16+$0xFFFFFF50]  }
0x42e: {  	s19 =	simm.s32 $0x2800;
	[tilespmem:s18+$0xFFFFFF80] =	vst v5;
	v5 =	vld [tilespmem:s25+$0xFFFFFF10];
	v4 =	vpop (erf)  }
0x42f: {  	v9 =	vld [tilespmem:s19+$0xC0];
	v2 =	vadd.f32 v7, v2;
	v3 =	vmul.f32 v4, v3  }
0x430: {  	[tilespmem:s18+$0x40] =	vst v4;
	v4 =	vld [tilespmem:s16+$0xFFFFFFD0]  }
0x431: {  	v2 =	vsub.f32 $0.0e+00, v2;
	[tilespmem:s18+$0x0] =	vst v3;
	v3 =	vld [tilespmem:s25+$0xFFFFFF90]  }
0x432: {  	v7 =	vld [tilespmem:s16+$0x50]  }
0x433: {  	s12 =	sadd.s32 $0x200, s25;
	v2 =	vmul.f32 $1.442695020e+00, v2;
	v8 =	vld [tilespmem:s25+$0x10];
	v5 =	vadd.f32 v5, v6  }
0x434: {  	v6 =	vld [tilespmem:s12+$0x80]  }
0x435: {  	(erf) = vpow2.f32 v2;
	v2 =	vsub.f32 $0.0e+00, v5  }
0x436: {  	v5 =	vld [tilespmem:s19+$0xFFFFFF40]  }
0x437: {  	v3 =	vadd.f32 v3, v4;
	v4 =	vld [tilespmem:s12+$0xFFFFFF00];
	v2 =	vmul.f32 $1.442695020e+00, v2;
	_ =	sdelay $0x1  }
0x438: {  	v7 =	vadd.f32 v8, v7;
	v8 =	vld [tilespmem:s19+$0xFFFFFFC0];
	v6 =	vadd.f32 v6, v9;
	(erf) = vpow2.f32 v2  }
0x439: {  	v9 =	vld [tilespmem:s12+$0xFFFFFF80];
	v3 =	vsub.f32 $0.0e+00, v3  }
0x43a: {  	v2 =	vsub.f32 $0.0e+00, v7;
	v6 =	vsub.f32 $0.0e+00, v6;
	v7 =	vld [tilespmem:s19+$0x40]  }
0x43b: {  	v3 =	vmul.f32 $1.442695020e+00, v3;
	v4 =	vadd.f32 v4, v5;
	v5 =	vld [tilespmem:s12+$0x0]  }
0x43c: {  	v2 =	vmul.f32 $1.442695020e+00, v2  }
0x43d: {  	(erf) = vpow2.f32 v3;
	v3 =	vmul.f32 $1.442695020e+00, v6  }
0x43e: {  	v6 =	vpop (erf);
	(erf) = vpow2.f32 v2;
	v2 =	vsub.f32 $0.0e+00, v4;
	v4 =	vadd.f32 v9, v8  }
0x43f: {  	v6 =	vadd.f32 $1.000000000e+00, v6;
	(erf) = vpow2.f32 v3  }
0x440: {  	v3 =	vsub.f32 $0.0e+00, v4;
	v2 =	vmul.f32 $1.442695020e+00, v2;
	v4 =	vadd.f32 v5, v7  }
0x441: {  	(erf) = vrcp.f32 v6;
	v5 =	vpop (erf)  }
0x442: {  	(erf) = vpow2.f32 v2;
	v2 =	vsub.f32 $0.0e+00, v4;
	v4 =	vadd.f32 $1.000000000e+00, v5  }
0x443: {  	v3 =	vmul.f32 $1.442695020e+00, v3;
	_ =	sdelay $0x1  }
0x444: {  	(erf) = vpow2.f32 v3  }
0x445: {  	v2 =	vmul.f32 $1.442695020e+00, v2;
	(erf) = vrcp.f32 v4;
	v4 =	vpop (erf)  }
0x446: {  	v3 =	vld [tilespmem:s16+$0x90];
	v4 =	vadd.f32 $1.000000000e+00, v4;
	_ =	sdelay $0x1  }
0x447: {  	(erf) = vpow2.f32 v2;
	v5 =	vpop (erf)  }
0x448: {  	v2 =	vpop (erf);
	v5 =	vadd.f32 $1.000000000e+00, v5  }
0x449: {  	(erf) = vrcp.f32 v4;
	v2 =	vadd.f32 $1.000000000e+00, v2;
	v4 =	vpop (erf)  }
0x44a: {  	(erf) = vrcp.f32 v5;
	v5 =	vld [tilespmem:s16+$0xFFFFFF10];
	v3 =	vmul.f32 v4, v3  }
0x44b: {  	(erf) = vrcp.f32 v2;
	[tilespmem:s18+$0xD0] =	vst v4;
	v4 =	vpop (erf)  }
0x44c: {  	v2 =	vld [tilespmem:s16+$0xFFFFFF90];
	[tilespmem:s18+$0x90] =	vst v3;
	v3 =	vadd.f32 $1.000000000e+00, v4  }
0x44d: {  	v6 =	vpop (erf);
	v4 =	vld [tilespmem:s16+$0xE0]  }
0x44e: {  	v9 =	vpop (erf);
	v7 =	vld [tilespmem:s25+$0xA0];
	(erf) = vrcp.f32 v3;
	v3 =	vadd.f32 $1.000000000e+00, v6  }
0x44f: {  	v10 =	vld [tilespmem:s19+$0xFFFFFF00];
	v5 =	vmul.f32 v9, v5  }
0x450: {  	[tilespmem:s18+$0xFFFFFF50] =	vst v9;
	v9 =	vpop (erf);
	v6 =	vld [tilespmem:s19+$0x80]  }
0x451: {  	v11 =	vld [tilespmem:s16+$0x10];
	v9 =	vadd.f32 $1.000000000e+00, v9;
	[tilespmem:s18+$0xFFFFFF10] =	vst v5;
	(erf) = vrcp.f32 v3  }
0x452: {  	v5 =	vld [tilespmem:s16+$0xFFFFFF60];
	v3 =	vpop (erf)  }
0x453: {  	(erf) = vrcp.f32 v9;
	v9 =	vld [tilespmem:s25+$0xFFFFFF20];
	v4 =	vadd.f32 v7, v4;
	v2 =	vmul.f32 v3, v2;
	v7 =	vpop (erf)  }
0x454: {  	v12 =	vld [tilespmem:s19+$0x0];
	[tilespmem:s18+$0xFFFFFFD0] =	vst v3;
	v3 =	vpop (erf)  }
0x455: {  	s0 =	simm.s32 $0x8800;
	v8 =	vld [tilespmem:s19+$0xFFFFFF80];
	[tilespmem:s18+$0xFFFFFF90] =	vst v2;
	v2 =	vmul.f32 v3, v6  }
0x456: {  	v4 =	vsub.f32 $0.0e+00, v4;
	[tilespmem:s0+$0xC0] =	vst v3;
	v6 =	vld [tilespmem:s16+$0xFFFFFFE0]  }
0x457: {  	v3 =	vmul.f32 v7, v11;
	v11 =	vld [tilespmem:s25+$0xFFFFFFA0];
	[tilespmem:s0+$0x80] =	vst v2  }
0x458: {  	[tilespmem:s18+$0x50] =	vst v7;
	v5 =	vadd.f32 v9, v5;
	v2 =	vmul.f32 $1.442695020e+00, v4;
	v7 =	vpop (erf);
	v4 =	vld [tilespmem:s19+$0xD0]  }
0x459: {  	[tilespmem:s18+$0x10] =	vst v3;
	v3 =	vmul.f32 v7, v10;
	v9 =	vld [tilespmem:s12+$0x90]  }
0x45a: {  	[tilespmem:s0+$0xFFFFFF40] =	vst v7;
	v5 =	vsub.f32 $0.0e+00, v5;
	(erf) = vpow2.f32 v2;
	v2 =	vld [tilespmem:s16+$0x60];
	v7 =	vpop (erf)  }
0x45b: {  	[tilespmem:s0+$0xFFFFFF00] =	vst v3;
	v3 =	vld [tilespmem:s25+$0x20];
	v8 =	vmul.f32 v7, v8  }
0x45c: {  	[tilespmem:s0+$0xFFFFFFC0] =	vst v7;
	v5 =	vmul.f32 $1.442695020e+00, v5;
	v10 =	vld [tilespmem:s19+$0xFFFFFF50]  }
0x45d: {  	v7 =	vpop (erf);
	v6 =	vadd.f32 v11, v6;
	v11 =	vld [tilespmem:s12+$0xFFFFFF10];
	[tilespmem:s0+$0xFFFFFF80] =	vst v8  }
0x45e: {  	v8 =	vmul.f32 v7, v12;
	(erf) = vpow2.f32 v5;
	v5 =	vld [tilespmem:s19+$0xFFFFFFD0]  }
0x45f: {  	[tilespmem:s0+$0x40] =	vst v7;
	v4 =	vadd.f32 v9, v4;
	v7 =	vld [tilespmem:s12+$0xFFFFFF90]  }
0x460: {  	v6 =	vsub.f32 $0.0e+00, v6;
	[tilespmem:s0+$0x0] =	vst v8  }
0x461: {  	v4 =	vsub.f32 $0.0e+00, v4;
	v2 =	vadd.f32 v3, v2;
	v3 =	vld [tilespmem:s19+$0x50]  }
0x462: {  	s13 =	sadd.s32 $0x200, s12;
	v6 =	vmul.f32 $1.442695020e+00, v6;
	v9 =	vld [tilespmem:s12+$0x10];
	v8 =	vadd.f32 v11, v10  }
0x463: {  	s3 =	simm.s32 $0x2A00;
	v11 =	vld [tilespmem:s13+$0x80];
	v4 =	vmul.f32 $1.442695020e+00, v4;
	v2 =	vsub.f32 $0.0e+00, v2  }
0x464: {  	(erf) = vpow2.f32 v6;
	v6 =	vld [tilespmem:s3+$0xC0];
	v10 =	vpop (erf);
	v8 =	vsub.f32 $0.0e+00, v8;
	v5 =	vadd.f32 v7, v5  }
0x465: {  	v7 =	vld [tilespmem:s13+$0xFFFFFF00];
	v10 =	vadd.f32 $1.000000000e+00, v10;
	(erf) = vpow2.f32 v4;
	v2 =	vmul.f32 $1.442695020e+00, v2  }
0x466: {  	v4 =	vld [tilespmem:s3+$0xFFFFFF40]  }
0x467: {  	v8 =	vmul.f32 $1.442695020e+00, v8;
	(erf) = vrcp.f32 v10  }
0x468: {  	v3 =	vadd.f32 v9, v3;
	v9 =	vld [tilespmem:s13+$0xFFFFFF80];
	(erf) = vpow2.f32 v2  }
0x469: {  	v5 =	vsub.f32 $0.0e+00, v5;
	v10 =	vld [tilespmem:s3+$0xFFFFFFC0];
	v6 =	vadd.f32 v11, v6;
	v2 =	vpop (erf);
	(erf) = vpow2.f32 v8  }
0x46a: {  	v3 =	vsub.f32 $0.0e+00, v3;
	v11 =	vld [tilespmem:s3+$0x40];
	v2 =	vadd.f32 $1.000000000e+00, v2  }
0x46b: {  	v5 =	vmul.f32 $1.442695020e+00, v5;
	v8 =	vld [tilespmem:s16+$0xA0];
	v4 =	vadd.f32 v7, v4  }
0x46c: {  	v7 =	vld [tilespmem:s13+$0x0];
	v3 =	vmul.f32 $1.442695020e+00, v3;
	(erf) = vrcp.f32 v2;
	v2 =	vsub.f32 $0.0e+00, v6  }
0x46d: {  	v6 =	vpop (erf);
	v4 =	vsub.f32 $0.0e+00, v4;
	(erf) = vpow2.f32 v5  }
0x46e: {  	v5 =	vadd.f32 $1.000000000e+00, v6;
	v6 =	vadd.f32 v9, v10;
	v2 =	vmul.f32 $1.442695020e+00, v2;
	v9 =	vpop (erf)  }
0x46f: {  	(erf) = vpow2.f32 v3;
	v9 =	vadd.f32 $1.000000000e+00, v9  }
0x470: {  	v4 =	vmul.f32 $1.442695020e+00, v4;
	v6 =	vsub.f32 $0.0e+00, v6;
	v3 =	vpop (erf);
	(erf) = vpow2.f32 v2  }
0x471: {  	v7 =	vadd.f32 v7, v11;
	v2 =	vmul.f32 v3, v8;
	(erf) = vrcp.f32 v9;
	[tilespmem:s18+$0xE0] =	vst v3;
	v3 =	vpop (erf)  }
0x472: {  	v6 =	vmul.f32 $1.442695020e+00, v6;
	v8 =	vpop (erf);
	(erf) = vrcp.f32 v5  }
0x473: {  	v5 =	vsub.f32 $0.0e+00, v7;
	[tilespmem:s18+$0xA0] =	vst v2;
	(erf) = vpow2.f32 v4;
	v2 =	vadd.f32 $1.000000000e+00, v8  }
0x474: {  	v10 =	vld [tilespmem:s16+$0xFFFFFF20];
	(erf) = vpow2.f32 v6  }
0x475: {  	v8 =	vpop (erf);
	(erf) = vrcp.f32 v2;
	v2 =	vmul.f32 $1.442695020e+00, v5  }
0x476: {  	v3 =	vadd.f32 $1.000000000e+00, v3;
	v4 =	vld [tilespmem:s16+$0xF0]  }
0x477: {  	v6 =	vld [tilespmem:s25+$0xB0]  }
0x478: {  	v5 =	vld [tilespmem:s19+$0x90];
	v11 =	vpop (erf);
	(erf) = vrcp.f32 v3  }
0x479: {  	v10 =	vmul.f32 v8, v10;
	(erf) = vpow2.f32 v2;
	v2 =	vpop (erf)  }
0x47a: {  	v3 =	vadd.f32 $1.000000000e+00, v11;
	v16 =	vadd.f32 $1.000000000e+00, v2  }
0x47b: {  	v15 =	vpop (erf)  }
0x47c: {  	v12 =	vld [tilespmem:s16+$0xFFFFFFA0];
	[tilespmem:s18+$0xFFFFFF60] =	vst v8;
	(erf) = vrcp.f32 v3;
	v3 =	vadd.f32 v6, v4;
	v8 =	vpop (erf)  }
0x47d: {  	v11 =	vld [tilespmem:s19+$0xFFFFFF10];
	[tilespmem:s18+$0xFFFFFF20] =	vst v10;
	v6 =	vadd.f32 $1.000000000e+00, v15;
	v5 =	vmul.f32 v8, v5;
	v10 =	vpop (erf)  }
0x47e: {  	v14 =	vld [tilespmem:s19+$0xFFFFFF90];
	v3 =	vsub.f32 $0.0e+00, v3;
	(erf) = vrcp.f32 v16;
	v16 =	vpop (erf)  }
0x47f: {  	v15 =	vld [tilespmem:s16+$0xFFFFFF70];
	[tilespmem:s0+$0xD0] =	vst v8;
	(erf) = vrcp.f32 v6;
	v16 =	vadd.f32 $1.000000000e+00, v16  }
0x480: {  	v3 =	vmul.f32 $1.442695020e+00, v3;
	v6 =	vld [tilespmem:s25+$0xFFFFFF30];
	[tilespmem:s0+$0x90] =	vst v5;
	v17 =	vpop (erf)  }
0x481: {  	v18 =	vld [tilespmem:s19+$0xE0];
	v5 =	vpop (erf)  }
0x482: {  	v19 =	vld [tilespmem:s12+$0xA0];
	(erf) = vpow2.f32 v3;
	v11 =	vmul.f32 v5, v11;
	[tilespmem:s0+$0xFFFFFF50] =	vst v5;
	v5 =	vpop (erf)  }
0x483: {  	v3 =	vmul.f32 v10, v12;
	(erf) = vrcp.f32 v16;
	v16 =	vpop (erf)  }
0x484: {  	[tilespmem:s18+$0xFFFFFFE0] =	vst v10;
	v12 =	vadd.f32 $1.000000000e+00, v17;
	v17 =	vld [tilespmem:s3+$0x80];
	v10 =	vadd.f32 $1.000000000e+00, v16  }
0x485: {  	s30 =	sadd.s32 $0x200, s13;
	v13 =	vld [tilespmem:s3+$0xFFFFFF00];
	[tilespmem:s18+$0xFFFFFFA0] =	vst v3;
	v3 =	vadd.f32 v6, v15  }
0x486: {  	v53 =	vld [tilespmem:s30+$0x0];
	(erf) = vrcp.f32 v12;
	v6 =	vpop (erf)  }
0x487: {  	v4 =	vld [tilespmem:s19+$0x10];
	v16 =	vadd.f32 v19, v18;
	v14 =	vmul.f32 v6, v14;
	v15 =	vsub.f32 $0.0e+00, v3;
	v18 =	vpop (erf)  }
0x488: {  	v9 =	vld [tilespmem:s3+$0xFFFFFF80];
	[tilespmem:s0+$0xFFFFFF10] =	vst v11;
	(erf) = vrcp.f32 v10;
	v10 =	vpop (erf)  }
0x489: {  	v11 =	vld [tilespmem:s19+$0xFFFFFF60];
	[tilespmem:s0+$0xFFFFFF90] =	vst v14;
	v14 =	vmul.f32 $1.442695020e+00, v15;
	v15 =	vmul.f32 v10, v17  }
0x48a: {  	v12 =	vld [tilespmem:s12+$0xFFFFFF20]  }
0x48b: {  	s29 =	simm.s32 $0x8A00;
	v7 =	vld [tilespmem:s3+$0x0];
	[tilespmem:s0+$0xFFFFFFD0] =	vst v6;
	v16 =	vsub.f32 $0.0e+00, v16  }
0x48c: {  	v19 =	vmul.f32 v18, v4;
	v17 =	vld [tilespmem:s19+$0xFFFFFFE0];
	[tilespmem:s29+$0xC0] =	vst v10  }
0x48d: {  	v10 =	vld [tilespmem:s12+$0xFFFFFFA0];
	(erf) = vpow2.f32 v14;
	v14 =	vmul.f32 $1.442695020e+00, v16;
	[tilespmem:s29+$0x80] =	vst v15;
	v15 =	vpop (erf)  }
0x48e: {  	[tilespmem:s0+$0x50] =	vst v18;
	v16 =	vld [tilespmem:s3+$0xD0];
	v18 =	vpop (erf)  }
0x48f: {  	[tilespmem:s0+$0x10] =	vst v19;
	v11 =	vadd.f32 v12, v11;
	v15 =	vadd.f32 $1.000000000e+00, v15;
	v12 =	vmul.f32 v18, v13;
	v13 =	vld [tilespmem:s13+$0x90]  }
0x490: {  	[tilespmem:s29+$0xFFFFFF40] =	vst v18;
	v18 =	vld [tilespmem:s19+$0x60]  }
0x491: {  	s9 =	simm.s32 $0x2C00;
	(erf) = vpow2.f32 v14;
	v11 =	vsub.f32 $0.0e+00, v11;
	v14 =	vpop (erf);
	[tilespmem:s29+$0xFFFFFF00] =	vst v12;
	v12 =	vld [tilespmem:s12+$0x20]  }
0x492: {  	v54 =	vld [tilespmem:s9+$0xFFFFFF00];
	v9 =	vmul.f32 v14, v9  }
0x493: {  	v11 =	vmul.f32 $1.442695020e+00, v11;
	v10 =	vadd.f32 v10, v17;
	[tilespmem:s29+$0xFFFFFFC0] =	vst v14;
	(erf) = vrcp.f32 v15;
	v14 =	vld [tilespmem:s3+$0xFFFFFF50];
	v15 =	vpop (erf)  }
0x494: {  	[tilespmem:s29+$0xFFFFFF80] =	vst v9;
	v9 =	vld [tilespmem:s13+$0xFFFFFF10];
	v7 =	vmul.f32 v15, v7  }
0x495: {  	v58 =	vld [tilespmem:s9+$0x80];
	v10 =	vsub.f32 $0.0e+00, v10;
	(erf) = vpow2.f32 v11  }
0x496: {  	v17 =	vld [tilespmem:s3+$0xFFFFFFD0];
	[tilespmem:s29+$0x40] =	vst v15;
	v13 =	vadd.f32 v13, v16;
	v12 =	vadd.f32 v12, v18  }
0x497: {  	v10 =	vmul.f32 $1.442695020e+00, v10;
	v11 =	vld [tilespmem:s13+$0xFFFFFF90];
	[tilespmem:s29+$0x0] =	vst v7  }
0x498: {  	v13 =	vsub.f32 $0.0e+00, v13;
	v16 =	vld [tilespmem:s3+$0x50];
	v7 =	vpop (erf);
	v12 =	vsub.f32 $0.0e+00, v12  }
0x499: {  	(erf) = vpow2.f32 v10;
	v10 =	vld [tilespmem:s13+$0x10];
	v9 =	vadd.f32 v9, v14;
	v7 =	vadd.f32 $1.000000000e+00, v7  }
0x49a: {  	v18 =	vld [tilespmem:s9+$0xC0];
	v13 =	vmul.f32 $1.442695020e+00, v13;
	v14 =	vpop (erf);
	v12 =	vmul.f32 $1.442695020e+00, v12  }
0x49b: {  	v14 =	vadd.f32 $1.000000000e+00, v14;
	v9 =	vsub.f32 $0.0e+00, v9;
	(erf) = vrcp.f32 v7;
	v7 =	vld [tilespmem:s30+$0x80]  }
0x49c: {  	(erf) = vpow2.f32 v13;
	v13 =	vld [tilespmem:s9+$0xFFFFFF40]  }
0x49d: {  	v11 =	vadd.f32 v11, v17;
	v17 =	vpop (erf);
	v9 =	vmul.f32 $1.442695020e+00, v9;
	(erf) = vrcp.f32 v14;
	v14 =	vld [tilespmem:s30+$0xFFFFFF00]  }
0x49e: {  	v2 =	vld [tilespmem:s16+$0x20];
	v10 =	vadd.f32 v10, v16;
	(erf) = vpow2.f32 v12;
	v12 =	vpop (erf)  }
0x49f: {  	v19 =	vld [tilespmem:s9+$0xFFFFFFC0];
	v11 =	vsub.f32 $0.0e+00, v11;
	(erf) = vpow2.f32 v9;
	v9 =	vadd.f32 $1.000000000e+00, v12  }
0x4a0: {  	v16 =	vld [tilespmem:s30+$0xFFFFFF80];
	v10 =	vsub.f32 $0.0e+00, v10;
	v7 =	vadd.f32 v7, v18  }
0x4a1: {  	v12 =	vld [tilespmem:s9+$0x40];
	v18 =	vmul.f32 $1.442695020e+00, v11  }
0x4a2: {  	v20 =	vld [tilespmem:s19+$0xA0];
	v7 =	vsub.f32 $0.0e+00, v7;
	v13 =	vadd.f32 v14, v13;
	v14 =	vmul.f32 $1.442695020e+00, v10  }
0x4a3: {  	v8 =	vld [tilespmem:s16+$0xFFFFFF30];
	v2 =	vmul.f32 v5, v2;
	(erf) = vrcp.f32 v9;
	v9 =	vpop (erf)  }
0x4a4: {  	[tilespmem:s18+$0x60] =	vst v5;
	v6 =	vld [tilespmem:s19+$0xFFFFFF20];
	(erf) = vpow2.f32 v18;
	v7 =	vmul.f32 $1.442695020e+00, v7;
	v10 =	vpop (erf)  }
0x4a5: {  	[tilespmem:s18+$0x20] =	vst v2;
	v3 =	vld [tilespmem:s16+$0xFFFFFFF0];
	v16 =	vadd.f32 v16, v19;
	v13 =	vsub.f32 $0.0e+00, v13;
	(erf) = vpow2.f32 v14;
	v19 =	vpop (erf)  }
0x4a6: {  	v25 =	vld [tilespmem:s25+$0x30];
	v12 =	vadd.f32 v53, v12;
	(erf) = vpow2.f32 v7;
	v19 =	vadd.f32 $1.000000000e+00, v19;
	v14 =	vpop (erf)  }
0x4a7: {  	v4 =	vld [tilespmem:s19+$0xFFFFFFA0];
	v16 =	vsub.f32 $0.0e+00, v16;
	v18 =	vadd.f32 $1.000000000e+00, v9;
	v20 =	vmul.f32 v14, v20  }
0x4a8: {  	v15 =	vld [tilespmem:s16+$0xB0];
	v13 =	vmul.f32 $1.442695020e+00, v13;
	v12 =	vsub.f32 $0.0e+00, v12;
	[tilespmem:s0+$0xE0] =	vst v14;
	v14 =	vpop (erf);
	(erf) = vrcp.f32 v19  }
0x4a9: {  	v23 =	vld [tilespmem:s3+$0xFFFFFF90];
	v16 =	vmul.f32 $1.442695020e+00, v16;
	v55 =	vpop (erf);
	[tilespmem:s0+$0xA0] =	vst v20;
	(erf) = vrcp.f32 v18  }
0x4aa: {  	v5 =	vmul.f32 $1.442695020e+00, v12;
	(erf) = vpow2.f32 v13;
	v13 =	vadd.f32 $1.000000000e+00, v55;
	v18 =	vld [tilespmem:s19+$0xF0]  }
0x4ab: {  	v2 =	vadd.f32 $1.000000000e+00, v14;
	(erf) = vpow2.f32 v16;
	v16 =	vld [tilespmem:s12+$0xB0]  }
0x4ac: {  	v11 =	vld [tilespmem:s9+$0xFFFFFF80];
	v14 =	vpop (erf);
	(erf) = vrcp.f32 v13  }
0x4ad: {  	v12 =	vld [tilespmem:s3+$0x90];
	v20 =	vpop (erf);
	(erf) = vrcp.f32 v2  }
0x4ae: {  	v9 =	vld [tilespmem:s9+$0x0];
	v2 =	vadd.f32 $1.000000000e+00, v20;
	(erf) = vpow2.f32 v5;
	v5 =	vpop (erf)  }
0x4af: {  	v7 =	vld [tilespmem:s3+$0xFFFFFF10];
	v6 =	vmul.f32 v14, v6;
	v20 =	vpop (erf);
	v5 =	vadd.f32 $1.000000000e+00, v5  }
0x4b0: {  	v19 =	vld [tilespmem:s3+$0x10];
	[tilespmem:s0+$0xFFFFFF60] =	vst v14;
	(erf) = vrcp.f32 v2;
	v2 =	vadd.f32 v16, v18;
	v16 =	vadd.f32 $1.000000000e+00, v20  }
0x4b1: {  	v14 =	vld [tilespmem:s25+$0xFFFFFFB0];
	[tilespmem:s0+$0xFFFFFF20] =	vst v6;
	v18 =	vpop (erf)  }
0x4b2: {  	v56 =	vld [tilespmem:s19+$0xFFFFFF70];
	(erf) = vrcp.f32 v5;
	v12 =	vmul.f32 v18, v12;
	v5 =	vsub.f32 $0.0e+00, v2;
	v24 =	vpop (erf)  }
0x4b3: {  	v20 =	vld [tilespmem:s12+$0xFFFFFF30];
	(erf) = vrcp.f32 v16;
	[tilespmem:s29+$0xD0] =	vst v18;
	v26 =	vpop (erf)  }
0x4b4: {  	v15 =	vmul.f32 v17, v15;
	v6 =	vld [tilespmem:s16+$0x70];
	v16 =	vpop (erf);
	[tilespmem:s29+$0x90] =	vst v12;
	v12 =	vmul.f32 $1.442695020e+00, v5  }
0x4b5: {  	[tilespmem:s18+$0xF0] =	vst v17;
	v8 =	vmul.f32 v10, v8;
	v4 =	vmul.f32 v24, v4;
	v18 =	vld [tilespmem:s3+$0xE0];
	v57 =	vpop (erf)  }
0x4b6: {  	[tilespmem:s18+$0xB0] =	vst v15;
	v17 =	vadd.f32 $1.000000000e+00, v26;
	v7 =	vmul.f32 v57, v7;
	(erf) = vpow2.f32 v12;
	v12 =	vld [tilespmem:s13+$0xA0]  }
0x4b7: {  	[tilespmem:s18+$0xFFFFFF30] =	vst v8;
	v8 =	vld [tilespmem:s19+$0xB0];
	v14 =	vadd.f32 v14, v3  }
0x4b8: {  	v13 =	vld [tilespmem:s19+$0x20];
	v15 =	vadd.f32 $1.000000000e+00, v16;
	[tilespmem:s0+$0xFFFFFFA0] =	vst v4;
	v16 =	vpop (erf);
	(erf) = vrcp.f32 v17;
	v17 =	vadd.f32 v20, v56  }
0x4b9: {  	v3 =	vld [tilespmem:s16+$0x30];
	v14 =	vsub.f32 $0.0e+00, v14;
	v4 =	vadd.f32 v25, v6;
	[tilespmem:s29+$0xFFFFFF50] =	vst v57;
	v20 =	vpop (erf)  }
0x4ba: {  	v2 =	vld [tilespmem:s19+$0xFFFFFF30];
	[tilespmem:s29+$0xFFFFFF10] =	vst v7;
	v6 =	vadd.f32 $1.000000000e+00, v20;
	(erf) = vrcp.f32 v15;
	v17 =	vsub.f32 $0.0e+00, v17;
	v7 =	vpop (erf)  }
0x4bb: {  	v14 =	vmul.f32 $1.442695020e+00, v14;
	v15 =	vld [tilespmem:s3+$0xFFFFFF60];
	v23 =	vmul.f32 v7, v23;
	v12 =	vadd.f32 v12, v18;
	v18 =	vpop (erf)  }
0x4bc: {  	v20 =	vld [tilespmem:s13+$0xFFFFFF20];
	(erf) = vrcp.f32 v6;
	[tilespmem:s29+$0xFFFFFFD0] =	vst v7;
	v17 =	vmul.f32 $1.442695020e+00, v17;
	v59 =	vpop (erf)  }
0x4bd: {  	s8 =	simm.s32 $0x8C00;
	v5 =	vld [tilespmem:s16+$0xFFFFFFB0];
	v4 =	vsub.f32 $0.0e+00, v4;
	(erf) = vpow2.f32 v14;
	[tilespmem:s29+$0xFFFFFF90] =	vst v23;
	v14 =	vmul.f32 v59, v58  }
0x4be: {  	v12 =	vsub.f32 $0.0e+00, v12;
	[tilespmem:s8+$0xC0] =	vst v59;
	v60 =	vld [tilespmem:s3+$0xFFFFFFE0]  }
0x4bf: {  	v4 =	vmul.f32 $1.442695020e+00, v4;
	(erf) = vpow2.f32 v17;
	v17 =	vld [tilespmem:s13+$0xFFFFFFA0];
	[tilespmem:s8+$0x80] =	vst v14  }
0x4c0: {  	v19 =	vmul.f32 v18, v19;
	[tilespmem:s29+$0x50] =	vst v18;
	v12 =	vmul.f32 $1.442695020e+00, v12;
	v18 =	vld [tilespmem:s9+$0xD0]  }
0x4c1: {  	[tilespmem:s0+$0xFFFFFFE0] =	vst v24;
	(erf) = vpow2.f32 v4;
	v15 =	vadd.f32 v20, v15;
	v20 =	vld [tilespmem:s30+$0x90];
	v14 =	vpop (erf)  }
0x4c2: {  	[tilespmem:s18+$0xFFFFFF70] =	vst v10;
	v6 =	vld [tilespmem:s19+$0xFFFFFFF0];
	v61 =	vpop (erf);
	(erf) = vpow2.f32 v12;
	v12 =	vadd.f32 $1.000000000e+00, v14  }
0x4c3: {  	v7 =	vld [tilespmem:s3+$0xFFFFFF20];
	[tilespmem:s29+$0x10] =	vst v19;
	v15 =	vsub.f32 $0.0e+00, v15;
	v19 =	vmul.f32 v61, v54;
	v14 =	vpop (erf)  }
0x4c4: {  	v62 =	vld [tilespmem:s3+$0x60];
	[tilespmem:s8+$0xFFFFFF40] =	vst v61;
	v17 =	vadd.f32 v17, v60;
	v11 =	vmul.f32 v14, v11;
	(erf) = vrcp.f32 v12  }
0x4c5: {  	v10 =	vmul.f32 v16, v13;
	v13 =	vpop (erf);
	v12 =	vmul.f32 $1.442695020e+00, v15;
	[tilespmem:s8+$0xFFFFFF00] =	vst v19;
	v19 =	vld [tilespmem:s13+$0x20]  }
0x4c6: {  	v18 =	vadd.f32 v20, v18;
	v63 =	vld [tilespmem:s9+$0xFFFFFF50];
	[tilespmem:s8+$0xFFFFFF80] =	vst v11;
	v11 =	vsub.f32 $0.0e+00, v17;
	v17 =	vmul.f32 v13, v9  }
0x4c7: {  	[tilespmem:s8+$0xFFFFFFC0] =	vst v14;
	v14 =	vpop (erf);
	v15 =	vld [tilespmem:s30+$0xFFFFFF10];
	(erf) = vpow2.f32 v12  }
0x4c8: {  	v4 =	vld [tilespmem:s3+$0xFFFFFFA0];
	v14 =	vadd.f32 $1.000000000e+00, v14;
	v18 =	vsub.f32 $0.0e+00, v18  }
0x4c9: {  	[tilespmem:s8+$0x40] =	vst v13;
	v9 =	vld [tilespmem:s9+$0xFFFFFFD0];
	v12 =	vpop (erf);
	v13 =	vmul.f32 $1.442695020e+00, v11  }
0x4ca: {  	[tilespmem:s8+$0x0] =	vst v17;
	v11 =	vld [tilespmem:s30+$0xFFFFFF90];
	(erf) = vrcp.f32 v14;
	v17 =	vpop (erf);
	v19 =	vadd.f32 v19, v62  }
0x4cb: {  	[tilespmem:s0+$0x20] =	vst v10;
	v14 =	vadd.f32 $1.000000000e+00, v12;
	v10 =	vld [tilespmem:s9+$0x50];
	(erf) = vpow2.f32 v13;
	v13 =	vadd.f32 $1.000000000e+00, v17  }
0x4cc: {  	s14 =	simm.s32 $0xC;
	s15 =	simm.s32 $0x2E00;
	s16 =	smov.u32 s30;
	[tilespmem:s0+$0x60] =	vst v16;
	v12 =	vld [tilespmem:s30+$0x10];
	v16 =	vadd.f32 v15, v63;
	v17 =	vmul.f32 $1.442695020e+00, v18;
	v18 =	vpop (erf);
	v15 =	vsub.f32 $0.0e+00, v19  }
.LBB2_9:
0x4cd: {  	v19 =	vld [tilespmem:s15+$0xC0];
	s30 =	sadd.s32 $0x200, s30;
	v18 =	vadd.f32 $1.000000000e+00, v18;
	(erf) = vrcp.f32 v14;
	v14 =	vpop (erf)  }
0x4ce: {  	v20 =	vld [tilespmem:s30+$0x80];
	v16 =	vsub.f32 $0.0e+00, v16;
	(erf) = vpow2.f32 v17;
	v8 =	vmul.f32 v14, v8;
	[tilespmem:s0+$0xF0] =	vst v14  }
0x4cf: {  	v14 =	vld [tilespmem:s15+$0xFFFFFF40];
	v9 =	vadd.f32 v11, v9;
	v11 =	vmul.f32 $1.442695020e+00, v15;
	(erf) = vrcp.f32 v18  }
0x4d0: {  	v15 =	vld [tilespmem:s30+$0xFFFFFF00];
	v16 =	vmul.f32 $1.442695020e+00, v16;
	v17 =	vpop (erf);
	[tilespmem:s0+$0xB0] =	vst v8;
	(erf) = vrcp.f32 v13  }
0x4d1: {  	s14 =	sadd.s32 $0x4, s14;
	v8 =	vld [tilespmem:s15+$0xFFFFFFC0];
	v9 =	vsub.f32 $0.0e+00, v9;
	v18 =	vadd.f32 v12, v10;
	(erf) = vpow2.f32 v11  }
0x4d2: {  	p1 =	slt.u32 s14, $0x1C;
	v21 =	vadd.f32 $1.000000000e+00, v17;
	v11 =	vld [tilespmem:s30+$0xFFFFFF80];
	(erf) = vpow2.f32 v16  }
0x4d3: {  	v13 =	vld [tilespmem:s15+$0x40];
	v16 =	vadd.f32 v20, v19;
	v19 =	vmul.f32 $1.442695020e+00, v9;
	v9 =	vsub.f32 $0.0e+00, v18;
	v10 =	vpop (erf)  }
0x4d4: {  	v18 =	vld [tilespmem:s3+$0xA0];
	(erf) = vrcp.f32 v21;
	v12 =	vpop (erf);
	v5 =	vmul.f32 v10, v5;
	[tilespmem:s18+$0xFFFFFFF0] =	vst v10  }
0x4d5: {  	v10 =	vadd.f32 v15, v14;
	v14 =	vld [tilespmem:s30+$0x0];
	v15 =	vsub.f32 $0.0e+00, v16;
	v20 =	vmul.f32 $1.442695020e+00, v9  }
0x4d6: {  	v12 =	vadd.f32 $1.000000000e+00, v12;
	v9 =	vld [tilespmem:s15+$0xFFFFFF80];
	(erf) = vpow2.f32 v19;
	v17 =	vpop (erf);
	[tilespmem:s18+$0xFFFFFFB0] =	vst v5  }
0x4d7: {  	v5 =	vsub.f32 $0.0e+00, v10;
	v11 =	vadd.f32 v11, v8;
	v8 =	vld [tilespmem:s15+$0x0];
	v15 =	vmul.f32 $1.442695020e+00, v15;
	v19 =	vpop (erf);
	[tilespmem:s0+$0xFFFFFF70] =	vst v17  }
0x4d8: {  	v2 =	vmul.f32 v17, v2;
	v10 =	vld [tilespmem:s15+$0xFFFFFF00];
	v19 =	vadd.f32 $1.000000000e+00, v19;
	(erf) = vpow2.f32 v20;
	v16 =	vpop (erf)  }
0x4d9: {  	v11 =	vsub.f32 $0.0e+00, v11;
	(erf) = vpow2.f32 v15;
	v15 =	vld [tilespmem:s9+$0xFFFFFF10];
	v17 =	vmul.f32 v16, v18;
	v18 =	vpop (erf)  }
0x4da: {  	v5 =	vmul.f32 $1.442695020e+00, v5;
	v13 =	vadd.f32 v14, v13;
	v14 =	vld [tilespmem:s9+$0xFFFFFF90];
	(erf) = vrcp.f32 v19;
	[tilespmem:s29+$0xE0] =	vst v16;
	v16 =	vpop (erf)  }
0x4db: {  	v21 =	vmul.f32 $1.442695020e+00, v11;
	v19 =	vld [tilespmem:s9+$0x10];
	v20 =	vpop (erf);
	v16 =	vadd.f32 $1.000000000e+00, v16;
	[tilespmem:s29+$0xA0] =	vst v17;
	(erf) = vrcp.f32 v12  }
0x4dc: {  	v12 =	vsub.f32 $0.0e+00, v13;
	(erf) = vpow2.f32 v5;
	v5 =	vadd.f32 $1.000000000e+00, v20;
	v13 =	vld [tilespmem:s3+$0xF0];
	[tilespmem:s0+$0xFFFFFF30] =	vst v2  }
0x4dd: {  	v3 =	vmul.f32 v18, v3;
	(erf) = vpow2.f32 v21;
	v2 =	vld [tilespmem:s13+$0xB0];
	v11 =	vpop (erf);
	[tilespmem:s18+$0x70] =	vst v18  }
0x4de: {  	v20 =	vmul.f32 $1.442695020e+00, v12;
	(erf) = vrcp.f32 v5;
	[tilespmem:s29+$0xFFFFFF60] =	vst v11;
	v17 =	vld [tilespmem:s3+$0x20]  }
0x4df: {  	v7 =	vmul.f32 v11, v7;
	v5 =	vld [tilespmem:s9+$0x90];
	v18 =	vpop (erf);
	(erf) = vrcp.f32 v16;
	[tilespmem:s18+$0x30] =	vst v3;
	s18 =	smov.u32 s0;
	s0 =	smov.u32 s29;
	s29 =	smov.u32 s8  }
0x4e0: {  	(erf) = vpow2.f32 v20;
	v3 =	vadd.f32 $1.000000000e+00, v18;
	v11 =	vld [tilespmem:s12+$0xFFFFFFB0]  }
0x4e1: {  	v12 =	vpop (erf);
	[tilespmem:s0+$0xFFFFFF20] =	vst v7;
	v7 =	vld [tilespmem:s19+$0x70]  }
0x4e2: {  	v16 =	vpop (erf);
	v12 =	vadd.f32 $1.000000000e+00, v12;
	(erf) = vrcp.f32 v3;
	v3 =	vld [tilespmem:s3+$0xFFFFFF70];
	v2 =	vadd.f32 v2, v13  }
0x4e3: {  	v23 =	vadd.f32 $1.000000000e+00, v16;
	v16 =	vpop (erf);
	v18 =	vld [tilespmem:s13+$0xFFFFFF30]  }
0x4e4: {  	v5 =	vmul.f32 v16, v5;
	(erf) = vrcp.f32 v12;
	v12 =	vsub.f32 $0.0e+00, v2;
	v20 =	vpop (erf);
	v21 =	vld [tilespmem:s12+$0x30];
	s12 =	smov.u32 s13;
	s13 =	smov.u32 s16;
	s16 =	smov.u32 s30  }
0x4e5: {  	v22 =	vpop (erf);
	(erf) = vrcp.f32 v23;
	[tilespmem:s8+$0xD0] =	vst v16;
	v2 =	vld [tilespmem:s3+$0xFFFFFF30];
	v4 =	vmul.f32 v20, v4;
	v6 =	vadd.f32 v11, v6  }
0x4e6: {  	v23 =	vadd.f32 $1.000000000e+00, v22;
	v13 =	vpop (erf);
	[tilespmem:s8+$0x90] =	vst v5;
	v12 =	vmul.f32 $1.442695020e+00, v12;
	v5 =	vld [tilespmem:s19+$0xFFFFFFB0]  }
0x4e7: {  	v13 =	vadd.f32 $1.000000000e+00, v13;
	v16 =	vld [tilespmem:s9+$0xE0];
	v22 =	vpop (erf);
	[tilespmem:s0+$0xFFFFFFA0] =	vst v4;
	v4 =	vsub.f32 $0.0e+00, v6  }
0x4e8: {  	v6 =	vmul.f32 v22, v15;
	[tilespmem:s8+$0xFFFFFF50] =	vst v22;
	v15 =	vld [tilespmem:s13+$0xA0];
	v24 =	vadd.f32 v18, v3;
	v22 =	vpop (erf);
	(erf) = vpow2.f32 v12  }
0x4e9: {  	(erf) = vrcp.f32 v23;
	v11 =	vpop (erf);
	[tilespmem:s0+$0xFFFFFFE0] =	vst v20;
	v12 =	vmul.f32 v22, v17;
	v3 =	vld [tilespmem:s19+$0x30];
	v7 =	vadd.f32 v21, v7;
	s19 =	smov.u32 s3;
	s3 =	smov.u32 s9;
	s9 =	smov.u32 s15  }
0x4ea: {  	v11 =	vadd.f32 $1.000000000e+00, v11;
	v17 =	vld [tilespmem:s15+$0x80];
	(erf) = vrcp.f32 v13;
	[tilespmem:s8+$0xFFFFFF10] =	vst v6;
	v6 =	vsub.f32 $0.0e+00, v24  }
0x4eb: {  	v4 =	vmul.f32 $1.442695020e+00, v4;
	v13 =	vld [tilespmem:s3+$0xFFFFFF60];
	v18 =	vpop (erf);
	[tilespmem:s0+$0x20] =	vst v12;
	v12 =	vsub.f32 $0.0e+00, v7  }
0x4ec: {  	(erf) = vrcp.f32 v11;
	v11 =	vld [tilespmem:s13+$0xFFFFFF20];
	v14 =	vmul.f32 v18, v14;
	[tilespmem:s8+$0xFFFFFFD0] =	vst v18  }
0x4ed: {  	v18 =	vmul.f32 $1.442695020e+00, v6;
	v7 =	vld [tilespmem:s3+$0xFFFFFF20];
	v15 =	vadd.f32 v15, v16;
	v16 =	vpop (erf);
	[tilespmem:s0+$0x60] =	vst v22;
	v12 =	vmul.f32 $1.442695020e+00, v12  }
0x4ee: {  	v20 =	vpop (erf);
	[tilespmem:s8+$0xFFFFFF90] =	vst v14;
	v14 =	vmul.f32 v16, v19;
	v6 =	vld [tilespmem:s19+$0xFFFFFFF0];
	(erf) = vpow2.f32 v4  }
0x4ef: {  	s8 =	sadd.s32 $0x200, s8;
	v4 =	vmul.f32 v20, v17;
	v17 =	vld [tilespmem:s3+$0xFFFFFFE0];
	[tilespmem:s29+$0x50] =	vst v16;
	v15 =	vsub.f32 $0.0e+00, v15;
	(erf) = vpow2.f32 v18  }
0x4f0: {  	[tilespmem:s8+$0xC0] =	vst v20;
	v16 =	vld [tilespmem:s13+$0xFFFFFFA0];
	(erf) = vpow2.f32 v12  }
0x4f1: {  	[tilespmem:s8+$0x80] =	vst v4;
	v11 =	vadd.f32 v11, v13;
	v4 =	vld [tilespmem:s3+$0xFFFFFFA0];
	v12 =	vmul.f32 $1.442695020e+00, v15;
	v13 =	vpop (erf)  }
0x4f2: {  	v15 =	vld [tilespmem:s15+$0xD0];
	v18 =	vpop (erf);
	[tilespmem:s29+$0x10] =	vst v14;
	v13 =	vadd.f32 $1.000000000e+00, v13  }
0x4f3: {  	v19 =	vmul.f32 v18, v10;
	[tilespmem:s8+$0xFFFFFF40] =	vst v18;
	v14 =	vld [tilespmem:s30+$0x90];
	v18 =	vpop (erf);
	v11 =	vsub.f32 $0.0e+00, v11;
	(erf) = vpow2.f32 v12  }
0x4f4: {  	v9 =	vmul.f32 v18, v9;
	[tilespmem:s8+$0xFFFFFFC0] =	vst v18;
	v12 =	vld [tilespmem:s3+$0x60];
	(erf) = vrcp.f32 v13  }
0x4f5: {  	[tilespmem:s8+$0xFFFFFF00] =	vst v19;
	v10 =	vpop (erf);
	v19 =	vmul.f32 $1.442695020e+00, v11;
	v13 =	vadd.f32 v16, v17;
	v16 =	vld [tilespmem:s13+$0x20]  }
0x4f6: {  	v17 =	vld [tilespmem:s15+$0xFFFFFF50];
	[tilespmem:s8+$0xFFFFFF80] =	vst v9;
	v21 =	vmul.f32 v10, v8  }
0x4f7: {  	v18 =	vld [tilespmem:s30+$0xFFFFFF10];
	[tilespmem:s8+$0x40] =	vst v10;
	v10 =	vsub.f32 $0.0e+00, v13;
	(erf) = vpow2.f32 v19;
	v11 =	vpop (erf)  }
.Ltmp3:
0x4f8: {  	v9 =	vld [tilespmem:s15+$0xFFFFFFD0];
	[tilespmem:s8+$0x0] =	vst v21;
	v13 =	vadd.f32 v14, v15;
	v8 =	vpop (erf);
	v15 =	vadd.f32 $1.000000000e+00, v11;
	(pc) =	sbr.rel @p1 .LBB2_9-.Ltmp3, $4  }
0x4f9: {  	v19 =	vmul.f32 $1.442695020e+00, v10;
	v14 =	vadd.f32 $1.000000000e+00, v8;
	v8 =	vld [tilespmem:s19+$0xB0];
	v20 =	vpop (erf)  }
0x4fa: {  	v11 =	vld [tilespmem:s30+$0xFFFFFF90];
	v21 =	vsub.f32 $0.0e+00, v13;
	v22 =	vadd.f32 v16, v12;
	(erf) = vrcp.f32 v15  }
0x4fb: {  	v13 =	vadd.f32 $1.000000000e+00, v20;
	v10 =	vld [tilespmem:s15+$0x50];
	(erf) = vpow2.f32 v19  }
0x4fc: {  	s15 =	sadd.s32 $0x200, s15;
	v16 =	vadd.f32 v18, v17;
	v12 =	vld [tilespmem:s30+$0x10];
	v17 =	vmul.f32 $1.442695020e+00, v21;
	v15 =	vsub.f32 $0.0e+00, v22;
	v18 =	vpop (erf)  }
0x4fd: {  	(erf) = vrcp.f32 v14  }
0x4fe: {  	v18 =	vadd.f32 $1.000000000e+00, v18;
	(erf) = vpow2.f32 v17;
	_ =	sdelay $0x1  }
0x4ff: {  	v14 =	vsub.f32 $0.0e+00, v16;
	(erf) = vrcp.f32 v18  }
0x500: {  	v15 =	vmul.f32 $1.442695020e+00, v15;
	(erf) = vrcp.f32 v13;
	v13 =	vpop (erf)  }
0x501: {  	v9 =	vadd.f32 v11, v9;
	v14 =	vmul.f32 $1.442695020e+00, v14;
	v11 =	vpop (erf)  }
0x502: {  	(erf) = vpow2.f32 v15;
	v11 =	vadd.f32 $1.000000000e+00, v11  }
0x503: {  	v10 =	vadd.f32 v12, v10;
	v9 =	vsub.f32 $0.0e+00, v9;
	(erf) = vpow2.f32 v14;
	v12 =	vpop (erf)  }
0x504: {  	v15 =	vpop (erf)  }
0x505: {  	v14 =	vld [tilespmem:s3+$0xA0];
	v9 =	vmul.f32 $1.442695020e+00, v9;
	v16 =	vpop (erf)  }
0x506: {  	v10 =	vsub.f32 $0.0e+00, v10;
	(erf) = vrcp.f32 v11;
	v11 =	vpop (erf)  }
0x507: {  	(erf) = vpow2.f32 v9;
	v9 =	vadd.f32 $1.000000000e+00, v11  }
0x508: {  	v10 =	vmul.f32 $1.442695020e+00, v10  }
0x509: {  	v11 =	vpop (erf)  }
0x50a: {  	(erf) = vpow2.f32 v10;
	v10 =	vmul.f32 v11, v14;
	v14 =	vpop (erf)  }
0x50b: {  	(erf) = vrcp.f32 v9;
	v9 =	vpop (erf)  }
0x50c: {  	[tilespmem:s29+$0xE0] =	vst v11;
	v11 =	vadd.f32 $1.000000000e+00, v15;
	v15 =	vpop (erf)  }
0x50d: {  	[tilespmem:s29+$0xA0] =	vst v10;
	v10 =	vadd.f32 $1.000000000e+00, v15  }
0x50e: {  	(erf) = vrcp.f32 v11;
	v11 =	vld [tilespmem:s13+$0xB0]  }
0x50f: {  	v15 =	vld [tilespmem:s3+$0xF0];
	(erf) = vrcp.f32 v10  }
0x510: {  	v9 =	vadd.f32 $1.000000000e+00, v9;
	v17 =	vpop (erf);
	v10 =	vld [tilespmem:s9+$0x90]  }
0x511: {  	v19 =	vpop (erf)  }
0x512: {  	v21 =	vld [tilespmem:s12+$0x30];
	v7 =	vmul.f32 v17, v7;
	[tilespmem:s29+$0xFFFFFF60] =	vst v17;
	v17 =	vadd.f32 $1.000000000e+00, v19  }
0x513: {  	v18 =	vld [tilespmem:s9+$0xFFFFFF10];
	v20 =	vpop (erf);
	(erf) = vrcp.f32 v9  }
0x514: {  	v19 =	vld [tilespmem:s12+$0xFFFFFFB0];
	v11 =	vadd.f32 v11, v15;
	v9 =	vpop (erf);
	(erf) = vrcp.f32 v17;
	v17 =	vadd.f32 $1.000000000e+00, v20  }
0x515: {  	[tilespmem:s29+$0xFFFFFF20] =	vst v7;
	v7 =	vld [tilespmem:s19+$0x70];
	v10 =	vmul.f32 v9, v10  }
0x516: {  	v15 =	vld [tilespmem:s3+$0xFFFFFF70];
	[tilespmem:s8+$0xD0] =	vst v9;
	v11 =	vsub.f32 $0.0e+00, v11  }
0x517: {  	v20 =	vld [tilespmem:s13+$0xFFFFFF30];
	v9 =	vpop (erf);
	[tilespmem:s8+$0x90] =	vst v10  }
0x518: {  	(erf) = vrcp.f32 v17;
	v10 =	vmul.f32 $1.442695020e+00, v11;
	v11 =	vld [tilespmem:s9+$0xE0];
	v17 =	vpop (erf)  }
0x519: {  	v22 =	vld [tilespmem:s16+$0xA0];
	v18 =	vmul.f32 v17, v18  }
0x51a: {  	(erf) = vpow2.f32 v10;
	v10 =	vld [tilespmem:s9+$0xFFFFFF90]  }
0x51b: {  	[tilespmem:s8+$0xFFFFFF50] =	vst v17  }
0x51c: {  	v6 =	vadd.f32 v19, v6;
	[tilespmem:s8+$0xFFFFFF10] =	vst v18  }
0x51d: {  	v15 =	vadd.f32 v20, v15;
	v17 =	vld [tilespmem:s9+$0xFFFFFF60];
	v18 =	vpop (erf)  }
0x51e: {  	v8 =	vmul.f32 v13, v8;
	v7 =	vadd.f32 v21, v7;
	v6 =	vsub.f32 $0.0e+00, v6;
	v19 =	vld [tilespmem:s16+$0xFFFFFF20];
	v20 =	vpop (erf)  }
0x51f: {  	[tilespmem:s0+$0xF0] =	vst v13;
	v13 =	vld [tilespmem:s9+$0x10];
	v15 =	vsub.f32 $0.0e+00, v15;
	v11 =	vadd.f32 v22, v11;
	v10 =	vmul.f32 v20, v10  }
0x520: {  	v6 =	vmul.f32 $1.442695020e+00, v6;
	[tilespmem:s8+$0xFFFFFFD0] =	vst v20  }
0x521: {  	v7 =	vsub.f32 $0.0e+00, v7;
	v15 =	vmul.f32 $1.442695020e+00, v15;
	v11 =	vsub.f32 $0.0e+00, v11;
	[tilespmem:s8+$0xFFFFFF90] =	vst v10  }
0x522: {  	[tilespmem:s0+$0xB0] =	vst v8;
	v5 =	vmul.f32 v12, v5;
	(erf) = vpow2.f32 v6;
	v6 =	vld [tilespmem:s9+$0xFFFFFFE0]  }
0x523: {  	[tilespmem:s18+$0xFFFFFFF0] =	vst v12;
	v7 =	vmul.f32 $1.442695020e+00, v7;
	(erf) = vpow2.f32 v15;
	v20 =	vpop (erf);
	v8 =	vadd.f32 v19, v17;
	v12 =	vld [tilespmem:s16+$0xFFFFFFA0]  }
0x524: {  	[tilespmem:s18+$0xFFFFFFB0] =	vst v5;
	v5 =	vmul.f32 v20, v13;
	v10 =	vmul.f32 $1.442695020e+00, v11  }
0x525: {  	(erf) = vpow2.f32 v7;
	[tilespmem:s8+$0x50] =	vst v20;
	v11 =	vpop (erf);
	v8 =	vsub.f32 $0.0e+00, v8  }
0x526: {  	v2 =	vmul.f32 v16, v2;
	[tilespmem:s8+$0x10] =	vst v5;
	v7 =	vadd.f32 $1.000000000e+00, v11;
	(erf) = vpow2.f32 v10  }
0x527: {  	v5 =	vmul.f32 $1.442695020e+00, v8;
	v8 =	vld [tilespmem:s9+$0x60]  }
0x528: {  	[tilespmem:s0+$0xFFFFFF30] =	vst v2;
	v2 =	vmul.f32 v14, v3;
	(erf) = vrcp.f32 v7;
	v3 =	vadd.f32 v12, v6;
	v6 =	vld [tilespmem:s16+$0x20];
	_ =	sdelay $0x1  }
0x529: {  	v7 =	vld [tilespmem:s3+$0x20];
	(erf) = vpow2.f32 v5  }
0x52a: {  	[tilespmem:s0+$0xFFFFFF70] =	vst v16  }
0x52b: {  	[tilespmem:s18+$0x70] =	vst v14;
	v10 =	vpop (erf);
	v3 =	vsub.f32 $0.0e+00, v3  }
0x52c: {  	[tilespmem:s18+$0x30] =	vst v2;
	v2 =	vld [tilespmem:s19+$0xFFFFFFB0];
	v4 =	vmul.f32 v9, v4;
	v11 =	vpop (erf);
	v10 =	vadd.f32 $1.000000000e+00, v10;
	v6 =	vadd.f32 v6, v8  }
0x52d: {  	[tilespmem:s29+$0xFFFFFFE0] =	vst v9;
	v9 =	vld [tilespmem:s9+$0xFFFFFF20];
	v12 =	vpop (erf);
	v11 =	vadd.f32 $1.000000000e+00, v11;
	v3 =	vmul.f32 $1.442695020e+00, v3  }
0x52e: {  	[tilespmem:s29+$0xFFFFFFA0] =	vst v4;
	v13 =	vld [tilespmem:s9+$0xFFFFFFA0];
	(erf) = vrcp.f32 v10;
	v4 =	vmul.f32 v18, v7;
	v8 =	vpop (erf);
	v6 =	vsub.f32 $0.0e+00, v6  }
0x52f: {  	[tilespmem:s29+$0x60] =	vst v18;
	v5 =	vld [tilespmem:s3+$0xFFFFFF30];
	(erf) = vpow2.f32 v3;
	v3 =	vadd.f32 $1.000000000e+00, v8  }
0x530: {  	v10 =	vld [tilespmem:s3+$0xB0];
	[tilespmem:s29+$0x20] =	vst v4;
	v8 =	vpop (erf);
	(erf) = vrcp.f32 v11  }
0x531: {  	v7 =	vld [tilespmem:s19+$0x30];
	[tilespmem:s29+$0xF0] =	vst v8;
	(erf) = vrcp.f32 v3  }
0x532: {  	v4 =	vld [tilespmem:s3+$0xFFFFFFF0];
	v11 =	vadd.f32 $1.000000000e+00, v12;
	v3 =	vmul.f32 $1.442695020e+00, v6;
	v6 =	vpop (erf)  }
0x533: {  	v6 =	vadd.f32 $1.000000000e+00, v6  }
0x534: {  	(erf) = vrcp.f32 v11  }
0x535: {  	(erf) = vpow2.f32 v3  }
0x536: {  	v3 =	vld [tilespmem:s9+$0xA0];
	(erf) = vrcp.f32 v6  }
0x537: {  	v6 =	vpop (erf)  }
0x538: {  	v11 =	vpop (erf)  }
0x539: {  	v12 =	vpop (erf)  }
0x53a: {  	v14 =	vpop (erf)  }
0x53b: {  	v3 =	vmul.f32 v14, v3;
	_ =	sdelay $0x1  }
0x53c: {  	[tilespmem:s8+$0xE0] =	vst v14;
	v15 =	vpop (erf)  }
0x53d: {  	v14 =	vpop (erf);
	[tilespmem:s8+$0xA0] =	vst v3  }
0x53e: {  	v16 =	vld [tilespmem:s9+$0xF0];
	v3 =	vpop (erf)  }
0x53f: {  	v17 =	vld [tilespmem:s16+$0xB0];
	v9 =	vmul.f32 v3, v9  }
0x540: {  	[tilespmem:s8+$0xFFFFFF60] =	vst v3;
	v3 =	vadd.f32 $1.000000000e+00, v11;
	v11 =	vld [tilespmem:s13+$0xFFFFFFB0]  }
0x541: {  	v18 =	vld [tilespmem:s3+$0x70];
	[tilespmem:s8+$0xFFFFFF20] =	vst v9  }
0x542: {  	v14 =	vadd.f32 $1.000000000e+00, v14;
	(erf) = vrcp.f32 v3;
	v9 =	vld [tilespmem:s9+$0xFFFFFF70]  }
0x543: {  	v3 =	vld [tilespmem:s16+$0xFFFFFF30]  }
0x544: {  	(erf) = vrcp.f32 v14;
	v14 =	vld [tilespmem:s13+$0x30];
	v16 =	vadd.f32 v17, v16  }
0x545: {  	v4 =	vadd.f32 v11, v4  }
0x546: {  	v11 =	vsub.f32 $0.0e+00, v16  }
0x547: {  	v4 =	vsub.f32 $0.0e+00, v4  }
0x548: {  	v11 =	vmul.f32 $1.442695020e+00, v11;
	v3 =	vadd.f32 v3, v9  }
0x549: {  	v9 =	vld [tilespmem:s9+$0x20];
	v14 =	vadd.f32 v14, v18;
	v4 =	vmul.f32 $1.442695020e+00, v4  }
0x54a: {  	(erf) = vpow2.f32 v11;
	v3 =	vsub.f32 $0.0e+00, v3  }
0x54b: {  	v11 =	vsub.f32 $0.0e+00, v14;
	v16 =	vpop (erf)  }
0x54c: {  	v3 =	vmul.f32 $1.442695020e+00, v3;
	v13 =	vmul.f32 v16, v13  }
0x54d: {  	(erf) = vpow2.f32 v4;
	v11 =	vmul.f32 $1.442695020e+00, v11;
	[tilespmem:s8+$0xFFFFFFE0] =	vst v16;
	v4 =	vpop (erf)  }
0x54e: {  	(erf) = vpow2.f32 v3;
	[tilespmem:s8+$0xFFFFFFA0] =	vst v13;
	v3 =	vmul.f32 v4, v9  }
0x54f: {  	[tilespmem:s8+$0x60] =	vst v4;
	(erf) = vpow2.f32 v11;
	v4 =	vld [tilespmem:s16+$0xFFFFFFB0]  }
0x550: {  	[tilespmem:s8+$0x20] =	vst v3;
	v3 =	vld [tilespmem:s9+$0xFFFFFFF0]  }
0x551: {  	v9 =	vld [tilespmem:s9+$0x70]  }
0x552: {  	v11 =	vld [tilespmem:s16+$0x30]  }
0x553: {  	v13 =	vpop (erf)  }
0x554: {  	v13 =	vadd.f32 $1.000000000e+00, v13;
	_ =	sdelay $0x1  }
0x555: {  	v14 =	vpop (erf);
	v3 =	vadd.f32 v4, v3  }
0x556: {  	v4 =	vadd.f32 $1.000000000e+00, v14;
	v9 =	vadd.f32 v11, v9;
	v16 =	vpop (erf)  }
0x557: {  	(erf) = vrcp.f32 v13;
	v3 =	vsub.f32 $0.0e+00, v3;
	v14 =	vadd.f32 $1.000000000e+00, v16;
	v13 =	vpop (erf)  }
0x558: {  	(erf) = vrcp.f32 v4;
	v4 =	vadd.f32 $1.000000000e+00, v13  }
0x559: {  	v9 =	vsub.f32 $0.0e+00, v9;
	v3 =	vmul.f32 $1.442695020e+00, v3;
	(erf) = vrcp.f32 v14  }
0x55a: {  	(erf) = vrcp.f32 v4  }
0x55b: {  	v4 =	vmul.f32 $1.442695020e+00, v9;
	(erf) = vpow2.f32 v3;
	_ =	sdelay $0x1  }
0x55c: {  	(erf) = vpow2.f32 v4;
	_ =	sdelay $0x1  }
0x55d: {  	v4 =	vmul.f32 v8, v10  }
0x55e: {  	v3 =	vpop (erf)  }
0x55f: {  	v8 =	vpop (erf)  }
0x560: {  	v9 =	vpop (erf)  }
0x561: {  	v2 =	vmul.f32 v6, v2;
	[tilespmem:s29+$0xB0] =	vst v4;
	v4 =	vpop (erf)  }
0x562: {  	[tilespmem:s0+$0xFFFFFFF0] =	vst v6;
	v6 =	vld [tilespmem:s9+$0xB0];
	v10 =	vpop (erf)  }
0x563: {  	[tilespmem:s0+$0xFFFFFFB0] =	vst v2;
	v2 =	vmul.f32 v12, v5;
	v5 =	vadd.f32 $1.000000000e+00, v10  }
0x564: {  	[tilespmem:s29+$0xFFFFFF70] =	vst v12;
	v10 =	vld [tilespmem:s3+$0xFFFFFFB0];
	v11 =	vpop (erf)  }
0x565: {  	[tilespmem:s29+$0xFFFFFF30] =	vst v2;
	v2 =	vmul.f32 v15, v7;
	(erf) = vrcp.f32 v5;
	v5 =	vadd.f32 $1.000000000e+00, v11  }
0x566: {  	[tilespmem:s0+$0x70] =	vst v15;
	v7 =	vld [tilespmem:s9+$0xFFFFFF30]  }
0x567: {  	[tilespmem:s0+$0x30] =	vst v2;
	v2 =	vmul.f32 v3, v6;
	(erf) = vrcp.f32 v5  }
0x568: {  	[tilespmem:s8+$0xF0] =	vst v3;
	v5 =	vld [tilespmem:s3+$0x30]  }
0x569: {  	[tilespmem:s8+$0xB0] =	vst v2;
	v2 =	vmul.f32 v8, v10  }
0x56a: {  	v3 =	vld [tilespmem:s9+$0xFFFFFFB0];
	[tilespmem:s8+$0xFFFFFF70] =	vst v9  }
0x56b: {  	[tilespmem:s29+$0xFFFFFFB0] =	vst v2;
	v2 =	vmul.f32 v9, v7  }
0x56c: {  	v6 =	vld [tilespmem:s9+$0x30];
	[tilespmem:s29+$0xFFFFFFF0] =	vst v8  }
0x56d: {  	[tilespmem:s8+$0xFFFFFF30] =	vst v2;
	v2 =	vmul.f32 v4, v5  }
0x56e: {  	[tilespmem:s29+$0x70] =	vst v4;
	v4 =	vpop (erf)  }
0x56f: {  	[tilespmem:s29+$0x30] =	vst v2;
	v2 =	vmul.f32 v4, v3  }
0x570: {  	[tilespmem:s8+$0xFFFFFFF0] =	vst v4;
	v3 =	vpop (erf)  }
0x571: {  	[tilespmem:s8+$0xFFFFFFB0] =	vst v2;
	v2 =	vmul.f32 v3, v6  }
0x572: {  	[tilespmem:s8+$0x70] =	vst v3  }
0x573: {  	[tilespmem:s8+$0x30] =	vst v2  }
0x574: {  	v2 =	vld [tilespmem:$0x300]  }
0x575: {  	v3 =	vld [tilespmem:$0x310];
	_ =	sdelay $0x3  }
0x576: {  	[tilespmem:$0x400] =	vst v2  }
0x577: {  	s14 =	simm.s32 $0x8500;
	s15 =	simm.s32 $0x400;
	s0 =	simm.s32 @p0 $0x8;
	[tilespmem:$0x410] =	vst v3  }
0x578: {  	[spmem:s2] =	stream.indirect.scatter.add.f32 [tilespmem:s14], [sflag:$0xD], $0x80, s15, s11, $0xb8;
	[tilespmem:$0x1E500] =	vst v63  }
0x579: {  	_ =	swait.ge @p0 [sflag:s0], $0x1000  }
0x57a: {  	[sflag:s0] =	ssyncset.done @p0 $0x0  }
0x57b: {  	[sflag:s0] =	ssyncadd.s32 @p0 $0xFFFFF000;
	s0 =	simm.s32 @p0 $0xC  }
0x57c: {  	_ =	swait.ge @p0 [sflag:s0], $0x1000  }
0x57d: {  	s3 =	rddreg [dreg:$0x10]  }
0x57e: {  	[sflag:s0] =	ssyncset.done @p0 $0x0;
	s3 =	sadd.s32 @!p0 s17, s3  }
0x57f: {  	[sflag:s0] =	ssyncadd.s32 @p0 $0xFFFFF000;
	s0 =	sshrl.u32 @!p0 s3, $0x3  }
0x580: {  	s9 =	simm.s32 @!p0 $0x100;
	s8 =	simm.s32 @!p0 $0x0;
	s3 =	sadd.s32 @!p0 s6, s0  }
0x581: {  	[tilespmem:s9], [sflag:$0x3] =	stream.linear.gather @!p0 [hbm4b:s3+s8], $0x20, $0x38;
	[tilespmem:$0x1E500] =	vst v63  }
0x582: {  	s0 =	sadd.s32 @!p0 s7, s0;
	s3 =	simm.s32 @!p0 $0x300  }
0x583: {  	[tilespmem:s3], [sflag:$0x3] =	stream.linear.gather @!p0 [hbm4b:s0+s8], $0x20, $0x38;
	[tilespmem:$0x1E500] =	vst v63  }
0x584: {  	s0 =	simm.s32 @!p0 $0x8  }
0x585: {  	_ =	swait.ge @!p0 [sflag:s0], $0x1000  }
0x586: {  	[sflag:s0] =	ssyncset.done @!p0 $0x0  }
0x587: {  	[sflag:s0] =	ssyncadd.s32 @!p0 $0xFFFFF000;
	s0 =	simm.s32 @!p0 $0xC  }
0x588: {  	_ =	swait.ge @!p0 [sflag:s0], $0x1000  }
0x589: {  	[sflag:s0] =	ssyncset.done @!p0 $0x0  }
0x58a: {  	[sflag:s0] =	ssyncadd.s32 @!p0 $0xFFFFF000;
	s0 =	simm.s32 @!p0 $0x3  }
0x58b: {  	_ =	swait.ge @!p0 [sflag:s0], $0x20  }
0x58c: {  	[sflag:s0] =	ssyncset.done @!p0 $0x0  }
0x58d: {  	[sflag:s0] =	ssyncadd.s32 @!p0 $0xFFFFFFE0  }
0x58e: {  	_ =	swait.ge @!p0 [sflag:s0], $0x20  }
0x58f: {  	[sflag:s0] =	ssyncset.done @!p0 $0x0  }
0x590: {  	[sflag:s0] =	ssyncadd.s32 @!p0 $0xFFFFFFE0  }
0x591: {  	v2 =	vld @!p0 [tilespmem:$0x100]  }
0x592: {  	v3 =	vld @!p0 [tilespmem:$0x110];
	_ =	sdelay $0x3  }
0x593: {  	v2 =	vadd.s32 @!p0 v0, v2  }
0x594: {  	[tilespmem:$0x100] =	vst @!p0 v2;
	v2 =	vadd.s32 @!p0 v0, v3  }
0x595: {  	s8 =	simm.s32 @!p0 $0x2500;
	s0 =	simm.s32 @!p0 $0x20;
	[tilespmem:$0x110] =	vst @!p0 v2  }
0x596: {  	[tilespmem:s8], [sflag:$0x7] =	stream.indirect.gather @!p0 [hbm4b:s5+s0], $0x80, s9, s0, $0xb8;
	[tilespmem:$0x1E500] =	vst v63  }
0x597: {  	s8 =	simm.s32 @!p0 $0x6500  }
0x598: {  	[tilespmem:s8], [sflag:$0xB] =	stream.indirect.gather @!p0 [hbm4b:s1+s0], $0x80, s3, s0, $0xb8;
	[tilespmem:$0x1E500] =	vst v63  }
0x599: {  	_ =	swait.ge [sflag:s22], $0x1000  }
0x59a: {  	[sflag:s22] =	ssyncset.done $0x0  }
0x59b: {  	s16 =	simm.s32 $0x3600;
	[sflag:s22] =	ssyncadd.s32 $0xFFFFF000  }
0x59c: {  	v2 =	vld [tilespmem:s16+$0xC0]  }
0x59d: {  	v3 =	vld [tilespmem:s26+$0x80];
	_ =	sdelay $0x1  }
0x59e: {  	v4 =	vld [tilespmem:s16+$0xFFFFFF40]  }
0x59f: {  	v5 =	vld [tilespmem:s26+$0xFFFFFF00]  }
0x5a0: {  	v6 =	vld [tilespmem:s26+$0xFFFFFF80]  }
0x5a1: {  	v7 =	vld [tilespmem:s16+$0x40];
	v2 =	vadd.f32 v3, v2  }
0x5a2: {  	v3 =	vld [tilespmem:s16+$0xFFFFFFC0]  }
0x5a3: {  	v8 =	vld [tilespmem:s26+$0x0];
	v2 =	vsub.f32 $0.0e+00, v2;
	_ =	sdelay $0x1  }
0x5a4: {  	v2 =	vmul.f32 $1.442695020e+00, v2  }
0x5a5: {  	v4 =	vadd.f32 v5, v4  }
0x5a6: {  	v3 =	vadd.f32 v6, v3;
	(erf) = vpow2.f32 v2  }
0x5a7: {  	v2 =	vsub.f32 $0.0e+00, v4;
	v4 =	vadd.f32 v8, v7  }
0x5a8: {  	v3 =	vsub.f32 $0.0e+00, v3  }
0x5a9: {  	v2 =	vmul.f32 $1.442695020e+00, v2;
	v4 =	vsub.f32 $0.0e+00, v4  }
0x5aa: {  	v3 =	vmul.f32 $1.442695020e+00, v3  }
0x5ab: {  	(erf) = vpow2.f32 v2;
	v2 =	vmul.f32 $1.442695020e+00, v4;
	_ =	sdelay $0x1  }
0x5ac: {  	(erf) = vpow2.f32 v3;
	_ =	sdelay $0x1  }
0x5ad: {  	(erf) = vpow2.f32 v2;
	v2 =	vpop (erf)  }
0x5ae: {  	v2 =	vadd.f32 $1.000000000e+00, v2;
	_ =	sdelay $0x2  }
0x5af: {  	(erf) = vrcp.f32 v2  }
0x5b0: {  	v2 =	vpop (erf)  }
0x5b1: {  	v2 =	vadd.f32 $1.000000000e+00, v2  }
0x5b2: {  	v3 =	vpop (erf)  }
0x5b3: {  	v3 =	vadd.f32 $1.000000000e+00, v3;
	(erf) = vrcp.f32 v2  }
0x5b4: {  	v2 =	vld [tilespmem:s16+$0x80]  }
0x5b5: {  	v4 =	vpop (erf);
	(erf) = vrcp.f32 v3  }
0x5b6: {  	v4 =	vadd.f32 $1.000000000e+00, v4;
	_ =	sdelay $0x1  }
0x5b7: {  	(erf) = vrcp.f32 v4;
	v4 =	vld [tilespmem:s16+$0xFFFFFF00];
	v3 =	vpop (erf)  }
0x5b8: {  	s18 =	simm.s32 $0x9600;
	v2 =	vmul.f32 v3, v2  }
0x5b9: {  	v5 =	vld [tilespmem:s16+$0xFFFFFF80];
	[tilespmem:s18+$0xC0] =	vst v3  }
0x5ba: {  	v3 =	vld [tilespmem:s16+$0x0];
	[tilespmem:s18+$0x80] =	vst v2  }
0x5bb: {  	v2 =	vld [tilespmem:s16+$0xD0];
	v6 =	vpop (erf)  }
0x5bc: {  	v7 =	vld [tilespmem:s26+$0x90];
	v4 =	vmul.f32 v6, v4  }
0x5bd: {  	[tilespmem:s18+$0xFFFFFF40] =	vst v6;
	v6 =	vpop (erf)  }
0x5be: {  	v5 =	vmul.f32 v6, v5;
	[tilespmem:s18+$0xFFFFFF00] =	vst v4  }
0x5bf: {  	[tilespmem:s18+$0xFFFFFFC0] =	vst v6;
	v6 =	vld [tilespmem:s16+$0xFFFFFF50]  }
0x5c0: {  	s19 =	simm.s32 $0x3800;
	[tilespmem:s18+$0xFFFFFF80] =	vst v5;
	v5 =	vld [tilespmem:s26+$0xFFFFFF10];
	v4 =	vpop (erf)  }
0x5c1: {  	v9 =	vld [tilespmem:s19+$0xC0];
	v2 =	vadd.f32 v7, v2;
	v3 =	vmul.f32 v4, v3  }
0x5c2: {  	[tilespmem:s18+$0x40] =	vst v4;
	v4 =	vld [tilespmem:s16+$0xFFFFFFD0]  }
0x5c3: {  	v2 =	vsub.f32 $0.0e+00, v2;
	[tilespmem:s18+$0x0] =	vst v3;
	v3 =	vld [tilespmem:s26+$0xFFFFFF90]  }
0x5c4: {  	v7 =	vld [tilespmem:s16+$0x50]  }
0x5c5: {  	s12 =	sadd.s32 $0x200, s26;
	v2 =	vmul.f32 $1.442695020e+00, v2;
	v8 =	vld [tilespmem:s26+$0x10];
	v5 =	vadd.f32 v5, v6  }
0x5c6: {  	v6 =	vld [tilespmem:s12+$0x80]  }
0x5c7: {  	(erf) = vpow2.f32 v2;
	v2 =	vsub.f32 $0.0e+00, v5  }
0x5c8: {  	v5 =	vld [tilespmem:s19+$0xFFFFFF40]  }
0x5c9: {  	v3 =	vadd.f32 v3, v4;
	v4 =	vld [tilespmem:s12+$0xFFFFFF00];
	v2 =	vmul.f32 $1.442695020e+00, v2;
	_ =	sdelay $0x1  }
0x5ca: {  	v7 =	vadd.f32 v8, v7;
	v8 =	vld [tilespmem:s19+$0xFFFFFFC0];
	v6 =	vadd.f32 v6, v9;
	(erf) = vpow2.f32 v2  }
0x5cb: {  	v9 =	vld [tilespmem:s12+$0xFFFFFF80];
	v3 =	vsub.f32 $0.0e+00, v3  }
0x5cc: {  	v2 =	vsub.f32 $0.0e+00, v7;
	v6 =	vsub.f32 $0.0e+00, v6;
	v7 =	vld [tilespmem:s19+$0x40]  }
0x5cd: {  	v3 =	vmul.f32 $1.442695020e+00, v3;
	v4 =	vadd.f32 v4, v5;
	v5 =	vld [tilespmem:s12+$0x0]  }
0x5ce: {  	v2 =	vmul.f32 $1.442695020e+00, v2  }
0x5cf: {  	(erf) = vpow2.f32 v3;
	v3 =	vmul.f32 $1.442695020e+00, v6  }
0x5d0: {  	v6 =	vpop (erf);
	(erf) = vpow2.f32 v2;
	v2 =	vsub.f32 $0.0e+00, v4;
	v4 =	vadd.f32 v9, v8  }
0x5d1: {  	v6 =	vadd.f32 $1.000000000e+00, v6;
	(erf) = vpow2.f32 v3  }
0x5d2: {  	v3 =	vsub.f32 $0.0e+00, v4;
	v2 =	vmul.f32 $1.442695020e+00, v2;
	v4 =	vadd.f32 v5, v7  }
0x5d3: {  	(erf) = vrcp.f32 v6;
	v5 =	vpop (erf)  }
0x5d4: {  	(erf) = vpow2.f32 v2;
	v2 =	vsub.f32 $0.0e+00, v4;
	v4 =	vadd.f32 $1.000000000e+00, v5  }
0x5d5: {  	v3 =	vmul.f32 $1.442695020e+00, v3;
	_ =	sdelay $0x1  }
0x5d6: {  	(erf) = vpow2.f32 v3  }
0x5d7: {  	v2 =	vmul.f32 $1.442695020e+00, v2;
	(erf) = vrcp.f32 v4;
	v4 =	vpop (erf)  }
0x5d8: {  	v3 =	vld [tilespmem:s16+$0x90];
	v4 =	vadd.f32 $1.000000000e+00, v4;
	_ =	sdelay $0x1  }
0x5d9: {  	(erf) = vpow2.f32 v2;
	v5 =	vpop (erf)  }
0x5da: {  	v2 =	vpop (erf);
	v5 =	vadd.f32 $1.000000000e+00, v5  }
0x5db: {  	(erf) = vrcp.f32 v4;
	v2 =	vadd.f32 $1.000000000e+00, v2;
	v4 =	vpop (erf)  }
0x5dc: {  	(erf) = vrcp.f32 v5;
	v5 =	vld [tilespmem:s16+$0xFFFFFF10];
	v3 =	vmul.f32 v4, v3  }
0x5dd: {  	(erf) = vrcp.f32 v2;
	[tilespmem:s18+$0xD0] =	vst v4;
	v4 =	vpop (erf)  }
0x5de: {  	v2 =	vld [tilespmem:s16+$0xFFFFFF90];
	[tilespmem:s18+$0x90] =	vst v3;
	v3 =	vadd.f32 $1.000000000e+00, v4  }
0x5df: {  	v6 =	vpop (erf);
	v4 =	vld [tilespmem:s16+$0xE0]  }
0x5e0: {  	v9 =	vpop (erf);
	v7 =	vld [tilespmem:s26+$0xA0];
	(erf) = vrcp.f32 v3;
	v3 =	vadd.f32 $1.000000000e+00, v6  }
0x5e1: {  	v10 =	vld [tilespmem:s19+$0xFFFFFF00];
	v5 =	vmul.f32 v9, v5  }
0x5e2: {  	[tilespmem:s18+$0xFFFFFF50] =	vst v9;
	v9 =	vpop (erf);
	v6 =	vld [tilespmem:s19+$0x80]  }
0x5e3: {  	v11 =	vld [tilespmem:s16+$0x10];
	v9 =	vadd.f32 $1.000000000e+00, v9;
	[tilespmem:s18+$0xFFFFFF10] =	vst v5;
	(erf) = vrcp.f32 v3  }
0x5e4: {  	v5 =	vld [tilespmem:s16+$0xFFFFFF60];
	v3 =	vpop (erf)  }
0x5e5: {  	(erf) = vrcp.f32 v9;
	v9 =	vld [tilespmem:s26+$0xFFFFFF20];
	v4 =	vadd.f32 v7, v4;
	v2 =	vmul.f32 v3, v2;
	v7 =	vpop (erf)  }
0x5e6: {  	v12 =	vld [tilespmem:s19+$0x0];
	[tilespmem:s18+$0xFFFFFFD0] =	vst v3;
	v3 =	vpop (erf)  }
0x5e7: {  	s0 =	simm.s32 $0x9800;
	v8 =	vld [tilespmem:s19+$0xFFFFFF80];
	[tilespmem:s18+$0xFFFFFF90] =	vst v2;
	v2 =	vmul.f32 v3, v6  }
0x5e8: {  	v4 =	vsub.f32 $0.0e+00, v4;
	[tilespmem:s0+$0xC0] =	vst v3;
	v6 =	vld [tilespmem:s16+$0xFFFFFFE0]  }
0x5e9: {  	v3 =	vmul.f32 v7, v11;
	v11 =	vld [tilespmem:s26+$0xFFFFFFA0];
	[tilespmem:s0+$0x80] =	vst v2  }
0x5ea: {  	[tilespmem:s18+$0x50] =	vst v7;
	v5 =	vadd.f32 v9, v5;
	v2 =	vmul.f32 $1.442695020e+00, v4;
	v7 =	vpop (erf);
	v4 =	vld [tilespmem:s19+$0xD0]  }
0x5eb: {  	[tilespmem:s18+$0x10] =	vst v3;
	v3 =	vmul.f32 v7, v10;
	v9 =	vld [tilespmem:s12+$0x90]  }
0x5ec: {  	[tilespmem:s0+$0xFFFFFF40] =	vst v7;
	v5 =	vsub.f32 $0.0e+00, v5;
	(erf) = vpow2.f32 v2;
	v2 =	vld [tilespmem:s16+$0x60];
	v7 =	vpop (erf)  }
0x5ed: {  	[tilespmem:s0+$0xFFFFFF00] =	vst v3;
	v3 =	vld [tilespmem:s26+$0x20];
	v8 =	vmul.f32 v7, v8  }
0x5ee: {  	[tilespmem:s0+$0xFFFFFFC0] =	vst v7;
	v5 =	vmul.f32 $1.442695020e+00, v5;
	v10 =	vld [tilespmem:s19+$0xFFFFFF50]  }
0x5ef: {  	v7 =	vpop (erf);
	v6 =	vadd.f32 v11, v6;
	v11 =	vld [tilespmem:s12+$0xFFFFFF10];
	[tilespmem:s0+$0xFFFFFF80] =	vst v8  }
0x5f0: {  	v8 =	vmul.f32 v7, v12;
	(erf) = vpow2.f32 v5;
	v5 =	vld [tilespmem:s19+$0xFFFFFFD0]  }
0x5f1: {  	[tilespmem:s0+$0x40] =	vst v7;
	v4 =	vadd.f32 v9, v4;
	v7 =	vld [tilespmem:s12+$0xFFFFFF90]  }
0x5f2: {  	v6 =	vsub.f32 $0.0e+00, v6;
	[tilespmem:s0+$0x0] =	vst v8  }
0x5f3: {  	v4 =	vsub.f32 $0.0e+00, v4;
	v2 =	vadd.f32 v3, v2;
	v3 =	vld [tilespmem:s19+$0x50]  }
0x5f4: {  	s13 =	sadd.s32 $0x200, s12;
	v6 =	vmul.f32 $1.442695020e+00, v6;
	v9 =	vld [tilespmem:s12+$0x10];
	v8 =	vadd.f32 v11, v10  }
0x5f5: {  	s3 =	simm.s32 $0x3A00;
	v11 =	vld [tilespmem:s13+$0x80];
	v4 =	vmul.f32 $1.442695020e+00, v4;
	v2 =	vsub.f32 $0.0e+00, v2  }
0x5f6: {  	(erf) = vpow2.f32 v6;
	v6 =	vld [tilespmem:s3+$0xC0];
	v10 =	vpop (erf);
	v8 =	vsub.f32 $0.0e+00, v8;
	v5 =	vadd.f32 v7, v5  }
0x5f7: {  	v7 =	vld [tilespmem:s13+$0xFFFFFF00];
	v10 =	vadd.f32 $1.000000000e+00, v10;
	(erf) = vpow2.f32 v4;
	v2 =	vmul.f32 $1.442695020e+00, v2  }
0x5f8: {  	v4 =	vld [tilespmem:s3+$0xFFFFFF40]  }
0x5f9: {  	v8 =	vmul.f32 $1.442695020e+00, v8;
	(erf) = vrcp.f32 v10  }
0x5fa: {  	v3 =	vadd.f32 v9, v3;
	v9 =	vld [tilespmem:s13+$0xFFFFFF80];
	(erf) = vpow2.f32 v2  }
0x5fb: {  	v5 =	vsub.f32 $0.0e+00, v5;
	v10 =	vld [tilespmem:s3+$0xFFFFFFC0];
	v6 =	vadd.f32 v11, v6;
	v2 =	vpop (erf);
	(erf) = vpow2.f32 v8  }
0x5fc: {  	v3 =	vsub.f32 $0.0e+00, v3;
	v11 =	vld [tilespmem:s3+$0x40];
	v2 =	vadd.f32 $1.000000000e+00, v2  }
0x5fd: {  	v5 =	vmul.f32 $1.442695020e+00, v5;
	v8 =	vld [tilespmem:s16+$0xA0];
	v4 =	vadd.f32 v7, v4  }
0x5fe: {  	v7 =	vld [tilespmem:s13+$0x0];
	v3 =	vmul.f32 $1.442695020e+00, v3;
	(erf) = vrcp.f32 v2;
	v2 =	vsub.f32 $0.0e+00, v6  }
0x5ff: {  	v6 =	vpop (erf);
	v4 =	vsub.f32 $0.0e+00, v4;
	(erf) = vpow2.f32 v5  }
0x600: {  	v5 =	vadd.f32 $1.000000000e+00, v6;
	v6 =	vadd.f32 v9, v10;
	v2 =	vmul.f32 $1.442695020e+00, v2;
	v9 =	vpop (erf)  }
0x601: {  	(erf) = vpow2.f32 v3;
	v9 =	vadd.f32 $1.000000000e+00, v9  }
0x602: {  	v4 =	vmul.f32 $1.442695020e+00, v4;
	v6 =	vsub.f32 $0.0e+00, v6;
	v3 =	vpop (erf);
	(erf) = vpow2.f32 v2  }
0x603: {  	v7 =	vadd.f32 v7, v11;
	v2 =	vmul.f32 v3, v8;
	(erf) = vrcp.f32 v9;
	[tilespmem:s18+$0xE0] =	vst v3;
	v3 =	vpop (erf)  }
0x604: {  	v6 =	vmul.f32 $1.442695020e+00, v6;
	v8 =	vpop (erf);
	(erf) = vrcp.f32 v5  }
0x605: {  	v10 =	vld [tilespmem:s16+$0xFFFFFF20];
	v5 =	vsub.f32 $0.0e+00, v7;
	[tilespmem:s18+$0xA0] =	vst v2;
	(erf) = vpow2.f32 v4;
	v2 =	vadd.f32 $1.000000000e+00, v8  }
0x606: {  	v4 =	vld [tilespmem:s16+$0xF0];
	(erf) = vpow2.f32 v6  }
0x607: {  	v6 =	vld [tilespmem:s26+$0xB0];
	v8 =	vpop (erf);
	(erf) = vrcp.f32 v2;
	v2 =	vmul.f32 $1.442695020e+00, v5  }
0x608: {  	v3 =	vadd.f32 $1.000000000e+00, v3  }
0x609: {  	v5 =	vld [tilespmem:s19+$0x90];
	v11 =	vpop (erf)  }
0x60a: {  	(erf) = vrcp.f32 v3;
	v10 =	vmul.f32 v8, v10;
	v3 =	vadd.f32 $1.000000000e+00, v11  }
0x60b: {  	(erf) = vpow2.f32 v2;
	v2 =	vpop (erf)  }
0x60c: {  	(erf) = vrcp.f32 v3;
	v3 =	vadd.f32 v6, v4;
	v15 =	vpop (erf)  }
0x60d: {  	v12 =	vld [tilespmem:s16+$0xFFFFFFA0];
	v16 =	vadd.f32 $1.000000000e+00, v2;
	v4 =	vadd.f32 $1.000000000e+00, v15;
	v6 =	vpop (erf)  }
0x60e: {  	v14 =	vld [tilespmem:s19+$0xFFFFFF90];
	[tilespmem:s18+$0xFFFFFF20] =	vst v10;
	v5 =	vmul.f32 v6, v5;
	v10 =	vpop (erf)  }
0x60f: {  	[tilespmem:s18+$0xFFFFFF60] =	vst v8;
	v11 =	vld [tilespmem:s19+$0xFFFFFF10];
	v3 =	vsub.f32 $0.0e+00, v3;
	(erf) = vrcp.f32 v16;
	v8 =	vpop (erf)  }
0x610: {  	v15 =	vld [tilespmem:s16+$0xFFFFFF70];
	(erf) = vrcp.f32 v4;
	[tilespmem:s0+$0x90] =	vst v5;
	v5 =	vadd.f32 $1.000000000e+00, v8  }
0x611: {  	[tilespmem:s0+$0xD0] =	vst v6;
	v6 =	vld [tilespmem:s26+$0xFFFFFF30];
	v3 =	vmul.f32 $1.442695020e+00, v3;
	v4 =	vpop (erf)  }
0x612: {  	v16 =	vld [tilespmem:s19+$0xE0];
	v18 =	vpop (erf)  }
0x613: {  	v19 =	vld [tilespmem:s12+$0xA0];
	(erf) = vpow2.f32 v3;
	v3 =	vmul.f32 v10, v12;
	v12 =	vadd.f32 $1.000000000e+00, v4;
	v4 =	vpop (erf)  }
0x614: {  	(erf) = vrcp.f32 v5;
	v5 =	vpop (erf)  }
0x615: {  	v11 =	vmul.f32 v18, v11;
	[tilespmem:s0+$0xFFFFFF50] =	vst v18;
	v18 =	vld [tilespmem:s3+$0x80];
	v5 =	vadd.f32 $1.000000000e+00, v5  }
0x616: {  	[tilespmem:s18+$0xFFFFFFA0] =	vst v3;
	v3 =	vadd.f32 v6, v15  }
0x617: {  	v13 =	vld [tilespmem:s3+$0xFFFFFF00];
	(erf) = vrcp.f32 v12;
	v6 =	vpop (erf)  }
0x618: {  	v17 =	vld [tilespmem:s19+$0x10];
	v12 =	vmul.f32 v6, v14;
	v14 =	vsub.f32 $0.0e+00, v3;
	v15 =	vadd.f32 v19, v16;
	v16 =	vpop (erf)  }
0x619: {  	v9 =	vld [tilespmem:s3+$0xFFFFFF80];
	[tilespmem:s0+$0xFFFFFF10] =	vst v11;
	(erf) = vrcp.f32 v5;
	v5 =	vpop (erf)  }
0x61a: {  	v11 =	vld [tilespmem:s19+$0xFFFFFF60];
	[tilespmem:s0+$0xFFFFFF90] =	vst v12;
	v12 =	vmul.f32 $1.442695020e+00, v14;
	v14 =	vmul.f32 v5, v18  }
0x61b: {  	[tilespmem:s18+$0xFFFFFFE0] =	vst v10;
	v10 =	vld [tilespmem:s12+$0xFFFFFF20]  }
0x61c: {  	s29 =	simm.s32 $0x9A00;
	v7 =	vld [tilespmem:s3+$0x0];
	[tilespmem:s0+$0xFFFFFFD0] =	vst v6;
	v15 =	vsub.f32 $0.0e+00, v15  }
0x61d: {  	v17 =	vmul.f32 v16, v17;
	v19 =	vld [tilespmem:s12+$0xFFFFFFA0];
	[tilespmem:s29+$0xC0] =	vst v5  }
0x61e: {  	v18 =	vld [tilespmem:s19+$0xFFFFFFE0];
	(erf) = vpow2.f32 v12;
	v12 =	vmul.f32 $1.442695020e+00, v15;
	[tilespmem:s29+$0x80] =	vst v14;
	v14 =	vpop (erf)  }
0x61f: {  	[tilespmem:s0+$0x50] =	vst v16;
	v15 =	vld [tilespmem:s3+$0xD0];
	v16 =	vpop (erf)  }
0x620: {  	[tilespmem:s0+$0x10] =	vst v17;
	v10 =	vadd.f32 v10, v11;
	v14 =	vadd.f32 $1.000000000e+00, v14;
	v11 =	vmul.f32 v16, v13;
	v13 =	vld [tilespmem:s13+$0x90]  }
0x621: {  	[tilespmem:s29+$0xFFFFFF40] =	vst v16;
	v16 =	vld [tilespmem:s19+$0x60]  }
0x622: {  	s9 =	simm.s32 $0x3C00;
	(erf) = vpow2.f32 v12;
	v10 =	vsub.f32 $0.0e+00, v10;
	v12 =	vpop (erf);
	[tilespmem:s29+$0xFFFFFF00] =	vst v11;
	v11 =	vld [tilespmem:s12+$0x20]  }
0x623: {  	v20 =	vld [tilespmem:s9+$0x40];
	v9 =	vmul.f32 v12, v9  }
0x624: {  	v10 =	vmul.f32 $1.442695020e+00, v10;
	[tilespmem:s29+$0xFFFFFFC0] =	vst v12;
	v12 =	vadd.f32 v19, v18;
	(erf) = vrcp.f32 v14;
	v17 =	vld [tilespmem:s3+$0xFFFFFF50];
	v14 =	vpop (erf)  }
0x625: {  	[tilespmem:s29+$0xFFFFFF80] =	vst v9;
	v9 =	vld [tilespmem:s13+$0xFFFFFF10];
	v7 =	vmul.f32 v14, v7  }
0x626: {  	v2 =	vld [tilespmem:s16+$0x20];
	(erf) = vpow2.f32 v10;
	v12 =	vsub.f32 $0.0e+00, v12  }
0x627: {  	v18 =	vld [tilespmem:s3+$0xFFFFFFD0];
	[tilespmem:s29+$0x40] =	vst v14;
	v13 =	vadd.f32 v13, v15;
	v11 =	vadd.f32 v11, v16  }
0x628: {  	v10 =	vmul.f32 $1.442695020e+00, v12;
	v12 =	vld [tilespmem:s13+$0xFFFFFF90];
	[tilespmem:s29+$0x0] =	vst v7  }
0x629: {  	v13 =	vsub.f32 $0.0e+00, v13;
	v15 =	vld [tilespmem:s3+$0x50];
	v7 =	vpop (erf);
	v11 =	vsub.f32 $0.0e+00, v11  }
0x62a: {  	(erf) = vpow2.f32 v10;
	v10 =	vld [tilespmem:s13+$0x10];
	v9 =	vadd.f32 v9, v17;
	v7 =	vadd.f32 $1.000000000e+00, v7  }
0x62b: {  	v19 =	vld [tilespmem:s9+$0xFFFFFFC0];
	v13 =	vmul.f32 $1.442695020e+00, v13;
	v16 =	vpop (erf);
	v11 =	vmul.f32 $1.442695020e+00, v11  }
0x62c: {  	s30 =	sadd.s32 $0x200, s13;
	v17 =	vld [tilespmem:s9+$0xC0];
	v16 =	vadd.f32 $1.000000000e+00, v16;
	v9 =	vsub.f32 $0.0e+00, v9;
	(erf) = vrcp.f32 v7  }
0x62d: {  	v7 =	vld [tilespmem:s30+$0x80];
	(erf) = vpow2.f32 v13  }
0x62e: {  	v12 =	vadd.f32 v12, v18;
	v18 =	vpop (erf);
	v13 =	vld [tilespmem:s9+$0xFFFFFF40];
	v9 =	vmul.f32 $1.442695020e+00, v9;
	(erf) = vrcp.f32 v16  }
0x62f: {  	v10 =	vadd.f32 v10, v15;
	v16 =	vld [tilespmem:s30+$0xFFFFFF00];
	(erf) = vpow2.f32 v11;
	v11 =	vpop (erf)  }
0x630: {  	v15 =	vld [tilespmem:s30+$0xFFFFFF80];
	(erf) = vpow2.f32 v9;
	v9 =	vadd.f32 $1.000000000e+00, v11  }
0x631: {  	v53 =	vld [tilespmem:s30+$0x0];
	v12 =	vsub.f32 $0.0e+00, v12;
	v10 =	vsub.f32 $0.0e+00, v10  }
0x632: {  	v54 =	vld [tilespmem:s9+$0xFFFFFF00];
	v7 =	vadd.f32 v7, v17  }
0x633: {  	v58 =	vld [tilespmem:s9+$0x80];
	v12 =	vmul.f32 $1.442695020e+00, v12;
	(erf) = vrcp.f32 v9  }
0x634: {  	v17 =	vld [tilespmem:s19+$0xA0];
	v7 =	vsub.f32 $0.0e+00, v7;
	v13 =	vadd.f32 v16, v13;
	v16 =	vmul.f32 $1.442695020e+00, v10;
	v9 =	vpop (erf)  }
0x635: {  	v8 =	vld [tilespmem:s16+$0xFFFFFF30];
	v2 =	vmul.f32 v4, v2;
	v15 =	vadd.f32 v15, v19;
	v10 =	vpop (erf)  }
0x636: {  	[tilespmem:s18+$0x60] =	vst v4;
	v6 =	vld [tilespmem:s19+$0xFFFFFF20];
	(erf) = vpow2.f32 v12;
	v7 =	vmul.f32 $1.442695020e+00, v7;
	v19 =	vpop (erf)  }
0x637: {  	v3 =	vld [tilespmem:s16+$0xFFFFFFF0];
	[tilespmem:s18+$0x20] =	vst v2;
	v15 =	vsub.f32 $0.0e+00, v15;
	(erf) = vpow2.f32 v16;
	v19 =	vadd.f32 $1.000000000e+00, v19  }
0x638: {  	v25 =	vld [tilespmem:s26+$0x30];
	v13 =	vsub.f32 $0.0e+00, v13;
	v12 =	vadd.f32 $1.000000000e+00, v9;
	(erf) = vpow2.f32 v7;
	v16 =	vpop (erf)  }
0x639: {  	v5 =	vld [tilespmem:s19+$0xFFFFFFA0];
	v17 =	vmul.f32 v16, v17;
	(erf) = vrcp.f32 v19;
	v19 =	vadd.f32 v53, v20  }
0x63a: {  	v14 =	vld [tilespmem:s16+$0xB0];
	v13 =	vmul.f32 $1.442695020e+00, v13;
	[tilespmem:s0+$0xE0] =	vst v16;
	v16 =	vpop (erf)  }
0x63b: {  	v23 =	vld [tilespmem:s3+$0xFFFFFF90];
	v15 =	vmul.f32 $1.442695020e+00, v15;
	v55 =	vpop (erf);
	[tilespmem:s0+$0xA0] =	vst v17;
	(erf) = vrcp.f32 v12;
	v17 =	vsub.f32 $0.0e+00, v19  }
0x63c: {  	v12 =	vadd.f32 $1.000000000e+00, v55;
	(erf) = vpow2.f32 v13;
	v13 =	vld [tilespmem:s19+$0xF0]  }
0x63d: {  	(erf) = vpow2.f32 v15;
	v15 =	vld [tilespmem:s12+$0xB0];
	v4 =	vmul.f32 $1.442695020e+00, v17  }
0x63e: {  	v11 =	vld [tilespmem:s9+$0xFFFFFF80];
	v2 =	vadd.f32 $1.000000000e+00, v16;
	v16 =	vpop (erf);
	(erf) = vrcp.f32 v12  }
0x63f: {  	v17 =	vld [tilespmem:s3+$0x90];
	v19 =	vpop (erf)  }
0x640: {  	v9 =	vld [tilespmem:s9+$0x0];
	(erf) = vrcp.f32 v2;
	v2 =	vadd.f32 $1.000000000e+00, v19  }
0x641: {  	v7 =	vld [tilespmem:s3+$0xFFFFFF10];
	v6 =	vmul.f32 v16, v6;
	(erf) = vpow2.f32 v4;
	v4 =	vpop (erf)  }
0x642: {  	v20 =	vld [tilespmem:s3+$0x10];
	[tilespmem:s0+$0xFFFFFF60] =	vst v16;
	(erf) = vrcp.f32 v2;
	v2 =	vadd.f32 v15, v13;
	v19 =	vpop (erf);
	v4 =	vadd.f32 $1.000000000e+00, v4  }
0x643: {  	v16 =	vld [tilespmem:s26+$0xFFFFFFB0];
	[tilespmem:s0+$0xFFFFFF20] =	vst v6;
	v13 =	vadd.f32 $1.000000000e+00, v19;
	v15 =	vpop (erf)  }
0x644: {  	v56 =	vld [tilespmem:s19+$0xFFFFFF70];
	v17 =	vmul.f32 v15, v17;
	(erf) = vrcp.f32 v4;
	v4 =	vsub.f32 $0.0e+00, v2;
	v24 =	vpop (erf)  }
0x645: {  	v8 =	vmul.f32 v10, v8;
	v19 =	vld [tilespmem:s12+$0xFFFFFF30];
	[tilespmem:s29+$0xD0] =	vst v15;
	v26 =	vpop (erf);
	(erf) = vrcp.f32 v13  }
0x646: {  	v6 =	vld [tilespmem:s16+$0x70];
	v13 =	vmul.f32 v18, v14;
	v14 =	vpop (erf);
	[tilespmem:s29+$0x90] =	vst v17;
	v15 =	vmul.f32 $1.442695020e+00, v4  }
0x647: {  	[tilespmem:s18+$0xF0] =	vst v18;
	v5 =	vmul.f32 v24, v5;
	v18 =	vld [tilespmem:s3+$0xE0];
	v57 =	vpop (erf)  }
0x648: {  	[tilespmem:s18+$0xFFFFFF30] =	vst v8;
	v17 =	vadd.f32 $1.000000000e+00, v26;
	v7 =	vmul.f32 v57, v7;
	(erf) = vpow2.f32 v15;
	v15 =	vld [tilespmem:s13+$0xA0]  }
0x649: {  	v8 =	vld [tilespmem:s19+$0xB0];
	[tilespmem:s18+$0xB0] =	vst v13;
	v13 =	vadd.f32 v16, v3  }
0x64a: {  	v12 =	vld [tilespmem:s19+$0x20];
	v14 =	vadd.f32 $1.000000000e+00, v14;
	[tilespmem:s0+$0xFFFFFFA0] =	vst v5;
	v16 =	vpop (erf);
	(erf) = vrcp.f32 v17;
	v17 =	vadd.f32 v19, v56  }
0x64b: {  	v2 =	vld [tilespmem:s19+$0xFFFFFF30];
	v5 =	vadd.f32 v25, v6;
	[tilespmem:s29+$0xFFFFFF50] =	vst v57;
	v13 =	vsub.f32 $0.0e+00, v13;
	v19 =	vpop (erf)  }
0x64c: {  	v4 =	vld [tilespmem:s16+$0xFFFFFFB0];
	[tilespmem:s29+$0xFFFFFF10] =	vst v7;
	v6 =	vadd.f32 $1.000000000e+00, v19;
	(erf) = vrcp.f32 v14;
	v17 =	vsub.f32 $0.0e+00, v17;
	v7 =	vpop (erf)  }
0x64d: {  	[tilespmem:s0+$0xFFFFFFE0] =	vst v24;
	v14 =	vld [tilespmem:s3+$0xFFFFFF60];
	v13 =	vmul.f32 $1.442695020e+00, v13;
	v23 =	vmul.f32 v7, v23;
	v15 =	vadd.f32 v15, v18;
	v18 =	vpop (erf)  }
0x64e: {  	v5 =	vsub.f32 $0.0e+00, v5;
	v19 =	vld [tilespmem:s13+$0xFFFFFF20];
	(erf) = vrcp.f32 v6;
	[tilespmem:s29+$0xFFFFFFD0] =	vst v7;
	v17 =	vmul.f32 $1.442695020e+00, v17;
	v59 =	vpop (erf)  }
0x64f: {  	s8 =	simm.s32 $0x9C00;
	v3 =	vld [tilespmem:s16+$0x30];
	(erf) = vpow2.f32 v13;
	[tilespmem:s29+$0xFFFFFF90] =	vst v23;
	v13 =	vmul.f32 v59, v58;
	v15 =	vsub.f32 $0.0e+00, v15  }
0x650: {  	v5 =	vmul.f32 $1.442695020e+00, v5;
	[tilespmem:s8+$0xC0] =	vst v59;
	v60 =	vld [tilespmem:s3+$0xFFFFFFE0]  }
0x651: {  	v20 =	vmul.f32 v18, v20;
	(erf) = vpow2.f32 v17;
	v17 =	vld [tilespmem:s13+$0xFFFFFFA0];
	[tilespmem:s8+$0x80] =	vst v13  }
0x652: {  	[tilespmem:s29+$0x50] =	vst v18;
	v13 =	vmul.f32 $1.442695020e+00, v15;
	v18 =	vld [tilespmem:s9+$0xD0]  }
0x653: {  	(erf) = vpow2.f32 v5;
	v14 =	vadd.f32 v19, v14;
	[tilespmem:s29+$0x10] =	vst v20;
	v20 =	vld [tilespmem:s30+$0x90];
	v15 =	vpop (erf)  }
0x654: {  	[tilespmem:s18+$0xFFFFFF70] =	vst v10;
	v6 =	vld [tilespmem:s19+$0xFFFFFFF0];
	v61 =	vpop (erf);
	(erf) = vpow2.f32 v13;
	v13 =	vadd.f32 $1.000000000e+00, v15  }
0x655: {  	v7 =	vld [tilespmem:s3+$0xFFFFFF20];
	v14 =	vsub.f32 $0.0e+00, v14;
	v19 =	vmul.f32 v61, v54;
	[tilespmem:s8+$0xFFFFFF40] =	vst v61;
	v15 =	vpop (erf)  }
0x656: {  	v62 =	vld [tilespmem:s3+$0x60];
	v17 =	vadd.f32 v17, v60;
	v11 =	vmul.f32 v15, v11;
	[tilespmem:s8+$0xFFFFFFC0] =	vst v15;
	(erf) = vrcp.f32 v13  }
0x657: {  	v10 =	vmul.f32 v16, v12;
	v12 =	vpop (erf);
	v13 =	vmul.f32 $1.442695020e+00, v14;
	[tilespmem:s8+$0xFFFFFF00] =	vst v19;
	v19 =	vld [tilespmem:s13+$0x20]  }
0x658: {  	v18 =	vadd.f32 v20, v18;
	v15 =	vld [tilespmem:s9+$0xFFFFFF50];
	[tilespmem:s8+$0xFFFFFF80] =	vst v11;
	v11 =	vsub.f32 $0.0e+00, v17;
	v17 =	vmul.f32 v12, v9  }
0x659: {  	v14 =	vpop (erf);
	v63 =	vld [tilespmem:s30+$0xFFFFFF10];
	(erf) = vpow2.f32 v13  }
0x65a: {  	v5 =	vld [tilespmem:s3+$0xFFFFFFA0];
	v14 =	vadd.f32 $1.000000000e+00, v14;
	v18 =	vsub.f32 $0.0e+00, v18  }
0x65b: {  	[tilespmem:s8+$0x40] =	vst v12;
	v9 =	vld [tilespmem:s9+$0xFFFFFFD0];
	v13 =	vpop (erf);
	v20 =	vmul.f32 $1.442695020e+00, v11  }
0x65c: {  	v12 =	vld [tilespmem:s30+$0xFFFFFF90];
	[tilespmem:s8+$0x0] =	vst v17;
	(erf) = vrcp.f32 v14;
	v17 =	vpop (erf);
	v19 =	vadd.f32 v19, v62  }
0x65d: {  	[tilespmem:s0+$0x20] =	vst v10;
	v14 =	vadd.f32 $1.000000000e+00, v13;
	v11 =	vld [tilespmem:s9+$0x50];
	(erf) = vpow2.f32 v20;
	v10 =	vadd.f32 $1.000000000e+00, v17  }
0x65e: {  	s14 =	simm.s32 $0xC;
	s15 =	simm.s32 $0x3E00;
	s16 =	smov.u32 s30;
	[tilespmem:s0+$0x60] =	vst v16;
	v13 =	vld [tilespmem:s30+$0x10];
	v16 =	vadd.f32 v63, v15;
	v17 =	vmul.f32 $1.442695020e+00, v18;
	v18 =	vpop (erf);
	v15 =	vsub.f32 $0.0e+00, v19  }
.LBB2_11:
0x65f: {  	v19 =	vld [tilespmem:s15+$0xC0];
	s30 =	sadd.s32 $0x200, s30;
	v18 =	vadd.f32 $1.000000000e+00, v18;
	(erf) = vrcp.f32 v14;
	v14 =	vpop (erf)  }
0x660: {  	v20 =	vld [tilespmem:s30+$0x80];
	v16 =	vsub.f32 $0.0e+00, v16;
	(erf) = vpow2.f32 v17;
	v8 =	vmul.f32 v14, v8;
	[tilespmem:s0+$0xF0] =	vst v14  }
0x661: {  	v14 =	vld [tilespmem:s15+$0xFFFFFF40];
	v9 =	vadd.f32 v12, v9;
	v12 =	vmul.f32 $1.442695020e+00, v15;
	(erf) = vrcp.f32 v18  }
0x662: {  	v15 =	vld [tilespmem:s30+$0xFFFFFF00];
	v16 =	vmul.f32 $1.442695020e+00, v16;
	v17 =	vpop (erf);
	[tilespmem:s0+$0xB0] =	vst v8;
	(erf) = vrcp.f32 v10  }
0x663: {  	s14 =	sadd.s32 $0x4, s14;
	v8 =	vld [tilespmem:s15+$0xFFFFFFC0];
	v9 =	vsub.f32 $0.0e+00, v9;
	v18 =	vadd.f32 v13, v11;
	(erf) = vpow2.f32 v12  }
0x664: {  	p1 =	slt.u32 s14, $0x1C;
	v21 =	vadd.f32 $1.000000000e+00, v17;
	v11 =	vld [tilespmem:s30+$0xFFFFFF80];
	(erf) = vpow2.f32 v16  }
0x665: {  	v13 =	vld [tilespmem:s15+$0x40];
	v16 =	vadd.f32 v20, v19;
	v19 =	vmul.f32 $1.442695020e+00, v9;
	v9 =	vsub.f32 $0.0e+00, v18;
	v10 =	vpop (erf)  }
0x666: {  	v18 =	vld [tilespmem:s3+$0xA0];
	(erf) = vrcp.f32 v21;
	v12 =	vpop (erf);
	v4 =	vmul.f32 v10, v4;
	[tilespmem:s18+$0xFFFFFFF0] =	vst v10  }
0x667: {  	v10 =	vadd.f32 v15, v14;
	v14 =	vld [tilespmem:s30+$0x0];
	v15 =	vsub.f32 $0.0e+00, v16;
	v20 =	vmul.f32 $1.442695020e+00, v9  }
0x668: {  	v12 =	vadd.f32 $1.000000000e+00, v12;
	v9 =	vld [tilespmem:s15+$0xFFFFFF80];
	(erf) = vpow2.f32 v19;
	v17 =	vpop (erf);
	[tilespmem:s18+$0xFFFFFFB0] =	vst v4  }
0x669: {  	v4 =	vsub.f32 $0.0e+00, v10;
	v11 =	vadd.f32 v11, v8;
	v8 =	vld [tilespmem:s15+$0x0];
	v15 =	vmul.f32 $1.442695020e+00, v15;
	v19 =	vpop (erf);
	[tilespmem:s0+$0xFFFFFF70] =	vst v17  }
0x66a: {  	v2 =	vmul.f32 v17, v2;
	v10 =	vld [tilespmem:s15+$0xFFFFFF00];
	v19 =	vadd.f32 $1.000000000e+00, v19;
	(erf) = vpow2.f32 v20;
	v16 =	vpop (erf)  }
0x66b: {  	v11 =	vsub.f32 $0.0e+00, v11;
	(erf) = vpow2.f32 v15;
	v15 =	vld [tilespmem:s9+$0xFFFFFF10];
	v17 =	vmul.f32 v16, v18;
	v18 =	vpop (erf)  }
0x66c: {  	v4 =	vmul.f32 $1.442695020e+00, v4;
	v13 =	vadd.f32 v14, v13;
	v14 =	vld [tilespmem:s9+$0xFFFFFF90];
	(erf) = vrcp.f32 v19;
	[tilespmem:s29+$0xE0] =	vst v16;
	v16 =	vpop (erf)  }
0x66d: {  	v21 =	vmul.f32 $1.442695020e+00, v11;
	v19 =	vld [tilespmem:s9+$0x10];
	v20 =	vpop (erf);
	v16 =	vadd.f32 $1.000000000e+00, v16;
	[tilespmem:s29+$0xA0] =	vst v17;
	(erf) = vrcp.f32 v12  }
0x66e: {  	v12 =	vsub.f32 $0.0e+00, v13;
	(erf) = vpow2.f32 v4;
	v4 =	vadd.f32 $1.000000000e+00, v20;
	v13 =	vld [tilespmem:s3+$0xF0];
	[tilespmem:s0+$0xFFFFFF30] =	vst v2  }
0x66f: {  	v3 =	vmul.f32 v18, v3;
	(erf) = vpow2.f32 v21;
	v2 =	vld [tilespmem:s13+$0xB0];
	v11 =	vpop (erf);
	[tilespmem:s18+$0x70] =	vst v18  }
0x670: {  	v20 =	vmul.f32 $1.442695020e+00, v12;
	(erf) = vrcp.f32 v4;
	[tilespmem:s29+$0xFFFFFF60] =	vst v11;
	v17 =	vld [tilespmem:s3+$0x20]  }
0x671: {  	v7 =	vmul.f32 v11, v7;
	v4 =	vld [tilespmem:s9+$0x90];
	v18 =	vpop (erf);
	(erf) = vrcp.f32 v16;
	[tilespmem:s18+$0x30] =	vst v3;
	s18 =	smov.u32 s0;
	s0 =	smov.u32 s29;
	s29 =	smov.u32 s8  }
0x672: {  	(erf) = vpow2.f32 v20;
	v3 =	vadd.f32 $1.000000000e+00, v18;
	v11 =	vld [tilespmem:s12+$0xFFFFFFB0]  }
0x673: {  	v12 =	vpop (erf);
	[tilespmem:s0+$0xFFFFFF20] =	vst v7;
	v7 =	vld [tilespmem:s19+$0x70]  }
0x674: {  	v16 =	vpop (erf);
	v12 =	vadd.f32 $1.000000000e+00, v12;
	(erf) = vrcp.f32 v3;
	v3 =	vld [tilespmem:s3+$0xFFFFFF70];
	v2 =	vadd.f32 v2, v13  }
0x675: {  	v23 =	vadd.f32 $1.000000000e+00, v16;
	v16 =	vpop (erf);
	v18 =	vld [tilespmem:s13+$0xFFFFFF30]  }
0x676: {  	v4 =	vmul.f32 v16, v4;
	(erf) = vrcp.f32 v12;
	v12 =	vsub.f32 $0.0e+00, v2;
	v20 =	vpop (erf);
	v21 =	vld [tilespmem:s12+$0x30];
	s12 =	smov.u32 s13;
	s13 =	smov.u32 s16;
	s16 =	smov.u32 s30  }
0x677: {  	v22 =	vpop (erf);
	(erf) = vrcp.f32 v23;
	[tilespmem:s8+$0xD0] =	vst v16;
	v2 =	vld [tilespmem:s3+$0xFFFFFF30];
	v5 =	vmul.f32 v20, v5;
	v6 =	vadd.f32 v11, v6  }
0x678: {  	v23 =	vadd.f32 $1.000000000e+00, v22;
	v13 =	vpop (erf);
	[tilespmem:s8+$0x90] =	vst v4;
	v12 =	vmul.f32 $1.442695020e+00, v12;
	v4 =	vld [tilespmem:s19+$0xFFFFFFB0]  }
0x679: {  	v13 =	vadd.f32 $1.000000000e+00, v13;
	v16 =	vld [tilespmem:s9+$0xE0];
	v22 =	vpop (erf);
	[tilespmem:s0+$0xFFFFFFA0] =	vst v5;
	v5 =	vsub.f32 $0.0e+00, v6  }
0x67a: {  	v6 =	vmul.f32 v22, v15;
	[tilespmem:s8+$0xFFFFFF50] =	vst v22;
	v15 =	vld [tilespmem:s13+$0xA0];
	v24 =	vadd.f32 v18, v3;
	v22 =	vpop (erf);
	(erf) = vpow2.f32 v12  }
0x67b: {  	(erf) = vrcp.f32 v23;
	v11 =	vpop (erf);
	[tilespmem:s0+$0xFFFFFFE0] =	vst v20;
	v12 =	vmul.f32 v22, v17;
	v3 =	vld [tilespmem:s19+$0x30];
	v7 =	vadd.f32 v21, v7;
	s19 =	smov.u32 s3;
	s3 =	smov.u32 s9;
	s9 =	smov.u32 s15  }
0x67c: {  	v11 =	vadd.f32 $1.000000000e+00, v11;
	v17 =	vld [tilespmem:s15+$0x80];
	(erf) = vrcp.f32 v13;
	[tilespmem:s8+$0xFFFFFF10] =	vst v6;
	v6 =	vsub.f32 $0.0e+00, v24  }
0x67d: {  	v5 =	vmul.f32 $1.442695020e+00, v5;
	v13 =	vld [tilespmem:s3+$0xFFFFFF60];
	v18 =	vpop (erf);
	[tilespmem:s0+$0x20] =	vst v12;
	v12 =	vsub.f32 $0.0e+00, v7  }
0x67e: {  	(erf) = vrcp.f32 v11;
	v11 =	vld [tilespmem:s13+$0xFFFFFF20];
	v14 =	vmul.f32 v18, v14;
	[tilespmem:s8+$0xFFFFFFD0] =	vst v18  }
0x67f: {  	v18 =	vmul.f32 $1.442695020e+00, v6;
	v7 =	vld [tilespmem:s3+$0xFFFFFF20];
	v15 =	vadd.f32 v15, v16;
	v16 =	vpop (erf);
	[tilespmem:s0+$0x60] =	vst v22;
	v12 =	vmul.f32 $1.442695020e+00, v12  }
0x680: {  	v20 =	vpop (erf);
	[tilespmem:s8+$0xFFFFFF90] =	vst v14;
	v14 =	vmul.f32 v16, v19;
	v6 =	vld [tilespmem:s19+$0xFFFFFFF0];
	(erf) = vpow2.f32 v5  }
0x681: {  	s8 =	sadd.s32 $0x200, s8;
	v5 =	vmul.f32 v20, v17;
	v17 =	vld [tilespmem:s3+$0xFFFFFFE0];
	[tilespmem:s29+$0x50] =	vst v16;
	v15 =	vsub.f32 $0.0e+00, v15;
	(erf) = vpow2.f32 v18  }
0x682: {  	[tilespmem:s8+$0xC0] =	vst v20;
	v16 =	vld [tilespmem:s13+$0xFFFFFFA0];
	(erf) = vpow2.f32 v12  }
0x683: {  	[tilespmem:s8+$0x80] =	vst v5;
	v11 =	vadd.f32 v11, v13;
	v5 =	vld [tilespmem:s3+$0xFFFFFFA0];
	v12 =	vmul.f32 $1.442695020e+00, v15;
	v13 =	vpop (erf)  }
0x684: {  	v15 =	vld [tilespmem:s15+$0xD0];
	v18 =	vpop (erf);
	[tilespmem:s29+$0x10] =	vst v14;
	v13 =	vadd.f32 $1.000000000e+00, v13  }
0x685: {  	v19 =	vmul.f32 v18, v10;
	[tilespmem:s8+$0xFFFFFF40] =	vst v18;
	v14 =	vld [tilespmem:s30+$0x90];
	v18 =	vpop (erf);
	v11 =	vsub.f32 $0.0e+00, v11;
	(erf) = vpow2.f32 v12  }
0x686: {  	v9 =	vmul.f32 v18, v9;
	[tilespmem:s8+$0xFFFFFFC0] =	vst v18;
	v18 =	vld [tilespmem:s3+$0x60];
	(erf) = vrcp.f32 v13  }
0x687: {  	[tilespmem:s8+$0xFFFFFF00] =	vst v19;
	v10 =	vpop (erf);
	v19 =	vmul.f32 $1.442695020e+00, v11;
	v12 =	vadd.f32 v16, v17;
	v13 =	vld [tilespmem:s13+$0x20]  }
0x688: {  	v16 =	vld [tilespmem:s15+$0xFFFFFF50];
	[tilespmem:s8+$0xFFFFFF80] =	vst v9;
	v20 =	vmul.f32 v10, v8  }
0x689: {  	v17 =	vld [tilespmem:s30+$0xFFFFFF10];
	[tilespmem:s8+$0x40] =	vst v10;
	v10 =	vsub.f32 $0.0e+00, v12;
	(erf) = vpow2.f32 v19;
	v11 =	vpop (erf)  }
.Ltmp4:
0x68a: {  	v9 =	vld [tilespmem:s15+$0xFFFFFFD0];
	[tilespmem:s8+$0x0] =	vst v20;
	v15 =	vadd.f32 v14, v15;
	v8 =	vpop (erf);
	v11 =	vadd.f32 $1.000000000e+00, v11;
	(pc) =	sbr.rel @p1 .LBB2_11-.Ltmp4, $4  }
0x68b: {  	v10 =	vmul.f32 $1.442695020e+00, v10;
	v14 =	vadd.f32 $1.000000000e+00, v8;
	v8 =	vld [tilespmem:s19+$0xB0];
	v19 =	vpop (erf)  }
0x68c: {  	v12 =	vld [tilespmem:s30+$0xFFFFFF90];
	v15 =	vsub.f32 $0.0e+00, v15;
	v20 =	vadd.f32 v13, v18;
	(erf) = vrcp.f32 v11  }
0x68d: {  	v11 =	vld [tilespmem:s15+$0x50];
	(erf) = vpow2.f32 v10;
	v10 =	vadd.f32 $1.000000000e+00, v19  }
0x68e: {  	s15 =	sadd.s32 $0x200, s15;
	v16 =	vadd.f32 v17, v16;
	v13 =	vld [tilespmem:s30+$0x10];
	v17 =	vmul.f32 $1.442695020e+00, v15;
	v15 =	vsub.f32 $0.0e+00, v20;
	v18 =	vpop (erf)  }
0x68f: {  	v18 =	vadd.f32 $1.000000000e+00, v18;
	(erf) = vrcp.f32 v14  }
0x690: {  	v58 =	vsub.f32 $0.0e+00, v16;
	(erf) = vpow2.f32 v17  }
0x691: {  	v15 =	vmul.f32 $1.442695020e+00, v15;
	(erf) = vrcp.f32 v18  }
0x692: {  	v14 =	vmul.f32 $1.442695020e+00, v58;
	(erf) = vrcp.f32 v10  }
0x693: {  	v12 =	vadd.f32 v12, v9;
	(erf) = vpow2.f32 v15  }
0x694: {  	v10 =	vpop (erf);
	v11 =	vadd.f32 v13, v11;
	(erf) = vpow2.f32 v14  }
0x695: {  	v59 =	vpop (erf);
	v12 =	vsub.f32 $0.0e+00, v12  }
0x696: {  	v9 =	vpop (erf)  }
0x697: {  	v12 =	vmul.f32 $1.442695020e+00, v12;
	v60 =	vpop (erf)  }
0x698: {  	v62 =	vld [tilespmem:s3+$0xA0];
	v14 =	vadd.f32 $1.000000000e+00, v59;
	v61 =	vsub.f32 $0.0e+00, v11;
	v11 =	vpop (erf)  }
0x699: {  	v17 =	vpop (erf)  }
0x69a: {  	(erf) = vrcp.f32 v14;
	v63 =	vmul.f32 $1.442695020e+00, v61;
	v20 =	vpop (erf)  }
0x69b: {  	(erf) = vpow2.f32 v12;
	v17 =	vadd.f32 $1.000000000e+00, v17;
	v12 =	vpop (erf)  }
0x69c: {  	(erf) = vpow2.f32 v63;
	v21 =	vpop (erf)  }
0x69d: {  	v13 =	vadd.f32 $1.000000000e+00, v60;
	v16 =	vmul.f32 v20, v62;
	(erf) = vrcp.f32 v17;
	v22 =	vpop (erf)  }
0x69e: {  	[tilespmem:s29+$0xE0] =	vst v20;
	v23 =	vadd.f32 $1.000000000e+00, v22  }
0x69f: {  	[tilespmem:s29+$0xA0] =	vst v16;
	(erf) = vrcp.f32 v13  }
0x6a0: {  	v24 =	vld [tilespmem:s3+$0xF0];
	(erf) = vrcp.f32 v23  }
0x6a1: {  	v25 =	vld [tilespmem:s13+$0xB0]  }
0x6a2: {  	v26 =	vld [tilespmem:s9+$0x90]  }
0x6a3: {  	v27 =	vpop (erf)  }
0x6a4: {  	v28 =	vld [tilespmem:s9+$0xFFFFFF10];
	v14 =	vadd.f32 $1.000000000e+00, v21;
	v19 =	vpop (erf)  }
0x6a5: {  	v30 =	vld [tilespmem:s12+$0xFFFFFFB0];
	v7 =	vmul.f32 v27, v7;
	v29 =	vadd.f32 $1.000000000e+00, v19;
	v20 =	vpop (erf)  }
0x6a6: {  	v31 =	vld [tilespmem:s19+$0x70];
	[tilespmem:s29+$0xFFFFFF60] =	vst v27;
	(erf) = vrcp.f32 v14;
	v13 =	vadd.f32 v25, v24;
	v32 =	vpop (erf)  }
0x6a7: {  	v36 =	vld [tilespmem:s12+$0x30];
	[tilespmem:s29+$0xFFFFFF20] =	vst v7;
	(erf) = vrcp.f32 v29;
	v16 =	vmul.f32 v32, v26  }
0x6a8: {  	v33 =	vld [tilespmem:s3+$0xFFFFFF70];
	v13 =	vsub.f32 $0.0e+00, v13;
	v21 =	vpop (erf);
	[tilespmem:s8+$0xD0] =	vst v32  }
0x6a9: {  	v34 =	vld [tilespmem:s13+$0xFFFFFF30];
	v35 =	vadd.f32 $1.000000000e+00, v20;
	[tilespmem:s8+$0x90] =	vst v16;
	v37 =	vpop (erf)  }
0x6aa: {  	v13 =	vmul.f32 $1.442695020e+00, v13;
	v22 =	vld [tilespmem:s9+$0xE0];
	v18 =	vmul.f32 v37, v28  }
0x6ab: {  	(erf) = vrcp.f32 v35;
	v38 =	vld [tilespmem:s16+$0xA0];
	[tilespmem:s8+$0xFFFFFF50] =	vst v37  }
0x6ac: {  	v39 =	vld [tilespmem:s9+$0xFFFFFF90];
	(erf) = vpow2.f32 v13;
	[tilespmem:s8+$0xFFFFFF10] =	vst v18  }
0x6ad: {  	v6 =	vadd.f32 v30, v6;
	v16 =	vld [tilespmem:s9+$0xFFFFFF60]  }
0x6ae: {  	v15 =	vadd.f32 v34, v33;
	v40 =	vld [tilespmem:s16+$0xFFFFFF20]  }
0x6af: {  	v6 =	vsub.f32 $0.0e+00, v6;
	v7 =	vadd.f32 v36, v31;
	v41 =	vpop (erf)  }
0x6b0: {  	v42 =	vld [tilespmem:s9+$0x10];
	v15 =	vsub.f32 $0.0e+00, v15;
	v14 =	vadd.f32 v38, v22;
	v43 =	vpop (erf)  }
0x6b1: {  	v6 =	vmul.f32 $1.442695020e+00, v6;
	v7 =	vsub.f32 $0.0e+00, v7;
	v13 =	vmul.f32 v43, v39  }
0x6b2: {  	v15 =	vmul.f32 $1.442695020e+00, v15;
	[tilespmem:s8+$0xFFFFFFD0] =	vst v43;
	v14 =	vsub.f32 $0.0e+00, v14  }
0x6b3: {  	v7 =	vmul.f32 $1.442695020e+00, v7;
	(erf) = vpow2.f32 v6;
	[tilespmem:s8+$0xFFFFFF90] =	vst v13;
	v44 =	vadd.f32 v40, v16  }
0x6b4: {  	(erf) = vpow2.f32 v15;
	v45 =	vpop (erf);
	v46 =	vld [tilespmem:s9+$0xFFFFFFE0];
	v14 =	vmul.f32 $1.442695020e+00, v14  }
0x6b5: {  	(erf) = vpow2.f32 v7;
	v47 =	vmul.f32 v45, v42;
	v48 =	vld [tilespmem:s16+$0xFFFFFFA0];
	v49 =	vpop (erf);
	v6 =	vsub.f32 $0.0e+00, v44  }
0x6b6: {  	[tilespmem:s8+$0x50] =	vst v45;
	v7 =	vadd.f32 $1.000000000e+00, v49;
	(erf) = vpow2.f32 v14  }
0x6b7: {  	[tilespmem:s8+$0x10] =	vst v47;
	v6 =	vmul.f32 $1.442695020e+00, v6  }
0x6b8: {  	v13 =	vld [tilespmem:s9+$0x60];
	(erf) = vrcp.f32 v7  }
0x6b9: {  	v50 =	vld [tilespmem:s16+$0x20];
	(erf) = vpow2.f32 v6  }
0x6ba: {  	v51 =	vadd.f32 v48, v46;
	_ =	sdelay $0x1  }
0x6bb: {  	v52 =	vpop (erf);
	v6 =	vsub.f32 $0.0e+00, v51  }
0x6bc: {  	v14 =	vadd.f32 $1.000000000e+00, v52;
	v53 =	vpop (erf)  }
0x6bd: {  	v54 =	vpop (erf);
	v7 =	vadd.f32 v50, v13;
	v6 =	vmul.f32 $1.442695020e+00, v6  }
0x6be: {  	v55 =	vadd.f32 $1.000000000e+00, v53;
	(erf) = vrcp.f32 v14;
	v56 =	vpop (erf)  }
0x6bf: {  	v57 =	vsub.f32 $0.0e+00, v7;
	(erf) = vpow2.f32 v6;
	v58 =	vadd.f32 $1.000000000e+00, v56  }
0x6c0: {  	v59 =	vadd.f32 $1.000000000e+00, v54;
	(erf) = vrcp.f32 v55;
	v60 =	vpop (erf)  }
0x6c1: {  	v6 =	vmul.f32 $1.442695020e+00, v57;
	(erf) = vrcp.f32 v58;
	v61 =	vpop (erf)  }
0x6c2: {  	(erf) = vrcp.f32 v59;
	v7 =	vadd.f32 $1.000000000e+00, v61  }
0x6c3: {  	(erf) = vpow2.f32 v6  }
0x6c4: {  	(erf) = vrcp.f32 v7  }
0x6c5: {  	v27 =	vld [tilespmem:s3+$0x20];
	_ =	sdelay $0x1  }
0x6c6: {  	v62 =	vld [tilespmem:s9+$0xA0];
	v63 =	vpop (erf)  }
0x6c7: {  	v5 =	vmul.f32 v21, v5;
	v24 =	vpop (erf)  }
0x6c8: {  	[tilespmem:s29+$0xFFFFFFE0] =	vst v21;
	v25 =	vld [tilespmem:s9+$0xFFFFFF20];
	v26 =	vpop (erf)  }
0x6c9: {  	[tilespmem:s29+$0xFFFFFFA0] =	vst v5;
	v17 =	vmul.f32 v41, v27;
	v28 =	vpop (erf)  }
0x6ca: {  	[tilespmem:s29+$0x60] =	vst v41;
	v29 =	vpop (erf)  }
0x6cb: {  	v31 =	vld [tilespmem:s3+$0xFFFFFFF0];
	[tilespmem:s29+$0x20] =	vst v17;
	v6 =	vmul.f32 v28, v62;
	v30 =	vpop (erf)  }
0x6cc: {  	v35 =	vld [tilespmem:s13+$0xFFFFFFB0];
	[tilespmem:s8+$0xE0] =	vst v28;
	v32 =	vpop (erf)  }
0x6cd: {  	v18 =	vld [tilespmem:s3+$0x70];
	v14 =	vadd.f32 $1.000000000e+00, v24;
	[tilespmem:s8+$0xA0] =	vst v6;
	v15 =	vmul.f32 v32, v25  }
0x6ce: {  	v33 =	vld [tilespmem:s9+$0xF0];
	[tilespmem:s8+$0xFFFFFF60] =	vst v32  }
0x6cf: {  	(erf) = vrcp.f32 v14;
	v34 =	vld [tilespmem:s16+$0xB0];
	[tilespmem:s8+$0xFFFFFF20] =	vst v15  }
0x6d0: {  	v36 =	vld [tilespmem:s9+$0xFFFFFF70]  }
0x6d1: {  	v5 =	vadd.f32 $1.000000000e+00, v30;
	v37 =	vld [tilespmem:s16+$0xFFFFFF30]  }
0x6d2: {  	v38 =	vld [tilespmem:s13+$0x30]  }
0x6d3: {  	(erf) = vrcp.f32 v5  }
0x6d4: {  	v39 =	vld [tilespmem:s9+$0xFFFFFFA0];
	v6 =	vadd.f32 v34, v33  }
0x6d5: {  	v15 =	vadd.f32 v35, v31  }
0x6d6: {  	v6 =	vsub.f32 $0.0e+00, v6;
	v14 =	vadd.f32 v37, v36  }
0x6d7: {  	v5 =	vadd.f32 v38, v18;
	v15 =	vsub.f32 $0.0e+00, v15  }
0x6d8: {  	v40 =	vld [tilespmem:s9+$0x20];
	v41 =	vpop (erf);
	v6 =	vmul.f32 $1.442695020e+00, v6;
	v14 =	vsub.f32 $0.0e+00, v14  }
0x6d9: {  	v5 =	vsub.f32 $0.0e+00, v5;
	v15 =	vmul.f32 $1.442695020e+00, v15;
	v17 =	vmul.f32 v41, v39  }
0x6da: {  	(erf) = vpow2.f32 v6;
	v14 =	vmul.f32 $1.442695020e+00, v14  }
0x6db: {  	v5 =	vmul.f32 $1.442695020e+00, v5;
	[tilespmem:s8+$0xFFFFFFE0] =	vst v41;
	(erf) = vpow2.f32 v15  }
0x6dc: {  	[tilespmem:s8+$0xFFFFFFA0] =	vst v17;
	v42 =	vpop (erf);
	(erf) = vpow2.f32 v14  }
0x6dd: {  	v44 =	vld [tilespmem:s9+$0xFFFFFFF0];
	v43 =	vmul.f32 v42, v40;
	(erf) = vpow2.f32 v5  }
0x6de: {  	[tilespmem:s8+$0x60] =	vst v42;
	v6 =	vld [tilespmem:s16+$0xFFFFFFB0]  }
0x6df: {  	[tilespmem:s8+$0x20] =	vst v43  }
0x6e0: {  	v15 =	vld [tilespmem:s16+$0x30]  }
0x6e1: {  	v14 =	vld [tilespmem:s9+$0x70];
	_ =	sdelay $0x1  }
0x6e2: {  	v5 =	vadd.f32 v6, v44;
	v45 =	vpop (erf)  }
0x6e3: {  	v46 =	vpop (erf);
	v17 =	vadd.f32 $1.000000000e+00, v45  }
0x6e4: {  	v5 =	vsub.f32 $0.0e+00, v5;
	v18 =	vadd.f32 $1.000000000e+00, v46;
	v47 =	vpop (erf)  }
0x6e5: {  	v14 =	vadd.f32 v15, v14;
	(erf) = vrcp.f32 v17;
	v6 =	vadd.f32 $1.000000000e+00, v47;
	v48 =	vpop (erf)  }
0x6e6: {  	v8 =	vmul.f32 v10, v8;
	(erf) = vrcp.f32 v18;
	v15 =	vadd.f32 $1.000000000e+00, v48  }
0x6e7: {  	v5 =	vmul.f32 $1.442695020e+00, v5;
	v49 =	vsub.f32 $0.0e+00, v14;
	(erf) = vrcp.f32 v6  }
0x6e8: {  	[tilespmem:s0+$0xF0] =	vst v10;
	v4 =	vmul.f32 v9, v4;
	(erf) = vrcp.f32 v15  }
0x6e9: {  	[tilespmem:s0+$0xB0] =	vst v8;
	v6 =	vmul.f32 $1.442695020e+00, v49;
	(erf) = vpow2.f32 v5  }
0x6ea: {  	[tilespmem:s18+$0xFFFFFFF0] =	vst v9;
	v50 =	vld [tilespmem:s3+$0xB0]  }
0x6eb: {  	[tilespmem:s18+$0xFFFFFFB0] =	vst v4;
	v2 =	vmul.f32 v11, v2;
	(erf) = vpow2.f32 v6  }
0x6ec: {  	[tilespmem:s0+$0xFFFFFF70] =	vst v11;
	v51 =	vld [tilespmem:s19+$0xFFFFFFB0]  }
0x6ed: {  	[tilespmem:s0+$0xFFFFFF30] =	vst v2;
	v2 =	vmul.f32 v12, v3  }
0x6ee: {  	[tilespmem:s18+$0x70] =	vst v12;
	v3 =	vld [tilespmem:s3+$0xFFFFFF30];
	v52 =	vpop (erf)  }
0x6ef: {  	[tilespmem:s18+$0x30] =	vst v2;
	v2 =	vmul.f32 v60, v50;
	v53 =	vpop (erf)  }
0x6f0: {  	v54 =	vld [tilespmem:s19+$0x30];
	[tilespmem:s29+$0xF0] =	vst v60;
	v55 =	vpop (erf)  }
0x6f1: {  	[tilespmem:s29+$0xB0] =	vst v2;
	v2 =	vmul.f32 v63, v51;
	v56 =	vpop (erf)  }
0x6f2: {  	[tilespmem:s0+$0xFFFFFFF0] =	vst v63;
	v57 =	vld [tilespmem:s9+$0xB0];
	v58 =	vpop (erf)  }
0x6f3: {  	[tilespmem:s0+$0xFFFFFFB0] =	vst v2;
	v2 =	vmul.f32 v26, v3;
	v3 =	vadd.f32 $1.000000000e+00, v58  }
0x6f4: {  	v59 =	vld [tilespmem:s3+$0xFFFFFFB0];
	[tilespmem:s29+$0xFFFFFF70] =	vst v26;
	v60 =	vpop (erf)  }
0x6f5: {  	[tilespmem:s29+$0xFFFFFF30] =	vst v2;
	v2 =	vmul.f32 v29, v54;
	(erf) = vrcp.f32 v3;
	v3 =	vadd.f32 $1.000000000e+00, v60  }
0x6f6: {  	[tilespmem:s0+$0x70] =	vst v29;
	v61 =	vld [tilespmem:s9+$0xFFFFFF30]  }
0x6f7: {  	[tilespmem:s0+$0x30] =	vst v2;
	v2 =	vmul.f32 v52, v57;
	(erf) = vrcp.f32 v3  }
0x6f8: {  	[tilespmem:s8+$0xF0] =	vst v52;
	v3 =	vld [tilespmem:s3+$0x30]  }
0x6f9: {  	[tilespmem:s8+$0xB0] =	vst v2;
	v2 =	vmul.f32 v53, v59  }
0x6fa: {  	v62 =	vld [tilespmem:s9+$0xFFFFFFB0];
	[tilespmem:s29+$0xFFFFFFF0] =	vst v53  }
0x6fb: {  	[tilespmem:s29+$0xFFFFFFB0] =	vst v2;
	v2 =	vmul.f32 v55, v61  }
0x6fc: {  	v63 =	vld [tilespmem:s9+$0x30];
	[tilespmem:s8+$0xFFFFFF70] =	vst v55  }
0x6fd: {  	[tilespmem:s8+$0xFFFFFF30] =	vst v2;
	v2 =	vmul.f32 v56, v3  }
0x6fe: {  	[tilespmem:s29+$0x70] =	vst v56;
	v3 =	vpop (erf)  }
0x6ff: {  	[tilespmem:s29+$0x30] =	vst v2;
	v2 =	vmul.f32 v3, v62  }
0x700: {  	[tilespmem:s8+$0xFFFFFFF0] =	vst v3;
	v3 =	vpop (erf)  }
0x701: {  	[tilespmem:s8+$0xFFFFFFB0] =	vst v2;
	v2 =	vmul.f32 v3, v63  }
0x702: {  	[tilespmem:s8+$0x70] =	vst v3  }
0x703: {  	[tilespmem:s8+$0x30] =	vst v2  }
0x704: {  	v2 =	vld [tilespmem:$0x380]  }
0x705: {  	v3 =	vld [tilespmem:$0x390];
	_ =	sdelay $0x1  }
.Ltmp5:
0x706: {  	_ = 	snop;
	(pc) =	sbr.rel @p0 .LBB2_14-.Ltmp5, $4  }
0x707: {  	_ = 	snop  }
0x708: {  	[tilespmem:$0x480] =	vst v2  }
0x709: {  	s30 =	simm.s32 $0x9500;
	s29 =	simm.s32 $0x480;
	[tilespmem:$0x490] =	vst v3  }
0x70a: {  	[spmem:s2] =	stream.indirect.scatter.add.f32 [tilespmem:s30], [sflag:$0xE], $0x80, s29, s11, $0xb8;
	[tilespmem:$0x1E500] =	vst v63  }
0x70b: {  	s0 =	rddreg [dreg:$0x11]  }
0x70c: {  	s0 =	sadd.s32 s17, s0  }
.Ltmp6:
0x70d: {  	s0 =	sshrl.u32 s0, $0x3;
	(pc) =	sbr.rel .LBB2_4-.Ltmp6, $4  }
0x70e: {  	s15 =	simm.s32 $0x180;
	s3 =	sadd.s32 s6, s0  }
0x70f: {  	[tilespmem:s15], [sflag:$0x4] =	stream.linear.gather [hbm4b:s3+s4], $0x20, $0x38;
	[tilespmem:$0x1E500] =	vst v63  }
0x710: {  	s16 =	simm.s32 $0x380;
	s20 =	sadd.s32 $0x1, s20;
	s0 =	sadd.s32 s7, s0  }
0x711: {  	[tilespmem:s16], [sflag:$0x4] =	stream.linear.gather [hbm4b:s0+s4], $0x20, $0x38;
	[tilespmem:$0x1E500] =	vst v63  }
.LBB2_14:
0x712: {  	_ =	swait.ge [sflag:s10], $0x1000  }
0x713: {  	[sflag:s10] =	ssyncset.done $0x0  }
0x714: {  	[sflag:s10] =	ssyncadd.s32 $0xFFFFF000  }
0x715: {  	_ =	swait.ge [sflag:s22], $0x1000  }
0x716: {  	[sflag:s22] =	ssyncset.done $0x0  }
0x717: {  	s19 =	simm.s32 $0x1;
	[sflag:s22] =	ssyncadd.s32 $0xFFFFF000  }
0x718: {  	_ =	swait.ge [sflag:s19], $0x20  }
0x719: {  	[sflag:s19] =	ssyncset.done $0x0  }
0x71a: {  	[sflag:s19] =	ssyncadd.s32 $0xFFFFFFE0  }
0x71b: {  	_ =	swait.ge [sflag:s19], $0x20  }
0x71c: {  	[sflag:s19] =	ssyncset.done $0x0  }
0x71d: {  	[sflag:s19] =	ssyncadd.s32 $0xFFFFFFE0  }
0x71e: {  	v2 =	vld [tilespmem:$0x0]  }
0x71f: {  	v3 =	vld [tilespmem:$0x10];
	_ =	sdelay $0x3  }
0x720: {  	v2 =	vadd.s32 v0, v2  }
0x721: {  	[tilespmem:$0x0] =	vst v2;
	v2 =	vadd.s32 v0, v3  }
0x722: {  	s29 =	simm.s32 $0x500;
	[tilespmem:$0x10] =	vst v2  }
0x723: {  	[tilespmem:s29], [sflag:$0x5] =	stream.indirect.gather [hbm4b:s5+s11], $0x80, s4, s11, $0xb8;
	[tilespmem:$0x1E500] =	vst v63  }
0x724: {  	s0 =	simm.s32 $0x200;
	s30 =	simm.s32 $0x4500;
	s18 =	simm.s32 $0x5  }
0x725: {  	[tilespmem:s30], [sflag:$0x9] =	stream.indirect.gather [hbm4b:s1+s11], $0x80, s0, s11, $0xb8;
	[tilespmem:$0x1E500] =	vst v63  }
0x726: {  	_ =	swait.ge [sflag:s18], $0x1000  }
0x727: {  	[sflag:s18] =	ssyncset.done $0x0  }
0x728: {  	s20 =	simm.s32 $0x9;
	[sflag:s18] =	ssyncadd.s32 $0xFFFFF000  }
0x729: {  	_ =	swait.ge [sflag:s20], $0x1000  }
0x72a: {  	[sflag:s20] =	ssyncset.done $0x0  }
0x72b: {  	s8 =	simm.s32 $0x600;
	[sflag:s20] =	ssyncadd.s32 $0xFFFFF000  }
0x72c: {  	v2 =	vld [tilespmem:s8+$0xC0]  }
0x72d: {  	v3 =	vld [tilespmem:s23+$0x80];
	_ =	sdelay $0x1  }
0x72e: {  	v4 =	vld [tilespmem:s8+$0xFFFFFF40]  }
0x72f: {  	v5 =	vld [tilespmem:s23+$0xFFFFFF00]  }
0x730: {  	v6 =	vld [tilespmem:s23+$0xFFFFFF80]  }
0x731: {  	v7 =	vld [tilespmem:s8+$0x40];
	v2 =	vadd.f32 v3, v2  }
0x732: {  	v3 =	vld [tilespmem:s8+$0xFFFFFFC0]  }
0x733: {  	v8 =	vld [tilespmem:s23+$0x0];
	v2 =	vsub.f32 $0.0e+00, v2;
	_ =	sdelay $0x1  }
0x734: {  	v2 =	vmul.f32 $1.442695020e+00, v2  }
0x735: {  	v4 =	vadd.f32 v5, v4  }
0x736: {  	v3 =	vadd.f32 v6, v3;
	(erf) = vpow2.f32 v2  }
0x737: {  	v2 =	vsub.f32 $0.0e+00, v4;
	v4 =	vadd.f32 v8, v7  }
0x738: {  	v3 =	vsub.f32 $0.0e+00, v3  }
0x739: {  	v2 =	vmul.f32 $1.442695020e+00, v2;
	v4 =	vsub.f32 $0.0e+00, v4  }
0x73a: {  	v3 =	vmul.f32 $1.442695020e+00, v3  }
0x73b: {  	(erf) = vpow2.f32 v2;
	v2 =	vmul.f32 $1.442695020e+00, v4;
	_ =	sdelay $0x1  }
0x73c: {  	(erf) = vpow2.f32 v3;
	_ =	sdelay $0x1  }
0x73d: {  	(erf) = vpow2.f32 v2;
	v2 =	vpop (erf)  }
0x73e: {  	v2 =	vadd.f32 $1.000000000e+00, v2;
	_ =	sdelay $0x2  }
0x73f: {  	(erf) = vrcp.f32 v2  }
0x740: {  	v2 =	vpop (erf)  }
0x741: {  	v2 =	vadd.f32 $1.000000000e+00, v2  }
0x742: {  	v3 =	vpop (erf)  }
0x743: {  	v3 =	vadd.f32 $1.000000000e+00, v3;
	(erf) = vrcp.f32 v2  }
0x744: {  	v2 =	vld [tilespmem:s8+$0x80]  }
0x745: {  	v4 =	vpop (erf);
	(erf) = vrcp.f32 v3  }
0x746: {  	v4 =	vadd.f32 $1.000000000e+00, v4;
	_ =	sdelay $0x1  }
0x747: {  	(erf) = vrcp.f32 v4;
	v4 =	vld [tilespmem:s8+$0xFFFFFF00];
	v3 =	vpop (erf)  }
0x748: {  	s17 =	simm.s32 $0x8600;
	v2 =	vmul.f32 v3, v2  }
0x749: {  	v5 =	vld [tilespmem:s8+$0xFFFFFF80];
	[tilespmem:s17+$0xC0] =	vst v3  }
0x74a: {  	v3 =	vld [tilespmem:s8+$0x0];
	[tilespmem:s17+$0x80] =	vst v2  }
0x74b: {  	v2 =	vld [tilespmem:s8+$0xD0];
	v6 =	vpop (erf)  }
0x74c: {  	v7 =	vld [tilespmem:s23+$0x90];
	v4 =	vmul.f32 v6, v4  }
0x74d: {  	[tilespmem:s17+$0xFFFFFF40] =	vst v6;
	v6 =	vpop (erf)  }
0x74e: {  	v5 =	vmul.f32 v6, v5;
	[tilespmem:s17+$0xFFFFFF00] =	vst v4  }
0x74f: {  	[tilespmem:s17+$0xFFFFFFC0] =	vst v6;
	v6 =	vld [tilespmem:s8+$0xFFFFFF50]  }
0x750: {  	s18 =	simm.s32 $0x800;
	[tilespmem:s17+$0xFFFFFF80] =	vst v5;
	v5 =	vld [tilespmem:s23+$0xFFFFFF10];
	v4 =	vpop (erf)  }
0x751: {  	v9 =	vld [tilespmem:s18+$0xC0];
	v2 =	vadd.f32 v7, v2;
	v3 =	vmul.f32 v4, v3  }
0x752: {  	[tilespmem:s17+$0x40] =	vst v4;
	v4 =	vld [tilespmem:s8+$0xFFFFFFD0]  }
0x753: {  	v2 =	vsub.f32 $0.0e+00, v2;
	[tilespmem:s17+$0x0] =	vst v3;
	v3 =	vld [tilespmem:s23+$0xFFFFFF90]  }
0x754: {  	v7 =	vld [tilespmem:s8+$0x50]  }
0x755: {  	v2 =	vmul.f32 $1.442695020e+00, v2;
	v8 =	vld [tilespmem:s23+$0x10];
	v5 =	vadd.f32 v5, v6  }
0x756: {  	v6 =	vld [tilespmem:s28+$0x80]  }
0x757: {  	(erf) = vpow2.f32 v2;
	v2 =	vsub.f32 $0.0e+00, v5  }
0x758: {  	v5 =	vld [tilespmem:s18+$0xFFFFFF40]  }
0x759: {  	v3 =	vadd.f32 v3, v4;
	v4 =	vld [tilespmem:s28+$0xFFFFFF00];
	v2 =	vmul.f32 $1.442695020e+00, v2;
	_ =	sdelay $0x1  }
0x75a: {  	v7 =	vadd.f32 v8, v7;
	v8 =	vld [tilespmem:s18+$0xFFFFFFC0];
	v6 =	vadd.f32 v6, v9;
	(erf) = vpow2.f32 v2  }
0x75b: {  	v9 =	vld [tilespmem:s28+$0xFFFFFF80];
	v3 =	vsub.f32 $0.0e+00, v3  }
0x75c: {  	v2 =	vsub.f32 $0.0e+00, v7;
	v6 =	vsub.f32 $0.0e+00, v6;
	v7 =	vld [tilespmem:s18+$0x40]  }
0x75d: {  	v3 =	vmul.f32 $1.442695020e+00, v3;
	v4 =	vadd.f32 v4, v5;
	v5 =	vld [tilespmem:s28+$0x0]  }
0x75e: {  	v2 =	vmul.f32 $1.442695020e+00, v2  }
0x75f: {  	(erf) = vpow2.f32 v3;
	v3 =	vmul.f32 $1.442695020e+00, v6  }
0x760: {  	v6 =	vpop (erf);
	(erf) = vpow2.f32 v2;
	v2 =	vsub.f32 $0.0e+00, v4;
	v4 =	vadd.f32 v9, v8  }
0x761: {  	v6 =	vadd.f32 $1.000000000e+00, v6;
	(erf) = vpow2.f32 v3  }
0x762: {  	v3 =	vsub.f32 $0.0e+00, v4;
	v2 =	vmul.f32 $1.442695020e+00, v2;
	v4 =	vadd.f32 v5, v7  }
0x763: {  	(erf) = vrcp.f32 v6;
	v5 =	vpop (erf)  }
0x764: {  	(erf) = vpow2.f32 v2;
	v2 =	vsub.f32 $0.0e+00, v4;
	v4 =	vadd.f32 $1.000000000e+00, v5  }
0x765: {  	v3 =	vmul.f32 $1.442695020e+00, v3;
	_ =	sdelay $0x1  }
0x766: {  	(erf) = vpow2.f32 v3  }
0x767: {  	v2 =	vmul.f32 $1.442695020e+00, v2;
	(erf) = vrcp.f32 v4;
	v4 =	vpop (erf)  }
0x768: {  	v3 =	vld [tilespmem:s8+$0x90];
	v4 =	vadd.f32 $1.000000000e+00, v4;
	_ =	sdelay $0x1  }
0x769: {  	(erf) = vpow2.f32 v2;
	v5 =	vpop (erf)  }
0x76a: {  	v2 =	vpop (erf);
	v5 =	vadd.f32 $1.000000000e+00, v5  }
0x76b: {  	(erf) = vrcp.f32 v4;
	v2 =	vadd.f32 $1.000000000e+00, v2;
	v4 =	vpop (erf)  }
0x76c: {  	(erf) = vrcp.f32 v5;
	v5 =	vld [tilespmem:s8+$0xFFFFFF10];
	v3 =	vmul.f32 v4, v3  }
0x76d: {  	(erf) = vrcp.f32 v2;
	[tilespmem:s17+$0xD0] =	vst v4;
	v4 =	vpop (erf)  }
0x76e: {  	v2 =	vld [tilespmem:s8+$0xFFFFFF90];
	[tilespmem:s17+$0x90] =	vst v3;
	v3 =	vadd.f32 $1.000000000e+00, v4  }
0x76f: {  	v6 =	vpop (erf);
	v4 =	vld [tilespmem:s8+$0xE0]  }
0x770: {  	v9 =	vpop (erf);
	v7 =	vld [tilespmem:s23+$0xA0];
	(erf) = vrcp.f32 v3;
	v3 =	vadd.f32 $1.000000000e+00, v6  }
0x771: {  	v10 =	vld [tilespmem:s18+$0xFFFFFF00];
	v5 =	vmul.f32 v9, v5  }
0x772: {  	[tilespmem:s17+$0xFFFFFF50] =	vst v9;
	v6 =	vld [tilespmem:s18+$0x80];
	v9 =	vpop (erf)  }
0x773: {  	v11 =	vld [tilespmem:s8+$0x10];
	v9 =	vadd.f32 $1.000000000e+00, v9;
	(erf) = vrcp.f32 v3;
	[tilespmem:s17+$0xFFFFFF10] =	vst v5  }
0x774: {  	v5 =	vld [tilespmem:s8+$0xFFFFFF60];
	v3 =	vpop (erf)  }
0x775: {  	(erf) = vrcp.f32 v9;
	v9 =	vld [tilespmem:s23+$0xFFFFFF20];
	v4 =	vadd.f32 v7, v4;
	v2 =	vmul.f32 v3, v2;
	v7 =	vpop (erf)  }
0x776: {  	v12 =	vld [tilespmem:s18+$0x0];
	[tilespmem:s17+$0xFFFFFFD0] =	vst v3;
	v3 =	vpop (erf)  }
0x777: {  	s0 =	simm.s32 $0x8800;
	v8 =	vld [tilespmem:s18+$0xFFFFFF80];
	[tilespmem:s17+$0xFFFFFF90] =	vst v2;
	v2 =	vmul.f32 v3, v6  }
0x778: {  	v4 =	vsub.f32 $0.0e+00, v4;
	[tilespmem:s0+$0xC0] =	vst v3;
	v6 =	vld [tilespmem:s8+$0xFFFFFFE0]  }
0x779: {  	v3 =	vmul.f32 v7, v11;
	v11 =	vld [tilespmem:s23+$0xFFFFFFA0];
	[tilespmem:s0+$0x80] =	vst v2  }
0x77a: {  	[tilespmem:s17+$0x50] =	vst v7;
	v5 =	vadd.f32 v9, v5;
	v2 =	vmul.f32 $1.442695020e+00, v4;
	v7 =	vpop (erf);
	v4 =	vld [tilespmem:s18+$0xD0]  }
0x77b: {  	[tilespmem:s17+$0x10] =	vst v3;
	v3 =	vmul.f32 v7, v10;
	v9 =	vld [tilespmem:s28+$0x90]  }
0x77c: {  	[tilespmem:s0+$0xFFFFFF40] =	vst v7;
	v5 =	vsub.f32 $0.0e+00, v5;
	(erf) = vpow2.f32 v2;
	v2 =	vld [tilespmem:s8+$0x60];
	v7 =	vpop (erf)  }
0x77d: {  	[tilespmem:s0+$0xFFFFFF00] =	vst v3;
	v3 =	vld [tilespmem:s23+$0x20];
	v8 =	vmul.f32 v7, v8  }
0x77e: {  	[tilespmem:s0+$0xFFFFFFC0] =	vst v7;
	v5 =	vmul.f32 $1.442695020e+00, v5;
	v10 =	vld [tilespmem:s18+$0xFFFFFF50]  }
0x77f: {  	v7 =	vpop (erf);
	v6 =	vadd.f32 v11, v6;
	v11 =	vld [tilespmem:s28+$0xFFFFFF10];
	[tilespmem:s0+$0xFFFFFF80] =	vst v8  }
0x780: {  	v8 =	vmul.f32 v7, v12;
	(erf) = vpow2.f32 v5;
	v5 =	vld [tilespmem:s18+$0xFFFFFFD0]  }
0x781: {  	[tilespmem:s0+$0x40] =	vst v7;
	v4 =	vadd.f32 v9, v4;
	v7 =	vld [tilespmem:s28+$0xFFFFFF90]  }
0x782: {  	v6 =	vsub.f32 $0.0e+00, v6;
	[tilespmem:s0+$0x0] =	vst v8  }
0x783: {  	v4 =	vsub.f32 $0.0e+00, v4;
	v2 =	vadd.f32 v3, v2;
	v3 =	vld [tilespmem:s18+$0x50]  }
0x784: {  	v6 =	vmul.f32 $1.442695020e+00, v6;
	v9 =	vld [tilespmem:s28+$0x10];
	v8 =	vadd.f32 v11, v10  }
0x785: {  	s3 =	simm.s32 $0xA00;
	v11 =	vld [tilespmem:s31+$0x80];
	v4 =	vmul.f32 $1.442695020e+00, v4;
	v2 =	vsub.f32 $0.0e+00, v2  }
0x786: {  	(erf) = vpow2.f32 v6;
	v6 =	vld [tilespmem:s3+$0xC0];
	v10 =	vpop (erf);
	v8 =	vsub.f32 $0.0e+00, v8;
	v5 =	vadd.f32 v7, v5  }
0x787: {  	v7 =	vld [tilespmem:s31+$0xFFFFFF00];
	v10 =	vadd.f32 $1.000000000e+00, v10;
	(erf) = vpow2.f32 v4;
	v2 =	vmul.f32 $1.442695020e+00, v2  }
0x788: {  	v4 =	vld [tilespmem:s3+$0xFFFFFF40]  }
0x789: {  	v8 =	vmul.f32 $1.442695020e+00, v8;
	(erf) = vrcp.f32 v10  }
0x78a: {  	v3 =	vadd.f32 v9, v3;
	v9 =	vld [tilespmem:s31+$0xFFFFFF80];
	(erf) = vpow2.f32 v2  }
0x78b: {  	v5 =	vsub.f32 $0.0e+00, v5;
	v10 =	vld [tilespmem:s3+$0xFFFFFFC0];
	v6 =	vadd.f32 v11, v6;
	v2 =	vpop (erf);
	(erf) = vpow2.f32 v8  }
0x78c: {  	v3 =	vsub.f32 $0.0e+00, v3;
	v11 =	vld [tilespmem:s3+$0x40];
	v2 =	vadd.f32 $1.000000000e+00, v2  }
0x78d: {  	v5 =	vmul.f32 $1.442695020e+00, v5;
	v8 =	vld [tilespmem:s8+$0xA0];
	v4 =	vadd.f32 v7, v4  }
0x78e: {  	v7 =	vld [tilespmem:s31+$0x0];
	v3 =	vmul.f32 $1.442695020e+00, v3;
	(erf) = vrcp.f32 v2;
	v2 =	vsub.f32 $0.0e+00, v6  }
0x78f: {  	v6 =	vpop (erf);
	v4 =	vsub.f32 $0.0e+00, v4;
	(erf) = vpow2.f32 v5  }
0x790: {  	v5 =	vadd.f32 $1.000000000e+00, v6;
	v6 =	vadd.f32 v9, v10;
	v2 =	vmul.f32 $1.442695020e+00, v2;
	v9 =	vpop (erf)  }
0x791: {  	(erf) = vpow2.f32 v3;
	v9 =	vadd.f32 $1.000000000e+00, v9  }
0x792: {  	v4 =	vmul.f32 $1.442695020e+00, v4;
	v6 =	vsub.f32 $0.0e+00, v6;
	v3 =	vpop (erf);
	(erf) = vpow2.f32 v2  }
0x793: {  	v7 =	vadd.f32 v7, v11;
	v2 =	vmul.f32 v3, v8;
	(erf) = vrcp.f32 v9;
	[tilespmem:s17+$0xE0] =	vst v3;
	v3 =	vpop (erf)  }
0x794: {  	v6 =	vmul.f32 $1.442695020e+00, v6;
	v8 =	vpop (erf);
	(erf) = vrcp.f32 v5  }
0x795: {  	v10 =	vld [tilespmem:s8+$0xFFFFFF20];
	v5 =	vsub.f32 $0.0e+00, v7;
	[tilespmem:s17+$0xA0] =	vst v2;
	(erf) = vpow2.f32 v4;
	v2 =	vadd.f32 $1.000000000e+00, v8  }
0x796: {  	v4 =	vld [tilespmem:s8+$0xF0];
	(erf) = vpow2.f32 v6  }
0x797: {  	v6 =	vld [tilespmem:s23+$0xB0];
	v8 =	vpop (erf);
	(erf) = vrcp.f32 v2;
	v2 =	vmul.f32 $1.442695020e+00, v5  }
0x798: {  	v3 =	vadd.f32 $1.000000000e+00, v3  }
0x799: {  	v5 =	vld [tilespmem:s18+$0x90];
	v11 =	vpop (erf)  }
0x79a: {  	(erf) = vrcp.f32 v3;
	v10 =	vmul.f32 v8, v10;
	v3 =	vadd.f32 $1.000000000e+00, v11  }
0x79b: {  	(erf) = vpow2.f32 v2;
	v2 =	vpop (erf)  }
0x79c: {  	(erf) = vrcp.f32 v3;
	v3 =	vadd.f32 v6, v4;
	v15 =	vpop (erf)  }
0x79d: {  	v12 =	vld [tilespmem:s8+$0xFFFFFFA0];
	v16 =	vadd.f32 $1.000000000e+00, v2;
	v4 =	vadd.f32 $1.000000000e+00, v15;
	v6 =	vpop (erf)  }
0x79e: {  	v14 =	vld [tilespmem:s18+$0xFFFFFF90];
	[tilespmem:s17+$0xFFFFFF20] =	vst v10;
	v5 =	vmul.f32 v6, v5;
	v10 =	vpop (erf)  }
0x79f: {  	[tilespmem:s17+$0xFFFFFF60] =	vst v8;
	v11 =	vld [tilespmem:s18+$0xFFFFFF10];
	v3 =	vsub.f32 $0.0e+00, v3;
	(erf) = vrcp.f32 v16;
	v8 =	vpop (erf)  }
0x7a0: {  	v15 =	vld [tilespmem:s8+$0xFFFFFF70];
	(erf) = vrcp.f32 v4;
	[tilespmem:s0+$0x90] =	vst v5;
	v5 =	vadd.f32 $1.000000000e+00, v8  }
0x7a1: {  	[tilespmem:s0+$0xD0] =	vst v6;
	v6 =	vld [tilespmem:s23+$0xFFFFFF30];
	v3 =	vmul.f32 $1.442695020e+00, v3;
	v4 =	vpop (erf)  }
0x7a2: {  	v16 =	vld [tilespmem:s18+$0xE0];
	v18 =	vpop (erf)  }
0x7a3: {  	v19 =	vld [tilespmem:s28+$0xA0];
	(erf) = vpow2.f32 v3;
	v3 =	vmul.f32 v10, v12;
	v12 =	vadd.f32 $1.000000000e+00, v4;
	v4 =	vpop (erf)  }
0x7a4: {  	(erf) = vrcp.f32 v5;
	v5 =	vpop (erf)  }
0x7a5: {  	v11 =	vmul.f32 v18, v11;
	[tilespmem:s0+$0xFFFFFF50] =	vst v18;
	v18 =	vld [tilespmem:s3+$0x80];
	v5 =	vadd.f32 $1.000000000e+00, v5  }
0x7a6: {  	[tilespmem:s17+$0xFFFFFFA0] =	vst v3;
	v3 =	vadd.f32 v6, v15  }
0x7a7: {  	v13 =	vld [tilespmem:s3+$0xFFFFFF00];
	(erf) = vrcp.f32 v12;
	v6 =	vpop (erf)  }
0x7a8: {  	v17 =	vld [tilespmem:s18+$0x10];
	v12 =	vmul.f32 v6, v14;
	v14 =	vsub.f32 $0.0e+00, v3;
	v15 =	vadd.f32 v19, v16;
	v16 =	vpop (erf)  }
0x7a9: {  	v9 =	vld [tilespmem:s3+$0xFFFFFF80];
	[tilespmem:s0+$0xFFFFFF10] =	vst v11;
	(erf) = vrcp.f32 v5;
	v5 =	vpop (erf)  }
0x7aa: {  	v11 =	vld [tilespmem:s18+$0xFFFFFF60];
	[tilespmem:s0+$0xFFFFFF90] =	vst v12;
	v12 =	vmul.f32 $1.442695020e+00, v14;
	v14 =	vmul.f32 v5, v18  }
0x7ab: {  	[tilespmem:s17+$0xFFFFFFE0] =	vst v10;
	v10 =	vld [tilespmem:s28+$0xFFFFFF20]  }
0x7ac: {  	s12 =	simm.s32 $0x8A00;
	v7 =	vld [tilespmem:s3+$0x0];
	[tilespmem:s0+$0xFFFFFFD0] =	vst v6;
	v15 =	vsub.f32 $0.0e+00, v15  }
0x7ad: {  	v17 =	vmul.f32 v16, v17;
	v19 =	vld [tilespmem:s28+$0xFFFFFFA0];
	[tilespmem:s12+$0xC0] =	vst v5  }
0x7ae: {  	v18 =	vld [tilespmem:s18+$0xFFFFFFE0];
	(erf) = vpow2.f32 v12;
	v12 =	vmul.f32 $1.442695020e+00, v15;
	[tilespmem:s12+$0x80] =	vst v14;
	v14 =	vpop (erf)  }
0x7af: {  	[tilespmem:s0+$0x50] =	vst v16;
	v15 =	vld [tilespmem:s3+$0xD0];
	v16 =	vpop (erf)  }
0x7b0: {  	[tilespmem:s0+$0x10] =	vst v17;
	v10 =	vadd.f32 v10, v11;
	v14 =	vadd.f32 $1.000000000e+00, v14;
	v11 =	vmul.f32 v16, v13;
	v13 =	vld [tilespmem:s31+$0x90]  }
0x7b1: {  	[tilespmem:s12+$0xFFFFFF40] =	vst v16;
	v16 =	vld [tilespmem:s18+$0x60]  }
0x7b2: {  	s9 =	simm.s32 $0xC00;
	(erf) = vpow2.f32 v12;
	v10 =	vsub.f32 $0.0e+00, v10;
	v12 =	vpop (erf);
	[tilespmem:s12+$0xFFFFFF00] =	vst v11;
	v11 =	vld [tilespmem:s28+$0x20]  }
0x7b3: {  	v20 =	vld [tilespmem:s9+$0x40];
	v9 =	vmul.f32 v12, v9  }
0x7b4: {  	v10 =	vmul.f32 $1.442695020e+00, v10;
	[tilespmem:s12+$0xFFFFFFC0] =	vst v12;
	v12 =	vadd.f32 v19, v18;
	(erf) = vrcp.f32 v14;
	v17 =	vld [tilespmem:s3+$0xFFFFFF50];
	v14 =	vpop (erf)  }
0x7b5: {  	[tilespmem:s12+$0xFFFFFF80] =	vst v9;
	v9 =	vld [tilespmem:s31+$0xFFFFFF10];
	v7 =	vmul.f32 v14, v7  }
0x7b6: {  	v2 =	vld [tilespmem:s8+$0x20];
	(erf) = vpow2.f32 v10;
	v12 =	vsub.f32 $0.0e+00, v12  }
0x7b7: {  	v18 =	vld [tilespmem:s3+$0xFFFFFFD0];
	[tilespmem:s12+$0x40] =	vst v14;
	v13 =	vadd.f32 v13, v15;
	v11 =	vadd.f32 v11, v16  }
0x7b8: {  	v10 =	vmul.f32 $1.442695020e+00, v12;
	v12 =	vld [tilespmem:s31+$0xFFFFFF90];
	[tilespmem:s12+$0x0] =	vst v7  }
0x7b9: {  	v13 =	vsub.f32 $0.0e+00, v13;
	v15 =	vld [tilespmem:s3+$0x50];
	v7 =	vpop (erf);
	v11 =	vsub.f32 $0.0e+00, v11  }
0x7ba: {  	(erf) = vpow2.f32 v10;
	v10 =	vld [tilespmem:s31+$0x10];
	v9 =	vadd.f32 v9, v17;
	v7 =	vadd.f32 $1.000000000e+00, v7  }
0x7bb: {  	v19 =	vld [tilespmem:s9+$0xFFFFFFC0];
	v13 =	vmul.f32 $1.442695020e+00, v13;
	v16 =	vpop (erf);
	v11 =	vmul.f32 $1.442695020e+00, v11  }
0x7bc: {  	s13 =	sadd.s32 $0x200, s31;
	v17 =	vld [tilespmem:s9+$0xC0];
	v16 =	vadd.f32 $1.000000000e+00, v16;
	v9 =	vsub.f32 $0.0e+00, v9;
	(erf) = vrcp.f32 v7  }
0x7bd: {  	v7 =	vld [tilespmem:s13+$0x80];
	(erf) = vpow2.f32 v13  }
0x7be: {  	v12 =	vadd.f32 v12, v18;
	v18 =	vpop (erf);
	v13 =	vld [tilespmem:s9+$0xFFFFFF40];
	v9 =	vmul.f32 $1.442695020e+00, v9;
	(erf) = vrcp.f32 v16  }
0x7bf: {  	v10 =	vadd.f32 v10, v15;
	v16 =	vld [tilespmem:s13+$0xFFFFFF00];
	(erf) = vpow2.f32 v11;
	v11 =	vpop (erf)  }
0x7c0: {  	v15 =	vld [tilespmem:s13+$0xFFFFFF80];
	(erf) = vpow2.f32 v9;
	v9 =	vadd.f32 $1.000000000e+00, v11  }
0x7c1: {  	v21 =	vld [tilespmem:s13+$0x0];
	v12 =	vsub.f32 $0.0e+00, v12;
	v10 =	vsub.f32 $0.0e+00, v10  }
0x7c2: {  	v22 =	vld [tilespmem:s9+$0xFFFFFF00];
	v7 =	vadd.f32 v7, v17  }
0x7c3: {  	v58 =	vld [tilespmem:s9+$0x80];
	v12 =	vmul.f32 $1.442695020e+00, v12;
	(erf) = vrcp.f32 v9  }
0x7c4: {  	v17 =	vld [tilespmem:s18+$0xA0];
	v7 =	vsub.f32 $0.0e+00, v7;
	v13 =	vadd.f32 v16, v13;
	v16 =	vmul.f32 $1.442695020e+00, v10;
	v9 =	vpop (erf)  }
0x7c5: {  	v8 =	vld [tilespmem:s8+$0xFFFFFF30];
	v2 =	vmul.f32 v4, v2;
	v15 =	vadd.f32 v15, v19;
	v10 =	vpop (erf)  }
0x7c6: {  	[tilespmem:s17+$0x60] =	vst v4;
	v6 =	vld [tilespmem:s18+$0xFFFFFF20];
	(erf) = vpow2.f32 v12;
	v7 =	vmul.f32 $1.442695020e+00, v7;
	v19 =	vpop (erf)  }
0x7c7: {  	v3 =	vld [tilespmem:s8+$0xFFFFFFF0];
	[tilespmem:s17+$0x20] =	vst v2;
	v15 =	vsub.f32 $0.0e+00, v15;
	(erf) = vpow2.f32 v16;
	v19 =	vadd.f32 $1.000000000e+00, v19  }
0x7c8: {  	v25 =	vld [tilespmem:s23+$0x30];
	v13 =	vsub.f32 $0.0e+00, v13;
	v12 =	vadd.f32 $1.000000000e+00, v9;
	(erf) = vpow2.f32 v7;
	v16 =	vpop (erf)  }
0x7c9: {  	v5 =	vld [tilespmem:s18+$0xFFFFFFA0];
	v17 =	vmul.f32 v16, v17;
	(erf) = vrcp.f32 v19;
	v19 =	vadd.f32 v21, v20  }
0x7ca: {  	v14 =	vld [tilespmem:s8+$0xB0];
	v13 =	vmul.f32 $1.442695020e+00, v13;
	[tilespmem:s0+$0xE0] =	vst v16;
	v16 =	vpop (erf)  }
0x7cb: {  	v23 =	vld [tilespmem:s3+$0xFFFFFF90];
	v15 =	vmul.f32 $1.442695020e+00, v15;
	v55 =	vpop (erf);
	[tilespmem:s0+$0xA0] =	vst v17;
	(erf) = vrcp.f32 v12;
	v17 =	vsub.f32 $0.0e+00, v19  }
0x7cc: {  	v12 =	vadd.f32 $1.000000000e+00, v55;
	(erf) = vpow2.f32 v13;
	v13 =	vld [tilespmem:s18+$0xF0]  }
0x7cd: {  	(erf) = vpow2.f32 v15;
	v15 =	vld [tilespmem:s28+$0xB0];
	v4 =	vmul.f32 $1.442695020e+00, v17  }
0x7ce: {  	v11 =	vld [tilespmem:s9+$0xFFFFFF80];
	v2 =	vadd.f32 $1.000000000e+00, v16;
	v16 =	vpop (erf);
	(erf) = vrcp.f32 v12  }
0x7cf: {  	v17 =	vld [tilespmem:s3+$0x90];
	v19 =	vpop (erf)  }
0x7d0: {  	v9 =	vld [tilespmem:s9+$0x0];
	(erf) = vrcp.f32 v2;
	v2 =	vadd.f32 $1.000000000e+00, v19  }
0x7d1: {  	v7 =	vld [tilespmem:s3+$0xFFFFFF10];
	v6 =	vmul.f32 v16, v6;
	(erf) = vpow2.f32 v4;
	v4 =	vpop (erf)  }
0x7d2: {  	v20 =	vld [tilespmem:s3+$0x10];
	[tilespmem:s0+$0xFFFFFF60] =	vst v16;
	(erf) = vrcp.f32 v2;
	v2 =	vadd.f32 v15, v13;
	v19 =	vpop (erf);
	v4 =	vadd.f32 $1.000000000e+00, v4  }
0x7d3: {  	v16 =	vld [tilespmem:s23+$0xFFFFFFB0];
	[tilespmem:s0+$0xFFFFFF20] =	vst v6;
	v13 =	vadd.f32 $1.000000000e+00, v19;
	v15 =	vpop (erf)  }
0x7d4: {  	v56 =	vld [tilespmem:s18+$0xFFFFFF70];
	v17 =	vmul.f32 v15, v17;
	(erf) = vrcp.f32 v4;
	v4 =	vsub.f32 $0.0e+00, v2;
	v24 =	vpop (erf)  }
0x7d5: {  	v8 =	vmul.f32 v10, v8;
	v19 =	vld [tilespmem:s28+$0xFFFFFF30];
	[tilespmem:s12+$0xD0] =	vst v15;
	v26 =	vpop (erf);
	(erf) = vrcp.f32 v13  }
0x7d6: {  	v6 =	vld [tilespmem:s8+$0x70];
	v13 =	vmul.f32 v18, v14;
	v14 =	vpop (erf);
	[tilespmem:s12+$0x90] =	vst v17;
	v15 =	vmul.f32 $1.442695020e+00, v4  }
0x7d7: {  	[tilespmem:s17+$0xF0] =	vst v18;
	v5 =	vmul.f32 v24, v5;
	v18 =	vld [tilespmem:s3+$0xE0];
	v57 =	vpop (erf)  }
0x7d8: {  	[tilespmem:s17+$0xFFFFFF30] =	vst v8;
	v17 =	vadd.f32 $1.000000000e+00, v26;
	v7 =	vmul.f32 v57, v7;
	(erf) = vpow2.f32 v15;
	v15 =	vld [tilespmem:s31+$0xA0]  }
0x7d9: {  	v8 =	vld [tilespmem:s18+$0xB0];
	[tilespmem:s17+$0xB0] =	vst v13;
	v13 =	vadd.f32 v16, v3  }
0x7da: {  	v12 =	vld [tilespmem:s18+$0x20];
	v14 =	vadd.f32 $1.000000000e+00, v14;
	[tilespmem:s0+$0xFFFFFFA0] =	vst v5;
	v16 =	vpop (erf);
	(erf) = vrcp.f32 v17;
	v17 =	vadd.f32 v19, v56  }
0x7db: {  	v2 =	vld [tilespmem:s18+$0xFFFFFF30];
	v5 =	vadd.f32 v25, v6;
	[tilespmem:s12+$0xFFFFFF50] =	vst v57;
	v13 =	vsub.f32 $0.0e+00, v13;
	v19 =	vpop (erf)  }
0x7dc: {  	v4 =	vld [tilespmem:s8+$0xFFFFFFB0];
	[tilespmem:s12+$0xFFFFFF10] =	vst v7;
	v6 =	vadd.f32 $1.000000000e+00, v19;
	(erf) = vrcp.f32 v14;
	v17 =	vsub.f32 $0.0e+00, v17;
	v7 =	vpop (erf)  }
0x7dd: {  	[tilespmem:s0+$0xFFFFFFE0] =	vst v24;
	v14 =	vld [tilespmem:s3+$0xFFFFFF60];
	v13 =	vmul.f32 $1.442695020e+00, v13;
	v23 =	vmul.f32 v7, v23;
	v15 =	vadd.f32 v15, v18;
	v18 =	vpop (erf)  }
0x7de: {  	v5 =	vsub.f32 $0.0e+00, v5;
	v19 =	vld [tilespmem:s31+$0xFFFFFF20];
	(erf) = vrcp.f32 v6;
	[tilespmem:s12+$0xFFFFFFD0] =	vst v7;
	v17 =	vmul.f32 $1.442695020e+00, v17;
	v59 =	vpop (erf)  }
0x7df: {  	v3 =	vld [tilespmem:s8+$0x30];
	s8 =	simm.s32 $0x8C00;
	(erf) = vpow2.f32 v13;
	[tilespmem:s12+$0xFFFFFF90] =	vst v23;
	v13 =	vmul.f32 v59, v58;
	v15 =	vsub.f32 $0.0e+00, v15  }
0x7e0: {  	v5 =	vmul.f32 $1.442695020e+00, v5;
	[tilespmem:s8+$0xC0] =	vst v59;
	v60 =	vld [tilespmem:s3+$0xFFFFFFE0]  }
0x7e1: {  	v20 =	vmul.f32 v18, v20;
	(erf) = vpow2.f32 v17;
	v17 =	vld [tilespmem:s31+$0xFFFFFFA0];
	[tilespmem:s8+$0x80] =	vst v13  }
0x7e2: {  	[tilespmem:s12+$0x50] =	vst v18;
	v13 =	vmul.f32 $1.442695020e+00, v15;
	v18 =	vld [tilespmem:s9+$0xD0]  }
0x7e3: {  	(erf) = vpow2.f32 v5;
	v14 =	vadd.f32 v19, v14;
	[tilespmem:s12+$0x10] =	vst v20;
	v20 =	vld [tilespmem:s13+$0x90];
	v15 =	vpop (erf)  }
0x7e4: {  	[tilespmem:s17+$0xFFFFFF70] =	vst v10;
	v6 =	vld [tilespmem:s18+$0xFFFFFFF0];
	v61 =	vpop (erf);
	(erf) = vpow2.f32 v13;
	v13 =	vadd.f32 $1.000000000e+00, v15  }
0x7e5: {  	v7 =	vld [tilespmem:s3+$0xFFFFFF20];
	v14 =	vsub.f32 $0.0e+00, v14;
	v19 =	vmul.f32 v61, v22;
	[tilespmem:s8+$0xFFFFFF40] =	vst v61;
	v15 =	vpop (erf)  }
0x7e6: {  	v62 =	vld [tilespmem:s3+$0x60];
	v17 =	vadd.f32 v17, v60;
	v11 =	vmul.f32 v15, v11;
	[tilespmem:s8+$0xFFFFFFC0] =	vst v15;
	(erf) = vrcp.f32 v13  }
0x7e7: {  	v10 =	vmul.f32 v16, v12;
	v12 =	vpop (erf);
	v13 =	vmul.f32 $1.442695020e+00, v14;
	[tilespmem:s8+$0xFFFFFF00] =	vst v19;
	v19 =	vld [tilespmem:s31+$0x20]  }
0x7e8: {  	v18 =	vadd.f32 v20, v18;
	v15 =	vld [tilespmem:s9+$0xFFFFFF50];
	[tilespmem:s8+$0xFFFFFF80] =	vst v11;
	v11 =	vsub.f32 $0.0e+00, v17;
	v17 =	vmul.f32 v12, v9  }
0x7e9: {  	v14 =	vpop (erf);
	v63 =	vld [tilespmem:s13+$0xFFFFFF10];
	(erf) = vpow2.f32 v13  }
0x7ea: {  	v5 =	vld [tilespmem:s3+$0xFFFFFFA0];
	v14 =	vadd.f32 $1.000000000e+00, v14;
	v18 =	vsub.f32 $0.0e+00, v18  }
0x7eb: {  	[tilespmem:s8+$0x40] =	vst v12;
	v9 =	vld [tilespmem:s9+$0xFFFFFFD0];
	v13 =	vpop (erf);
	v20 =	vmul.f32 $1.442695020e+00, v11  }
0x7ec: {  	v12 =	vld [tilespmem:s13+$0xFFFFFF90];
	[tilespmem:s8+$0x0] =	vst v17;
	(erf) = vrcp.f32 v14;
	v17 =	vpop (erf);
	v19 =	vadd.f32 v19, v62  }
0x7ed: {  	[tilespmem:s0+$0x20] =	vst v10;
	v14 =	vadd.f32 $1.000000000e+00, v13;
	v11 =	vld [tilespmem:s9+$0x50];
	(erf) = vpow2.f32 v20;
	v10 =	vadd.f32 $1.000000000e+00, v17  }
0x7ee: {  	s14 =	simm.s32 $0xC;
	s15 =	simm.s32 $0xE00;
	s16 =	smov.u32 s13;
	[tilespmem:s0+$0x60] =	vst v16;
	v13 =	vld [tilespmem:s13+$0x10];
	v16 =	vadd.f32 v63, v15;
	v17 =	vmul.f32 $1.442695020e+00, v18;
	v18 =	vpop (erf);
	v15 =	vsub.f32 $0.0e+00, v19  }
.LBB2_15:
0x7ef: {  	v19 =	vld [tilespmem:s15+$0xC0];
	s13 =	sadd.s32 $0x200, s13;
	v18 =	vadd.f32 $1.000000000e+00, v18;
	(erf) = vrcp.f32 v14;
	v14 =	vpop (erf)  }
0x7f0: {  	v20 =	vld [tilespmem:s13+$0x80];
	v16 =	vsub.f32 $0.0e+00, v16;
	(erf) = vpow2.f32 v17;
	v8 =	vmul.f32 v14, v8;
	[tilespmem:s0+$0xF0] =	vst v14  }
0x7f1: {  	v14 =	vld [tilespmem:s15+$0xFFFFFF40];
	v9 =	vadd.f32 v12, v9;
	v12 =	vmul.f32 $1.442695020e+00, v15;
	(erf) = vrcp.f32 v18  }
0x7f2: {  	v15 =	vld [tilespmem:s13+$0xFFFFFF00];
	v16 =	vmul.f32 $1.442695020e+00, v16;
	v17 =	vpop (erf);
	[tilespmem:s0+$0xB0] =	vst v8;
	(erf) = vrcp.f32 v10  }
0x7f3: {  	s14 =	sadd.s32 $0x4, s14;
	v8 =	vld [tilespmem:s15+$0xFFFFFFC0];
	v9 =	vsub.f32 $0.0e+00, v9;
	v18 =	vadd.f32 v13, v11;
	(erf) = vpow2.f32 v12  }
0x7f4: {  	p0 =	slt.u32 s14, $0x1C;
	v21 =	vadd.f32 $1.000000000e+00, v17;
	v11 =	vld [tilespmem:s13+$0xFFFFFF80];
	(erf) = vpow2.f32 v16  }
0x7f5: {  	v13 =	vld [tilespmem:s15+$0x40];
	v16 =	vadd.f32 v20, v19;
	v19 =	vmul.f32 $1.442695020e+00, v9;
	v9 =	vsub.f32 $0.0e+00, v18;
	v10 =	vpop (erf)  }
0x7f6: {  	v18 =	vld [tilespmem:s3+$0xA0];
	(erf) = vrcp.f32 v21;
	v12 =	vpop (erf);
	v4 =	vmul.f32 v10, v4;
	[tilespmem:s17+$0xFFFFFFF0] =	vst v10  }
0x7f7: {  	v10 =	vadd.f32 v15, v14;
	v14 =	vld [tilespmem:s13+$0x0];
	v15 =	vsub.f32 $0.0e+00, v16;
	v20 =	vmul.f32 $1.442695020e+00, v9  }
0x7f8: {  	v12 =	vadd.f32 $1.000000000e+00, v12;
	v9 =	vld [tilespmem:s15+$0xFFFFFF80];
	(erf) = vpow2.f32 v19;
	v17 =	vpop (erf);
	[tilespmem:s17+$0xFFFFFFB0] =	vst v4  }
0x7f9: {  	v4 =	vsub.f32 $0.0e+00, v10;
	v11 =	vadd.f32 v11, v8;
	v8 =	vld [tilespmem:s15+$0x0];
	v15 =	vmul.f32 $1.442695020e+00, v15;
	v19 =	vpop (erf);
	[tilespmem:s0+$0xFFFFFF70] =	vst v17  }
0x7fa: {  	v2 =	vmul.f32 v17, v2;
	v10 =	vld [tilespmem:s15+$0xFFFFFF00];
	v19 =	vadd.f32 $1.000000000e+00, v19;
	(erf) = vpow2.f32 v20;
	v16 =	vpop (erf)  }
0x7fb: {  	v11 =	vsub.f32 $0.0e+00, v11;
	(erf) = vpow2.f32 v15;
	v15 =	vld [tilespmem:s9+$0xFFFFFF10];
	v17 =	vmul.f32 v16, v18;
	v18 =	vpop (erf)  }
0x7fc: {  	v4 =	vmul.f32 $1.442695020e+00, v4;
	v13 =	vadd.f32 v14, v13;
	v14 =	vld [tilespmem:s9+$0xFFFFFF90];
	(erf) = vrcp.f32 v19;
	[tilespmem:s12+$0xE0] =	vst v16;
	v16 =	vpop (erf)  }
0x7fd: {  	v21 =	vmul.f32 $1.442695020e+00, v11;
	v19 =	vld [tilespmem:s9+$0x10];
	v20 =	vpop (erf);
	v16 =	vadd.f32 $1.000000000e+00, v16;
	[tilespmem:s12+$0xA0] =	vst v17;
	(erf) = vrcp.f32 v12  }
0x7fe: {  	v12 =	vsub.f32 $0.0e+00, v13;
	(erf) = vpow2.f32 v4;
	v4 =	vadd.f32 $1.000000000e+00, v20;
	v13 =	vld [tilespmem:s3+$0xF0];
	[tilespmem:s0+$0xFFFFFF30] =	vst v2  }
0x7ff: {  	v3 =	vmul.f32 v18, v3;
	(erf) = vpow2.f32 v21;
	v2 =	vld [tilespmem:s31+$0xB0];
	v11 =	vpop (erf);
	[tilespmem:s17+$0x70] =	vst v18  }
0x800: {  	v20 =	vmul.f32 $1.442695020e+00, v12;
	(erf) = vrcp.f32 v4;
	[tilespmem:s12+$0xFFFFFF60] =	vst v11;
	v17 =	vld [tilespmem:s3+$0x20]  }
0x801: {  	v7 =	vmul.f32 v11, v7;
	v4 =	vld [tilespmem:s9+$0x90];
	v18 =	vpop (erf);
	(erf) = vrcp.f32 v16;
	[tilespmem:s17+$0x30] =	vst v3;
	s17 =	smov.u32 s0;
	s0 =	smov.u32 s12;
	s12 =	smov.u32 s8  }
0x802: {  	(erf) = vpow2.f32 v20;
	v3 =	vadd.f32 $1.000000000e+00, v18;
	v11 =	vld [tilespmem:s28+$0xFFFFFFB0]  }
0x803: {  	v12 =	vpop (erf);
	[tilespmem:s0+$0xFFFFFF20] =	vst v7;
	v7 =	vld [tilespmem:s18+$0x70]  }
0x804: {  	v16 =	vpop (erf);
	v12 =	vadd.f32 $1.000000000e+00, v12;
	(erf) = vrcp.f32 v3;
	v3 =	vld [tilespmem:s3+$0xFFFFFF70];
	v2 =	vadd.f32 v2, v13  }
0x805: {  	v23 =	vadd.f32 $1.000000000e+00, v16;
	v16 =	vpop (erf);
	v18 =	vld [tilespmem:s31+$0xFFFFFF30]  }
0x806: {  	v4 =	vmul.f32 v16, v4;
	(erf) = vrcp.f32 v12;
	v12 =	vsub.f32 $0.0e+00, v2;
	v20 =	vpop (erf);
	v21 =	vld [tilespmem:s28+$0x30];
	s28 =	smov.u32 s31;
	s31 =	smov.u32 s16;
	s16 =	smov.u32 s13  }
0x807: {  	v22 =	vpop (erf);
	(erf) = vrcp.f32 v23;
	[tilespmem:s8+$0xD0] =	vst v16;
	v2 =	vld [tilespmem:s3+$0xFFFFFF30];
	v5 =	vmul.f32 v20, v5;
	v6 =	vadd.f32 v11, v6  }
0x808: {  	v23 =	vadd.f32 $1.000000000e+00, v22;
	v13 =	vpop (erf);
	[tilespmem:s8+$0x90] =	vst v4;
	v12 =	vmul.f32 $1.442695020e+00, v12;
	v4 =	vld [tilespmem:s18+$0xFFFFFFB0]  }
0x809: {  	v13 =	vadd.f32 $1.000000000e+00, v13;
	v16 =	vld [tilespmem:s9+$0xE0];
	v22 =	vpop (erf);
	[tilespmem:s0+$0xFFFFFFA0] =	vst v5;
	v5 =	vsub.f32 $0.0e+00, v6  }
0x80a: {  	v6 =	vmul.f32 v22, v15;
	[tilespmem:s8+$0xFFFFFF50] =	vst v22;
	v15 =	vld [tilespmem:s31+$0xA0];
	v24 =	vadd.f32 v18, v3;
	v22 =	vpop (erf);
	(erf) = vpow2.f32 v12  }
0x80b: {  	(erf) = vrcp.f32 v23;
	v11 =	vpop (erf);
	[tilespmem:s0+$0xFFFFFFE0] =	vst v20;
	v12 =	vmul.f32 v22, v17;
	v3 =	vld [tilespmem:s18+$0x30];
	v7 =	vadd.f32 v21, v7;
	s18 =	smov.u32 s3;
	s3 =	smov.u32 s9;
	s9 =	smov.u32 s15  }
0x80c: {  	v11 =	vadd.f32 $1.000000000e+00, v11;
	v17 =	vld [tilespmem:s15+$0x80];
	(erf) = vrcp.f32 v13;
	[tilespmem:s8+$0xFFFFFF10] =	vst v6;
	v6 =	vsub.f32 $0.0e+00, v24  }
0x80d: {  	v5 =	vmul.f32 $1.442695020e+00, v5;
	v13 =	vld [tilespmem:s3+$0xFFFFFF60];
	v18 =	vpop (erf);
	[tilespmem:s0+$0x20] =	vst v12;
	v12 =	vsub.f32 $0.0e+00, v7  }
0x80e: {  	(erf) = vrcp.f32 v11;
	v11 =	vld [tilespmem:s31+$0xFFFFFF20];
	v14 =	vmul.f32 v18, v14;
	[tilespmem:s8+$0xFFFFFFD0] =	vst v18  }
0x80f: {  	v18 =	vmul.f32 $1.442695020e+00, v6;
	v7 =	vld [tilespmem:s3+$0xFFFFFF20];
	v15 =	vadd.f32 v15, v16;
	v16 =	vpop (erf);
	[tilespmem:s0+$0x60] =	vst v22;
	v12 =	vmul.f32 $1.442695020e+00, v12  }
0x810: {  	v20 =	vpop (erf);
	[tilespmem:s8+$0xFFFFFF90] =	vst v14;
	v14 =	vmul.f32 v16, v19;
	v6 =	vld [tilespmem:s18+$0xFFFFFFF0];
	(erf) = vpow2.f32 v5  }
0x811: {  	s8 =	sadd.s32 $0x200, s8;
	v5 =	vmul.f32 v20, v17;
	v17 =	vld [tilespmem:s3+$0xFFFFFFE0];
	[tilespmem:s12+$0x50] =	vst v16;
	v15 =	vsub.f32 $0.0e+00, v15;
	(erf) = vpow2.f32 v18  }
0x812: {  	[tilespmem:s8+$0xC0] =	vst v20;
	v16 =	vld [tilespmem:s31+$0xFFFFFFA0];
	(erf) = vpow2.f32 v12  }
0x813: {  	[tilespmem:s8+$0x80] =	vst v5;
	v11 =	vadd.f32 v11, v13;
	v5 =	vld [tilespmem:s3+$0xFFFFFFA0];
	v12 =	vmul.f32 $1.442695020e+00, v15;
	v13 =	vpop (erf)  }
0x814: {  	v15 =	vld [tilespmem:s15+$0xD0];
	v18 =	vpop (erf);
	[tilespmem:s12+$0x10] =	vst v14;
	v13 =	vadd.f32 $1.000000000e+00, v13  }
0x815: {  	v19 =	vmul.f32 v18, v10;
	[tilespmem:s8+$0xFFFFFF40] =	vst v18;
	v14 =	vld [tilespmem:s13+$0x90];
	v18 =	vpop (erf);
	v11 =	vsub.f32 $0.0e+00, v11;
	(erf) = vpow2.f32 v12  }
0x816: {  	v9 =	vmul.f32 v18, v9;
	[tilespmem:s8+$0xFFFFFFC0] =	vst v18;
	v18 =	vld [tilespmem:s3+$0x60];
	(erf) = vrcp.f32 v13  }
0x817: {  	[tilespmem:s8+$0xFFFFFF00] =	vst v19;
	v10 =	vpop (erf);
	v19 =	vmul.f32 $1.442695020e+00, v11;
	v12 =	vadd.f32 v16, v17;
	v13 =	vld [tilespmem:s31+$0x20]  }
0x818: {  	v16 =	vld [tilespmem:s15+$0xFFFFFF50];
	[tilespmem:s8+$0xFFFFFF80] =	vst v9;
	v20 =	vmul.f32 v10, v8  }
0x819: {  	v17 =	vld [tilespmem:s13+$0xFFFFFF10];
	[tilespmem:s8+$0x40] =	vst v10;
	v10 =	vsub.f32 $0.0e+00, v12;
	(erf) = vpow2.f32 v19;
	v11 =	vpop (erf)  }
.Ltmp7:
0x81a: {  	v9 =	vld [tilespmem:s15+$0xFFFFFFD0];
	[tilespmem:s8+$0x0] =	vst v20;
	v15 =	vadd.f32 v14, v15;
	v8 =	vpop (erf);
	v11 =	vadd.f32 $1.000000000e+00, v11;
	(pc) =	sbr.rel @p0 .LBB2_15-.Ltmp7, $4  }
0x81b: {  	v10 =	vmul.f32 $1.442695020e+00, v10;
	v14 =	vadd.f32 $1.000000000e+00, v8;
	v8 =	vld [tilespmem:s18+$0xB0];
	v19 =	vpop (erf)  }
0x81c: {  	v12 =	vld [tilespmem:s13+$0xFFFFFF90];
	v15 =	vsub.f32 $0.0e+00, v15;
	v20 =	vadd.f32 v13, v18;
	(erf) = vrcp.f32 v11  }
0x81d: {  	v11 =	vld [tilespmem:s15+$0x50];
	(erf) = vpow2.f32 v10;
	v10 =	vadd.f32 $1.000000000e+00, v19  }
0x81e: {  	s15 =	sadd.s32 $0x200, s15;
	v16 =	vadd.f32 v17, v16;
	v13 =	vld [tilespmem:s13+$0x10];
	v17 =	vmul.f32 $1.442695020e+00, v15;
	v15 =	vsub.f32 $0.0e+00, v20;
	v18 =	vpop (erf)  }
0x81f: {  	v18 =	vadd.f32 $1.000000000e+00, v18;
	(erf) = vrcp.f32 v14  }
0x820: {  	v58 =	vsub.f32 $0.0e+00, v16;
	(erf) = vpow2.f32 v17  }
0x821: {  	v15 =	vmul.f32 $1.442695020e+00, v15;
	(erf) = vrcp.f32 v18  }
0x822: {  	v14 =	vmul.f32 $1.442695020e+00, v58;
	(erf) = vrcp.f32 v10  }
0x823: {  	v12 =	vadd.f32 v12, v9;
	(erf) = vpow2.f32 v15  }
0x824: {  	v10 =	vpop (erf);
	v11 =	vadd.f32 v13, v11;
	(erf) = vpow2.f32 v14  }
0x825: {  	v59 =	vpop (erf);
	v12 =	vsub.f32 $0.0e+00, v12  }
0x826: {  	v9 =	vpop (erf)  }
0x827: {  	v12 =	vmul.f32 $1.442695020e+00, v12;
	v60 =	vpop (erf)  }
0x828: {  	v62 =	vld [tilespmem:s3+$0xA0];
	v14 =	vadd.f32 $1.000000000e+00, v59;
	v61 =	vsub.f32 $0.0e+00, v11;
	v11 =	vpop (erf)  }
0x829: {  	v17 =	vpop (erf)  }
0x82a: {  	(erf) = vrcp.f32 v14;
	v63 =	vmul.f32 $1.442695020e+00, v61;
	v20 =	vpop (erf)  }
0x82b: {  	(erf) = vpow2.f32 v12;
	v17 =	vadd.f32 $1.000000000e+00, v17;
	v12 =	vpop (erf)  }
0x82c: {  	(erf) = vpow2.f32 v63;
	v21 =	vpop (erf)  }
0x82d: {  	v13 =	vadd.f32 $1.000000000e+00, v60;
	v16 =	vmul.f32 v20, v62;
	(erf) = vrcp.f32 v17;
	v22 =	vpop (erf)  }
0x82e: {  	[tilespmem:s12+$0xE0] =	vst v20;
	v23 =	vadd.f32 $1.000000000e+00, v22  }
0x82f: {  	[tilespmem:s12+$0xA0] =	vst v16;
	(erf) = vrcp.f32 v13  }
0x830: {  	v24 =	vld [tilespmem:s3+$0xF0];
	(erf) = vrcp.f32 v23  }
0x831: {  	v25 =	vld [tilespmem:s31+$0xB0]  }
0x832: {  	v26 =	vld [tilespmem:s9+$0x90]  }
0x833: {  	v27 =	vpop (erf)  }
0x834: {  	v28 =	vld [tilespmem:s9+$0xFFFFFF10];
	v14 =	vadd.f32 $1.000000000e+00, v21;
	v19 =	vpop (erf)  }
0x835: {  	v30 =	vld [tilespmem:s28+$0xFFFFFFB0];
	v7 =	vmul.f32 v27, v7;
	v29 =	vadd.f32 $1.000000000e+00, v19;
	v20 =	vpop (erf)  }
0x836: {  	v31 =	vld [tilespmem:s18+$0x70];
	[tilespmem:s12+$0xFFFFFF60] =	vst v27;
	(erf) = vrcp.f32 v14;
	v13 =	vadd.f32 v25, v24;
	v32 =	vpop (erf)  }
0x837: {  	v36 =	vld [tilespmem:s28+$0x30];
	[tilespmem:s12+$0xFFFFFF20] =	vst v7;
	(erf) = vrcp.f32 v29;
	v16 =	vmul.f32 v32, v26  }
0x838: {  	v33 =	vld [tilespmem:s3+$0xFFFFFF70];
	v13 =	vsub.f32 $0.0e+00, v13;
	v21 =	vpop (erf);
	[tilespmem:s8+$0xD0] =	vst v32  }
0x839: {  	v34 =	vld [tilespmem:s31+$0xFFFFFF30];
	v35 =	vadd.f32 $1.000000000e+00, v20;
	[tilespmem:s8+$0x90] =	vst v16;
	v37 =	vpop (erf)  }
0x83a: {  	v13 =	vmul.f32 $1.442695020e+00, v13;
	v22 =	vld [tilespmem:s9+$0xE0];
	v18 =	vmul.f32 v37, v28  }
0x83b: {  	(erf) = vrcp.f32 v35;
	v38 =	vld [tilespmem:s16+$0xA0];
	[tilespmem:s8+$0xFFFFFF50] =	vst v37  }
0x83c: {  	v39 =	vld [tilespmem:s9+$0xFFFFFF90];
	(erf) = vpow2.f32 v13;
	[tilespmem:s8+$0xFFFFFF10] =	vst v18  }
0x83d: {  	v6 =	vadd.f32 v30, v6;
	v16 =	vld [tilespmem:s9+$0xFFFFFF60]  }
0x83e: {  	v15 =	vadd.f32 v34, v33;
	v40 =	vld [tilespmem:s16+$0xFFFFFF20]  }
0x83f: {  	v6 =	vsub.f32 $0.0e+00, v6;
	v7 =	vadd.f32 v36, v31;
	v41 =	vpop (erf)  }
0x840: {  	v42 =	vld [tilespmem:s9+$0x10];
	v15 =	vsub.f32 $0.0e+00, v15;
	v14 =	vadd.f32 v38, v22;
	v43 =	vpop (erf)  }
0x841: {  	v6 =	vmul.f32 $1.442695020e+00, v6;
	v7 =	vsub.f32 $0.0e+00, v7;
	v13 =	vmul.f32 v43, v39  }
0x842: {  	v15 =	vmul.f32 $1.442695020e+00, v15;
	[tilespmem:s8+$0xFFFFFFD0] =	vst v43;
	v14 =	vsub.f32 $0.0e+00, v14  }
0x843: {  	v7 =	vmul.f32 $1.442695020e+00, v7;
	(erf) = vpow2.f32 v6;
	[tilespmem:s8+$0xFFFFFF90] =	vst v13;
	v44 =	vadd.f32 v40, v16  }
0x844: {  	(erf) = vpow2.f32 v15;
	v45 =	vpop (erf);
	v46 =	vld [tilespmem:s9+$0xFFFFFFE0];
	v14 =	vmul.f32 $1.442695020e+00, v14  }
0x845: {  	(erf) = vpow2.f32 v7;
	v47 =	vmul.f32 v45, v42;
	v48 =	vld [tilespmem:s16+$0xFFFFFFA0];
	v49 =	vpop (erf);
	v6 =	vsub.f32 $0.0e+00, v44  }
0x846: {  	[tilespmem:s8+$0x50] =	vst v45;
	v7 =	vadd.f32 $1.000000000e+00, v49;
	(erf) = vpow2.f32 v14  }
0x847: {  	[tilespmem:s8+$0x10] =	vst v47;
	v6 =	vmul.f32 $1.442695020e+00, v6  }
0x848: {  	v13 =	vld [tilespmem:s9+$0x60];
	(erf) = vrcp.f32 v7  }
0x849: {  	v50 =	vld [tilespmem:s16+$0x20];
	(erf) = vpow2.f32 v6  }
0x84a: {  	v51 =	vadd.f32 v48, v46;
	_ =	sdelay $0x1  }
0x84b: {  	v52 =	vpop (erf);
	v6 =	vsub.f32 $0.0e+00, v51  }
0x84c: {  	v14 =	vadd.f32 $1.000000000e+00, v52;
	v53 =	vpop (erf)  }
0x84d: {  	v54 =	vpop (erf);
	v7 =	vadd.f32 v50, v13;
	v6 =	vmul.f32 $1.442695020e+00, v6  }
0x84e: {  	v55 =	vadd.f32 $1.000000000e+00, v53;
	(erf) = vrcp.f32 v14;
	v56 =	vpop (erf)  }
0x84f: {  	v57 =	vsub.f32 $0.0e+00, v7;
	(erf) = vpow2.f32 v6;
	v58 =	vadd.f32 $1.000000000e+00, v56  }
0x850: {  	v59 =	vadd.f32 $1.000000000e+00, v54;
	(erf) = vrcp.f32 v55;
	v60 =	vpop (erf)  }
0x851: {  	v6 =	vmul.f32 $1.442695020e+00, v57;
	(erf) = vrcp.f32 v58;
	v61 =	vpop (erf)  }
0x852: {  	(erf) = vrcp.f32 v59;
	v7 =	vadd.f32 $1.000000000e+00, v61  }
0x853: {  	(erf) = vpow2.f32 v6  }
0x854: {  	(erf) = vrcp.f32 v7  }
0x855: {  	v27 =	vld [tilespmem:s3+$0x20];
	_ =	sdelay $0x1  }
0x856: {  	v62 =	vld [tilespmem:s9+$0xA0];
	v63 =	vpop (erf)  }
0x857: {  	v5 =	vmul.f32 v21, v5;
	v24 =	vpop (erf)  }
0x858: {  	[tilespmem:s12+$0xFFFFFFE0] =	vst v21;
	v25 =	vld [tilespmem:s9+$0xFFFFFF20];
	v26 =	vpop (erf)  }
0x859: {  	[tilespmem:s12+$0xFFFFFFA0] =	vst v5;
	v17 =	vmul.f32 v41, v27;
	v28 =	vpop (erf)  }
0x85a: {  	[tilespmem:s12+$0x60] =	vst v41;
	v29 =	vpop (erf)  }
0x85b: {  	v31 =	vld [tilespmem:s3+$0xFFFFFFF0];
	[tilespmem:s12+$0x20] =	vst v17;
	v6 =	vmul.f32 v28, v62;
	v30 =	vpop (erf)  }
0x85c: {  	v35 =	vld [tilespmem:s31+$0xFFFFFFB0];
	[tilespmem:s8+$0xE0] =	vst v28;
	v32 =	vpop (erf)  }
0x85d: {  	v18 =	vld [tilespmem:s3+$0x70];
	v14 =	vadd.f32 $1.000000000e+00, v24;
	[tilespmem:s8+$0xA0] =	vst v6;
	v15 =	vmul.f32 v32, v25  }
0x85e: {  	v33 =	vld [tilespmem:s9+$0xF0];
	[tilespmem:s8+$0xFFFFFF60] =	vst v32  }
0x85f: {  	(erf) = vrcp.f32 v14;
	v34 =	vld [tilespmem:s16+$0xB0];
	[tilespmem:s8+$0xFFFFFF20] =	vst v15  }
0x860: {  	v36 =	vld [tilespmem:s9+$0xFFFFFF70]  }
0x861: {  	v5 =	vadd.f32 $1.000000000e+00, v30;
	v37 =	vld [tilespmem:s16+$0xFFFFFF30]  }
0x862: {  	v38 =	vld [tilespmem:s31+$0x30]  }
0x863: {  	(erf) = vrcp.f32 v5  }
0x864: {  	v39 =	vld [tilespmem:s9+$0xFFFFFFA0];
	v6 =	vadd.f32 v34, v33  }
0x865: {  	v15 =	vadd.f32 v35, v31  }
0x866: {  	v6 =	vsub.f32 $0.0e+00, v6;
	v14 =	vadd.f32 v37, v36  }
0x867: {  	v5 =	vadd.f32 v38, v18;
	v15 =	vsub.f32 $0.0e+00, v15  }
0x868: {  	v40 =	vld [tilespmem:s9+$0x20];
	v41 =	vpop (erf);
	v6 =	vmul.f32 $1.442695020e+00, v6;
	v14 =	vsub.f32 $0.0e+00, v14  }
0x869: {  	v5 =	vsub.f32 $0.0e+00, v5;
	v15 =	vmul.f32 $1.442695020e+00, v15;
	v17 =	vmul.f32 v41, v39  }
0x86a: {  	(erf) = vpow2.f32 v6;
	v14 =	vmul.f32 $1.442695020e+00, v14  }
0x86b: {  	v5 =	vmul.f32 $1.442695020e+00, v5;
	[tilespmem:s8+$0xFFFFFFE0] =	vst v41;
	(erf) = vpow2.f32 v15  }
0x86c: {  	[tilespmem:s8+$0xFFFFFFA0] =	vst v17;
	v42 =	vpop (erf);
	(erf) = vpow2.f32 v14  }
0x86d: {  	v44 =	vld [tilespmem:s9+$0xFFFFFFF0];
	v43 =	vmul.f32 v42, v40;
	(erf) = vpow2.f32 v5  }
0x86e: {  	[tilespmem:s8+$0x60] =	vst v42;
	v6 =	vld [tilespmem:s16+$0xFFFFFFB0]  }
0x86f: {  	[tilespmem:s8+$0x20] =	vst v43  }
0x870: {  	v15 =	vld [tilespmem:s16+$0x30]  }
0x871: {  	v14 =	vld [tilespmem:s9+$0x70];
	_ =	sdelay $0x1  }
0x872: {  	v5 =	vadd.f32 v6, v44;
	v45 =	vpop (erf)  }
0x873: {  	v46 =	vpop (erf);
	v17 =	vadd.f32 $1.000000000e+00, v45  }
0x874: {  	v5 =	vsub.f32 $0.0e+00, v5;
	v18 =	vadd.f32 $1.000000000e+00, v46;
	v47 =	vpop (erf)  }
0x875: {  	v14 =	vadd.f32 v15, v14;
	(erf) = vrcp.f32 v17;
	v6 =	vadd.f32 $1.000000000e+00, v47;
	v48 =	vpop (erf)  }
0x876: {  	v8 =	vmul.f32 v10, v8;
	(erf) = vrcp.f32 v18;
	v15 =	vadd.f32 $1.000000000e+00, v48  }
0x877: {  	v5 =	vmul.f32 $1.442695020e+00, v5;
	v49 =	vsub.f32 $0.0e+00, v14;
	(erf) = vrcp.f32 v6  }
0x878: {  	[tilespmem:s0+$0xF0] =	vst v10;
	v4 =	vmul.f32 v9, v4;
	(erf) = vrcp.f32 v15  }
0x879: {  	[tilespmem:s0+$0xB0] =	vst v8;
	v6 =	vmul.f32 $1.442695020e+00, v49;
	(erf) = vpow2.f32 v5  }
0x87a: {  	[tilespmem:s17+$0xFFFFFFF0] =	vst v9;
	v50 =	vld [tilespmem:s3+$0xB0]  }
0x87b: {  	[tilespmem:s17+$0xFFFFFFB0] =	vst v4;
	v2 =	vmul.f32 v11, v2;
	(erf) = vpow2.f32 v6  }
0x87c: {  	[tilespmem:s0+$0xFFFFFF70] =	vst v11;
	v51 =	vld [tilespmem:s18+$0xFFFFFFB0]  }
0x87d: {  	[tilespmem:s0+$0xFFFFFF30] =	vst v2;
	v2 =	vmul.f32 v12, v3  }
0x87e: {  	[tilespmem:s17+$0x70] =	vst v12;
	v3 =	vld [tilespmem:s3+$0xFFFFFF30];
	v52 =	vpop (erf)  }
0x87f: {  	[tilespmem:s17+$0x30] =	vst v2;
	v2 =	vmul.f32 v60, v50;
	v53 =	vpop (erf)  }
0x880: {  	v54 =	vld [tilespmem:s18+$0x30];
	[tilespmem:s12+$0xF0] =	vst v60;
	v55 =	vpop (erf)  }
0x881: {  	[tilespmem:s12+$0xB0] =	vst v2;
	v2 =	vmul.f32 v63, v51;
	v56 =	vpop (erf)  }
0x882: {  	[tilespmem:s0+$0xFFFFFFF0] =	vst v63;
	v57 =	vld [tilespmem:s9+$0xB0];
	v58 =	vpop (erf)  }
0x883: {  	[tilespmem:s0+$0xFFFFFFB0] =	vst v2;
	v2 =	vmul.f32 v26, v3;
	v3 =	vadd.f32 $1.000000000e+00, v58  }
0x884: {  	v59 =	vld [tilespmem:s3+$0xFFFFFFB0];
	[tilespmem:s12+$0xFFFFFF70] =	vst v26;
	v60 =	vpop (erf)  }
0x885: {  	[tilespmem:s12+$0xFFFFFF30] =	vst v2;
	v2 =	vmul.f32 v29, v54;
	(erf) = vrcp.f32 v3;
	v3 =	vadd.f32 $1.000000000e+00, v60  }
0x886: {  	[tilespmem:s0+$0x70] =	vst v29;
	v61 =	vld [tilespmem:s9+$0xFFFFFF30]  }
0x887: {  	[tilespmem:s0+$0x30] =	vst v2;
	v2 =	vmul.f32 v52, v57;
	(erf) = vrcp.f32 v3  }
0x888: {  	[tilespmem:s8+$0xF0] =	vst v52;
	v3 =	vld [tilespmem:s3+$0x30]  }
0x889: {  	[tilespmem:s8+$0xB0] =	vst v2;
	v2 =	vmul.f32 v53, v59  }
0x88a: {  	v62 =	vld [tilespmem:s9+$0xFFFFFFB0];
	[tilespmem:s12+$0xFFFFFFF0] =	vst v53  }
0x88b: {  	[tilespmem:s12+$0xFFFFFFB0] =	vst v2;
	v2 =	vmul.f32 v55, v61  }
0x88c: {  	v63 =	vld [tilespmem:s9+$0x30];
	[tilespmem:s8+$0xFFFFFF70] =	vst v55  }
0x88d: {  	[tilespmem:s8+$0xFFFFFF30] =	vst v2;
	v2 =	vmul.f32 v56, v3  }
0x88e: {  	[tilespmem:s12+$0x70] =	vst v56;
	v3 =	vpop (erf)  }
0x88f: {  	[tilespmem:s12+$0x30] =	vst v2;
	v2 =	vmul.f32 v3, v62  }
0x890: {  	[tilespmem:s8+$0xFFFFFFF0] =	vst v3;
	v3 =	vpop (erf)  }
0x891: {  	[tilespmem:s8+$0xFFFFFFB0] =	vst v2;
	v2 =	vmul.f32 v3, v63  }
0x892: {  	[tilespmem:s8+$0x70] =	vst v3  }
0x893: {  	[tilespmem:s8+$0x30] =	vst v2  }
0x894: {  	v2 =	vld [tilespmem:$0x200]  }
0x895: {  	v3 =	vld [tilespmem:$0x210];
	_ =	sdelay $0x3  }
0x896: {  	[tilespmem:$0x400] =	vst v2  }
0x897: {  	s14 =	simm.s32 $0x8500;
	s15 =	simm.s32 $0x400;
	s17 =	simm.s32 $0xF;
	[tilespmem:$0x410] =	vst v3  }
0x898: {  	[spmem:s2] =	stream.indirect.scatter.add.f32 [tilespmem:s14], [sflag:$0xF], $0x80, s15, s11, $0xb8;
	[tilespmem:$0x1E500] =	vst v63  }
0x899: {  	_ =	swait.ge [sflag:s17], $0x1000  }
0x89a: {  	[sflag:s17] =	ssyncset.done $0x0  }
0x89b: {  	[sflag:s17] =	ssyncadd.s32 $0xFFFFF000  }
0x89c: {  	s16 =	stileid.u32;
	[bflag:$0x0] =	sbarrier.arrive $0xFFFF  }
0x89d: {  	s0 =	sshll.u32 s16, $0x6;
	s12 =	rddreg [dreg:$0xd]  }
0x89e: {  	s0 =	sor.u32 $0x1C0F, s0;
	s20 =	rddreg [dreg:$0x12];
	s18 =	sshrl.u32 s12, $0x3  }
0x89f: {  	[hbm:s20], [sflag:s0] =	dma.local [spmem:s18], $0x2800  }
0x8a0: {  	_ =	swait.ge [sflag:s17], $0x2800  }
0x8a1: {  	s28 =	sld [smem:$0x7F6];
	_ =	sdelay $0x2  }
0x8a2: {  	s31 =	rddreg [dreg:$0x13];
	s3 =	sadd.s32 $0x1, s28  }
0x8a3: {  	p0 =	sne.s32 s3, s31  }
.Ltmp8:
0x8a4: {  	_ = 	snop;
	(pc) =	sbr.rel @p0 .LBB2_1-.Ltmp8, $4  }
0x8a5: {  	_ = 	snop  }
0x8a6: {  	s13 =	simm.s32 $0x100;
	s9 =	simm.s32 $0x280  }
0x8a7: {  	s16 =	simm.s32 $0x380;
	s8 =	simm.s32 $0x80;
	[sflag:s17] =	ssyncset.done $0x0  }
0x8a8: {  	s14 =	simm.s32 $0x300;
	s15 =	simm.s32 $0x180;
	[sflag:s17] =	ssyncadd.s32 $0xFFFFD800  }
0x8a9: {  	_ =	sfence.sel $0x180000  }
0x8aa: {  	[bflag:$0x0] =	sbarrier.arrive $0xFFFF  }
0x8ab: {  	_ =	strace $0x90000047  }
0x8ac: {  	s0 =	stileid.u32;
	[bflag:$0x2] =	sbarrier.arrive $0xFFFF  }
0x8ad: {  	p0 =	sne.s32 s0, $0x0;
	s0 =	rddreg [dreg:$0x4]  }
0x8ae: {  	s0 =	sadd.s32 @!p0 $0x100000, s0  }
0x8af: {  	[sflag:s0] =	ssyncadd.tile.s32 @!p0 $0x1;
	_ =	shalt  }
.Lfunc_end2:
_tile_overlayer_lowered:
.L_overlay_start_2:
0x8b0: {  	(tag) =	ssettag $0x2  }
0x8b1: {  	s0 =	rddreg [dreg:$0x0];
	s2 =	stileid.u32  }
0x8b2: {  	s1 =	rddreg [dreg:$0x1];
	p0 =	sne.s32 s2, $0x0  }
0x8b3: {  	s3 =	rddreg [dreg:$0x2];
	[bflag:$0x3] =	sbarrier.arrive $0xFFFF;
	s2 =	simm.s32 @!p0 $0x1C0F  }
0x8b4: {  	[timem:s3], [sflag:s2] =	dma.local @!p0 [hbm:s0], s1  }
0x8b5: {  	s0 =	simm.s32 @!p0 $0xF  }
0x8b6: {  	_ =	swait.ge @!p0 [sflag:s0], s1  }
0x8b7: {  	s1 =	ssub.s32 @!p0 $0x0, s1;
	[sflag:s0] =	ssyncset.done @!p0 $0x0  }
0x8b8: {  	[sflag:s0] =	ssyncadd.s32 @!p0 s1  }
0x8b9: {  	[bflag:$0x3] =	sbarrier.arrive $0xFFFF  }
0x8ba: {  	_ =	shalt  }

</sc_bundles>
